<compile_context>
chip_gen: v7x
topology: tpu7x:2x2x1
jax: 0.10.2.dev20260603
libtpu: 0.0.44.dev20260713+nightly
codegen_flags: <defaults>
</compile_context>

<pallas_src>
import functools

import jax
import jax.numpy as jnp
from jax import lax
from jax.experimental import pallas as pl
from jax.experimental.pallas import tpu as pltpu
from jax.experimental.pallas import tpu_sc as plsc

NC = 2
NS = 16
NW = NC * NS
L = 16


def _sc_mesh():
    return plsc.VectorSubcoreMesh(core_axis_name="c", subcore_axis_name="s")


def _sc_deg(colp, ewp, n_pad):
    e_pad = colp.shape[0]
    stripe = e_pad // NW
    slc = n_pad // NS

    @functools.partial(
        pl.kernel,
        out_type=(
            jax.ShapeDtypeStruct((n_pad,), jnp.float32),
            jax.ShapeDtypeStruct((n_pad,), jnp.float32),
        ),
        mesh=_sc_mesh(),
        compiler_params=pltpu.CompilerParams(needs_layout_passes=False),
        scratch_types=[
            pltpu.VMEM((stripe,), jnp.int32),
            pltpu.VMEM((stripe,), jnp.float32),
            pltpu.VMEM((n_pad,), jnp.float32),
            pltpu.VMEM((NS, slc), jnp.float32),
            pltpu.VMEM((slc,), jnp.float32),
            pltpu.VMEM_SHARED((NS, n_pad), jnp.float32),
        ],
    )
    def k(col_hbm, ew_hbm, deg0_hbm, deg1_hbm, col_v, ew_v, hist, buf, res, shared):
        c = lax.axis_index("c")
        s = lax.axis_index("s")
        w = c * NS + s
        pltpu.sync_copy(col_hbm.at[pl.ds(w * stripe, stripe)], col_v)
        pltpu.sync_copy(ew_hbm.at[pl.ds(w * stripe, stripe)], ew_v)

        z = jnp.zeros((L,), jnp.float32)

        def zero_b(i, _):
            hist[pl.ds(i * L, L)] = z
            return 0

        lax.fori_loop(0, n_pad // L, zero_b, 0)

        def acc_b(i, _):
            cols = col_v[pl.ds(i * L, L)]
            ews = ew_v[pl.ds(i * L, L)]
            plsc.addupdate_scatter(hist, [cols], ews)
            return 0

        lax.fori_loop(0, stripe // L, acc_b, 0)

        pltpu.sync_copy(hist, shared.at[s])
        plsc.subcore_barrier()
        for t in range(NS):
            pltpu.sync_copy(shared.at[t, pl.ds(s * slc, slc)], buf.at[t])

        def sum_b(kk, _):
            v = buf[0, pl.ds(kk * L, L)]
            for t in range(1, NS):
                v = v + buf[t, pl.ds(kk * L, L)]
            res[pl.ds(kk * L, L)] = v
            return 0

        lax.fori_loop(0, slc // L, sum_b, 0)

        @pl.when(c == 0)
        def _():
            pltpu.sync_copy(res, deg0_hbm.at[pl.ds(s * slc, slc)])

        @pl.when(c == 1)
        def _():
            pltpu.sync_copy(res, deg1_hbm.at[pl.ds(s * slc, slc)])

    return k(colp, ewp)


def _tc_matmul_scale(xp, W, deg0c, deg1c):
    n_pad, d_in = xp.shape
    d_out = W.shape[1]
    R = 128
    grid = n_pad // R

    def body(x_ref, w_ref, d0_ref, d1_ref, g_ref):
        dis = lax.rsqrt(d0_ref[...] + d1_ref[...] + 1.0)
        h = jnp.dot(x_ref[...], w_ref[...], preferred_element_type=jnp.float32)
        g_ref[...] = h * dis

    return pl.pallas_call(
        body,
        grid=(grid,),
        in_specs=[
            pl.BlockSpec((R, d_in), lambda i: (i, 0)),
            pl.BlockSpec((d_in, d_out), lambda i: (0, 0)),
            pl.BlockSpec((R, 1), lambda i: (i, 0)),
            pl.BlockSpec((R, 1), lambda i: (i, 0)),
        ],
        out_specs=pl.BlockSpec((R, d_out), lambda i: (i, 0)),
        out_shape=jax.ShapeDtypeStruct((n_pad, d_out), jnp.float32),
    )(xp, W, deg0c, deg1c)


def _sc_scatter(rowp, colp, ewp, g, n_pad, magic, shift):
    e_pad = rowp.shape[0]
    d = g.shape[1]
    rows_own = n_pad // NW
    B = 64
    CH = 4096
    assert e_pad % CH == 0
    spad = CH + 5 * B + 2 * L

    @functools.partial(
        pl.kernel,
        out_type=jax.ShapeDtypeStruct((n_pad * d,), jnp.float32),
        mesh=_sc_mesh(),
        compiler_params=pltpu.CompilerParams(needs_layout_passes=False),
        scratch_types=[
            pltpu.VMEM((spad,), jnp.int32),
            pltpu.VMEM((spad,), jnp.int32),
            pltpu.VMEM((spad,), jnp.float32),
            pltpu.VMEM((B,), jnp.int32),
            pltpu.VMEM((B,), jnp.int32),
            pltpu.VMEM((B, d), jnp.float32),
            pltpu.VMEM((B, d), jnp.float32),
            pltpu.VMEM((rows_own * d,), jnp.float32),
            pltpu.SemaphoreType.DMA,
            pltpu.SemaphoreType.DMA,
        ],
    )
    def k(row_hbm, col_hbm, ew_hbm, g_hbm, s_hbm,
          row_v, col_v, ew_v, bri0, bri1, rows0, rows1, acc, sem0, sem1):
        c = lax.axis_index("c")
        s = lax.axis_index("s")
        w = c * NS + s

        z = jnp.zeros((L,), jnp.float32)
        zi = jnp.zeros((L,), jnp.int32)
        lanes = lax.iota(jnp.int32, L)

        def zero_b(i, _):
            acc[pl.ds(i * L, L)] = z
            return 0

        lax.fori_loop(0, rows_own * d // L, zero_b, 0)

        def chunk_body(ch, _):
            eo = ch * CH
            pltpu.sync_copy(row_hbm.at[pl.ds(eo, CH)], row_v.at[pl.ds(0, CH)])
            pltpu.sync_copy(col_hbm.at[pl.ds(eo, CH)], col_v.at[pl.ds(0, CH)])
            pltpu.sync_copy(ew_hbm.at[pl.ds(eo, CH)], ew_v.at[pl.ds(0, CH)])

            def compact(i, ptr):
                cols = col_v[pl.ds(i * L, L)]
                rws = row_v[pl.ds(i * L, L)]
                ews = ew_v[pl.ds(i * L, L)]
                own = jnp.right_shift(cols * magic, shift)
                loc = cols - own * rows_own
                m = own == w
                mi = m.astype(jnp.int32)
                idx = jnp.full((L,), ptr, jnp.int32) + plsc.cumsum(mi) - 1
                plsc.store_scatter(row_v, [idx], rws, mask=m)
                plsc.store_scatter(col_v, [idx], loc, mask=m)
                plsc.store_scatter(ew_v, [idx], ews, mask=m)
                return ptr + jnp.sum(mi)

            cnt = lax.fori_loop(0, CH // L, compact, jnp.int32(0))

            tail0 = (cnt // L) * L
            mt = lanes >= (cnt - tail0)
            plsc.store_scatter(row_v, [tail0 + lanes], lanes * L, mask=mt)
            plsc.store_scatter(col_v, [tail0 + lanes], zi, mask=mt)
            plsc.store_scatter(ew_v, [tail0 + lanes], z, mask=mt)
            for t in range(1, 4 * (B // L) + 1):
                row_v[pl.ds(tail0 + t * L, L)] = lanes * L + t
                col_v[pl.ds(tail0 + t * L, L)] = zi
                ew_v[pl.ds(tail0 + t * L, L)] = z

            nb = (cnt + B - 1) // B
            nbp = jnp.maximum((nb + 1) // 2, 1)

            def issue(bi, bri_ref, rows_ref, sem_ref):
                o = bi * B
                for kk in range(B // L):
                    bri_ref[pl.ds(kk * L, L)] = row_v[pl.ds(o + kk * L, L)]
                pltpu.async_copy(g_hbm.at[bri_ref], rows_ref, sem_ref)

            def wait(bri_ref, rows_ref, sem_ref):
                pltpu.make_async_copy(g_hbm.at[bri_ref], rows_ref, sem_ref).wait()

            def process(bi, rows_ref):
                o = bi * B

                def edge2(j2, _):
                    j0 = j2 * 2
                    j1 = j0 + 1
                    f0 = jnp.full((L,), o + j0, jnp.int32)
                    f1 = jnp.full((L,), o + j1, jnp.int32)
                    ew0 = plsc.load_gather(ew_v, [f0])
                    ew1 = plsc.load_gather(ew_v, [f1])
                    base0 = plsc.load_gather(col_v, [f0]) * d + lanes
                    base1 = plsc.load_gather(col_v, [f1]) * d + lanes
                    for kk in range(d // L):
                        v0 = rows_ref[j0, pl.ds(kk * L, L)] * ew0
                        v1 = rows_ref[j1, pl.ds(kk * L, L)] * ew1
                        plsc.addupdate_scatter(acc, [base0 + kk * L], v0)
                        plsc.addupdate_scatter(acc, [base1 + kk * L], v1)
                    return 0

                lax.fori_loop(0, B // 2, edge2, 0)

            issue(0, bri0, rows0, sem0)

            def pair(p, _):
                b0 = 2 * p
                issue(b0 + 1, bri1, rows1, sem1)
                wait(bri0, rows0, sem0)
                process(b0, rows0)
                issue(b0 + 2, bri0, rows0, sem0)
                wait(bri1, rows1, sem1)
                process(b0 + 1, rows1)
                return 0

            lax.fori_loop(0, nbp, pair, 0)
            wait(bri0, rows0, sem0)
            return 0

        lax.fori_loop(0, e_pad // CH, chunk_body, 0)

        pltpu.sync_copy(acc, s_hbm.at[pl.ds(w * rows_own * d, rows_own * d)])

    return k(rowp, colp, ewp, g)


def _tc_epilogue(S, g, deg0c, deg1c, b2):
    n_pad, d = S.shape
    R = 128
    grid = n_pad // R

    def body(s_ref, g_ref, d0_ref, d1_ref, b_ref, o_ref):
        dis = lax.rsqrt(d0_ref[...] + d1_ref[...] + 1.0)
        o_ref[...] = dis * (s_ref[...] + g_ref[...]) + b_ref[...]

    return pl.pallas_call(
        body,
        grid=(grid,),
        in_specs=[
            pl.BlockSpec((R, d), lambda i: (i, 0)),
            pl.BlockSpec((R, d), lambda i: (i, 0)),
            pl.BlockSpec((R, 1), lambda i: (i, 0)),
            pl.BlockSpec((R, 1), lambda i: (i, 0)),
            pl.BlockSpec((1, d), lambda i: (0, 0)),
        ],
        out_specs=pl.BlockSpec((R, d), lambda i: (i, 0)),
        out_shape=jax.ShapeDtypeStruct((n_pad, d), jnp.float32),
    )(S, g, deg0c, deg1c, b2)


def _magic_div(d, nmax):
    shift = 1
    while (1 << shift) < d * nmax:
        shift += 1
    for sh in range(d.bit_length(), shift + 1):
        m = -(-(1 << sh) // d)
        e = m * d - (1 << sh)
        if e == 0 or nmax < (1 << sh) // e:
            if m * nmax < (1 << 31):
                return m, sh
    raise AssertionError("no magic divider")


def kernel(x, edge_index, edge_weight, W, b):
    n, d_in = x.shape
    d_out = W.shape[1]
    e = edge_index.shape[1]

    n_pad = ((n + NW * L - 1) // (NW * L)) * (NW * L)
    if n_pad % 128:
        n_pad = ((n_pad + 127) // 128) * 128
    e_pad = ((e + 4095) // 4096) * 4096
    magic, shift = _magic_div(n_pad // NW, n_pad)

    row = edge_index[0]
    col = edge_index[1]
    pe = e_pad - e
    rowp = jnp.concatenate([row, jnp.zeros((pe,), row.dtype)])
    colp = jnp.concatenate([col, jnp.full((pe,), n, col.dtype)])
    ewp = jnp.concatenate([edge_weight, jnp.zeros((pe,), edge_weight.dtype)])
    xp = jnp.concatenate([x, jnp.zeros((n_pad - n, d_in), x.dtype)])

    deg0, deg1 = _sc_deg(colp, ewp, n_pad)
    deg0c = deg0.reshape(n_pad, 1)
    deg1c = deg1.reshape(n_pad, 1)

    g = _tc_matmul_scale(xp, W, deg0c, deg1c)
    S = _sc_scatter(rowp, colp, ewp, g, n_pad, magic, shift).reshape(n_pad, d_out)
    out = _tc_epilogue(S, g, deg0c, deg1c, b.reshape(1, d_out))
    return out[:n]

# --- scband reference (transcript-rebuilt; emitter-appended) ---
"""Pipeline reference for scband-physics-gnnlayer-38036230373473 (READ-ONLY COPY).

The authoritative reference and input builder live on the scoring server;
editing this copy changes nothing except your own understanding.
"""

import jax, jax.numpy as jnp
import numpy as np

N = 10000
E = 160000
D_IN = 256
D_OUT = 256


def setup_inputs(seed: int = 0) -> dict:
    key = jax.random.key(seed)
    k1, k2, k3, k4 = jax.random.split(key, 4)
    x = jax.random.normal(k1, (N, D_IN), dtype=jnp.float32)
    edge_index = jax.random.randint(k2, (2, E), 0, N, dtype=jnp.int32)
    edge_weight = jax.random.uniform(k3, (E,), dtype=jnp.float32)
    # GCNConv learned params: weight [D_IN, D_OUT] (glorot-ish), bias [D_OUT]
    W = jax.random.normal(k4, (D_IN, D_OUT), dtype=jnp.float32) * (1.0 / np.sqrt(D_IN))
    b = jnp.zeros((D_OUT,), dtype=jnp.float32)
    return {"x": x, "edge_index": edge_index, "edge_weight": edge_weight, "W": W, "b": b}


def reference(x, edge_index, edge_weight, W, b):
    # Faithful GCNConv (PyG defaults: add_self_loops=True, normalize=True, improved=False)
    n = x.shape[0]
    row = edge_index[0]
    col = edge_index[1]
    loop = jnp.arange(n, dtype=edge_index.dtype)
    row = jnp.concatenate([row, loop])
    col = jnp.concatenate([col, loop])
    ew = jnp.concatenate([edge_weight, jnp.ones((n,), dtype=edge_weight.dtype)])
    # symmetric normalization: deg computed over destination (col) index
    deg = jnp.zeros((n,), dtype=ew.dtype).at[col].add(ew)
    deg_inv_sqrt = jnp.where(deg > 0, jax.lax.rsqrt(jnp.maximum(deg, 1e-12)), 0.0)
    norm = deg_inv_sqrt[row] * ew * deg_inv_sqrt[col]
    # linear transform then propagate (gather on row, scatter-add on col)
    h = x @ W
    msg = h[row] * norm[:, None]
    out = jnp.zeros((n, W.shape[1]), dtype=h.dtype).at[col].add(msg)
    return out + b

if __name__ == "__main__":
    import jax
    _d = setup_inputs()
    print(jax.jit(kernel)(*tuple(_d.values())))

</pallas_src>

<mosaic_0001>
#map = affine_map<(d0, d1) -> (0)>
module attributes {stable_mosaic.version = 14 : i64} {
  func.func @k(%arg0: i32, %arg1: i32, %arg2: memref<163840xi32, #tpu.memory_space<hbm>>, %arg3: memref<163840xf32, #tpu.memory_space<hbm>>, %arg4: memref<10240xf32, #tpu.memory_space<hbm>>, %arg5: memref<10240xf32, #tpu.memory_space<hbm>>, %arg6: memref<5120xi32, #tpu.memory_space<vmem>>, %arg7: memref<5120xf32, #tpu.memory_space<vmem>>, %arg8: memref<10240xf32, #tpu.memory_space<vmem>>, %arg9: memref<16x640xf32, #tpu.memory_space<vmem>>, %arg10: memref<640xf32, #tpu.memory_space<vmem>>, %arg11: memref<16x10240xf32, #tpu.memory_space<vmem_shared>>) attributes {dimension_semantics = [#tpu.dimension_semantics<core_parallel>, #tpu.dimension_semantics<subcore_parallel>], iteration_bounds = array<i64: 2, 16>, scalar_prefetch = 0 : i64, scratch_operands = 6 : i64, tpu.core_type = #tpu.core_type<sc_vector_subcore>, window_params = [{transform_indices = #map}, {transform_indices = #map}, {transform_indices = #map}, {transform_indices = #map}]} {
    %mul3A = arith.constant 16 : i32
    %mul3A_0 = arith.muli %arg0, %mul3A : i32
    %add3A = arith.addi %mul3A_0, %arg1 : i32
    %mul3A_1 = arith.constant 5120 : i32
    %mul3A_2 = arith.muli %add3A, %mul3A_1 : i32
    "tpu.region"() ({
      %run_scoped3A_96 = tpu.sem_alloc : memref<!tpu.dma_semaphore, #tpu.memory_space<semaphore_mem>>
      %dma_start3A = tpu.memref_slice %arg2[%mul3A_2] : memref<163840xi32, #tpu.memory_space<hbm>> -> memref<5120xi32, #tpu.memory_space<hbm>>
      %dma_start3A_97 = tpu.memref_slice %arg2[%mul3A_2] : memref<163840xi32, #tpu.memory_space<hbm>> -> memref<5120xi32, #tpu.memory_space<hbm>>
      tpu.enqueue_dma source(%dma_start3A_97 : memref<5120xi32, #tpu.memory_space<hbm>>) target(%arg6 : memref<5120xi32, #tpu.memory_space<vmem>>) target_semaphore(%run_scoped3A_96 : memref<!tpu.dma_semaphore, #tpu.memory_space<semaphore_mem>>)
      %dma_wait3A = tpu.memref_slice %arg2[%mul3A_2] : memref<163840xi32, #tpu.memory_space<hbm>> -> memref<5120xi32, #tpu.memory_space<hbm>>
      %dma_wait3A_98 = tpu.memref_slice %arg2[%mul3A_2] : memref<163840xi32, #tpu.memory_space<hbm>> -> memref<5120xi32, #tpu.memory_space<hbm>>
      tpu.wait_dma2 semaphore(%run_scoped3A_96 : memref<!tpu.dma_semaphore, #tpu.memory_space<semaphore_mem>>) src(%dma_wait3A_98 : memref<5120xi32, #tpu.memory_space<hbm>>) dst(%arg6 : memref<5120xi32, #tpu.memory_space<vmem>>)
      tpu.yield
    }) : () -> ()
    %mul3A_3 = arith.constant 5120 : i32
    %mul3A_4 = arith.muli %add3A, %mul3A_3 : i32
    "tpu.region"() ({
      %run_scoped3A_96 = tpu.sem_alloc : memref<!tpu.dma_semaphore, #tpu.memory_space<semaphore_mem>>
      %dma_start3A = tpu.memref_slice %arg3[%mul3A_4] : memref<163840xf32, #tpu.memory_space<hbm>> -> memref<5120xf32, #tpu.memory_space<hbm>>
      %dma_start3A_97 = tpu.memref_slice %arg3[%mul3A_4] : memref<163840xf32, #tpu.memory_space<hbm>> -> memref<5120xf32, #tpu.memory_space<hbm>>
      tpu.enqueue_dma source(%dma_start3A_97 : memref<5120xf32, #tpu.memory_space<hbm>>) target(%arg7 : memref<5120xf32, #tpu.memory_space<vmem>>) target_semaphore(%run_scoped3A_96 : memref<!tpu.dma_semaphore, #tpu.memory_space<semaphore_mem>>)
      %dma_wait3A = tpu.memref_slice %arg3[%mul3A_4] : memref<163840xf32, #tpu.memory_space<hbm>> -> memref<5120xf32, #tpu.memory_space<hbm>>
      %dma_wait3A_98 = tpu.memref_slice %arg3[%mul3A_4] : memref<163840xf32, #tpu.memory_space<hbm>> -> memref<5120xf32, #tpu.memory_space<hbm>>
      tpu.wait_dma2 semaphore(%run_scoped3A_96 : memref<!tpu.dma_semaphore, #tpu.memory_space<semaphore_mem>>) src(%dma_wait3A_98 : memref<5120xf32, #tpu.memory_space<hbm>>) dst(%arg7 : memref<5120xf32, #tpu.memory_space<vmem>>)
      tpu.yield
    }) : () -> ()
    %broadcast_in_dim3A = arith.constant 0.000000e+00 : f32
    %broadcast_in_dim3A_5 = vector.broadcast %broadcast_in_dim3A : f32 to vector<16xf32>
    %scan3A = arith.constant 0 : i32
    %scan3A_6 = arith.constant 0 : i32
    %scan3A_7 = arith.constant 640 : i32
    %scan3A_8 = arith.addi %scan3A_6, %scan3A_7 : i32
    %scan3A_9 = arith.constant 1 : i32
    %scan3A_10 = scf.for %scan3A_96 = %scan3A_6 to %scan3A_8 step %scan3A_9 iter_args(%scan3A_97 = %scan3A) -> (i32)  : i32 {
      %mul3A_98 = arith.constant 16 : i32
      %mul3A_99 = arith.muli %scan3A_96, %mul3A_98 : i32
      %swap3A = arith.index_cast %mul3A_99 : i32 to index
      %swap3A_100 = tpu.vector_load %arg8[%swap3A] {strides = array<i32>} : memref<10240xf32, #tpu.memory_space<vmem>>, vector<16xf32>,
      tpu.vector_store %arg8[%swap3A], %broadcast_in_dim3A_5 {strides = array<i32>} : memref<10240xf32, #tpu.memory_space<vmem>>, vector<16xf32>,
      %scan3A_101 = arith.constant 0 : i32
      scf.yield %scan3A_101 : i32
    }
    %scan3A_11 = arith.constant 640 : i32
    %scan3A_12 = arith.constant 0 : i32
    %scan3A_13 = arith.constant 0 : i32
    %scan3A_14 = arith.constant 320 : i32
    %scan3A_15 = arith.addi %scan3A_13, %scan3A_14 : i32
    %scan3A_16 = arith.constant 1 : i32
    %scan3A_17 = scf.for %scan3A_96 = %scan3A_13 to %scan3A_15 step %scan3A_16 iter_args(%scan3A_97 = %scan3A_12) -> (i32)  : i32 {
      %mul3A_98 = arith.constant 16 : i32
      %mul3A_99 = arith.muli %scan3A_96, %mul3A_98 : i32
      %get3A = arith.index_cast %mul3A_99 : i32 to index
      %get3A_100 = tpu.vector_load %arg6[%get3A] {strides = array<i32>} : memref<5120xi32, #tpu.memory_space<vmem>>, vector<16xi32>,
      %mul3A_101 = arith.constant 16 : i32
      %mul3A_102 = arith.muli %scan3A_96, %mul3A_101 : i32
      %get3A_103 = arith.index_cast %mul3A_102 : i32 to index
      %get3A_104 = tpu.vector_load %arg7[%get3A_103] {strides = array<i32>} : memref<5120xf32, #tpu.memory_space<vmem>>, vector<16xf32>,
      tpu.vector_store_idx %arg8[%get3A_100], %get3A_104 {add = true} : memref<10240xf32, #tpu.memory_space<vmem>>[vector<16xi32>], vector<16xf32>,
      %scan3A_105 = arith.constant 0 : i32
      scf.yield %scan3A_105 : i32
    }
    %scan3A_18 = arith.constant 320 : i32
    "tpu.region"() ({
      %run_scoped3A_96 = tpu.sem_alloc : memref<!tpu.dma_semaphore, #tpu.memory_space<semaphore_mem>>
      %dma_start3A = arith.constant 0 : i32
      %dma_start3A_97 = tpu.memref_slice %arg11[%arg1, %dma_start3A] : memref<16x10240xf32, #tpu.memory_space<vmem_shared>> -> memref<1x10240xf32, #tpu.memory_space<vmem_shared>>
      %dma_start3A_98 = tpu.memref_squeeze %dma_start3A_97 : memref<1x10240xf32, #tpu.memory_space<vmem_shared>> -> memref<10240xf32, #tpu.memory_space<vmem_shared>>
      %dma_start3A_99 = arith.constant 0 : i32
      %dma_start3A_100 = tpu.memref_slice %arg11[%arg1, %dma_start3A_99] : memref<16x10240xf32, #tpu.memory_space<vmem_shared>> -> memref<1x10240xf32, #tpu.memory_space<vmem_shared>>
      %dma_start3A_101 = tpu.memref_squeeze %dma_start3A_100 : memref<1x10240xf32, #tpu.memory_space<vmem_shared>> -> memref<10240xf32, #tpu.memory_space<vmem_shared>>
      tpu.enqueue_dma source(%arg8 : memref<10240xf32, #tpu.memory_space<vmem>>) target(%dma_start3A_101 : memref<10240xf32, #tpu.memory_space<vmem_shared>>) target_semaphore(%run_scoped3A_96 : memref<!tpu.dma_semaphore, #tpu.memory_space<semaphore_mem>>)
      %dma_wait3A = arith.constant 0 : i32
      %dma_wait3A_102 = tpu.memref_slice %arg11[%arg1, %dma_wait3A] : memref<16x10240xf32, #tpu.memory_space<vmem_shared>> -> memref<1x10240xf32, #tpu.memory_space<vmem_shared>>
      %dma_wait3A_103 = tpu.memref_squeeze %dma_wait3A_102 : memref<1x10240xf32, #tpu.memory_space<vmem_shared>> -> memref<10240xf32, #tpu.memory_space<vmem_shared>>
      %dma_wait3A_104 = arith.constant 0 : i32
      %dma_wait3A_105 = tpu.memref_slice %arg11[%arg1, %dma_wait3A_104] : memref<16x10240xf32, #tpu.memory_space<vmem_shared>> -> memref<1x10240xf32, #tpu.memory_space<vmem_shared>>
      %dma_wait3A_106 = tpu.memref_squeeze %dma_wait3A_105 : memref<1x10240xf32, #tpu.memory_space<vmem_shared>> -> memref<10240xf32, #tpu.memory_space<vmem_shared>>
      tpu.wait_dma2 semaphore(%run_scoped3A_96 : memref<!tpu.dma_semaphore, #tpu.memory_space<semaphore_mem>>) src(%arg8 : memref<10240xf32, #tpu.memory_space<vmem>>) dst(%dma_wait3A_106 : memref<10240xf32, #tpu.memory_space<vmem_shared>>)
      tpu.yield
    }) : () -> ()
    %barrier3A = arith.constant 0 : index
    tpu.barrier barrier_id(%barrier3A)
    %mul3A_19 = arith.constant 640 : i32
    %mul3A_20 = arith.muli %arg1, %mul3A_19 : i32
    %run_scoped3A = arith.constant 0 : i32
    %run_scoped3A_21 = arith.constant 0 : i32
    "tpu.region"() ({
      %run_scoped3A_96 = tpu.sem_alloc : memref<!tpu.dma_semaphore, #tpu.memory_space<semaphore_mem>>
      %dma_start3A = arith.constant 0 : i32
      %dma_start3A_97 = tpu.memref_slice %arg9[%run_scoped3A_21, %dma_start3A] : memref<16x640xf32, #tpu.memory_space<vmem>> -> memref<1x640xf32, #tpu.memory_space<vmem>>
      %dma_start3A_98 = tpu.memref_squeeze %dma_start3A_97 : memref<1x640xf32, #tpu.memory_space<vmem>> -> memref<640xf32, #tpu.memory_space<vmem>>
      %dma_start3A_99 = tpu.memref_slice %arg11[%run_scoped3A, %mul3A_20] : memref<16x10240xf32, #tpu.memory_space<vmem_shared>> -> memref<1x640xf32, #tpu.memory_space<vmem_shared>>
      %dma_start3A_100 = tpu.memref_squeeze %dma_start3A_99 : memref<1x640xf32, #tpu.memory_space<vmem_shared>> -> memref<640xf32, #tpu.memory_space<vmem_shared>>
      %dma_start3A_101 = arith.constant 0 : i32
      %dma_start3A_102 = tpu.memref_slice %arg9[%run_scoped3A_21, %dma_start3A_101] : memref<16x640xf32, #tpu.memory_space<vmem>> -> memref<1x640xf32, #tpu.memory_space<vmem>>
      %dma_start3A_103 = tpu.memref_squeeze %dma_start3A_102 : memref<1x640xf32, #tpu.memory_space<vmem>> -> memref<640xf32, #tpu.memory_space<vmem>>
      %dma_start3A_104 = tpu.memref_slice %arg11[%run_scoped3A, %mul3A_20] : memref<16x10240xf32, #tpu.memory_space<vmem_shared>> -> memref<1x640xf32, #tpu.memory_space<vmem_shared>>
      %dma_start3A_105 = tpu.memref_squeeze %dma_start3A_104 : memref<1x640xf32, #tpu.memory_space<vmem_shared>> -> memref<640xf32, #tpu.memory_space<vmem_shared>>
      tpu.enqueue_dma source(%dma_start3A_105 : memref<640xf32, #tpu.memory_space<vmem_shared>>) target(%dma_start3A_103 : memref<640xf32, #tpu.memory_space<vmem>>) target_semaphore(%run_scoped3A_96 : memref<!tpu.dma_semaphore, #tpu.memory_space<semaphore_mem>>)
      %dma_wait3A = arith.constant 0 : i32
      %dma_wait3A_106 = tpu.memref_slice %arg9[%run_scoped3A_21, %dma_wait3A] : memref<16x640xf32, #tpu.memory_space<vmem>> -> memref<1x640xf32, #tpu.memory_space<vmem>>
      %dma_wait3A_107 = tpu.memref_squeeze %dma_wait3A_106 : memref<1x640xf32, #tpu.memory_space<vmem>> -> memref<640xf32, #tpu.memory_space<vmem>>
      %dma_wait3A_108 = tpu.memref_slice %arg11[%run_scoped3A, %mul3A_20] : memref<16x10240xf32, #tpu.memory_space<vmem_shared>> -> memref<1x640xf32, #tpu.memory_space<vmem_shared>>
      %dma_wait3A_109 = tpu.memref_squeeze %dma_wait3A_108 : memref<1x640xf32, #tpu.memory_space<vmem_shared>> -> memref<640xf32, #tpu.memory_space<vmem_shared>>
      %dma_wait3A_110 = arith.constant 0 : i32
      %dma_wait3A_111 = tpu.memref_slice %arg9[%run_scoped3A_21, %dma_wait3A_110] : memref<16x640xf32, #tpu.memory_space<vmem>> -> memref<1x640xf32, #tpu.memory_space<vmem>>
      %dma_wait3A_112 = tpu.memref_squeeze %dma_wait3A_111 : memref<1x640xf32, #tpu.memory_space<vmem>> -> memref<640xf32, #tpu.memory_space<vmem>>
      %dma_wait3A_113 = tpu.memref_slice %arg11[%run_scoped3A, %mul3A_20] : memref<16x10240xf32, #tpu.memory_space<vmem_shared>> -> memref<1x640xf32, #tpu.memory_space<vmem_shared>>
      %dma_wait3A_114 = tpu.memref_squeeze %dma_wait3A_113 : memref<1x640xf32, #tpu.memory_space<vmem_shared>> -> memref<640xf32, #tpu.memory_space<vmem_shared>>
      tpu.wait_dma2 semaphore(%run_scoped3A_96 : memref<!tpu.dma_semaphore, #tpu.memory_space<semaphore_mem>>) src(%dma_wait3A_114 : memref<640xf32, #tpu.memory_space<vmem_shared>>) dst(%dma_wait3A_112 : memref<640xf32, #tpu.memory_space<vmem>>)
      tpu.yield
    }) : () -> ()
    %mul3A_22 = arith.constant 640 : i32
    %mul3A_23 = arith.muli %arg1, %mul3A_22 : i32
    %run_scoped3A_24 = arith.constant 1 : i32
    %run_scoped3A_25 = arith.constant 1 : i32
    "tpu.region"() ({
      %run_scoped3A_96 = tpu.sem_alloc : memref<!tpu.dma_semaphore, #tpu.memory_space<semaphore_mem>>
      %dma_start3A = arith.constant 0 : i32
      %dma_start3A_97 = tpu.memref_slice %arg9[%run_scoped3A_25, %dma_start3A] : memref<16x640xf32, #tpu.memory_space<vmem>> -> memref<1x640xf32, #tpu.memory_space<vmem>>
      %dma_start3A_98 = tpu.memref_squeeze %dma_start3A_97 : memref<1x640xf32, #tpu.memory_space<vmem>> -> memref<640xf32, #tpu.memory_space<vmem>>
      %dma_start3A_99 = tpu.memref_slice %arg11[%run_scoped3A_24, %mul3A_23] : memref<16x10240xf32, #tpu.memory_space<vmem_shared>> -> memref<1x640xf32, #tpu.memory_space<vmem_shared>>
      %dma_start3A_100 = tpu.memref_squeeze %dma_start3A_99 : memref<1x640xf32, #tpu.memory_space<vmem_shared>> -> memref<640xf32, #tpu.memory_space<vmem_shared>>
      %dma_start3A_101 = arith.constant 0 : i32
      %dma_start3A_102 = tpu.memref_slice %arg9[%run_scoped3A_25, %dma_start3A_101] : memref<16x640xf32, #tpu.memory_space<vmem>> -> memref<1x640xf32, #tpu.memory_space<vmem>>
      %dma_start3A_103 = tpu.memref_squeeze %dma_start3A_102 : memref<1x640xf32, #tpu.memory_space<vmem>> -> memref<640xf32, #tpu.memory_space<vmem>>
      %dma_start3A_104 = tpu.memref_slice %arg11[%run_scoped3A_24, %mul3A_23] : memref<16x10240xf32, #tpu.memory_space<vmem_shared>> -> memref<1x640xf32, #tpu.memory_space<vmem_shared>>
      %dma_start3A_105 = tpu.memref_squeeze %dma_start3A_104 : memref<1x640xf32, #tpu.memory_space<vmem_shared>> -> memref<640xf32, #tpu.memory_space<vmem_shared>>
      tpu.enqueue_dma source(%dma_start3A_105 : memref<640xf32, #tpu.memory_space<vmem_shared>>) target(%dma_start3A_103 : memref<640xf32, #tpu.memory_space<vmem>>) target_semaphore(%run_scoped3A_96 : memref<!tpu.dma_semaphore, #tpu.memory_space<semaphore_mem>>)
      %dma_wait3A = arith.constant 0 : i32
      %dma_wait3A_106 = tpu.memref_slice %arg9[%run_scoped3A_25, %dma_wait3A] : memref<16x640xf32, #tpu.memory_space<vmem>> -> memref<1x640xf32, #tpu.memory_space<vmem>>
      %dma_wait3A_107 = tpu.memref_squeeze %dma_wait3A_106 : memref<1x640xf32, #tpu.memory_space<vmem>> -> memref<640xf32, #tpu.memory_space<vmem>>
      %dma_wait3A_108 = tpu.memref_slice %arg11[%run_scoped3A_24, %mul3A_23] : memref<16x10240xf32, #tpu.memory_space<vmem_shared>> -> memref<1x640xf32, #tpu.memory_space<vmem_shared>>
      %dma_wait3A_109 = tpu.memref_squeeze %dma_wait3A_108 : memref<1x640xf32, #tpu.memory_space<vmem_shared>> -> memref<640xf32, #tpu.memory_space<vmem_shared>>
      %dma_wait3A_110 = arith.constant 0 : i32
      %dma_wait3A_111 = tpu.memref_slice %arg9[%run_scoped3A_25, %dma_wait3A_110] : memref<16x640xf32, #tpu.memory_space<vmem>> -> memref<1x640xf32, #tpu.memory_space<vmem>>
      %dma_wait3A_112 = tpu.memref_squeeze %dma_wait3A_111 : memref<1x640xf32, #tpu.memory_space<vmem>> -> memref<640xf32, #tpu.memory_space<vmem>>
      %dma_wait3A_113 = tpu.memref_slice %arg11[%run_scoped3A_24, %mul3A_23] : memref<16x10240xf32, #tpu.memory_space<vmem_shared>> -> memref<1x640xf32, #tpu.memory_space<vmem_shared>>
      %dma_wait3A_114 = tpu.memref_squeeze %dma_wait3A_113 : memref<1x640xf32, #tpu.memory_space<vmem_shared>> -> memref<640xf32, #tpu.memory_space<vmem_shared>>
      tpu.wait_dma2 semaphore(%run_scoped3A_96 : memref<!tpu.dma_semaphore, #tpu.memory_space<semaphore_mem>>) src(%dma_wait3A_114 : memref<640xf32, #tpu.memory_space<vmem_shared>>) dst(%dma_wait3A_112 : memref<640xf32, #tpu.memory_space<vmem>>)
      tpu.yield
    }) : () -> ()
    %mul3A_26 = arith.constant 640 : i32
    %mul3A_27 = arith.muli %arg1, %mul3A_26 : i32
    %run_scoped3A_28 = arith.constant 2 : i32
    %run_scoped3A_29 = arith.constant 2 : i32
    "tpu.region"() ({
      %run_scoped3A_96 = tpu.sem_alloc : memref<!tpu.dma_semaphore, #tpu.memory_space<semaphore_mem>>
      %dma_start3A = arith.constant 0 : i32
      %dma_start3A_97 = tpu.memref_slice %arg9[%run_scoped3A_29, %dma_start3A] : memref<16x640xf32, #tpu.memory_space<vmem>> -> memref<1x640xf32, #tpu.memory_space<vmem>>
      %dma_start3A_98 = tpu.memref_squeeze %dma_start3A_97 : memref<1x640xf32, #tpu.memory_space<vmem>> -> memref<640xf32, #tpu.memory_space<vmem>>
      %dma_start3A_99 = tpu.memref_slice %arg11[%run_scoped3A_28, %mul3A_27] : memref<16x10240xf32, #tpu.memory_space<vmem_shared>> -> memref<1x640xf32, #tpu.memory_space<vmem_shared>>
      %dma_start3A_100 = tpu.memref_squeeze %dma_start3A_99 : memref<1x640xf32, #tpu.memory_space<vmem_shared>> -> memref<640xf32, #tpu.memory_space<vmem_shared>>
      %dma_start3A_101 = arith.constant 0 : i32
      %dma_start3A_102 = tpu.memref_slice %arg9[%run_scoped3A_29, %dma_start3A_101] : memref<16x640xf32, #tpu.memory_space<vmem>> -> memref<1x640xf32, #tpu.memory_space<vmem>>
      %dma_start3A_103 = tpu.memref_squeeze %dma_start3A_102 : memref<1x640xf32, #tpu.memory_space<vmem>> -> memref<640xf32, #tpu.memory_space<vmem>>
      %dma_start3A_104 = tpu.memref_slice %arg11[%run_scoped3A_28, %mul3A_27] : memref<16x10240xf32, #tpu.memory_space<vmem_shared>> -> memref<1x640xf32, #tpu.memory_space<vmem_shared>>
      %dma_start3A_105 = tpu.memref_squeeze %dma_start3A_104 : memref<1x640xf32, #tpu.memory_space<vmem_shared>> -> memref<640xf32, #tpu.memory_space<vmem_shared>>
      tpu.enqueue_dma source(%dma_start3A_105 : memref<640xf32, #tpu.memory_space<vmem_shared>>) target(%dma_start3A_103 : memref<640xf32, #tpu.memory_space<vmem>>) target_semaphore(%run_scoped3A_96 : memref<!tpu.dma_semaphore, #tpu.memory_space<semaphore_mem>>)
      %dma_wait3A = arith.constant 0 : i32
      %dma_wait3A_106 = tpu.memref_slice %arg9[%run_scoped3A_29, %dma_wait3A] : memref<16x640xf32, #tpu.memory_space<vmem>> -> memref<1x640xf32, #tpu.memory_space<vmem>>
      %dma_wait3A_107 = tpu.memref_squeeze %dma_wait3A_106 : memref<1x640xf32, #tpu.memory_space<vmem>> -> memref<640xf32, #tpu.memory_space<vmem>>
      %dma_wait3A_108 = tpu.memref_slice %arg11[%run_scoped3A_28, %mul3A_27] : memref<16x10240xf32, #tpu.memory_space<vmem_shared>> -> memref<1x640xf32, #tpu.memory_space<vmem_shared>>
      %dma_wait3A_109 = tpu.memref_squeeze %dma_wait3A_108 : memref<1x640xf32, #tpu.memory_space<vmem_shared>> -> memref<640xf32, #tpu.memory_space<vmem_shared>>
      %dma_wait3A_110 = arith.constant 0 : i32
      %dma_wait3A_111 = tpu.memref_slice %arg9[%run_scoped3A_29, %dma_wait3A_110] : memref<16x640xf32, #tpu.memory_space<vmem>> -> memref<1x640xf32, #tpu.memory_space<vmem>>
      %dma_wait3A_112 = tpu.memref_squeeze %dma_wait3A_111 : memref<1x640xf32, #tpu.memory_space<vmem>> -> memref<640xf32, #tpu.memory_space<vmem>>
      %dma_wait3A_113 = tpu.memref_slice %arg11[%run_scoped3A_28, %mul3A_27] : memref<16x10240xf32, #tpu.memory_space<vmem_shared>> -> memref<1x640xf32, #tpu.memory_space<vmem_shared>>
      %dma_wait3A_114 = tpu.memref_squeeze %dma_wait3A_113 : memref<1x640xf32, #tpu.memory_space<vmem_shared>> -> memref<640xf32, #tpu.memory_space<vmem_shared>>
      tpu.wait_dma2 semaphore(%run_scoped3A_96 : memref<!tpu.dma_semaphore, #tpu.memory_space<semaphore_mem>>) src(%dma_wait3A_114 : memref<640xf32, #tpu.memory_space<vmem_shared>>) dst(%dma_wait3A_112 : memref<640xf32, #tpu.memory_space<vmem>>)
      tpu.yield
    }) : () -> ()
    %mul3A_30 = arith.constant 640 : i32
    %mul3A_31 = arith.muli %arg1, %mul3A_30 : i32
    %run_scoped3A_32 = arith.constant 3 : i32
    %run_scoped3A_33 = arith.constant 3 : i32
    "tpu.region"() ({
      %run_scoped3A_96 = tpu.sem_alloc : memref<!tpu.dma_semaphore, #tpu.memory_space<semaphore_mem>>
      %dma_start3A = arith.constant 0 : i32
      %dma_start3A_97 = tpu.memref_slice %arg9[%run_scoped3A_33, %dma_start3A] : memref<16x640xf32, #tpu.memory_space<vmem>> -> memref<1x640xf32, #tpu.memory_space<vmem>>
      %dma_start3A_98 = tpu.memref_squeeze %dma_start3A_97 : memref<1x640xf32, #tpu.memory_space<vmem>> -> memref<640xf32, #tpu.memory_space<vmem>>
      %dma_start3A_99 = tpu.memref_slice %arg11[%run_scoped3A_32, %mul3A_31] : memref<16x10240xf32, #tpu.memory_space<vmem_shared>> -> memref<1x640xf32, #tpu.memory_space<vmem_shared>>
      %dma_start3A_100 = tpu.memref_squeeze %dma_start3A_99 : memref<1x640xf32, #tpu.memory_space<vmem_shared>> -> memref<640xf32, #tpu.memory_space<vmem_shared>>
      %dma_start3A_101 = arith.constant 0 : i32
      %dma_start3A_102 = tpu.memref_slice %arg9[%run_scoped3A_33, %dma_start3A_101] : memref<16x640xf32, #tpu.memory_space<vmem>> -> memref<1x640xf32, #tpu.memory_space<vmem>>
      %dma_start3A_103 = tpu.memref_squeeze %dma_start3A_102 : memref<1x640xf32, #tpu.memory_space<vmem>> -> memref<640xf32, #tpu.memory_space<vmem>>
      %dma_start3A_104 = tpu.memref_slice %arg11[%run_scoped3A_32, %mul3A_31] : memref<16x10240xf32, #tpu.memory_space<vmem_shared>> -> memref<1x640xf32, #tpu.memory_space<vmem_shared>>
      %dma_start3A_105 = tpu.memref_squeeze %dma_start3A_104 : memref<1x640xf32, #tpu.memory_space<vmem_shared>> -> memref<640xf32, #tpu.memory_space<vmem_shared>>
      tpu.enqueue_dma source(%dma_start3A_105 : memref<640xf32, #tpu.memory_space<vmem_shared>>) target(%dma_start3A_103 : memref<640xf32, #tpu.memory_space<vmem>>) target_semaphore(%run_scoped3A_96 : memref<!tpu.dma_semaphore, #tpu.memory_space<semaphore_mem>>)
      %dma_wait3A = arith.constant 0 : i32
      %dma_wait3A_106 = tpu.memref_slice %arg9[%run_scoped3A_33, %dma_wait3A] : memref<16x640xf32, #tpu.memory_space<vmem>> -> memref<1x640xf32, #tpu.memory_space<vmem>>
      %dma_wait3A_107 = tpu.memref_squeeze %dma_wait3A_106 : memref<1x640xf32, #tpu.memory_space<vmem>> -> memref<640xf32, #tpu.memory_space<vmem>>
      %dma_wait3A_108 = tpu.memref_slice %arg11[%run_scoped3A_32, %mul3A_31] : memref<16x10240xf32, #tpu.memory_space<vmem_shared>> -> memref<1x640xf32, #tpu.memory_space<vmem_shared>>
      %dma_wait3A_109 = tpu.memref_squeeze %dma_wait3A_108 : memref<1x640xf32, #tpu.memory_space<vmem_shared>> -> memref<640xf32, #tpu.memory_space<vmem_shared>>
      %dma_wait3A_110 = arith.constant 0 : i32
      %dma_wait3A_111 = tpu.memref_slice %arg9[%run_scoped3A_33, %dma_wait3A_110] : memref<16x640xf32, #tpu.memory_space<vmem>> -> memref<1x640xf32, #tpu.memory_space<vmem>>
      %dma_wait3A_112 = tpu.memref_squeeze %dma_wait3A_111 : memref<1x640xf32, #tpu.memory_space<vmem>> -> memref<640xf32, #tpu.memory_space<vmem>>
      %dma_wait3A_113 = tpu.memref_slice %arg11[%run_scoped3A_32, %mul3A_31] : memref<16x10240xf32, #tpu.memory_space<vmem_shared>> -> memref<1x640xf32, #tpu.memory_space<vmem_shared>>
      %dma_wait3A_114 = tpu.memref_squeeze %dma_wait3A_113 : memref<1x640xf32, #tpu.memory_space<vmem_shared>> -> memref<640xf32, #tpu.memory_space<vmem_shared>>
      tpu.wait_dma2 semaphore(%run_scoped3A_96 : memref<!tpu.dma_semaphore, #tpu.memory_space<semaphore_mem>>) src(%dma_wait3A_114 : memref<640xf32, #tpu.memory_space<vmem_shared>>) dst(%dma_wait3A_112 : memref<640xf32, #tpu.memory_space<vmem>>)
      tpu.yield
    }) : () -> ()
    %mul3A_34 = arith.constant 640 : i32
    %mul3A_35 = arith.muli %arg1, %mul3A_34 : i32
    %run_scoped3A_36 = arith.constant 4 : i32
    %run_scoped3A_37 = arith.constant 4 : i32
    "tpu.region"() ({
      %run_scoped3A_96 = tpu.sem_alloc : memref<!tpu.dma_semaphore, #tpu.memory_space<semaphore_mem>>
      %dma_start3A = arith.constant 0 : i32
      %dma_start3A_97 = tpu.memref_slice %arg9[%run_scoped3A_37, %dma_start3A] : memref<16x640xf32, #tpu.memory_space<vmem>> -> memref<1x640xf32, #tpu.memory_space<vmem>>
      %dma_start3A_98 = tpu.memref_squeeze %dma_start3A_97 : memref<1x640xf32, #tpu.memory_space<vmem>> -> memref<640xf32, #tpu.memory_space<vmem>>
      %dma_start3A_99 = tpu.memref_slice %arg11[%run_scoped3A_36, %mul3A_35] : memref<16x10240xf32, #tpu.memory_space<vmem_shared>> -> memref<1x640xf32, #tpu.memory_space<vmem_shared>>
      %dma_start3A_100 = tpu.memref_squeeze %dma_start3A_99 : memref<1x640xf32, #tpu.memory_space<vmem_shared>> -> memref<640xf32, #tpu.memory_space<vmem_shared>>
      %dma_start3A_101 = arith.constant 0 : i32
      %dma_start3A_102 = tpu.memref_slice %arg9[%run_scoped3A_37, %dma_start3A_101] : memref<16x640xf32, #tpu.memory_space<vmem>> -> memref<1x640xf32, #tpu.memory_space<vmem>>
      %dma_start3A_103 = tpu.memref_squeeze %dma_start3A_102 : memref<1x640xf32, #tpu.memory_space<vmem>> -> memref<640xf32, #tpu.memory_space<vmem>>
      %dma_start3A_104 = tpu.memref_slice %arg11[%run_scoped3A_36, %mul3A_35] : memref<16x10240xf32, #tpu.memory_space<vmem_shared>> -> memref<1x640xf32, #tpu.memory_space<vmem_shared>>
      %dma_start3A_105 = tpu.memref_squeeze %dma_start3A_104 : memref<1x640xf32, #tpu.memory_space<vmem_shared>> -> memref<640xf32, #tpu.memory_space<vmem_shared>>
      tpu.enqueue_dma source(%dma_start3A_105 : memref<640xf32, #tpu.memory_space<vmem_shared>>) target(%dma_start3A_103 : memref<640xf32, #tpu.memory_space<vmem>>) target_semaphore(%run_scoped3A_96 : memref<!tpu.dma_semaphore, #tpu.memory_space<semaphore_mem>>)
      %dma_wait3A = arith.constant 0 : i32
      %dma_wait3A_106 = tpu.memref_slice %arg9[%run_scoped3A_37, %dma_wait3A] : memref<16x640xf32, #tpu.memory_space<vmem>> -> memref<1x640xf32, #tpu.memory_space<vmem>>
      %dma_wait3A_107 = tpu.memref_squeeze %dma_wait3A_106 : memref<1x640xf32, #tpu.memory_space<vmem>> -> memref<640xf32, #tpu.memory_space<vmem>>
      %dma_wait3A_108 = tpu.memref_slice %arg11[%run_scoped3A_36, %mul3A_35] : memref<16x10240xf32, #tpu.memory_space<vmem_shared>> -> memref<1x640xf32, #tpu.memory_space<vmem_shared>>
      %dma_wait3A_109 = tpu.memref_squeeze %dma_wait3A_108 : memref<1x640xf32, #tpu.memory_space<vmem_shared>> -> memref<640xf32, #tpu.memory_space<vmem_shared>>
      %dma_wait3A_110 = arith.constant 0 : i32
      %dma_wait3A_111 = tpu.memref_slice %arg9[%run_scoped3A_37, %dma_wait3A_110] : memref<16x640xf32, #tpu.memory_space<vmem>> -> memref<1x640xf32, #tpu.memory_space<vmem>>
      %dma_wait3A_112 = tpu.memref_squeeze %dma_wait3A_111 : memref<1x640xf32, #tpu.memory_space<vmem>> -> memref<640xf32, #tpu.memory_space<vmem>>
      %dma_wait3A_113 = tpu.memref_slice %arg11[%run_scoped3A_36, %mul3A_35] : memref<16x10240xf32, #tpu.memory_space<vmem_shared>> -> memref<1x640xf32, #tpu.memory_space<vmem_shared>>
      %dma_wait3A_114 = tpu.memref_squeeze %dma_wait3A_113 : memref<1x640xf32, #tpu.memory_space<vmem_shared>> -> memref<640xf32, #tpu.memory_space<vmem_shared>>
      tpu.wait_dma2 semaphore(%run_scoped3A_96 : memref<!tpu.dma_semaphore, #tpu.memory_space<semaphore_mem>>) src(%dma_wait3A_114 : memref<640xf32, #tpu.memory_space<vmem_shared>>) dst(%dma_wait3A_112 : memref<640xf32, #tpu.memory_space<vmem>>)
      tpu.yield
    }) : () -> ()
    %mul3A_38 = arith.constant 640 : i32
    %mul3A_39 = arith.muli %arg1, %mul3A_38 : i32
    %run_scoped3A_40 = arith.constant 5 : i32
    %run_scoped3A_41 = arith.constant 5 : i32
    "tpu.region"() ({
      %run_scoped3A_96 = tpu.sem_alloc : memref<!tpu.dma_semaphore, #tpu.memory_space<semaphore_mem>>
      %dma_start3A = arith.constant 0 : i32
      %dma_start3A_97 = tpu.memref_slice %arg9[%run_scoped3A_41, %dma_start3A] : memref<16x640xf32, #tpu.memory_space<vmem>> -> memref<1x640xf32, #tpu.memory_space<vmem>>
      %dma_start3A_98 = tpu.memref_squeeze %dma_start3A_97 : memref<1x640xf32, #tpu.memory_space<vmem>> -> memref<640xf32, #tpu.memory_space<vmem>>
      %dma_start3A_99 = tpu.memref_slice %arg11[%run_scoped3A_40, %mul3A_39] : memref<16x10240xf32, #tpu.memory_space<vmem_shared>> -> memref<1x640xf32, #tpu.memory_space<vmem_shared>>
      %dma_start3A_100 = tpu.memref_squeeze %dma_start3A_99 : memref<1x640xf32, #tpu.memory_space<vmem_shared>> -> memref<640xf32, #tpu.memory_space<vmem_shared>>
      %dma_start3A_101 = arith.constant 0 : i32
      %dma_start3A_102 = tpu.memref_slice %arg9[%run_scoped3A_41, %dma_start3A_101] : memref<16x640xf32, #tpu.memory_space<vmem>> -> memref<1x640xf32, #tpu.memory_space<vmem>>
      %dma_start3A_103 = tpu.memref_squeeze %dma_start3A_102 : memref<1x640xf32, #tpu.memory_space<vmem>> -> memref<640xf32, #tpu.memory_space<vmem>>
      %dma_start3A_104 = tpu.memref_slice %arg11[%run_scoped3A_40, %mul3A_39] : memref<16x10240xf32, #tpu.memory_space<vmem_shared>> -> memref<1x640xf32, #tpu.memory_space<vmem_shared>>
      %dma_start3A_105 = tpu.memref_squeeze %dma_start3A_104 : memref<1x640xf32, #tpu.memory_space<vmem_shared>> -> memref<640xf32, #tpu.memory_space<vmem_shared>>
      tpu.enqueue_dma source(%dma_start3A_105 : memref<640xf32, #tpu.memory_space<vmem_shared>>) target(%dma_start3A_103 : memref<640xf32, #tpu.memory_space<vmem>>) target_semaphore(%run_scoped3A_96 : memref<!tpu.dma_semaphore, #tpu.memory_space<semaphore_mem>>)
      %dma_wait3A = arith.constant 0 : i32
      %dma_wait3A_106 = tpu.memref_slice %arg9[%run_scoped3A_41, %dma_wait3A] : memref<16x640xf32, #tpu.memory_space<vmem>> -> memref<1x640xf32, #tpu.memory_space<vmem>>
      %dma_wait3A_107 = tpu.memref_squeeze %dma_wait3A_106 : memref<1x640xf32, #tpu.memory_space<vmem>> -> memref<640xf32, #tpu.memory_space<vmem>>
      %dma_wait3A_108 = tpu.memref_slice %arg11[%run_scoped3A_40, %mul3A_39] : memref<16x10240xf32, #tpu.memory_space<vmem_shared>> -> memref<1x640xf32, #tpu.memory_space<vmem_shared>>
      %dma_wait3A_109 = tpu.memref_squeeze %dma_wait3A_108 : memref<1x640xf32, #tpu.memory_space<vmem_shared>> -> memref<640xf32, #tpu.memory_space<vmem_shared>>
      %dma_wait3A_110 = arith.constant 0 : i32
      %dma_wait3A_111 = tpu.memref_slice %arg9[%run_scoped3A_41, %dma_wait3A_110] : memref<16x640xf32, #tpu.memory_space<vmem>> -> memref<1x640xf32, #tpu.memory_space<vmem>>
      %dma_wait3A_112 = tpu.memref_squeeze %dma_wait3A_111 : memref<1x640xf32, #tpu.memory_space<vmem>> -> memref<640xf32, #tpu.memory_space<vmem>>
      %dma_wait3A_113 = tpu.memref_slice %arg11[%run_scoped3A_40, %mul3A_39] : memref<16x10240xf32, #tpu.memory_space<vmem_shared>> -> memref<1x640xf32, #tpu.memory_space<vmem_shared>>
      %dma_wait3A_114 = tpu.memref_squeeze %dma_wait3A_113 : memref<1x640xf32, #tpu.memory_space<vmem_shared>> -> memref<640xf32, #tpu.memory_space<vmem_shared>>
      tpu.wait_dma2 semaphore(%run_scoped3A_96 : memref<!tpu.dma_semaphore, #tpu.memory_space<semaphore_mem>>) src(%dma_wait3A_114 : memref<640xf32, #tpu.memory_space<vmem_shared>>) dst(%dma_wait3A_112 : memref<640xf32, #tpu.memory_space<vmem>>)
      tpu.yield
    }) : () -> ()
    %mul3A_42 = arith.constant 640 : i32
    %mul3A_43 = arith.muli %arg1, %mul3A_42 : i32
    %run_scoped3A_44 = arith.constant 6 : i32
    %run_scoped3A_45 = arith.constant 6 : i32
    "tpu.region"() ({
      %run_scoped3A_96 = tpu.sem_alloc : memref<!tpu.dma_semaphore, #tpu.memory_space<semaphore_mem>>
      %dma_start3A = arith.constant 0 : i32
      %dma_start3A_97 = tpu.memref_slice %arg9[%run_scoped3A_45, %dma_start3A] : memref<16x640xf32, #tpu.memory_space<vmem>> -> memref<1x640xf32, #tpu.memory_space<vmem>>
      %dma_start3A_98 = tpu.memref_squeeze %dma_start3A_97 : memref<1x640xf32, #tpu.memory_space<vmem>> -> memref<640xf32, #tpu.memory_space<vmem>>
      %dma_start3A_99 = tpu.memref_slice %arg11[%run_scoped3A_44, %mul3A_43] : memref<16x10240xf32, #tpu.memory_space<vmem_shared>> -> memref<1x640xf32, #tpu.memory_space<vmem_shared>>
      %dma_start3A_100 = tpu.memref_squeeze %dma_start3A_99 : memref<1x640xf32, #tpu.memory_space<vmem_shared>> -> memref<640xf32, #tpu.memory_space<vmem_shared>>
      %dma_start3A_101 = arith.constant 0 : i32
      %dma_start3A_102 = tpu.memref_slice %arg9[%run_scoped3A_45, %dma_start3A_101] : memref<16x640xf32, #tpu.memory_space<vmem>> -> memref<1x640xf32, #tpu.memory_space<vmem>>
      %dma_start3A_103 = tpu.memref_squeeze %dma_start3A_102 : memref<1x640xf32, #tpu.memory_space<vmem>> -> memref<640xf32, #tpu.memory_space<vmem>>
      %dma_start3A_104 = tpu.memref_slice %arg11[%run_scoped3A_44, %mul3A_43] : memref<16x10240xf32, #tpu.memory_space<vmem_shared>> -> memref<1x640xf32, #tpu.memory_space<vmem_shared>>
      %dma_start3A_105 = tpu.memref_squeeze %dma_start3A_104 : memref<1x640xf32, #tpu.memory_space<vmem_shared>> -> memref<640xf32, #tpu.memory_space<vmem_shared>>
      tpu.enqueue_dma source(%dma_start3A_105 : memref<640xf32, #tpu.memory_space<vmem_shared>>) target(%dma_start3A_103 : memref<640xf32, #tpu.memory_space<vmem>>) target_semaphore(%run_scoped3A_96 : memref<!tpu.dma_semaphore, #tpu.memory_space<semaphore_mem>>)
      %dma_wait3A = arith.constant 0 : i32
      %dma_wait3A_106 = tpu.memref_slice %arg9[%run_scoped3A_45, %dma_wait3A] : memref<16x640xf32, #tpu.memory_space<vmem>> -> memref<1x640xf32, #tpu.memory_space<vmem>>
      %dma_wait3A_107 = tpu.memref_squeeze %dma_wait3A_106 : memref<1x640xf32, #tpu.memory_space<vmem>> -> memref<640xf32, #tpu.memory_space<vmem>>
      %dma_wait3A_108 = tpu.memref_slice %arg11[%run_scoped3A_44, %mul3A_43] : memref<16x10240xf32, #tpu.memory_space<vmem_shared>> -> memref<1x640xf32, #tpu.memory_space<vmem_shared>>
      %dma_wait3A_109 = tpu.memref_squeeze %dma_wait3A_108 : memref<1x640xf32, #tpu.memory_space<vmem_shared>> -> memref<640xf32, #tpu.memory_space<vmem_shared>>
      %dma_wait3A_110 = arith.constant 0 : i32
      %dma_wait3A_111 = tpu.memref_slice %arg9[%run_scoped3A_45, %dma_wait3A_110] : memref<16x640xf32, #tpu.memory_space<vmem>> -> memref<1x640xf32, #tpu.memory_space<vmem>>
      %dma_wait3A_112 = tpu.memref_squeeze %dma_wait3A_111 : memref<1x640xf32, #tpu.memory_space<vmem>> -> memref<640xf32, #tpu.memory_space<vmem>>
      %dma_wait3A_113 = tpu.memref_slice %arg11[%run_scoped3A_44, %mul3A_43] : memref<16x10240xf32, #tpu.memory_space<vmem_shared>> -> memref<1x640xf32, #tpu.memory_space<vmem_shared>>
      %dma_wait3A_114 = tpu.memref_squeeze %dma_wait3A_113 : memref<1x640xf32, #tpu.memory_space<vmem_shared>> -> memref<640xf32, #tpu.memory_space<vmem_shared>>
      tpu.wait_dma2 semaphore(%run_scoped3A_96 : memref<!tpu.dma_semaphore, #tpu.memory_space<semaphore_mem>>) src(%dma_wait3A_114 : memref<640xf32, #tpu.memory_space<vmem_shared>>) dst(%dma_wait3A_112 : memref<640xf32, #tpu.memory_space<vmem>>)
      tpu.yield
    }) : () -> ()
    %mul3A_46 = arith.constant 640 : i32
    %mul3A_47 = arith.muli %arg1, %mul3A_46 : i32
    %run_scoped3A_48 = arith.constant 7 : i32
    %run_scoped3A_49 = arith.constant 7 : i32
    "tpu.region"() ({
      %run_scoped3A_96 = tpu.sem_alloc : memref<!tpu.dma_semaphore, #tpu.memory_space<semaphore_mem>>
      %dma_start3A = arith.constant 0 : i32
      %dma_start3A_97 = tpu.memref_slice %arg9[%run_scoped3A_49, %dma_start3A] : memref<16x640xf32, #tpu.memory_space<vmem>> -> memref<1x640xf32, #tpu.memory_space<vmem>>
      %dma_start3A_98 = tpu.memref_squeeze %dma_start3A_97 : memref<1x640xf32, #tpu.memory_space<vmem>> -> memref<640xf32, #tpu.memory_space<vmem>>
      %dma_start3A_99 = tpu.memref_slice %arg11[%run_scoped3A_48, %mul3A_47] : memref<16x10240xf32, #tpu.memory_space<vmem_shared>> -> memref<1x640xf32, #tpu.memory_space<vmem_shared>>
      %dma_start3A_100 = tpu.memref_squeeze %dma_start3A_99 : memref<1x640xf32, #tpu.memory_space<vmem_shared>> -> memref<640xf32, #tpu.memory_space<vmem_shared>>
      %dma_start3A_101 = arith.constant 0 : i32
      %dma_start3A_102 = tpu.memref_slice %arg9[%run_scoped3A_49, %dma_start3A_101] : memref<16x640xf32, #tpu.memory_space<vmem>> -> memref<1x640xf32, #tpu.memory_space<vmem>>
      %dma_start3A_103 = tpu.memref_squeeze %dma_start3A_102 : memref<1x640xf32, #tpu.memory_space<vmem>> -> memref<640xf32, #tpu.memory_space<vmem>>
      %dma_start3A_104 = tpu.memref_slice %arg11[%run_scoped3A_48, %mul3A_47] : memref<16x10240xf32, #tpu.memory_space<vmem_shared>> -> memref<1x640xf32, #tpu.memory_space<vmem_shared>>
      %dma_start3A_105 = tpu.memref_squeeze %dma_start3A_104 : memref<1x640xf32, #tpu.memory_space<vmem_shared>> -> memref<640xf32, #tpu.memory_space<vmem_shared>>
      tpu.enqueue_dma source(%dma_start3A_105 : memref<640xf32, #tpu.memory_space<vmem_shared>>) target(%dma_start3A_103 : memref<640xf32, #tpu.memory_space<vmem>>) target_semaphore(%run_scoped3A_96 : memref<!tpu.dma_semaphore, #tpu.memory_space<semaphore_mem>>)
      %dma_wait3A = arith.constant 0 : i32
      %dma_wait3A_106 = tpu.memref_slice %arg9[%run_scoped3A_49, %dma_wait3A] : memref<16x640xf32, #tpu.memory_space<vmem>> -> memref<1x640xf32, #tpu.memory_space<vmem>>
      %dma_wait3A_107 = tpu.memref_squeeze %dma_wait3A_106 : memref<1x640xf32, #tpu.memory_space<vmem>> -> memref<640xf32, #tpu.memory_space<vmem>>
      %dma_wait3A_108 = tpu.memref_slice %arg11[%run_scoped3A_48, %mul3A_47] : memref<16x10240xf32, #tpu.memory_space<vmem_shared>> -> memref<1x640xf32, #tpu.memory_space<vmem_shared>>
      %dma_wait3A_109 = tpu.memref_squeeze %dma_wait3A_108 : memref<1x640xf32, #tpu.memory_space<vmem_shared>> -> memref<640xf32, #tpu.memory_space<vmem_shared>>
      %dma_wait3A_110 = arith.constant 0 : i32
      %dma_wait3A_111 = tpu.memref_slice %arg9[%run_scoped3A_49, %dma_wait3A_110] : memref<16x640xf32, #tpu.memory_space<vmem>> -> memref<1x640xf32, #tpu.memory_space<vmem>>
      %dma_wait3A_112 = tpu.memref_squeeze %dma_wait3A_111 : memref<1x640xf32, #tpu.memory_space<vmem>> -> memref<640xf32, #tpu.memory_space<vmem>>
      %dma_wait3A_113 = tpu.memref_slice %arg11[%run_scoped3A_48, %mul3A_47] : memref<16x10240xf32, #tpu.memory_space<vmem_shared>> -> memref<1x640xf32, #tpu.memory_space<vmem_shared>>
      %dma_wait3A_114 = tpu.memref_squeeze %dma_wait3A_113 : memref<1x640xf32, #tpu.memory_space<vmem_shared>> -> memref<640xf32, #tpu.memory_space<vmem_shared>>
      tpu.wait_dma2 semaphore(%run_scoped3A_96 : memref<!tpu.dma_semaphore, #tpu.memory_space<semaphore_mem>>) src(%dma_wait3A_114 : memref<640xf32, #tpu.memory_space<vmem_shared>>) dst(%dma_wait3A_112 : memref<640xf32, #tpu.memory_space<vmem>>)
      tpu.yield
    }) : () -> ()
    %mul3A_50 = arith.constant 640 : i32
    %mul3A_51 = arith.muli %arg1, %mul3A_50 : i32
    %run_scoped3A_52 = arith.constant 8 : i32
    %run_scoped3A_53 = arith.constant 8 : i32
    "tpu.region"() ({
      %run_scoped3A_96 = tpu.sem_alloc : memref<!tpu.dma_semaphore, #tpu.memory_space<semaphore_mem>>
      %dma_start3A = arith.constant 0 : i32
      %dma_start3A_97 = tpu.memref_slice %arg9[%run_scoped3A_53, %dma_start3A] : memref<16x640xf32, #tpu.memory_space<vmem>> -> memref<1x640xf32, #tpu.memory_space<vmem>>
      %dma_start3A_98 = tpu.memref_squeeze %dma_start3A_97 : memref<1x640xf32, #tpu.memory_space<vmem>> -> memref<640xf32, #tpu.memory_space<vmem>>
      %dma_start3A_99 = tpu.memref_slice %arg11[%run_scoped3A_52, %mul3A_51] : memref<16x10240xf32, #tpu.memory_space<vmem_shared>> -> memref<1x640xf32, #tpu.memory_space<vmem_shared>>
      %dma_start3A_100 = tpu.memref_squeeze %dma_start3A_99 : memref<1x640xf32, #tpu.memory_space<vmem_shared>> -> memref<640xf32, #tpu.memory_space<vmem_shared>>
      %dma_start3A_101 = arith.constant 0 : i32
      %dma_start3A_102 = tpu.memref_slice %arg9[%run_scoped3A_53, %dma_start3A_101] : memref<16x640xf32, #tpu.memory_space<vmem>> -> memref<1x640xf32, #tpu.memory_space<vmem>>
      %dma_start3A_103 = tpu.memref_squeeze %dma_start3A_102 : memref<1x640xf32, #tpu.memory_space<vmem>> -> memref<640xf32, #tpu.memory_space<vmem>>
      %dma_start3A_104 = tpu.memref_slice %arg11[%run_scoped3A_52, %mul3A_51] : memref<16x10240xf32, #tpu.memory_space<vmem_shared>> -> memref<1x640xf32, #tpu.memory_space<vmem_shared>>
      %dma_start3A_105 = tpu.memref_squeeze %dma_start3A_104 : memref<1x640xf32, #tpu.memory_space<vmem_shared>> -> memref<640xf32, #tpu.memory_space<vmem_shared>>
      tpu.enqueue_dma source(%dma_start3A_105 : memref<640xf32, #tpu.memory_space<vmem_shared>>) target(%dma_start3A_103 : memref<640xf32, #tpu.memory_space<vmem>>) target_semaphore(%run_scoped3A_96 : memref<!tpu.dma_semaphore, #tpu.memory_space<semaphore_mem>>)
      %dma_wait3A = arith.constant 0 : i32
      %dma_wait3A_106 = tpu.memref_slice %arg9[%run_scoped3A_53, %dma_wait3A] : memref<16x640xf32, #tpu.memory_space<vmem>> -> memref<1x640xf32, #tpu.memory_space<vmem>>
      %dma_wait3A_107 = tpu.memref_squeeze %dma_wait3A_106 : memref<1x640xf32, #tpu.memory_space<vmem>> -> memref<640xf32, #tpu.memory_space<vmem>>
      %dma_wait3A_108 = tpu.memref_slice %arg11[%run_scoped3A_52, %mul3A_51] : memref<16x10240xf32, #tpu.memory_space<vmem_shared>> -> memref<1x640xf32, #tpu.memory_space<vmem_shared>>
      %dma_wait3A_109 = tpu.memref_squeeze %dma_wait3A_108 : memref<1x640xf32, #tpu.memory_space<vmem_shared>> -> memref<640xf32, #tpu.memory_space<vmem_shared>>
      %dma_wait3A_110 = arith.constant 0 : i32
      %dma_wait3A_111 = tpu.memref_slice %arg9[%run_scoped3A_53, %dma_wait3A_110] : memref<16x640xf32, #tpu.memory_space<vmem>> -> memref<1x640xf32, #tpu.memory_space<vmem>>
      %dma_wait3A_112 = tpu.memref_squeeze %dma_wait3A_111 : memref<1x640xf32, #tpu.memory_space<vmem>> -> memref<640xf32, #tpu.memory_space<vmem>>
      %dma_wait3A_113 = tpu.memref_slice %arg11[%run_scoped3A_52, %mul3A_51] : memref<16x10240xf32, #tpu.memory_space<vmem_shared>> -> memref<1x640xf32, #tpu.memory_space<vmem_shared>>
      %dma_wait3A_114 = tpu.memref_squeeze %dma_wait3A_113 : memref<1x640xf32, #tpu.memory_space<vmem_shared>> -> memref<640xf32, #tpu.memory_space<vmem_shared>>
      tpu.wait_dma2 semaphore(%run_scoped3A_96 : memref<!tpu.dma_semaphore, #tpu.memory_space<semaphore_mem>>) src(%dma_wait3A_114 : memref<640xf32, #tpu.memory_space<vmem_shared>>) dst(%dma_wait3A_112 : memref<640xf32, #tpu.memory_space<vmem>>)
      tpu.yield
    }) : () -> ()
    %mul3A_54 = arith.constant 640 : i32
    %mul3A_55 = arith.muli %arg1, %mul3A_54 : i32
    %run_scoped3A_56 = arith.constant 9 : i32
    %run_scoped3A_57 = arith.constant 9 : i32
    "tpu.region"() ({
      %run_scoped3A_96 = tpu.sem_alloc : memref<!tpu.dma_semaphore, #tpu.memory_space<semaphore_mem>>
      %dma_start3A = arith.constant 0 : i32
      %dma_start3A_97 = tpu.memref_slice %arg9[%run_scoped3A_57, %dma_start3A] : memref<16x640xf32, #tpu.memory_space<vmem>> -> memref<1x640xf32, #tpu.memory_space<vmem>>
      %dma_start3A_98 = tpu.memref_squeeze %dma_start3A_97 : memref<1x640xf32, #tpu.memory_space<vmem>> -> memref<640xf32, #tpu.memory_space<vmem>>
      %dma_start3A_99 = tpu.memref_slice %arg11[%run_scoped3A_56, %mul3A_55] : memref<16x10240xf32, #tpu.memory_space<vmem_shared>> -> memref<1x640xf32, #tpu.memory_space<vmem_shared>>
      %dma_start3A_100 = tpu.memref_squeeze %dma_start3A_99 : memref<1x640xf32, #tpu.memory_space<vmem_shared>> -> memref<640xf32, #tpu.memory_space<vmem_shared>>
      %dma_start3A_101 = arith.constant 0 : i32
      %dma_start3A_102 = tpu.memref_slice %arg9[%run_scoped3A_57, %dma_start3A_101] : memref<16x640xf32, #tpu.memory_space<vmem>> -> memref<1x640xf32, #tpu.memory_space<vmem>>
      %dma_start3A_103 = tpu.memref_squeeze %dma_start3A_102 : memref<1x640xf32, #tpu.memory_space<vmem>> -> memref<640xf32, #tpu.memory_space<vmem>>
      %dma_start3A_104 = tpu.memref_slice %arg11[%run_scoped3A_56, %mul3A_55] : memref<16x10240xf32, #tpu.memory_space<vmem_shared>> -> memref<1x640xf32, #tpu.memory_space<vmem_shared>>
      %dma_start3A_105 = tpu.memref_squeeze %dma_start3A_104 : memref<1x640xf32, #tpu.memory_space<vmem_shared>> -> memref<640xf32, #tpu.memory_space<vmem_shared>>
      tpu.enqueue_dma source(%dma_start3A_105 : memref<640xf32, #tpu.memory_space<vmem_shared>>) target(%dma_start3A_103 : memref<640xf32, #tpu.memory_space<vmem>>) target_semaphore(%run_scoped3A_96 : memref<!tpu.dma_semaphore, #tpu.memory_space<semaphore_mem>>)
      %dma_wait3A = arith.constant 0 : i32
      %dma_wait3A_106 = tpu.memref_slice %arg9[%run_scoped3A_57, %dma_wait3A] : memref<16x640xf32, #tpu.memory_space<vmem>> -> memref<1x640xf32, #tpu.memory_space<vmem>>
      %dma_wait3A_107 = tpu.memref_squeeze %dma_wait3A_106 : memref<1x640xf32, #tpu.memory_space<vmem>> -> memref<640xf32, #tpu.memory_space<vmem>>
      %dma_wait3A_108 = tpu.memref_slice %arg11[%run_scoped3A_56, %mul3A_55] : memref<16x10240xf32, #tpu.memory_space<vmem_shared>> -> memref<1x640xf32, #tpu.memory_space<vmem_shared>>
      %dma_wait3A_109 = tpu.memref_squeeze %dma_wait3A_108 : memref<1x640xf32, #tpu.memory_space<vmem_shared>> -> memref<640xf32, #tpu.memory_space<vmem_shared>>
      %dma_wait3A_110 = arith.constant 0 : i32
      %dma_wait3A_111 = tpu.memref_slice %arg9[%run_scoped3A_57, %dma_wait3A_110] : memref<16x640xf32, #tpu.memory_space<vmem>> -> memref<1x640xf32, #tpu.memory_space<vmem>>
      %dma_wait3A_112 = tpu.memref_squeeze %dma_wait3A_111 : memref<1x640xf32, #tpu.memory_space<vmem>> -> memref<640xf32, #tpu.memory_space<vmem>>
      %dma_wait3A_113 = tpu.memref_slice %arg11[%run_scoped3A_56, %mul3A_55] : memref<16x10240xf32, #tpu.memory_space<vmem_shared>> -> memref<1x640xf32, #tpu.memory_space<vmem_shared>>
      %dma_wait3A_114 = tpu.memref_squeeze %dma_wait3A_113 : memref<1x640xf32, #tpu.memory_space<vmem_shared>> -> memref<640xf32, #tpu.memory_space<vmem_shared>>
      tpu.wait_dma2 semaphore(%run_scoped3A_96 : memref<!tpu.dma_semaphore, #tpu.memory_space<semaphore_mem>>) src(%dma_wait3A_114 : memref<640xf32, #tpu.memory_space<vmem_shared>>) dst(%dma_wait3A_112 : memref<640xf32, #tpu.memory_space<vmem>>)
      tpu.yield
    }) : () -> ()
    %mul3A_58 = arith.constant 640 : i32
    %mul3A_59 = arith.muli %arg1, %mul3A_58 : i32
    %run_scoped3A_60 = arith.constant 10 : i32
    %run_scoped3A_61 = arith.constant 10 : i32
    "tpu.region"() ({
      %run_scoped3A_96 = tpu.sem_alloc : memref<!tpu.dma_semaphore, #tpu.memory_space<semaphore_mem>>
      %dma_start3A = arith.constant 0 : i32
      %dma_start3A_97 = tpu.memref_slice %arg9[%run_scoped3A_61, %dma_start3A] : memref<16x640xf32, #tpu.memory_space<vmem>> -> memref<1x640xf32, #tpu.memory_space<vmem>>
      %dma_start3A_98 = tpu.memref_squeeze %dma_start3A_97 : memref<1x640xf32, #tpu.memory_space<vmem>> -> memref<640xf32, #tpu.memory_space<vmem>>
      %dma_start3A_99 = tpu.memref_slice %arg11[%run_scoped3A_60, %mul3A_59] : memref<16x10240xf32, #tpu.memory_space<vmem_shared>> -> memref<1x640xf32, #tpu.memory_space<vmem_shared>>
      %dma_start3A_100 = tpu.memref_squeeze %dma_start3A_99 : memref<1x640xf32, #tpu.memory_space<vmem_shared>> -> memref<640xf32, #tpu.memory_space<vmem_shared>>
      %dma_start3A_101 = arith.constant 0 : i32
      %dma_start3A_102 = tpu.memref_slice %arg9[%run_scoped3A_61, %dma_start3A_101] : memref<16x640xf32, #tpu.memory_space<vmem>> -> memref<1x640xf32, #tpu.memory_space<vmem>>
      %dma_start3A_103 = tpu.memref_squeeze %dma_start3A_102 : memref<1x640xf32, #tpu.memory_space<vmem>> -> memref<640xf32, #tpu.memory_space<vmem>>
      %dma_start3A_104 = tpu.memref_slice %arg11[%run_scoped3A_60, %mul3A_59] : memref<16x10240xf32, #tpu.memory_space<vmem_shared>> -> memref<1x640xf32, #tpu.memory_space<vmem_shared>>
      %dma_start3A_105 = tpu.memref_squeeze %dma_start3A_104 : memref<1x640xf32, #tpu.memory_space<vmem_shared>> -> memref<640xf32, #tpu.memory_space<vmem_shared>>
      tpu.enqueue_dma source(%dma_start3A_105 : memref<640xf32, #tpu.memory_space<vmem_shared>>) target(%dma_start3A_103 : memref<640xf32, #tpu.memory_space<vmem>>) target_semaphore(%run_scoped3A_96 : memref<!tpu.dma_semaphore, #tpu.memory_space<semaphore_mem>>)
      %dma_wait3A = arith.constant 0 : i32
      %dma_wait3A_106 = tpu.memref_slice %arg9[%run_scoped3A_61, %dma_wait3A] : memref<16x640xf32, #tpu.memory_space<vmem>> -> memref<1x640xf32, #tpu.memory_space<vmem>>
      %dma_wait3A_107 = tpu.memref_squeeze %dma_wait3A_106 : memref<1x640xf32, #tpu.memory_space<vmem>> -> memref<640xf32, #tpu.memory_space<vmem>>
      %dma_wait3A_108 = tpu.memref_slice %arg11[%run_scoped3A_60, %mul3A_59] : memref<16x10240xf32, #tpu.memory_space<vmem_shared>> -> memref<1x640xf32, #tpu.memory_space<vmem_shared>>
      %dma_wait3A_109 = tpu.memref_squeeze %dma_wait3A_108 : memref<1x640xf32, #tpu.memory_space<vmem_shared>> -> memref<640xf32, #tpu.memory_space<vmem_shared>>
      %dma_wait3A_110 = arith.constant 0 : i32
      %dma_wait3A_111 = tpu.memref_slice %arg9[%run_scoped3A_61, %dma_wait3A_110] : memref<16x640xf32, #tpu.memory_space<vmem>> -> memref<1x640xf32, #tpu.memory_space<vmem>>
      %dma_wait3A_112 = tpu.memref_squeeze %dma_wait3A_111 : memref<1x640xf32, #tpu.memory_space<vmem>> -> memref<640xf32, #tpu.memory_space<vmem>>
      %dma_wait3A_113 = tpu.memref_slice %arg11[%run_scoped3A_60, %mul3A_59] : memref<16x10240xf32, #tpu.memory_space<vmem_shared>> -> memref<1x640xf32, #tpu.memory_space<vmem_shared>>
      %dma_wait3A_114 = tpu.memref_squeeze %dma_wait3A_113 : memref<1x640xf32, #tpu.memory_space<vmem_shared>> -> memref<640xf32, #tpu.memory_space<vmem_shared>>
      tpu.wait_dma2 semaphore(%run_scoped3A_96 : memref<!tpu.dma_semaphore, #tpu.memory_space<semaphore_mem>>) src(%dma_wait3A_114 : memref<640xf32, #tpu.memory_space<vmem_shared>>) dst(%dma_wait3A_112 : memref<640xf32, #tpu.memory_space<vmem>>)
      tpu.yield
    }) : () -> ()
    %mul3A_62 = arith.constant 640 : i32
    %mul3A_63 = arith.muli %arg1, %mul3A_62 : i32
    %run_scoped3A_64 = arith.constant 11 : i32
    %run_scoped3A_65 = arith.constant 11 : i32
    "tpu.region"() ({
      %run_scoped3A_96 = tpu.sem_alloc : memref<!tpu.dma_semaphore, #tpu.memory_space<semaphore_mem>>
      %dma_start3A = arith.constant 0 : i32
      %dma_start3A_97 = tpu.memref_slice %arg9[%run_scoped3A_65, %dma_start3A] : memref<16x640xf32, #tpu.memory_space<vmem>> -> memref<1x640xf32, #tpu.memory_space<vmem>>
      %dma_start3A_98 = tpu.memref_squeeze %dma_start3A_97 : memref<1x640xf32, #tpu.memory_space<vmem>> -> memref<640xf32, #tpu.memory_space<vmem>>
      %dma_start3A_99 = tpu.memref_slice %arg11[%run_scoped3A_64, %mul3A_63] : memref<16x10240xf32, #tpu.memory_space<vmem_shared>> -> memref<1x640xf32, #tpu.memory_space<vmem_shared>>
      %dma_start3A_100 = tpu.memref_squeeze %dma_start3A_99 : memref<1x640xf32, #tpu.memory_space<vmem_shared>> -> memref<640xf32, #tpu.memory_space<vmem_shared>>
      %dma_start3A_101 = arith.constant 0 : i32
      %dma_start3A_102 = tpu.memref_slice %arg9[%run_scoped3A_65, %dma_start3A_101] : memref<16x640xf32, #tpu.memory_space<vmem>> -> memref<1x640xf32, #tpu.memory_space<vmem>>
      %dma_start3A_103 = tpu.memref_squeeze %dma_start3A_102 : memref<1x640xf32, #tpu.memory_space<vmem>> -> memref<640xf32, #tpu.memory_space<vmem>>
      %dma_start3A_104 = tpu.memref_slice %arg11[%run_scoped3A_64, %mul3A_63] : memref<16x10240xf32, #tpu.memory_space<vmem_shared>> -> memref<1x640xf32, #tpu.memory_space<vmem_shared>>
      %dma_start3A_105 = tpu.memref_squeeze %dma_start3A_104 : memref<1x640xf32, #tpu.memory_space<vmem_shared>> -> memref<640xf32, #tpu.memory_space<vmem_shared>>
      tpu.enqueue_dma source(%dma_start3A_105 : memref<640xf32, #tpu.memory_space<vmem_shared>>) target(%dma_start3A_103 : memref<640xf32, #tpu.memory_space<vmem>>) target_semaphore(%run_scoped3A_96 : memref<!tpu.dma_semaphore, #tpu.memory_space<semaphore_mem>>)
      %dma_wait3A = arith.constant 0 : i32
      %dma_wait3A_106 = tpu.memref_slice %arg9[%run_scoped3A_65, %dma_wait3A] : memref<16x640xf32, #tpu.memory_space<vmem>> -> memref<1x640xf32, #tpu.memory_space<vmem>>
      %dma_wait3A_107 = tpu.memref_squeeze %dma_wait3A_106 : memref<1x640xf32, #tpu.memory_space<vmem>> -> memref<640xf32, #tpu.memory_space<vmem>>
      %dma_wait3A_108 = tpu.memref_slice %arg11[%run_scoped3A_64, %mul3A_63] : memref<16x10240xf32, #tpu.memory_space<vmem_shared>> -> memref<1x640xf32, #tpu.memory_space<vmem_shared>>
      %dma_wait3A_109 = tpu.memref_squeeze %dma_wait3A_108 : memref<1x640xf32, #tpu.memory_space<vmem_shared>> -> memref<640xf32, #tpu.memory_space<vmem_shared>>
      %dma_wait3A_110 = arith.constant 0 : i32
      %dma_wait3A_111 = tpu.memref_slice %arg9[%run_scoped3A_65, %dma_wait3A_110] : memref<16x640xf32, #tpu.memory_space<vmem>> -> memref<1x640xf32, #tpu.memory_space<vmem>>
      %dma_wait3A_112 = tpu.memref_squeeze %dma_wait3A_111 : memref<1x640xf32, #tpu.memory_space<vmem>> -> memref<640xf32, #tpu.memory_space<vmem>>
      %dma_wait3A_113 = tpu.memref_slice %arg11[%run_scoped3A_64, %mul3A_63] : memref<16x10240xf32, #tpu.memory_space<vmem_shared>> -> memref<1x640xf32, #tpu.memory_space<vmem_shared>>
      %dma_wait3A_114 = tpu.memref_squeeze %dma_wait3A_113 : memref<1x640xf32, #tpu.memory_space<vmem_shared>> -> memref<640xf32, #tpu.memory_space<vmem_shared>>
      tpu.wait_dma2 semaphore(%run_scoped3A_96 : memref<!tpu.dma_semaphore, #tpu.memory_space<semaphore_mem>>) src(%dma_wait3A_114 : memref<640xf32, #tpu.memory_space<vmem_shared>>) dst(%dma_wait3A_112 : memref<640xf32, #tpu.memory_space<vmem>>)
      tpu.yield
    }) : () -> ()
    %mul3A_66 = arith.constant 640 : i32
    %mul3A_67 = arith.muli %arg1, %mul3A_66 : i32
    %run_scoped3A_68 = arith.constant 12 : i32
    %run_scoped3A_69 = arith.constant 12 : i32
    "tpu.region"() ({
      %run_scoped3A_96 = tpu.sem_alloc : memref<!tpu.dma_semaphore, #tpu.memory_space<semaphore_mem>>
      %dma_start3A = arith.constant 0 : i32
      %dma_start3A_97 = tpu.memref_slice %arg9[%run_scoped3A_69, %dma_start3A] : memref<16x640xf32, #tpu.memory_space<vmem>> -> memref<1x640xf32, #tpu.memory_space<vmem>>
      %dma_start3A_98 = tpu.memref_squeeze %dma_start3A_97 : memref<1x640xf32, #tpu.memory_space<vmem>> -> memref<640xf32, #tpu.memory_space<vmem>>
      %dma_start3A_99 = tpu.memref_slice %arg11[%run_scoped3A_68, %mul3A_67] : memref<16x10240xf32, #tpu.memory_space<vmem_shared>> -> memref<1x640xf32, #tpu.memory_space<vmem_shared>>
      %dma_start3A_100 = tpu.memref_squeeze %dma_start3A_99 : memref<1x640xf32, #tpu.memory_space<vmem_shared>> -> memref<640xf32, #tpu.memory_space<vmem_shared>>
      %dma_start3A_101 = arith.constant 0 : i32
      %dma_start3A_102 = tpu.memref_slice %arg9[%run_scoped3A_69, %dma_start3A_101] : memref<16x640xf32, #tpu.memory_space<vmem>> -> memref<1x640xf32, #tpu.memory_space<vmem>>
      %dma_start3A_103 = tpu.memref_squeeze %dma_start3A_102 : memref<1x640xf32, #tpu.memory_space<vmem>> -> memref<640xf32, #tpu.memory_space<vmem>>
      %dma_start3A_104 = tpu.memref_slice %arg11[%run_scoped3A_68, %mul3A_67] : memref<16x10240xf32, #tpu.memory_space<vmem_shared>> -> memref<1x640xf32, #tpu.memory_space<vmem_shared>>
      %dma_start3A_105 = tpu.memref_squeeze %dma_start3A_104 : memref<1x640xf32, #tpu.memory_space<vmem_shared>> -> memref<640xf32, #tpu.memory_space<vmem_shared>>
      tpu.enqueue_dma source(%dma_start3A_105 : memref<640xf32, #tpu.memory_space<vmem_shared>>) target(%dma_start3A_103 : memref<640xf32, #tpu.memory_space<vmem>>) target_semaphore(%run_scoped3A_96 : memref<!tpu.dma_semaphore, #tpu.memory_space<semaphore_mem>>)
      %dma_wait3A = arith.constant 0 : i32
      %dma_wait3A_106 = tpu.memref_slice %arg9[%run_scoped3A_69, %dma_wait3A] : memref<16x640xf32, #tpu.memory_space<vmem>> -> memref<1x640xf32, #tpu.memory_space<vmem>>
      %dma_wait3A_107 = tpu.memref_squeeze %dma_wait3A_106 : memref<1x640xf32, #tpu.memory_space<vmem>> -> memref<640xf32, #tpu.memory_space<vmem>>
      %dma_wait3A_108 = tpu.memref_slice %arg11[%run_scoped3A_68, %mul3A_67] : memref<16x10240xf32, #tpu.memory_space<vmem_shared>> -> memref<1x640xf32, #tpu.memory_space<vmem_shared>>
      %dma_wait3A_109 = tpu.memref_squeeze %dma_wait3A_108 : memref<1x640xf32, #tpu.memory_space<vmem_shared>> -> memref<640xf32, #tpu.memory_space<vmem_shared>>
      %dma_wait3A_110 = arith.constant 0 : i32
      %dma_wait3A_111 = tpu.memref_slice %arg9[%run_scoped3A_69, %dma_wait3A_110] : memref<16x640xf32, #tpu.memory_space<vmem>> -> memref<1x640xf32, #tpu.memory_space<vmem>>
      %dma_wait3A_112 = tpu.memref_squeeze %dma_wait3A_111 : memref<1x640xf32, #tpu.memory_space<vmem>> -> memref<640xf32, #tpu.memory_space<vmem>>
      %dma_wait3A_113 = tpu.memref_slice %arg11[%run_scoped3A_68, %mul3A_67] : memref<16x10240xf32, #tpu.memory_space<vmem_shared>> -> memref<1x640xf32, #tpu.memory_space<vmem_shared>>
      %dma_wait3A_114 = tpu.memref_squeeze %dma_wait3A_113 : memref<1x640xf32, #tpu.memory_space<vmem_shared>> -> memref<640xf32, #tpu.memory_space<vmem_shared>>
      tpu.wait_dma2 semaphore(%run_scoped3A_96 : memref<!tpu.dma_semaphore, #tpu.memory_space<semaphore_mem>>) src(%dma_wait3A_114 : memref<640xf32, #tpu.memory_space<vmem_shared>>) dst(%dma_wait3A_112 : memref<640xf32, #tpu.memory_space<vmem>>)
      tpu.yield
    }) : () -> ()
    %mul3A_70 = arith.constant 640 : i32
    %mul3A_71 = arith.muli %arg1, %mul3A_70 : i32
    %run_scoped3A_72 = arith.constant 13 : i32
    %run_scoped3A_73 = arith.constant 13 : i32
    "tpu.region"() ({
      %run_scoped3A_96 = tpu.sem_alloc : memref<!tpu.dma_semaphore, #tpu.memory_space<semaphore_mem>>
      %dma_start3A = arith.constant 0 : i32
      %dma_start3A_97 = tpu.memref_slice %arg9[%run_scoped3A_73, %dma_start3A] : memref<16x640xf32, #tpu.memory_space<vmem>> -> memref<1x640xf32, #tpu.memory_space<vmem>>
      %dma_start3A_98 = tpu.memref_squeeze %dma_start3A_97 : memref<1x640xf32, #tpu.memory_space<vmem>> -> memref<640xf32, #tpu.memory_space<vmem>>
      %dma_start3A_99 = tpu.memref_slice %arg11[%run_scoped3A_72, %mul3A_71] : memref<16x10240xf32, #tpu.memory_space<vmem_shared>> -> memref<1x640xf32, #tpu.memory_space<vmem_shared>>
      %dma_start3A_100 = tpu.memref_squeeze %dma_start3A_99 : memref<1x640xf32, #tpu.memory_space<vmem_shared>> -> memref<640xf32, #tpu.memory_space<vmem_shared>>
      %dma_start3A_101 = arith.constant 0 : i32
      %dma_start3A_102 = tpu.memref_slice %arg9[%run_scoped3A_73, %dma_start3A_101] : memref<16x640xf32, #tpu.memory_space<vmem>> -> memref<1x640xf32, #tpu.memory_space<vmem>>
      %dma_start3A_103 = tpu.memref_squeeze %dma_start3A_102 : memref<1x640xf32, #tpu.memory_space<vmem>> -> memref<640xf32, #tpu.memory_space<vmem>>
      %dma_start3A_104 = tpu.memref_slice %arg11[%run_scoped3A_72, %mul3A_71] : memref<16x10240xf32, #tpu.memory_space<vmem_shared>> -> memref<1x640xf32, #tpu.memory_space<vmem_shared>>
      %dma_start3A_105 = tpu.memref_squeeze %dma_start3A_104 : memref<1x640xf32, #tpu.memory_space<vmem_shared>> -> memref<640xf32, #tpu.memory_space<vmem_shared>>
      tpu.enqueue_dma source(%dma_start3A_105 : memref<640xf32, #tpu.memory_space<vmem_shared>>) target(%dma_start3A_103 : memref<640xf32, #tpu.memory_space<vmem>>) target_semaphore(%run_scoped3A_96 : memref<!tpu.dma_semaphore, #tpu.memory_space<semaphore_mem>>)
      %dma_wait3A = arith.constant 0 : i32
      %dma_wait3A_106 = tpu.memref_slice %arg9[%run_scoped3A_73, %dma_wait3A] : memref<16x640xf32, #tpu.memory_space<vmem>> -> memref<1x640xf32, #tpu.memory_space<vmem>>
      %dma_wait3A_107 = tpu.memref_squeeze %dma_wait3A_106 : memref<1x640xf32, #tpu.memory_space<vmem>> -> memref<640xf32, #tpu.memory_space<vmem>>
      %dma_wait3A_108 = tpu.memref_slice %arg11[%run_scoped3A_72, %mul3A_71] : memref<16x10240xf32, #tpu.memory_space<vmem_shared>> -> memref<1x640xf32, #tpu.memory_space<vmem_shared>>
      %dma_wait3A_109 = tpu.memref_squeeze %dma_wait3A_108 : memref<1x640xf32, #tpu.memory_space<vmem_shared>> -> memref<640xf32, #tpu.memory_space<vmem_shared>>
      %dma_wait3A_110 = arith.constant 0 : i32
      %dma_wait3A_111 = tpu.memref_slice %arg9[%run_scoped3A_73, %dma_wait3A_110] : memref<16x640xf32, #tpu.memory_space<vmem>> -> memref<1x640xf32, #tpu.memory_space<vmem>>
      %dma_wait3A_112 = tpu.memref_squeeze %dma_wait3A_111 : memref<1x640xf32, #tpu.memory_space<vmem>> -> memref<640xf32, #tpu.memory_space<vmem>>
      %dma_wait3A_113 = tpu.memref_slice %arg11[%run_scoped3A_72, %mul3A_71] : memref<16x10240xf32, #tpu.memory_space<vmem_shared>> -> memref<1x640xf32, #tpu.memory_space<vmem_shared>>
      %dma_wait3A_114 = tpu.memref_squeeze %dma_wait3A_113 : memref<1x640xf32, #tpu.memory_space<vmem_shared>> -> memref<640xf32, #tpu.memory_space<vmem_shared>>
      tpu.wait_dma2 semaphore(%run_scoped3A_96 : memref<!tpu.dma_semaphore, #tpu.memory_space<semaphore_mem>>) src(%dma_wait3A_114 : memref<640xf32, #tpu.memory_space<vmem_shared>>) dst(%dma_wait3A_112 : memref<640xf32, #tpu.memory_space<vmem>>)
      tpu.yield
    }) : () -> ()
    %mul3A_74 = arith.constant 640 : i32
    %mul3A_75 = arith.muli %arg1, %mul3A_74 : i32
    %run_scoped3A_76 = arith.constant 14 : i32
    %run_scoped3A_77 = arith.constant 14 : i32
    "tpu.region"() ({
      %run_scoped3A_96 = tpu.sem_alloc : memref<!tpu.dma_semaphore, #tpu.memory_space<semaphore_mem>>
      %dma_start3A = arith.constant 0 : i32
      %dma_start3A_97 = tpu.memref_slice %arg9[%run_scoped3A_77, %dma_start3A] : memref<16x640xf32, #tpu.memory_space<vmem>> -> memref<1x640xf32, #tpu.memory_space<vmem>>
      %dma_start3A_98 = tpu.memref_squeeze %dma_start3A_97 : memref<1x640xf32, #tpu.memory_space<vmem>> -> memref<640xf32, #tpu.memory_space<vmem>>
      %dma_start3A_99 = tpu.memref_slice %arg11[%run_scoped3A_76, %mul3A_75] : memref<16x10240xf32, #tpu.memory_space<vmem_shared>> -> memref<1x640xf32, #tpu.memory_space<vmem_shared>>
      %dma_start3A_100 = tpu.memref_squeeze %dma_start3A_99 : memref<1x640xf32, #tpu.memory_space<vmem_shared>> -> memref<640xf32, #tpu.memory_space<vmem_shared>>
      %dma_start3A_101 = arith.constant 0 : i32
      %dma_start3A_102 = tpu.memref_slice %arg9[%run_scoped3A_77, %dma_start3A_101] : memref<16x640xf32, #tpu.memory_space<vmem>> -> memref<1x640xf32, #tpu.memory_space<vmem>>
      %dma_start3A_103 = tpu.memref_squeeze %dma_start3A_102 : memref<1x640xf32, #tpu.memory_space<vmem>> -> memref<640xf32, #tpu.memory_space<vmem>>
      %dma_start3A_104 = tpu.memref_slice %arg11[%run_scoped3A_76, %mul3A_75] : memref<16x10240xf32, #tpu.memory_space<vmem_shared>> -> memref<1x640xf32, #tpu.memory_space<vmem_shared>>
      %dma_start3A_105 = tpu.memref_squeeze %dma_start3A_104 : memref<1x640xf32, #tpu.memory_space<vmem_shared>> -> memref<640xf32, #tpu.memory_space<vmem_shared>>
      tpu.enqueue_dma source(%dma_start3A_105 : memref<640xf32, #tpu.memory_space<vmem_shared>>) target(%dma_start3A_103 : memref<640xf32, #tpu.memory_space<vmem>>) target_semaphore(%run_scoped3A_96 : memref<!tpu.dma_semaphore, #tpu.memory_space<semaphore_mem>>)
      %dma_wait3A = arith.constant 0 : i32
      %dma_wait3A_106 = tpu.memref_slice %arg9[%run_scoped3A_77, %dma_wait3A] : memref<16x640xf32, #tpu.memory_space<vmem>> -> memref<1x640xf32, #tpu.memory_space<vmem>>
      %dma_wait3A_107 = tpu.memref_squeeze %dma_wait3A_106 : memref<1x640xf32, #tpu.memory_space<vmem>> -> memref<640xf32, #tpu.memory_space<vmem>>
      %dma_wait3A_108 = tpu.memref_slice %arg11[%run_scoped3A_76, %mul3A_75] : memref<16x10240xf32, #tpu.memory_space<vmem_shared>> -> memref<1x640xf32, #tpu.memory_space<vmem_shared>>
      %dma_wait3A_109 = tpu.memref_squeeze %dma_wait3A_108 : memref<1x640xf32, #tpu.memory_space<vmem_shared>> -> memref<640xf32, #tpu.memory_space<vmem_shared>>
      %dma_wait3A_110 = arith.constant 0 : i32
      %dma_wait3A_111 = tpu.memref_slice %arg9[%run_scoped3A_77, %dma_wait3A_110] : memref<16x640xf32, #tpu.memory_space<vmem>> -> memref<1x640xf32, #tpu.memory_space<vmem>>
      %dma_wait3A_112 = tpu.memref_squeeze %dma_wait3A_111 : memref<1x640xf32, #tpu.memory_space<vmem>> -> memref<640xf32, #tpu.memory_space<vmem>>
      %dma_wait3A_113 = tpu.memref_slice %arg11[%run_scoped3A_76, %mul3A_75] : memref<16x10240xf32, #tpu.memory_space<vmem_shared>> -> memref<1x640xf32, #tpu.memory_space<vmem_shared>>
      %dma_wait3A_114 = tpu.memref_squeeze %dma_wait3A_113 : memref<1x640xf32, #tpu.memory_space<vmem_shared>> -> memref<640xf32, #tpu.memory_space<vmem_shared>>
      tpu.wait_dma2 semaphore(%run_scoped3A_96 : memref<!tpu.dma_semaphore, #tpu.memory_space<semaphore_mem>>) src(%dma_wait3A_114 : memref<640xf32, #tpu.memory_space<vmem_shared>>) dst(%dma_wait3A_112 : memref<640xf32, #tpu.memory_space<vmem>>)
      tpu.yield
    }) : () -> ()
    %mul3A_78 = arith.constant 640 : i32
    %mul3A_79 = arith.muli %arg1, %mul3A_78 : i32
    %run_scoped3A_80 = arith.constant 15 : i32
    %run_scoped3A_81 = arith.constant 15 : i32
    "tpu.region"() ({
      %run_scoped3A_96 = tpu.sem_alloc : memref<!tpu.dma_semaphore, #tpu.memory_space<semaphore_mem>>
      %dma_start3A = arith.constant 0 : i32
      %dma_start3A_97 = tpu.memref_slice %arg9[%run_scoped3A_81, %dma_start3A] : memref<16x640xf32, #tpu.memory_space<vmem>> -> memref<1x640xf32, #tpu.memory_space<vmem>>
      %dma_start3A_98 = tpu.memref_squeeze %dma_start3A_97 : memref<1x640xf32, #tpu.memory_space<vmem>> -> memref<640xf32, #tpu.memory_space<vmem>>
      %dma_start3A_99 = tpu.memref_slice %arg11[%run_scoped3A_80, %mul3A_79] : memref<16x10240xf32, #tpu.memory_space<vmem_shared>> -> memref<1x640xf32, #tpu.memory_space<vmem_shared>>
      %dma_start3A_100 = tpu.memref_squeeze %dma_start3A_99 : memref<1x640xf32, #tpu.memory_space<vmem_shared>> -> memref<640xf32, #tpu.memory_space<vmem_shared>>
      %dma_start3A_101 = arith.constant 0 : i32
      %dma_start3A_102 = tpu.memref_slice %arg9[%run_scoped3A_81, %dma_start3A_101] : memref<16x640xf32, #tpu.memory_space<vmem>> -> memref<1x640xf32, #tpu.memory_space<vmem>>
      %dma_start3A_103 = tpu.memref_squeeze %dma_start3A_102 : memref<1x640xf32, #tpu.memory_space<vmem>> -> memref<640xf32, #tpu.memory_space<vmem>>
      %dma_start3A_104 = tpu.memref_slice %arg11[%run_scoped3A_80, %mul3A_79] : memref<16x10240xf32, #tpu.memory_space<vmem_shared>> -> memref<1x640xf32, #tpu.memory_space<vmem_shared>>
      %dma_start3A_105 = tpu.memref_squeeze %dma_start3A_104 : memref<1x640xf32, #tpu.memory_space<vmem_shared>> -> memref<640xf32, #tpu.memory_space<vmem_shared>>
      tpu.enqueue_dma source(%dma_start3A_105 : memref<640xf32, #tpu.memory_space<vmem_shared>>) target(%dma_start3A_103 : memref<640xf32, #tpu.memory_space<vmem>>) target_semaphore(%run_scoped3A_96 : memref<!tpu.dma_semaphore, #tpu.memory_space<semaphore_mem>>)
      %dma_wait3A = arith.constant 0 : i32
      %dma_wait3A_106 = tpu.memref_slice %arg9[%run_scoped3A_81, %dma_wait3A] : memref<16x640xf32, #tpu.memory_space<vmem>> -> memref<1x640xf32, #tpu.memory_space<vmem>>
      %dma_wait3A_107 = tpu.memref_squeeze %dma_wait3A_106 : memref<1x640xf32, #tpu.memory_space<vmem>> -> memref<640xf32, #tpu.memory_space<vmem>>
      %dma_wait3A_108 = tpu.memref_slice %arg11[%run_scoped3A_80, %mul3A_79] : memref<16x10240xf32, #tpu.memory_space<vmem_shared>> -> memref<1x640xf32, #tpu.memory_space<vmem_shared>>
      %dma_wait3A_109 = tpu.memref_squeeze %dma_wait3A_108 : memref<1x640xf32, #tpu.memory_space<vmem_shared>> -> memref<640xf32, #tpu.memory_space<vmem_shared>>
      %dma_wait3A_110 = arith.constant 0 : i32
      %dma_wait3A_111 = tpu.memref_slice %arg9[%run_scoped3A_81, %dma_wait3A_110] : memref<16x640xf32, #tpu.memory_space<vmem>> -> memref<1x640xf32, #tpu.memory_space<vmem>>
      %dma_wait3A_112 = tpu.memref_squeeze %dma_wait3A_111 : memref<1x640xf32, #tpu.memory_space<vmem>> -> memref<640xf32, #tpu.memory_space<vmem>>
      %dma_wait3A_113 = tpu.memref_slice %arg11[%run_scoped3A_80, %mul3A_79] : memref<16x10240xf32, #tpu.memory_space<vmem_shared>> -> memref<1x640xf32, #tpu.memory_space<vmem_shared>>
      %dma_wait3A_114 = tpu.memref_squeeze %dma_wait3A_113 : memref<1x640xf32, #tpu.memory_space<vmem_shared>> -> memref<640xf32, #tpu.memory_space<vmem_shared>>
      tpu.wait_dma2 semaphore(%run_scoped3A_96 : memref<!tpu.dma_semaphore, #tpu.memory_space<semaphore_mem>>) src(%dma_wait3A_114 : memref<640xf32, #tpu.memory_space<vmem_shared>>) dst(%dma_wait3A_112 : memref<640xf32, #tpu.memory_space<vmem>>)
      tpu.yield
    }) : () -> ()
    %scan3A_82 = arith.constant 0 : i32
    %scan3A_83 = arith.constant 0 : i32
    %scan3A_84 = arith.constant 40 : i32
    %scan3A_85 = arith.addi %scan3A_83, %scan3A_84 : i32
    %scan3A_86 = arith.constant 1 : i32
    %scan3A_87 = scf.for %scan3A_96 = %scan3A_83 to %scan3A_85 step %scan3A_86 iter_args(%scan3A_97 = %scan3A_82) -> (i32)  : i32 {
      %mul3A_98 = arith.constant 16 : i32
      %mul3A_99 = arith.muli %scan3A_96, %mul3A_98 : i32
      %get3A = arith.constant 0 : i32
      %get3A_100 = arith.index_cast %get3A : i32 to index
      %get3A_101 = arith.index_cast %mul3A_99 : i32 to index
      %get3A_102 = tpu.vector_load %arg9[%get3A_100, %get3A_101] {strides = array<i32>} : memref<16x640xf32, #tpu.memory_space<vmem>>, vector<16xf32>,
      %mul3A_103 = arith.constant 16 : i32
      %mul3A_104 = arith.muli %scan3A_96, %mul3A_103 : i32
      %get3A_105 = arith.constant 1 : i32
      %get3A_106 = arith.index_cast %get3A_105 : i32 to index
      %get3A_107 = arith.index_cast %mul3A_104 : i32 to index
      %get3A_108 = tpu.vector_load %arg9[%get3A_106, %get3A_107] {strides = array<i32>} : memref<16x640xf32, #tpu.memory_space<vmem>>, vector<16xf32>,
      %add3A_109 = arith.addf %get3A_102, %get3A_108 : vector<16xf32>
      %mul3A_110 = arith.constant 16 : i32
      %mul3A_111 = arith.muli %scan3A_96, %mul3A_110 : i32
      %get3A_112 = arith.constant 2 : i32
      %get3A_113 = arith.index_cast %get3A_112 : i32 to index
      %get3A_114 = arith.index_cast %mul3A_111 : i32 to index
      %get3A_115 = tpu.vector_load %arg9[%get3A_113, %get3A_114] {strides = array<i32>} : memref<16x640xf32, #tpu.memory_space<vmem>>, vector<16xf32>,
      %add3A_116 = arith.addf %add3A_109, %get3A_115 : vector<16xf32>
      %mul3A_117 = arith.constant 16 : i32
      %mul3A_118 = arith.muli %scan3A_96, %mul3A_117 : i32
      %get3A_119 = arith.constant 3 : i32
      %get3A_120 = arith.index_cast %get3A_119 : i32 to index
      %get3A_121 = arith.index_cast %mul3A_118 : i32 to index
      %get3A_122 = tpu.vector_load %arg9[%get3A_120, %get3A_121] {strides = array<i32>} : memref<16x640xf32, #tpu.memory_space<vmem>>, vector<16xf32>,
      %add3A_123 = arith.addf %add3A_116, %get3A_122 : vector<16xf32>
      %mul3A_124 = arith.constant 16 : i32
      %mul3A_125 = arith.muli %scan3A_96, %mul3A_124 : i32
      %get3A_126 = arith.constant 4 : i32
      %get3A_127 = arith.index_cast %get3A_126 : i32 to index
      %get3A_128 = arith.index_cast %mul3A_125 : i32 to index
      %get3A_129 = tpu.vector_load %arg9[%get3A_127, %get3A_128] {strides = array<i32>} : memref<16x640xf32, #tpu.memory_space<vmem>>, vector<16xf32>,
      %add3A_130 = arith.addf %add3A_123, %get3A_129 : vector<16xf32>
      %mul3A_131 = arith.constant 16 : i32
      %mul3A_132 = arith.muli %scan3A_96, %mul3A_131 : i32
      %get3A_133 = arith.constant 5 : i32
      %get3A_134 = arith.index_cast %get3A_133 : i32 to index
      %get3A_135 = arith.index_cast %mul3A_132 : i32 to index
      %get3A_136 = tpu.vector_load %arg9[%get3A_134, %get3A_135] {strides = array<i32>} : memref<16x640xf32, #tpu.memory_space<vmem>>, vector<16xf32>,
      %add3A_137 = arith.addf %add3A_130, %get3A_136 : vector<16xf32>
      %mul3A_138 = arith.constant 16 : i32
      %mul3A_139 = arith.muli %scan3A_96, %mul3A_138 : i32
      %get3A_140 = arith.constant 6 : i32
      %get3A_141 = arith.index_cast %get3A_140 : i32 to index
      %get3A_142 = arith.index_cast %mul3A_139 : i32 to index
      %get3A_143 = tpu.vector_load %arg9[%get3A_141, %get3A_142] {strides = array<i32>} : memref<16x640xf32, #tpu.memory_space<vmem>>, vector<16xf32>,
      %add3A_144 = arith.addf %add3A_137, %get3A_143 : vector<16xf32>
      %mul3A_145 = arith.constant 16 : i32
      %mul3A_146 = arith.muli %scan3A_96, %mul3A_145 : i32
      %get3A_147 = arith.constant 7 : i32
      %get3A_148 = arith.index_cast %get3A_147 : i32 to index
      %get3A_149 = arith.index_cast %mul3A_146 : i32 to index
      %get3A_150 = tpu.vector_load %arg9[%get3A_148, %get3A_149] {strides = array<i32>} : memref<16x640xf32, #tpu.memory_space<vmem>>, vector<16xf32>,
      %add3A_151 = arith.addf %add3A_144, %get3A_150 : vector<16xf32>
      %mul3A_152 = arith.constant 16 : i32
      %mul3A_153 = arith.muli %scan3A_96, %mul3A_152 : i32
      %get3A_154 = arith.constant 8 : i32
      %get3A_155 = arith.index_cast %get3A_154 : i32 to index
      %get3A_156 = arith.index_cast %mul3A_153 : i32 to index
      %get3A_157 = tpu.vector_load %arg9[%get3A_155, %get3A_156] {strides = array<i32>} : memref<16x640xf32, #tpu.memory_space<vmem>>, vector<16xf32>,
      %add3A_158 = arith.addf %add3A_151, %get3A_157 : vector<16xf32>
      %mul3A_159 = arith.constant 16 : i32
      %mul3A_160 = arith.muli %scan3A_96, %mul3A_159 : i32
      %get3A_161 = arith.constant 9 : i32
      %get3A_162 = arith.index_cast %get3A_161 : i32 to index
      %get3A_163 = arith.index_cast %mul3A_160 : i32 to index
      %get3A_164 = tpu.vector_load %arg9[%get3A_162, %get3A_163] {strides = array<i32>} : memref<16x640xf32, #tpu.memory_space<vmem>>, vector<16xf32>,
      %add3A_165 = arith.addf %add3A_158, %get3A_164 : vector<16xf32>
      %mul3A_166 = arith.constant 16 : i32
      %mul3A_167 = arith.muli %scan3A_96, %mul3A_166 : i32
      %get3A_168 = arith.constant 10 : i32
      %get3A_169 = arith.index_cast %get3A_168 : i32 to index
      %get3A_170 = arith.index_cast %mul3A_167 : i32 to index
      %get3A_171 = tpu.vector_load %arg9[%get3A_169, %get3A_170] {strides = array<i32>} : memref<16x640xf32, #tpu.memory_space<vmem>>, vector<16xf32>,
      %add3A_172 = arith.addf %add3A_165, %get3A_171 : vector<16xf32>
      %mul3A_173 = arith.constant 16 : i32
      %mul3A_174 = arith.muli %scan3A_96, %mul3A_173 : i32
      %get3A_175 = arith.constant 11 : i32
      %get3A_176 = arith.index_cast %get3A_175 : i32 to index
      %get3A_177 = arith.index_cast %mul3A_174 : i32 to index
      %get3A_178 = tpu.vector_load %arg9[%get3A_176, %get3A_177] {strides = array<i32>} : memref<16x640xf32, #tpu.memory_space<vmem>>, vector<16xf32>,
      %add3A_179 = arith.addf %add3A_172, %get3A_178 : vector<16xf32>
      %mul3A_180 = arith.constant 16 : i32
      %mul3A_181 = arith.muli %scan3A_96, %mul3A_180 : i32
      %get3A_182 = arith.constant 12 : i32
      %get3A_183 = arith.index_cast %get3A_182 : i32 to index
      %get3A_184 = arith.index_cast %mul3A_181 : i32 to index
      %get3A_185 = tpu.vector_load %arg9[%get3A_183, %get3A_184] {strides = array<i32>} : memref<16x640xf32, #tpu.memory_space<vmem>>, vector<16xf32>,
      %add3A_186 = arith.addf %add3A_179, %get3A_185 : vector<16xf32>
      %mul3A_187 = arith.constant 16 : i32
      %mul3A_188 = arith.muli %scan3A_96, %mul3A_187 : i32
      %get3A_189 = arith.constant 13 : i32
      %get3A_190 = arith.index_cast %get3A_189 : i32 to index
      %get3A_191 = arith.index_cast %mul3A_188 : i32 to index
      %get3A_192 = tpu.vector_load %arg9[%get3A_190, %get3A_191] {strides = array<i32>} : memref<16x640xf32, #tpu.memory_space<vmem>>, vector<16xf32>,
      %add3A_193 = arith.addf %add3A_186, %get3A_192 : vector<16xf32>
      %mul3A_194 = arith.constant 16 : i32
      %mul3A_195 = arith.muli %scan3A_96, %mul3A_194 : i32
      %get3A_196 = arith.constant 14 : i32
      %get3A_197 = arith.index_cast %get3A_196 : i32 to index
      %get3A_198 = arith.index_cast %mul3A_195 : i32 to index
      %get3A_199 = tpu.vector_load %arg9[%get3A_197, %get3A_198] {strides = array<i32>} : memref<16x640xf32, #tpu.memory_space<vmem>>, vector<16xf32>,
      %add3A_200 = arith.addf %add3A_193, %get3A_199 : vector<16xf32>
      %mul3A_201 = arith.constant 16 : i32
      %mul3A_202 = arith.muli %scan3A_96, %mul3A_201 : i32
      %get3A_203 = arith.constant 15 : i32
      %get3A_204 = arith.index_cast %get3A_203 : i32 to index
      %get3A_205 = arith.index_cast %mul3A_202 : i32 to index
      %get3A_206 = tpu.vector_load %arg9[%get3A_204, %get3A_205] {strides = array<i32>} : memref<16x640xf32, #tpu.memory_space<vmem>>, vector<16xf32>,
      %add3A_207 = arith.addf %add3A_200, %get3A_206 : vector<16xf32>
      %mul3A_208 = arith.constant 16 : i32
      %mul3A_209 = arith.muli %scan3A_96, %mul3A_208 : i32
      %swap3A = arith.index_cast %mul3A_209 : i32 to index
      %swap3A_210 = tpu.vector_load %arg10[%swap3A] {strides = array<i32>} : memref<640xf32, #tpu.memory_space<vmem>>, vector<16xf32>,
      tpu.vector_store %arg10[%swap3A], %add3A_207 {strides = array<i32>} : memref<640xf32, #tpu.memory_space<vmem>>, vector<16xf32>,
      %scan3A_211 = arith.constant 0 : i32
      scf.yield %scan3A_211 : i32
    }
    %scan3A_88 = arith.constant 40 : i32
    %eq3A = arith.constant 0 : i32
    %eq3A_89 = arith.cmpi eq, %arg0, %eq3A : i32
    %convert_element_type3A = arith.extui %eq3A_89 : i1 to i32
    %cond3A = arith.constant 0 : i32
    %cond3A_90 = arith.cmpi ne, %convert_element_type3A, %cond3A : i32
    scf.if %cond3A_90 {
      %mul3A_96 = arith.constant 640 : i32
      %mul3A_97 = arith.muli %arg1, %mul3A_96 : i32
      "tpu.region"() ({
        %run_scoped3A_98 = tpu.sem_alloc : memref<!tpu.dma_semaphore, #tpu.memory_space<semaphore_mem>>
        %dma_start3A = tpu.memref_slice %arg4[%mul3A_97] : memref<10240xf32, #tpu.memory_space<hbm>> -> memref<640xf32, #tpu.memory_space<hbm>>
        %dma_start3A_99 = tpu.memref_slice %arg4[%mul3A_97] : memref<10240xf32, #tpu.memory_space<hbm>> -> memref<640xf32, #tpu.memory_space<hbm>>
        tpu.enqueue_dma source(%arg10 : memref<640xf32, #tpu.memory_space<vmem>>) target(%dma_start3A_99 : memref<640xf32, #tpu.memory_space<hbm>>) target_semaphore(%run_scoped3A_98 : memref<!tpu.dma_semaphore, #tpu.memory_space<semaphore_mem>>)
        %dma_wait3A = tpu.memref_slice %arg4[%mul3A_97] : memref<10240xf32, #tpu.memory_space<hbm>> -> memref<640xf32, #tpu.memory_space<hbm>>
        %dma_wait3A_100 = tpu.memref_slice %arg4[%mul3A_97] : memref<10240xf32, #tpu.memory_space<hbm>> -> memref<640xf32, #tpu.memory_space<hbm>>
        tpu.wait_dma2 semaphore(%run_scoped3A_98 : memref<!tpu.dma_semaphore, #tpu.memory_space<semaphore_mem>>) src(%arg10 : memref<640xf32, #tpu.memory_space<vmem>>) dst(%dma_wait3A_100 : memref<640xf32, #tpu.memory_space<hbm>>)
        tpu.yield
      }) : () -> ()
    } else {
    }
    %eq3A_91 = arith.constant 1 : i32
    %eq3A_92 = arith.cmpi eq, %arg0, %eq3A_91 : i32
    %convert_element_type3A_93 = arith.extui %eq3A_92 : i1 to i32
    %cond3A_94 = arith.constant 0 : i32
    %cond3A_95 = arith.cmpi ne, %convert_element_type3A_93, %cond3A_94 : i32
    scf.if %cond3A_95 {
      %mul3A_96 = arith.constant 640 : i32
      %mul3A_97 = arith.muli %arg1, %mul3A_96 : i32
      "tpu.region"() ({
        %run_scoped3A_98 = tpu.sem_alloc : memref<!tpu.dma_semaphore, #tpu.memory_space<semaphore_mem>>
        %dma_start3A = tpu.memref_slice %arg5[%mul3A_97] : memref<10240xf32, #tpu.memory_space<hbm>> -> memref<640xf32, #tpu.memory_space<hbm>>
        %dma_start3A_99 = tpu.memref_slice %arg5[%mul3A_97] : memref<10240xf32, #tpu.memory_space<hbm>> -> memref<640xf32, #tpu.memory_space<hbm>>
        tpu.enqueue_dma source(%arg10 : memref<640xf32, #tpu.memory_space<vmem>>) target(%dma_start3A_99 : memref<640xf32, #tpu.memory_space<hbm>>) target_semaphore(%run_scoped3A_98 : memref<!tpu.dma_semaphore, #tpu.memory_space<semaphore_mem>>)
        %dma_wait3A = tpu.memref_slice %arg5[%mul3A_97] : memref<10240xf32, #tpu.memory_space<hbm>> -> memref<640xf32, #tpu.memory_space<hbm>>
        %dma_wait3A_100 = tpu.memref_slice %arg5[%mul3A_97] : memref<10240xf32, #tpu.memory_space<hbm>> -> memref<640xf32, #tpu.memory_space<hbm>>
        tpu.wait_dma2 semaphore(%run_scoped3A_98 : memref<!tpu.dma_semaphore, #tpu.memory_space<semaphore_mem>>) src(%arg10 : memref<640xf32, #tpu.memory_space<vmem>>) dst(%dma_wait3A_100 : memref<640xf32, #tpu.memory_space<hbm>>)
        tpu.yield
      }) : () -> ()
    } else {
    }
    return
  }
}

#map = affine_map<(d0, d1) -> (0)>
#map1 = affine_map<(d0, d1) -> (0, 0)>
module attributes {stable_mosaic.version = 14 : i64} {
  func.func @k(%arg0: i32, %arg1: i32, %arg2: memref<163840xi32, #tpu.memory_space<hbm>>, %arg3: memref<163840xi32, #tpu.memory_space<hbm>>, %arg4: memref<163840xf32, #tpu.memory_space<hbm>>, %arg5: memref<10240x256xf32, #tpu.memory_space<hbm>>, %arg6: memref<2621440xf32, #tpu.memory_space<hbm>>, %arg7: memref<4448xi32, #tpu.memory_space<vmem>>, %arg8: memref<4448xi32, #tpu.memory_space<vmem>>, %arg9: memref<4448xf32, #tpu.memory_space<vmem>>, %arg10: memref<64xi32, #tpu.memory_space<vmem>>, %arg11: memref<64xi32, #tpu.memory_space<vmem>>, %arg12: memref<64x256xf32, #tpu.memory_space<vmem>>, %arg13: memref<64x256xf32, #tpu.memory_space<vmem>>, %arg14: memref<81920xf32, #tpu.memory_space<vmem>>, %arg15: memref<!tpu.dma_semaphore, #tpu.memory_space<semaphore_mem>>, %arg16: memref<!tpu.dma_semaphore, #tpu.memory_space<semaphore_mem>>) attributes {dimension_semantics = [#tpu.dimension_semantics<core_parallel>, #tpu.dimension_semantics<subcore_parallel>], iteration_bounds = array<i64: 2, 16>, scalar_prefetch = 0 : i64, scratch_operands = 10 : i64, tpu.core_type = #tpu.core_type<sc_vector_subcore>, window_params = [{transform_indices = #map}, {transform_indices = #map}, {transform_indices = #map}, {transform_indices = #map1}, {transform_indices = #map}]} {
    %mul3A = arith.constant 16 : i32
    %mul3A_0 = arith.muli %arg0, %mul3A : i32
    %add3A = arith.addi %mul3A_0, %arg1 : i32
    %broadcast_in_dim3A = arith.constant 0.000000e+00 : f32
    %broadcast_in_dim3A_1 = vector.broadcast %broadcast_in_dim3A : f32 to vector<16xf32>
    %broadcast_in_dim3A_2 = arith.constant 0 : i32
    %broadcast_in_dim3A_3 = vector.broadcast %broadcast_in_dim3A_2 : i32 to vector<16xi32>
    %iota3A = tpu.iota {dimensions = array<i32: 0>} : vector<16xi32>
    %scan3A = arith.constant 0 : i32
    %scan3A_4 = arith.constant 0 : i32
    %scan3A_5 = arith.constant 5120 : i32
    %scan3A_6 = arith.addi %scan3A_4, %scan3A_5 : i32
    %scan3A_7 = arith.constant 1 : i32
    %scan3A_8 = scf.for %scan3A_21 = %scan3A_4 to %scan3A_6 step %scan3A_7 iter_args(%scan3A_22 = %scan3A) -> (i32)  : i32 {
      %mul3A_23 = arith.constant 16 : i32
      %mul3A_24 = arith.muli %scan3A_21, %mul3A_23 : i32
      %swap3A = arith.index_cast %mul3A_24 : i32 to index
      %swap3A_25 = tpu.vector_load %arg14[%swap3A] {strides = array<i32>} : memref<81920xf32, #tpu.memory_space<vmem>>, vector<16xf32>,
      tpu.vector_store %arg14[%swap3A], %broadcast_in_dim3A_1 {strides = array<i32>} : memref<81920xf32, #tpu.memory_space<vmem>>, vector<16xf32>,
      %scan3A_26 = arith.constant 0 : i32
      scf.yield %scan3A_26 : i32
    }
    %scan3A_9 = arith.constant 5120 : i32
    %scan3A_10 = arith.constant 0 : i32
    %scan3A_11 = arith.constant 0 : i32
    %scan3A_12 = arith.constant 40 : i32
    %scan3A_13 = arith.addi %scan3A_11, %scan3A_12 : i32
    %scan3A_14 = arith.constant 1 : i32
    %scan3A_15 = scf.for %scan3A_21 = %scan3A_11 to %scan3A_13 step %scan3A_14 iter_args(%scan3A_22 = %scan3A_10) -> (i32)  : i32 {
      %mul3A_23 = arith.constant 4096 : i32
      %mul3A_24 = arith.muli %scan3A_21, %mul3A_23 : i32
      "tpu.region"() ({
        %run_scoped3A = tpu.sem_alloc : memref<!tpu.dma_semaphore, #tpu.memory_space<semaphore_mem>>
        %dma_start3A_434 = arith.constant 0 : i32
        %dma_start3A_435 = tpu.memref_slice %arg7[%dma_start3A_434] : memref<4448xi32, #tpu.memory_space<vmem>> -> memref<4096xi32, #tpu.memory_space<vmem>>
        %dma_start3A_436 = tpu.memref_slice %arg2[%mul3A_24] : memref<163840xi32, #tpu.memory_space<hbm>> -> memref<4096xi32, #tpu.memory_space<hbm>>
        %dma_start3A_437 = arith.constant 0 : i32
        %dma_start3A_438 = tpu.memref_slice %arg7[%dma_start3A_437] : memref<4448xi32, #tpu.memory_space<vmem>> -> memref<4096xi32, #tpu.memory_space<vmem>>
        %dma_start3A_439 = tpu.memref_slice %arg2[%mul3A_24] : memref<163840xi32, #tpu.memory_space<hbm>> -> memref<4096xi32, #tpu.memory_space<hbm>>
        tpu.enqueue_dma source(%dma_start3A_439 : memref<4096xi32, #tpu.memory_space<hbm>>) target(%dma_start3A_438 : memref<4096xi32, #tpu.memory_space<vmem>>) target_semaphore(%run_scoped3A : memref<!tpu.dma_semaphore, #tpu.memory_space<semaphore_mem>>)
        %dma_wait3A_440 = arith.constant 0 : i32
        %dma_wait3A_441 = tpu.memref_slice %arg7[%dma_wait3A_440] : memref<4448xi32, #tpu.memory_space<vmem>> -> memref<4096xi32, #tpu.memory_space<vmem>>
        %dma_wait3A_442 = tpu.memref_slice %arg2[%mul3A_24] : memref<163840xi32, #tpu.memory_space<hbm>> -> memref<4096xi32, #tpu.memory_space<hbm>>
        %dma_wait3A_443 = arith.constant 0 : i32
        %dma_wait3A_444 = tpu.memref_slice %arg7[%dma_wait3A_443] : memref<4448xi32, #tpu.memory_space<vmem>> -> memref<4096xi32, #tpu.memory_space<vmem>>
        %dma_wait3A_445 = tpu.memref_slice %arg2[%mul3A_24] : memref<163840xi32, #tpu.memory_space<hbm>> -> memref<4096xi32, #tpu.memory_space<hbm>>
        tpu.wait_dma2 semaphore(%run_scoped3A : memref<!tpu.dma_semaphore, #tpu.memory_space<semaphore_mem>>) src(%dma_wait3A_445 : memref<4096xi32, #tpu.memory_space<hbm>>) dst(%dma_wait3A_444 : memref<4096xi32, #tpu.memory_space<vmem>>)
        tpu.yield
      }) : () -> ()
      "tpu.region"() ({
        %run_scoped3A = tpu.sem_alloc : memref<!tpu.dma_semaphore, #tpu.memory_space<semaphore_mem>>
        %dma_start3A_434 = arith.constant 0 : i32
        %dma_start3A_435 = tpu.memref_slice %arg8[%dma_start3A_434] : memref<4448xi32, #tpu.memory_space<vmem>> -> memref<4096xi32, #tpu.memory_space<vmem>>
        %dma_start3A_436 = tpu.memref_slice %arg3[%mul3A_24] : memref<163840xi32, #tpu.memory_space<hbm>> -> memref<4096xi32, #tpu.memory_space<hbm>>
        %dma_start3A_437 = arith.constant 0 : i32
        %dma_start3A_438 = tpu.memref_slice %arg8[%dma_start3A_437] : memref<4448xi32, #tpu.memory_space<vmem>> -> memref<4096xi32, #tpu.memory_space<vmem>>
        %dma_start3A_439 = tpu.memref_slice %arg3[%mul3A_24] : memref<163840xi32, #tpu.memory_space<hbm>> -> memref<4096xi32, #tpu.memory_space<hbm>>
        tpu.enqueue_dma source(%dma_start3A_439 : memref<4096xi32, #tpu.memory_space<hbm>>) target(%dma_start3A_438 : memref<4096xi32, #tpu.memory_space<vmem>>) target_semaphore(%run_scoped3A : memref<!tpu.dma_semaphore, #tpu.memory_space<semaphore_mem>>)
        %dma_wait3A_440 = arith.constant 0 : i32
        %dma_wait3A_441 = tpu.memref_slice %arg8[%dma_wait3A_440] : memref<4448xi32, #tpu.memory_space<vmem>> -> memref<4096xi32, #tpu.memory_space<vmem>>
        %dma_wait3A_442 = tpu.memref_slice %arg3[%mul3A_24] : memref<163840xi32, #tpu.memory_space<hbm>> -> memref<4096xi32, #tpu.memory_space<hbm>>
        %dma_wait3A_443 = arith.constant 0 : i32
        %dma_wait3A_444 = tpu.memref_slice %arg8[%dma_wait3A_443] : memref<4448xi32, #tpu.memory_space<vmem>> -> memref<4096xi32, #tpu.memory_space<vmem>>
        %dma_wait3A_445 = tpu.memref_slice %arg3[%mul3A_24] : memref<163840xi32, #tpu.memory_space<hbm>> -> memref<4096xi32, #tpu.memory_space<hbm>>
        tpu.wait_dma2 semaphore(%run_scoped3A : memref<!tpu.dma_semaphore, #tpu.memory_space<semaphore_mem>>) src(%dma_wait3A_445 : memref<4096xi32, #tpu.memory_space<hbm>>) dst(%dma_wait3A_444 : memref<4096xi32, #tpu.memory_space<vmem>>)
        tpu.yield
      }) : () -> ()
      "tpu.region"() ({
        %run_scoped3A = tpu.sem_alloc : memref<!tpu.dma_semaphore, #tpu.memory_space<semaphore_mem>>
        %dma_start3A_434 = arith.constant 0 : i32
        %dma_start3A_435 = tpu.memref_slice %arg9[%dma_start3A_434] : memref<4448xf32, #tpu.memory_space<vmem>> -> memref<4096xf32, #tpu.memory_space<vmem>>
        %dma_start3A_436 = tpu.memref_slice %arg4[%mul3A_24] : memref<163840xf32, #tpu.memory_space<hbm>> -> memref<4096xf32, #tpu.memory_space<hbm>>
        %dma_start3A_437 = arith.constant 0 : i32
        %dma_start3A_438 = tpu.memref_slice %arg9[%dma_start3A_437] : memref<4448xf32, #tpu.memory_space<vmem>> -> memref<4096xf32, #tpu.memory_space<vmem>>
        %dma_start3A_439 = tpu.memref_slice %arg4[%mul3A_24] : memref<163840xf32, #tpu.memory_space<hbm>> -> memref<4096xf32, #tpu.memory_space<hbm>>
        tpu.enqueue_dma source(%dma_start3A_439 : memref<4096xf32, #tpu.memory_space<hbm>>) target(%dma_start3A_438 : memref<4096xf32, #tpu.memory_space<vmem>>) target_semaphore(%run_scoped3A : memref<!tpu.dma_semaphore, #tpu.memory_space<semaphore_mem>>)
        %dma_wait3A_440 = arith.constant 0 : i32
        %dma_wait3A_441 = tpu.memref_slice %arg9[%dma_wait3A_440] : memref<4448xf32, #tpu.memory_space<vmem>> -> memref<4096xf32, #tpu.memory_space<vmem>>
        %dma_wait3A_442 = tpu.memref_slice %arg4[%mul3A_24] : memref<163840xf32, #tpu.memory_space<hbm>> -> memref<4096xf32, #tpu.memory_space<hbm>>
        %dma_wait3A_443 = arith.constant 0 : i32
        %dma_wait3A_444 = tpu.memref_slice %arg9[%dma_wait3A_443] : memref<4448xf32, #tpu.memory_space<vmem>> -> memref<4096xf32, #tpu.memory_space<vmem>>
        %dma_wait3A_445 = tpu.memref_slice %arg4[%mul3A_24] : memref<163840xf32, #tpu.memory_space<hbm>> -> memref<4096xf32, #tpu.memory_space<hbm>>
        tpu.wait_dma2 semaphore(%run_scoped3A : memref<!tpu.dma_semaphore, #tpu.memory_space<semaphore_mem>>) src(%dma_wait3A_445 : memref<4096xf32, #tpu.memory_space<hbm>>) dst(%dma_wait3A_444 : memref<4096xf32, #tpu.memory_space<vmem>>)
        tpu.yield
      }) : () -> ()
      %scan3A_25 = arith.constant 0 : i32
      %scan3A_26 = arith.constant 0 : i32
      %scan3A_27 = arith.constant 256 : i32
      %scan3A_28 = arith.addi %scan3A_26, %scan3A_27 : i32
      %scan3A_29 = arith.constant 1 : i32
      %scan3A_30 = scf.for %scan3A_434 = %scan3A_26 to %scan3A_28 step %scan3A_29 iter_args(%scan3A_435 = %scan3A_25) -> (i32)  : i32 {
        %mul3A_436 = arith.constant 16 : i32
        %mul3A_437 = arith.muli %scan3A_434, %mul3A_436 : i32
        %get3A_438 = arith.index_cast %mul3A_437 : i32 to index
        %get3A_439 = tpu.vector_load %arg8[%get3A_438] {strides = array<i32>} : memref<4448xi32, #tpu.memory_space<vmem>>, vector<16xi32>,
        %mul3A_440 = arith.constant 16 : i32
        %mul3A_441 = arith.muli %scan3A_434, %mul3A_440 : i32
        %get3A_442 = arith.index_cast %mul3A_441 : i32 to index
        %get3A_443 = tpu.vector_load %arg7[%get3A_442] {strides = array<i32>} : memref<4448xi32, #tpu.memory_space<vmem>>, vector<16xi32>,
        %mul3A_444 = arith.constant 16 : i32
        %mul3A_445 = arith.muli %scan3A_434, %mul3A_444 : i32
        %get3A_446 = arith.index_cast %mul3A_445 : i32 to index
        %get3A_447 = tpu.vector_load %arg9[%get3A_446] {strides = array<i32>} : memref<4448xf32, #tpu.memory_space<vmem>>, vector<16xf32>,
        %mul3A_448 = arith.constant 3277 : i32
        %mul3A_449 = vector.broadcast %mul3A_448 : i32 to vector<16xi32>
        %mul3A_450 = arith.muli %get3A_439, %mul3A_449 : vector<16xi32>
        %shift_right_arithmetic3A = arith.constant 20 : i32
        %shift_right_arithmetic3A_451 = vector.broadcast %shift_right_arithmetic3A : i32 to vector<16xi32>
        %shift_right_arithmetic3A_452 = arith.shrsi %mul3A_450, %shift_right_arithmetic3A_451 : vector<16xi32>
        %mul3A_453 = arith.constant 320 : i32
        %mul3A_454 = vector.broadcast %mul3A_453 : i32 to vector<16xi32>
        %mul3A_455 = arith.muli %shift_right_arithmetic3A_452, %mul3A_454 : vector<16xi32>
        %sub3A_456 = arith.subi %get3A_439, %mul3A_455 : vector<16xi32>
        %eq3A = vector.broadcast %add3A : i32 to vector<16xi32>
        %eq3A_457 = arith.cmpi eq, %shift_right_arithmetic3A_452, %eq3A : vector<16xi32>
        %convert_element_type3A = arith.extui %eq3A_457 : vector<16xi1> to vector<16xi32>
        %broadcast_in_dim3A_458 = vector.broadcast %scan3A_435 : i32 to vector<16xi32>
        %broadcast_in_dim3A_459 = arith.constant true
        %broadcast_in_dim3A_460 = vector.broadcast %broadcast_in_dim3A_459 : i1 to vector<16xi1>
        %masked_cumsum3A = tpu.scan <sum>, %convert_element_type3A masked %broadcast_in_dim3A_460 : vector<16xi32>, vector<16xi1> -> vector<16xi32>
        %add3A_461 = arith.addi %broadcast_in_dim3A_458, %masked_cumsum3A : vector<16xi32>
        %sub3A_462 = arith.constant 1 : i32
        %sub3A_463 = vector.broadcast %sub3A_462 : i32 to vector<16xi32>
        %sub3A_464 = arith.subi %add3A_461, %sub3A_463 : vector<16xi32>
        tpu.vector_store_idx %arg7[%sub3A_464], %get3A_443 masked %eq3A_457 : memref<4448xi32, #tpu.memory_space<vmem>>[vector<16xi32>], vector<16xi32>, vector<16xi1>
        tpu.vector_store_idx %arg8[%sub3A_464], %sub3A_456 masked %eq3A_457 : memref<4448xi32, #tpu.memory_space<vmem>>[vector<16xi32>], vector<16xi32>, vector<16xi1>
        tpu.vector_store_idx %arg9[%sub3A_464], %get3A_447 masked %eq3A_457 : memref<4448xf32, #tpu.memory_space<vmem>>[vector<16xi32>], vector<16xf32>, vector<16xi1>
        %reduce_sum3A = arith.constant true
        %reduce_sum3A_465 = vector.broadcast %reduce_sum3A : i1 to vector<16xi1>
        %reduce_sum3A_466 = tpu.scan <sum>, %convert_element_type3A masked %reduce_sum3A_465 : vector<16xi32>, vector<16xi1> -> vector<16xi32>
        %reduce_sum3A_467 = vector.extract %reduce_sum3A_466[15] : i32 from vector<16xi32>
        %add3A_468 = arith.addi %scan3A_435, %reduce_sum3A_467 : i32
        scf.yield %add3A_468 : i32
      }
      %scan3A_31 = arith.constant 256 : i32
      %jit3A = arith.constant 16 : i32
      %div3A = arith.divsi %scan3A_30, %jit3A : i32
      %sign3A = arith.constant 0 : i32
      %sign3A_32 = arith.cmpi sgt, %scan3A_30, %sign3A : i32
      %sign3A_33 = arith.extui %sign3A_32 : i1 to i32
      %sign3A_34 = arith.constant 0 : i32
      %sign3A_35 = arith.cmpi slt, %scan3A_30, %sign3A_34 : i32
      %sign3A_36 = arith.extui %sign3A_35 : i1 to i32
      %sign3A_37 = arith.subi %sign3A_33, %sign3A_36 : i32
      %sign3A_38 = arith.constant 0 : i32
      %sign3A_39 = arith.cmpi sgt, %jit3A, %sign3A_38 : i32
      %sign3A_40 = arith.extui %sign3A_39 : i1 to i32
      %sign3A_41 = arith.constant 0 : i32
      %sign3A_42 = arith.cmpi slt, %jit3A, %sign3A_41 : i32
      %sign3A_43 = arith.extui %sign3A_42 : i1 to i32
      %sign3A_44 = arith.subi %sign3A_40, %sign3A_43 : i32
      %ne3A = arith.cmpi ne, %sign3A_37, %sign3A_44 : i32
      %rem3A = arith.remsi %scan3A_30, %jit3A : i32
      %ne3A_45 = arith.constant 0 : i32
      %ne3A_46 = arith.cmpi ne, %rem3A, %ne3A_45 : i32
      %and3A = arith.andi %ne3A, %ne3A_46 : i1
      %sub3A = arith.constant 1 : i32
      %sub3A_47 = arith.subi %div3A, %sub3A : i32
      %select_n3A = arith.select %and3A, %sub3A_47, %div3A : i32
      %mul3A_48 = arith.constant 16 : i32
      %mul3A_49 = arith.muli %select_n3A, %mul3A_48 : i32
      %sub3A_50 = arith.subi %scan3A_30, %mul3A_49 : i32
      %ge3A = vector.broadcast %sub3A_50 : i32 to vector<16xi32>
      %ge3A_51 = arith.cmpi sge, %iota3A, %ge3A : vector<16xi32>
      %add3A_52 = vector.broadcast %mul3A_49 : i32 to vector<16xi32>
      %add3A_53 = arith.addi %add3A_52, %iota3A : vector<16xi32>
      %mul3A_54 = arith.constant 16 : i32
      %mul3A_55 = vector.broadcast %mul3A_54 : i32 to vector<16xi32>
      %mul3A_56 = arith.muli %iota3A, %mul3A_55 : vector<16xi32>
      tpu.vector_store_idx %arg7[%add3A_53], %mul3A_56 masked %ge3A_51 : memref<4448xi32, #tpu.memory_space<vmem>>[vector<16xi32>], vector<16xi32>, vector<16xi1>
      %add3A_57 = vector.broadcast %mul3A_49 : i32 to vector<16xi32>
      %add3A_58 = arith.addi %add3A_57, %iota3A : vector<16xi32>
      tpu.vector_store_idx %arg8[%add3A_58], %broadcast_in_dim3A_3 masked %ge3A_51 : memref<4448xi32, #tpu.memory_space<vmem>>[vector<16xi32>], vector<16xi32>, vector<16xi1>
      %add3A_59 = vector.broadcast %mul3A_49 : i32 to vector<16xi32>
      %add3A_60 = arith.addi %add3A_59, %iota3A : vector<16xi32>
      tpu.vector_store_idx %arg9[%add3A_60], %broadcast_in_dim3A_1 masked %ge3A_51 : memref<4448xf32, #tpu.memory_space<vmem>>[vector<16xi32>], vector<16xf32>, vector<16xi1>
      %mul3A_61 = arith.constant 16 : i32
      %mul3A_62 = vector.broadcast %mul3A_61 : i32 to vector<16xi32>
      %mul3A_63 = arith.muli %iota3A, %mul3A_62 : vector<16xi32>
      %add3A_64 = arith.constant 1 : i32
      %add3A_65 = vector.broadcast %add3A_64 : i32 to vector<16xi32>
      %add3A_66 = arith.addi %mul3A_63, %add3A_65 : vector<16xi32>
      %add3A_67 = arith.constant 16 : i32
      %add3A_68 = arith.addi %mul3A_49, %add3A_67 : i32
      %swap3A = arith.index_cast %add3A_68 : i32 to index
      %swap3A_69 = tpu.vector_load %arg7[%swap3A] {strides = array<i32>} : memref<4448xi32, #tpu.memory_space<vmem>>, vector<16xi32>,
      tpu.vector_store %arg7[%swap3A], %add3A_66 {strides = array<i32>} : memref<4448xi32, #tpu.memory_space<vmem>>, vector<16xi32>,
      %add3A_70 = arith.constant 16 : i32
      %add3A_71 = arith.addi %mul3A_49, %add3A_70 : i32
      %swap3A_72 = arith.index_cast %add3A_71 : i32 to index
      %swap3A_73 = tpu.vector_load %arg8[%swap3A_72] {strides = array<i32>} : memref<4448xi32, #tpu.memory_space<vmem>>, vector<16xi32>,
      tpu.vector_store %arg8[%swap3A_72], %broadcast_in_dim3A_3 {strides = array<i32>} : memref<4448xi32, #tpu.memory_space<vmem>>, vector<16xi32>,
      %add3A_74 = arith.constant 16 : i32
      %add3A_75 = arith.addi %mul3A_49, %add3A_74 : i32
      %swap3A_76 = arith.index_cast %add3A_75 : i32 to index
      %swap3A_77 = tpu.vector_load %arg9[%swap3A_76] {strides = array<i32>} : memref<4448xf32, #tpu.memory_space<vmem>>, vector<16xf32>,
      tpu.vector_store %arg9[%swap3A_76], %broadcast_in_dim3A_1 {strides = array<i32>} : memref<4448xf32, #tpu.memory_space<vmem>>, vector<16xf32>,
      %mul3A_78 = arith.constant 16 : i32
      %mul3A_79 = vector.broadcast %mul3A_78 : i32 to vector<16xi32>
      %mul3A_80 = arith.muli %iota3A, %mul3A_79 : vector<16xi32>
      %add3A_81 = arith.constant 2 : i32
      %add3A_82 = vector.broadcast %add3A_81 : i32 to vector<16xi32>
      %add3A_83 = arith.addi %mul3A_80, %add3A_82 : vector<16xi32>
      %add3A_84 = arith.constant 32 : i32
      %add3A_85 = arith.addi %mul3A_49, %add3A_84 : i32
      %swap3A_86 = arith.index_cast %add3A_85 : i32 to index
      %swap3A_87 = tpu.vector_load %arg7[%swap3A_86] {strides = array<i32>} : memref<4448xi32, #tpu.memory_space<vmem>>, vector<16xi32>,
      tpu.vector_store %arg7[%swap3A_86], %add3A_83 {strides = array<i32>} : memref<4448xi32, #tpu.memory_space<vmem>>, vector<16xi32>,
      %add3A_88 = arith.constant 32 : i32
      %add3A_89 = arith.addi %mul3A_49, %add3A_88 : i32
      %swap3A_90 = arith.index_cast %add3A_89 : i32 to index
      %swap3A_91 = tpu.vector_load %arg8[%swap3A_90] {strides = array<i32>} : memref<4448xi32, #tpu.memory_space<vmem>>, vector<16xi32>,
      tpu.vector_store %arg8[%swap3A_90], %broadcast_in_dim3A_3 {strides = array<i32>} : memref<4448xi32, #tpu.memory_space<vmem>>, vector<16xi32>,
      %add3A_92 = arith.constant 32 : i32
      %add3A_93 = arith.addi %mul3A_49, %add3A_92 : i32
      %swap3A_94 = arith.index_cast %add3A_93 : i32 to index
      %swap3A_95 = tpu.vector_load %arg9[%swap3A_94] {strides = array<i32>} : memref<4448xf32, #tpu.memory_space<vmem>>, vector<16xf32>,
      tpu.vector_store %arg9[%swap3A_94], %broadcast_in_dim3A_1 {strides = array<i32>} : memref<4448xf32, #tpu.memory_space<vmem>>, vector<16xf32>,
      %mul3A_96 = arith.constant 16 : i32
      %mul3A_97 = vector.broadcast %mul3A_96 : i32 to vector<16xi32>
      %mul3A_98 = arith.muli %iota3A, %mul3A_97 : vector<16xi32>
      %add3A_99 = arith.constant 3 : i32
      %add3A_100 = vector.broadcast %add3A_99 : i32 to vector<16xi32>
      %add3A_101 = arith.addi %mul3A_98, %add3A_100 : vector<16xi32>
      %add3A_102 = arith.constant 48 : i32
      %add3A_103 = arith.addi %mul3A_49, %add3A_102 : i32
      %swap3A_104 = arith.index_cast %add3A_103 : i32 to index
      %swap3A_105 = tpu.vector_load %arg7[%swap3A_104] {strides = array<i32>} : memref<4448xi32, #tpu.memory_space<vmem>>, vector<16xi32>,
      tpu.vector_store %arg7[%swap3A_104], %add3A_101 {strides = array<i32>} : memref<4448xi32, #tpu.memory_space<vmem>>, vector<16xi32>,
      %add3A_106 = arith.constant 48 : i32
      %add3A_107 = arith.addi %mul3A_49, %add3A_106 : i32
      %swap3A_108 = arith.index_cast %add3A_107 : i32 to index
      %swap3A_109 = tpu.vector_load %arg8[%swap3A_108] {strides = array<i32>} : memref<4448xi32, #tpu.memory_space<vmem>>, vector<16xi32>,
      tpu.vector_store %arg8[%swap3A_108], %broadcast_in_dim3A_3 {strides = array<i32>} : memref<4448xi32, #tpu.memory_space<vmem>>, vector<16xi32>,
      %add3A_110 = arith.constant 48 : i32
      %add3A_111 = arith.addi %mul3A_49, %add3A_110 : i32
      %swap3A_112 = arith.index_cast %add3A_111 : i32 to index
      %swap3A_113 = tpu.vector_load %arg9[%swap3A_112] {strides = array<i32>} : memref<4448xf32, #tpu.memory_space<vmem>>, vector<16xf32>,
      tpu.vector_store %arg9[%swap3A_112], %broadcast_in_dim3A_1 {strides = array<i32>} : memref<4448xf32, #tpu.memory_space<vmem>>, vector<16xf32>,
      %mul3A_114 = arith.constant 16 : i32
      %mul3A_115 = vector.broadcast %mul3A_114 : i32 to vector<16xi32>
      %mul3A_116 = arith.muli %iota3A, %mul3A_115 : vector<16xi32>
      %add3A_117 = arith.constant 4 : i32
      %add3A_118 = vector.broadcast %add3A_117 : i32 to vector<16xi32>
      %add3A_119 = arith.addi %mul3A_116, %add3A_118 : vector<16xi32>
      %add3A_120 = arith.constant 64 : i32
      %add3A_121 = arith.addi %mul3A_49, %add3A_120 : i32
      %swap3A_122 = arith.index_cast %add3A_121 : i32 to index
      %swap3A_123 = tpu.vector_load %arg7[%swap3A_122] {strides = array<i32>} : memref<4448xi32, #tpu.memory_space<vmem>>, vector<16xi32>,
      tpu.vector_store %arg7[%swap3A_122], %add3A_119 {strides = array<i32>} : memref<4448xi32, #tpu.memory_space<vmem>>, vector<16xi32>,
      %add3A_124 = arith.constant 64 : i32
      %add3A_125 = arith.addi %mul3A_49, %add3A_124 : i32
      %swap3A_126 = arith.index_cast %add3A_125 : i32 to index
      %swap3A_127 = tpu.vector_load %arg8[%swap3A_126] {strides = array<i32>} : memref<4448xi32, #tpu.memory_space<vmem>>, vector<16xi32>,
      tpu.vector_store %arg8[%swap3A_126], %broadcast_in_dim3A_3 {strides = array<i32>} : memref<4448xi32, #tpu.memory_space<vmem>>, vector<16xi32>,
      %add3A_128 = arith.constant 64 : i32
      %add3A_129 = arith.addi %mul3A_49, %add3A_128 : i32
      %swap3A_130 = arith.index_cast %add3A_129 : i32 to index
      %swap3A_131 = tpu.vector_load %arg9[%swap3A_130] {strides = array<i32>} : memref<4448xf32, #tpu.memory_space<vmem>>, vector<16xf32>,
      tpu.vector_store %arg9[%swap3A_130], %broadcast_in_dim3A_1 {strides = array<i32>} : memref<4448xf32, #tpu.memory_space<vmem>>, vector<16xf32>,
      %mul3A_132 = arith.constant 16 : i32
      %mul3A_133 = vector.broadcast %mul3A_132 : i32 to vector<16xi32>
      %mul3A_134 = arith.muli %iota3A, %mul3A_133 : vector<16xi32>
      %add3A_135 = arith.constant 5 : i32
      %add3A_136 = vector.broadcast %add3A_135 : i32 to vector<16xi32>
      %add3A_137 = arith.addi %mul3A_134, %add3A_136 : vector<16xi32>
      %add3A_138 = arith.constant 80 : i32
      %add3A_139 = arith.addi %mul3A_49, %add3A_138 : i32
      %swap3A_140 = arith.index_cast %add3A_139 : i32 to index
      %swap3A_141 = tpu.vector_load %arg7[%swap3A_140] {strides = array<i32>} : memref<4448xi32, #tpu.memory_space<vmem>>, vector<16xi32>,
      tpu.vector_store %arg7[%swap3A_140], %add3A_137 {strides = array<i32>} : memref<4448xi32, #tpu.memory_space<vmem>>, vector<16xi32>,
      %add3A_142 = arith.constant 80 : i32
      %add3A_143 = arith.addi %mul3A_49, %add3A_142 : i32
      %swap3A_144 = arith.index_cast %add3A_143 : i32 to index
      %swap3A_145 = tpu.vector_load %arg8[%swap3A_144] {strides = array<i32>} : memref<4448xi32, #tpu.memory_space<vmem>>, vector<16xi32>,
      tpu.vector_store %arg8[%swap3A_144], %broadcast_in_dim3A_3 {strides = array<i32>} : memref<4448xi32, #tpu.memory_space<vmem>>, vector<16xi32>,
      %add3A_146 = arith.constant 80 : i32
      %add3A_147 = arith.addi %mul3A_49, %add3A_146 : i32
      %swap3A_148 = arith.index_cast %add3A_147 : i32 to index
      %swap3A_149 = tpu.vector_load %arg9[%swap3A_148] {strides = array<i32>} : memref<4448xf32, #tpu.memory_space<vmem>>, vector<16xf32>,
      tpu.vector_store %arg9[%swap3A_148], %broadcast_in_dim3A_1 {strides = array<i32>} : memref<4448xf32, #tpu.memory_space<vmem>>, vector<16xf32>,
      %mul3A_150 = arith.constant 16 : i32
      %mul3A_151 = vector.broadcast %mul3A_150 : i32 to vector<16xi32>
      %mul3A_152 = arith.muli %iota3A, %mul3A_151 : vector<16xi32>
      %add3A_153 = arith.constant 6 : i32
      %add3A_154 = vector.broadcast %add3A_153 : i32 to vector<16xi32>
      %add3A_155 = arith.addi %mul3A_152, %add3A_154 : vector<16xi32>
      %add3A_156 = arith.constant 96 : i32
      %add3A_157 = arith.addi %mul3A_49, %add3A_156 : i32
      %swap3A_158 = arith.index_cast %add3A_157 : i32 to index
      %swap3A_159 = tpu.vector_load %arg7[%swap3A_158] {strides = array<i32>} : memref<4448xi32, #tpu.memory_space<vmem>>, vector<16xi32>,
      tpu.vector_store %arg7[%swap3A_158], %add3A_155 {strides = array<i32>} : memref<4448xi32, #tpu.memory_space<vmem>>, vector<16xi32>,
      %add3A_160 = arith.constant 96 : i32
      %add3A_161 = arith.addi %mul3A_49, %add3A_160 : i32
      %swap3A_162 = arith.index_cast %add3A_161 : i32 to index
      %swap3A_163 = tpu.vector_load %arg8[%swap3A_162] {strides = array<i32>} : memref<4448xi32, #tpu.memory_space<vmem>>, vector<16xi32>,
      tpu.vector_store %arg8[%swap3A_162], %broadcast_in_dim3A_3 {strides = array<i32>} : memref<4448xi32, #tpu.memory_space<vmem>>, vector<16xi32>,
      %add3A_164 = arith.constant 96 : i32
      %add3A_165 = arith.addi %mul3A_49, %add3A_164 : i32
      %swap3A_166 = arith.index_cast %add3A_165 : i32 to index
      %swap3A_167 = tpu.vector_load %arg9[%swap3A_166] {strides = array<i32>} : memref<4448xf32, #tpu.memory_space<vmem>>, vector<16xf32>,
      tpu.vector_store %arg9[%swap3A_166], %broadcast_in_dim3A_1 {strides = array<i32>} : memref<4448xf32, #tpu.memory_space<vmem>>, vector<16xf32>,
      %mul3A_168 = arith.constant 16 : i32
      %mul3A_169 = vector.broadcast %mul3A_168 : i32 to vector<16xi32>
      %mul3A_170 = arith.muli %iota3A, %mul3A_169 : vector<16xi32>
      %add3A_171 = arith.constant 7 : i32
      %add3A_172 = vector.broadcast %add3A_171 : i32 to vector<16xi32>
      %add3A_173 = arith.addi %mul3A_170, %add3A_172 : vector<16xi32>
      %add3A_174 = arith.constant 112 : i32
      %add3A_175 = arith.addi %mul3A_49, %add3A_174 : i32
      %swap3A_176 = arith.index_cast %add3A_175 : i32 to index
      %swap3A_177 = tpu.vector_load %arg7[%swap3A_176] {strides = array<i32>} : memref<4448xi32, #tpu.memory_space<vmem>>, vector<16xi32>,
      tpu.vector_store %arg7[%swap3A_176], %add3A_173 {strides = array<i32>} : memref<4448xi32, #tpu.memory_space<vmem>>, vector<16xi32>,
      %add3A_178 = arith.constant 112 : i32
      %add3A_179 = arith.addi %mul3A_49, %add3A_178 : i32
      %swap3A_180 = arith.index_cast %add3A_179 : i32 to index
      %swap3A_181 = tpu.vector_load %arg8[%swap3A_180] {strides = array<i32>} : memref<4448xi32, #tpu.memory_space<vmem>>, vector<16xi32>,
      tpu.vector_store %arg8[%swap3A_180], %broadcast_in_dim3A_3 {strides = array<i32>} : memref<4448xi32, #tpu.memory_space<vmem>>, vector<16xi32>,
      %add3A_182 = arith.constant 112 : i32
      %add3A_183 = arith.addi %mul3A_49, %add3A_182 : i32
      %swap3A_184 = arith.index_cast %add3A_183 : i32 to index
      %swap3A_185 = tpu.vector_load %arg9[%swap3A_184] {strides = array<i32>} : memref<4448xf32, #tpu.memory_space<vmem>>, vector<16xf32>,
      tpu.vector_store %arg9[%swap3A_184], %broadcast_in_dim3A_1 {strides = array<i32>} : memref<4448xf32, #tpu.memory_space<vmem>>, vector<16xf32>,
      %mul3A_186 = arith.constant 16 : i32
      %mul3A_187 = vector.broadcast %mul3A_186 : i32 to vector<16xi32>
      %mul3A_188 = arith.muli %iota3A, %mul3A_187 : vector<16xi32>
      %add3A_189 = arith.constant 8 : i32
      %add3A_190 = vector.broadcast %add3A_189 : i32 to vector<16xi32>
      %add3A_191 = arith.addi %mul3A_188, %add3A_190 : vector<16xi32>
      %add3A_192 = arith.constant 128 : i32
      %add3A_193 = arith.addi %mul3A_49, %add3A_192 : i32
      %swap3A_194 = arith.index_cast %add3A_193 : i32 to index
      %swap3A_195 = tpu.vector_load %arg7[%swap3A_194] {strides = array<i32>} : memref<4448xi32, #tpu.memory_space<vmem>>, vector<16xi32>,
      tpu.vector_store %arg7[%swap3A_194], %add3A_191 {strides = array<i32>} : memref<4448xi32, #tpu.memory_space<vmem>>, vector<16xi32>,
      %add3A_196 = arith.constant 128 : i32
      %add3A_197 = arith.addi %mul3A_49, %add3A_196 : i32
      %swap3A_198 = arith.index_cast %add3A_197 : i32 to index
      %swap3A_199 = tpu.vector_load %arg8[%swap3A_198] {strides = array<i32>} : memref<4448xi32, #tpu.memory_space<vmem>>, vector<16xi32>,
      tpu.vector_store %arg8[%swap3A_198], %broadcast_in_dim3A_3 {strides = array<i32>} : memref<4448xi32, #tpu.memory_space<vmem>>, vector<16xi32>,
      %add3A_200 = arith.constant 128 : i32
      %add3A_201 = arith.addi %mul3A_49, %add3A_200 : i32
      %swap3A_202 = arith.index_cast %add3A_201 : i32 to index
      %swap3A_203 = tpu.vector_load %arg9[%swap3A_202] {strides = array<i32>} : memref<4448xf32, #tpu.memory_space<vmem>>, vector<16xf32>,
      tpu.vector_store %arg9[%swap3A_202], %broadcast_in_dim3A_1 {strides = array<i32>} : memref<4448xf32, #tpu.memory_space<vmem>>, vector<16xf32>,
      %mul3A_204 = arith.constant 16 : i32
      %mul3A_205 = vector.broadcast %mul3A_204 : i32 to vector<16xi32>
      %mul3A_206 = arith.muli %iota3A, %mul3A_205 : vector<16xi32>
      %add3A_207 = arith.constant 9 : i32
      %add3A_208 = vector.broadcast %add3A_207 : i32 to vector<16xi32>
      %add3A_209 = arith.addi %mul3A_206, %add3A_208 : vector<16xi32>
      %add3A_210 = arith.constant 144 : i32
      %add3A_211 = arith.addi %mul3A_49, %add3A_210 : i32
      %swap3A_212 = arith.index_cast %add3A_211 : i32 to index
      %swap3A_213 = tpu.vector_load %arg7[%swap3A_212] {strides = array<i32>} : memref<4448xi32, #tpu.memory_space<vmem>>, vector<16xi32>,
      tpu.vector_store %arg7[%swap3A_212], %add3A_209 {strides = array<i32>} : memref<4448xi32, #tpu.memory_space<vmem>>, vector<16xi32>,
      %add3A_214 = arith.constant 144 : i32
      %add3A_215 = arith.addi %mul3A_49, %add3A_214 : i32
      %swap3A_216 = arith.index_cast %add3A_215 : i32 to index
      %swap3A_217 = tpu.vector_load %arg8[%swap3A_216] {strides = array<i32>} : memref<4448xi32, #tpu.memory_space<vmem>>, vector<16xi32>,
      tpu.vector_store %arg8[%swap3A_216], %broadcast_in_dim3A_3 {strides = array<i32>} : memref<4448xi32, #tpu.memory_space<vmem>>, vector<16xi32>,
      %add3A_218 = arith.constant 144 : i32
      %add3A_219 = arith.addi %mul3A_49, %add3A_218 : i32
      %swap3A_220 = arith.index_cast %add3A_219 : i32 to index
      %swap3A_221 = tpu.vector_load %arg9[%swap3A_220] {strides = array<i32>} : memref<4448xf32, #tpu.memory_space<vmem>>, vector<16xf32>,
      tpu.vector_store %arg9[%swap3A_220], %broadcast_in_dim3A_1 {strides = array<i32>} : memref<4448xf32, #tpu.memory_space<vmem>>, vector<16xf32>,
      %mul3A_222 = arith.constant 16 : i32
      %mul3A_223 = vector.broadcast %mul3A_222 : i32 to vector<16xi32>
      %mul3A_224 = arith.muli %iota3A, %mul3A_223 : vector<16xi32>
      %add3A_225 = arith.constant 10 : i32
      %add3A_226 = vector.broadcast %add3A_225 : i32 to vector<16xi32>
      %add3A_227 = arith.addi %mul3A_224, %add3A_226 : vector<16xi32>
      %add3A_228 = arith.constant 160 : i32
      %add3A_229 = arith.addi %mul3A_49, %add3A_228 : i32
      %swap3A_230 = arith.index_cast %add3A_229 : i32 to index
      %swap3A_231 = tpu.vector_load %arg7[%swap3A_230] {strides = array<i32>} : memref<4448xi32, #tpu.memory_space<vmem>>, vector<16xi32>,
      tpu.vector_store %arg7[%swap3A_230], %add3A_227 {strides = array<i32>} : memref<4448xi32, #tpu.memory_space<vmem>>, vector<16xi32>,
      %add3A_232 = arith.constant 160 : i32
      %add3A_233 = arith.addi %mul3A_49, %add3A_232 : i32
      %swap3A_234 = arith.index_cast %add3A_233 : i32 to index
      %swap3A_235 = tpu.vector_load %arg8[%swap3A_234] {strides = array<i32>} : memref<4448xi32, #tpu.memory_space<vmem>>, vector<16xi32>,
      tpu.vector_store %arg8[%swap3A_234], %broadcast_in_dim3A_3 {strides = array<i32>} : memref<4448xi32, #tpu.memory_space<vmem>>, vector<16xi32>,
      %add3A_236 = arith.constant 160 : i32
      %add3A_237 = arith.addi %mul3A_49, %add3A_236 : i32
      %swap3A_238 = arith.index_cast %add3A_237 : i32 to index
      %swap3A_239 = tpu.vector_load %arg9[%swap3A_238] {strides = array<i32>} : memref<4448xf32, #tpu.memory_space<vmem>>, vector<16xf32>,
      tpu.vector_store %arg9[%swap3A_238], %broadcast_in_dim3A_1 {strides = array<i32>} : memref<4448xf32, #tpu.memory_space<vmem>>, vector<16xf32>,
      %mul3A_240 = arith.constant 16 : i32
      %mul3A_241 = vector.broadcast %mul3A_240 : i32 to vector<16xi32>
      %mul3A_242 = arith.muli %iota3A, %mul3A_241 : vector<16xi32>
      %add3A_243 = arith.constant 11 : i32
      %add3A_244 = vector.broadcast %add3A_243 : i32 to vector<16xi32>
      %add3A_245 = arith.addi %mul3A_242, %add3A_244 : vector<16xi32>
      %add3A_246 = arith.constant 176 : i32
      %add3A_247 = arith.addi %mul3A_49, %add3A_246 : i32
      %swap3A_248 = arith.index_cast %add3A_247 : i32 to index
      %swap3A_249 = tpu.vector_load %arg7[%swap3A_248] {strides = array<i32>} : memref<4448xi32, #tpu.memory_space<vmem>>, vector<16xi32>,
      tpu.vector_store %arg7[%swap3A_248], %add3A_245 {strides = array<i32>} : memref<4448xi32, #tpu.memory_space<vmem>>, vector<16xi32>,
      %add3A_250 = arith.constant 176 : i32
      %add3A_251 = arith.addi %mul3A_49, %add3A_250 : i32
      %swap3A_252 = arith.index_cast %add3A_251 : i32 to index
      %swap3A_253 = tpu.vector_load %arg8[%swap3A_252] {strides = array<i32>} : memref<4448xi32, #tpu.memory_space<vmem>>, vector<16xi32>,
      tpu.vector_store %arg8[%swap3A_252], %broadcast_in_dim3A_3 {strides = array<i32>} : memref<4448xi32, #tpu.memory_space<vmem>>, vector<16xi32>,
      %add3A_254 = arith.constant 176 : i32
      %add3A_255 = arith.addi %mul3A_49, %add3A_254 : i32
      %swap3A_256 = arith.index_cast %add3A_255 : i32 to index
      %swap3A_257 = tpu.vector_load %arg9[%swap3A_256] {strides = array<i32>} : memref<4448xf32, #tpu.memory_space<vmem>>, vector<16xf32>,
      tpu.vector_store %arg9[%swap3A_256], %broadcast_in_dim3A_1 {strides = array<i32>} : memref<4448xf32, #tpu.memory_space<vmem>>, vector<16xf32>,
      %mul3A_258 = arith.constant 16 : i32
      %mul3A_259 = vector.broadcast %mul3A_258 : i32 to vector<16xi32>
      %mul3A_260 = arith.muli %iota3A, %mul3A_259 : vector<16xi32>
      %add3A_261 = arith.constant 12 : i32
      %add3A_262 = vector.broadcast %add3A_261 : i32 to vector<16xi32>
      %add3A_263 = arith.addi %mul3A_260, %add3A_262 : vector<16xi32>
      %add3A_264 = arith.constant 192 : i32
      %add3A_265 = arith.addi %mul3A_49, %add3A_264 : i32
      %swap3A_266 = arith.index_cast %add3A_265 : i32 to index
      %swap3A_267 = tpu.vector_load %arg7[%swap3A_266] {strides = array<i32>} : memref<4448xi32, #tpu.memory_space<vmem>>, vector<16xi32>,
      tpu.vector_store %arg7[%swap3A_266], %add3A_263 {strides = array<i32>} : memref<4448xi32, #tpu.memory_space<vmem>>, vector<16xi32>,
      %add3A_268 = arith.constant 192 : i32
      %add3A_269 = arith.addi %mul3A_49, %add3A_268 : i32
      %swap3A_270 = arith.index_cast %add3A_269 : i32 to index
      %swap3A_271 = tpu.vector_load %arg8[%swap3A_270] {strides = array<i32>} : memref<4448xi32, #tpu.memory_space<vmem>>, vector<16xi32>,
      tpu.vector_store %arg8[%swap3A_270], %broadcast_in_dim3A_3 {strides = array<i32>} : memref<4448xi32, #tpu.memory_space<vmem>>, vector<16xi32>,
      %add3A_272 = arith.constant 192 : i32
      %add3A_273 = arith.addi %mul3A_49, %add3A_272 : i32
      %swap3A_274 = arith.index_cast %add3A_273 : i32 to index
      %swap3A_275 = tpu.vector_load %arg9[%swap3A_274] {strides = array<i32>} : memref<4448xf32, #tpu.memory_space<vmem>>, vector<16xf32>,
      tpu.vector_store %arg9[%swap3A_274], %broadcast_in_dim3A_1 {strides = array<i32>} : memref<4448xf32, #tpu.memory_space<vmem>>, vector<16xf32>,
      %mul3A_276 = arith.constant 16 : i32
      %mul3A_277 = vector.broadcast %mul3A_276 : i32 to vector<16xi32>
      %mul3A_278 = arith.muli %iota3A, %mul3A_277 : vector<16xi32>
      %add3A_279 = arith.constant 13 : i32
      %add3A_280 = vector.broadcast %add3A_279 : i32 to vector<16xi32>
      %add3A_281 = arith.addi %mul3A_278, %add3A_280 : vector<16xi32>
      %add3A_282 = arith.constant 208 : i32
      %add3A_283 = arith.addi %mul3A_49, %add3A_282 : i32
      %swap3A_284 = arith.index_cast %add3A_283 : i32 to index
      %swap3A_285 = tpu.vector_load %arg7[%swap3A_284] {strides = array<i32>} : memref<4448xi32, #tpu.memory_space<vmem>>, vector<16xi32>,
      tpu.vector_store %arg7[%swap3A_284], %add3A_281 {strides = array<i32>} : memref<4448xi32, #tpu.memory_space<vmem>>, vector<16xi32>,
      %add3A_286 = arith.constant 208 : i32
      %add3A_287 = arith.addi %mul3A_49, %add3A_286 : i32
      %swap3A_288 = arith.index_cast %add3A_287 : i32 to index
      %swap3A_289 = tpu.vector_load %arg8[%swap3A_288] {strides = array<i32>} : memref<4448xi32, #tpu.memory_space<vmem>>, vector<16xi32>,
      tpu.vector_store %arg8[%swap3A_288], %broadcast_in_dim3A_3 {strides = array<i32>} : memref<4448xi32, #tpu.memory_space<vmem>>, vector<16xi32>,
      %add3A_290 = arith.constant 208 : i32
      %add3A_291 = arith.addi %mul3A_49, %add3A_290 : i32
      %swap3A_292 = arith.index_cast %add3A_291 : i32 to index
      %swap3A_293 = tpu.vector_load %arg9[%swap3A_292] {strides = array<i32>} : memref<4448xf32, #tpu.memory_space<vmem>>, vector<16xf32>,
      tpu.vector_store %arg9[%swap3A_292], %broadcast_in_dim3A_1 {strides = array<i32>} : memref<4448xf32, #tpu.memory_space<vmem>>, vector<16xf32>,
      %mul3A_294 = arith.constant 16 : i32
      %mul3A_295 = vector.broadcast %mul3A_294 : i32 to vector<16xi32>
      %mul3A_296 = arith.muli %iota3A, %mul3A_295 : vector<16xi32>
      %add3A_297 = arith.constant 14 : i32
      %add3A_298 = vector.broadcast %add3A_297 : i32 to vector<16xi32>
      %add3A_299 = arith.addi %mul3A_296, %add3A_298 : vector<16xi32>
      %add3A_300 = arith.constant 224 : i32
      %add3A_301 = arith.addi %mul3A_49, %add3A_300 : i32
      %swap3A_302 = arith.index_cast %add3A_301 : i32 to index
      %swap3A_303 = tpu.vector_load %arg7[%swap3A_302] {strides = array<i32>} : memref<4448xi32, #tpu.memory_space<vmem>>, vector<16xi32>,
      tpu.vector_store %arg7[%swap3A_302], %add3A_299 {strides = array<i32>} : memref<4448xi32, #tpu.memory_space<vmem>>, vector<16xi32>,
      %add3A_304 = arith.constant 224 : i32
      %add3A_305 = arith.addi %mul3A_49, %add3A_304 : i32
      %swap3A_306 = arith.index_cast %add3A_305 : i32 to index
      %swap3A_307 = tpu.vector_load %arg8[%swap3A_306] {strides = array<i32>} : memref<4448xi32, #tpu.memory_space<vmem>>, vector<16xi32>,
      tpu.vector_store %arg8[%swap3A_306], %broadcast_in_dim3A_3 {strides = array<i32>} : memref<4448xi32, #tpu.memory_space<vmem>>, vector<16xi32>,
      %add3A_308 = arith.constant 224 : i32
      %add3A_309 = arith.addi %mul3A_49, %add3A_308 : i32
      %swap3A_310 = arith.index_cast %add3A_309 : i32 to index
      %swap3A_311 = tpu.vector_load %arg9[%swap3A_310] {strides = array<i32>} : memref<4448xf32, #tpu.memory_space<vmem>>, vector<16xf32>,
      tpu.vector_store %arg9[%swap3A_310], %broadcast_in_dim3A_1 {strides = array<i32>} : memref<4448xf32, #tpu.memory_space<vmem>>, vector<16xf32>,
      %mul3A_312 = arith.constant 16 : i32
      %mul3A_313 = vector.broadcast %mul3A_312 : i32 to vector<16xi32>
      %mul3A_314 = arith.muli %iota3A, %mul3A_313 : vector<16xi32>
      %add3A_315 = arith.constant 15 : i32
      %add3A_316 = vector.broadcast %add3A_315 : i32 to vector<16xi32>
      %add3A_317 = arith.addi %mul3A_314, %add3A_316 : vector<16xi32>
      %add3A_318 = arith.constant 240 : i32
      %add3A_319 = arith.addi %mul3A_49, %add3A_318 : i32
      %swap3A_320 = arith.index_cast %add3A_319 : i32 to index
      %swap3A_321 = tpu.vector_load %arg7[%swap3A_320] {strides = array<i32>} : memref<4448xi32, #tpu.memory_space<vmem>>, vector<16xi32>,
      tpu.vector_store %arg7[%swap3A_320], %add3A_317 {strides = array<i32>} : memref<4448xi32, #tpu.memory_space<vmem>>, vector<16xi32>,
      %add3A_322 = arith.constant 240 : i32
      %add3A_323 = arith.addi %mul3A_49, %add3A_322 : i32
      %swap3A_324 = arith.index_cast %add3A_323 : i32 to index
      %swap3A_325 = tpu.vector_load %arg8[%swap3A_324] {strides = array<i32>} : memref<4448xi32, #tpu.memory_space<vmem>>, vector<16xi32>,
      tpu.vector_store %arg8[%swap3A_324], %broadcast_in_dim3A_3 {strides = array<i32>} : memref<4448xi32, #tpu.memory_space<vmem>>, vector<16xi32>,
      %add3A_326 = arith.constant 240 : i32
      %add3A_327 = arith.addi %mul3A_49, %add3A_326 : i32
      %swap3A_328 = arith.index_cast %add3A_327 : i32 to index
      %swap3A_329 = tpu.vector_load %arg9[%swap3A_328] {strides = array<i32>} : memref<4448xf32, #tpu.memory_space<vmem>>, vector<16xf32>,
      tpu.vector_store %arg9[%swap3A_328], %broadcast_in_dim3A_1 {strides = array<i32>} : memref<4448xf32, #tpu.memory_space<vmem>>, vector<16xf32>,
      %mul3A_330 = arith.constant 16 : i32
      %mul3A_331 = vector.broadcast %mul3A_330 : i32 to vector<16xi32>
      %mul3A_332 = arith.muli %iota3A, %mul3A_331 : vector<16xi32>
      %add3A_333 = arith.constant 16 : i32
      %add3A_334 = vector.broadcast %add3A_333 : i32 to vector<16xi32>
      %add3A_335 = arith.addi %mul3A_332, %add3A_334 : vector<16xi32>
      %add3A_336 = arith.constant 256 : i32
      %add3A_337 = arith.addi %mul3A_49, %add3A_336 : i32
      %swap3A_338 = arith.index_cast %add3A_337 : i32 to index
      %swap3A_339 = tpu.vector_load %arg7[%swap3A_338] {strides = array<i32>} : memref<4448xi32, #tpu.memory_space<vmem>>, vector<16xi32>,
      tpu.vector_store %arg7[%swap3A_338], %add3A_335 {strides = array<i32>} : memref<4448xi32, #tpu.memory_space<vmem>>, vector<16xi32>,
      %add3A_340 = arith.constant 256 : i32
      %add3A_341 = arith.addi %mul3A_49, %add3A_340 : i32
      %swap3A_342 = arith.index_cast %add3A_341 : i32 to index
      %swap3A_343 = tpu.vector_load %arg8[%swap3A_342] {strides = array<i32>} : memref<4448xi32, #tpu.memory_space<vmem>>, vector<16xi32>,
      tpu.vector_store %arg8[%swap3A_342], %broadcast_in_dim3A_3 {strides = array<i32>} : memref<4448xi32, #tpu.memory_space<vmem>>, vector<16xi32>,
      %add3A_344 = arith.constant 256 : i32
      %add3A_345 = arith.addi %mul3A_49, %add3A_344 : i32
      %swap3A_346 = arith.index_cast %add3A_345 : i32 to index
      %swap3A_347 = tpu.vector_load %arg9[%swap3A_346] {strides = array<i32>} : memref<4448xf32, #tpu.memory_space<vmem>>, vector<16xf32>,
      tpu.vector_store %arg9[%swap3A_346], %broadcast_in_dim3A_1 {strides = array<i32>} : memref<4448xf32, #tpu.memory_space<vmem>>, vector<16xf32>,
      %add3A_348 = arith.constant 64 : i32
      %add3A_349 = arith.addi %scan3A_30, %add3A_348 : i32
      %sub3A_350 = arith.constant 1 : i32
      %sub3A_351 = arith.subi %add3A_349, %sub3A_350 : i32
      %jit3A_352 = arith.constant 64 : i32
      %div3A_353 = arith.divsi %sub3A_351, %jit3A_352 : i32
      %sign3A_354 = arith.constant 0 : i32
      %sign3A_355 = arith.cmpi sgt, %sub3A_351, %sign3A_354 : i32
      %sign3A_356 = arith.extui %sign3A_355 : i1 to i32
      %sign3A_357 = arith.constant 0 : i32
      %sign3A_358 = arith.cmpi slt, %sub3A_351, %sign3A_357 : i32
      %sign3A_359 = arith.extui %sign3A_358 : i1 to i32
      %sign3A_360 = arith.subi %sign3A_356, %sign3A_359 : i32
      %sign3A_361 = arith.constant 0 : i32
      %sign3A_362 = arith.cmpi sgt, %jit3A_352, %sign3A_361 : i32
      %sign3A_363 = arith.extui %sign3A_362 : i1 to i32
      %sign3A_364 = arith.constant 0 : i32
      %sign3A_365 = arith.cmpi slt, %jit3A_352, %sign3A_364 : i32
      %sign3A_366 = arith.extui %sign3A_365 : i1 to i32
      %sign3A_367 = arith.subi %sign3A_363, %sign3A_366 : i32
      %ne3A_368 = arith.cmpi ne, %sign3A_360, %sign3A_367 : i32
      %rem3A_369 = arith.remsi %sub3A_351, %jit3A_352 : i32
      %ne3A_370 = arith.constant 0 : i32
      %ne3A_371 = arith.cmpi ne, %rem3A_369, %ne3A_370 : i32
      %and3A_372 = arith.andi %ne3A_368, %ne3A_371 : i1
      %sub3A_373 = arith.constant 1 : i32
      %sub3A_374 = arith.subi %div3A_353, %sub3A_373 : i32
      %select_n3A_375 = arith.select %and3A_372, %sub3A_374, %div3A_353 : i32
      %add3A_376 = arith.constant 1 : i32
      %add3A_377 = arith.addi %select_n3A_375, %add3A_376 : i32
      %jit3A_378 = arith.constant 2 : i32
      %div3A_379 = arith.divsi %add3A_377, %jit3A_378 : i32
      %sign3A_380 = arith.constant 0 : i32
      %sign3A_381 = arith.cmpi sgt, %add3A_377, %sign3A_380 : i32
      %sign3A_382 = arith.extui %sign3A_381 : i1 to i32
      %sign3A_383 = arith.constant 0 : i32
      %sign3A_384 = arith.cmpi slt, %add3A_377, %sign3A_383 : i32
      %sign3A_385 = arith.extui %sign3A_384 : i1 to i32
      %sign3A_386 = arith.subi %sign3A_382, %sign3A_385 : i32
      %sign3A_387 = arith.constant 0 : i32
      %sign3A_388 = arith.cmpi sgt, %jit3A_378, %sign3A_387 : i32
      %sign3A_389 = arith.extui %sign3A_388 : i1 to i32
      %sign3A_390 = arith.constant 0 : i32
      %sign3A_391 = arith.cmpi slt, %jit3A_378, %sign3A_390 : i32
      %sign3A_392 = arith.extui %sign3A_391 : i1 to i32
      %sign3A_393 = arith.subi %sign3A_389, %sign3A_392 : i32
      %ne3A_394 = arith.cmpi ne, %sign3A_386, %sign3A_393 : i32
      %rem3A_395 = arith.remsi %add3A_377, %jit3A_378 : i32
      %ne3A_396 = arith.constant 0 : i32
      %ne3A_397 = arith.cmpi ne, %rem3A_395, %ne3A_396 : i32
      %and3A_398 = arith.andi %ne3A_394, %ne3A_397 : i1
      %sub3A_399 = arith.constant 1 : i32
      %sub3A_400 = arith.subi %div3A_379, %sub3A_399 : i32
      %select_n3A_401 = arith.select %and3A_398, %sub3A_400, %div3A_379 : i32
      %max3A = arith.constant 1 : i32
      %max3A_402 = arith.maxsi %select_n3A_401, %max3A : i32
      %get3A = arith.constant 0 : index
      %get3A_403 = tpu.vector_load %arg7[%get3A] {strides = array<i32>} : memref<4448xi32, #tpu.memory_space<vmem>>, vector<16xi32>,
      %swap3A_404 = arith.constant 0 : index
      %swap3A_405 = tpu.vector_load %arg10[%swap3A_404] {strides = array<i32>} : memref<64xi32, #tpu.memory_space<vmem>>, vector<16xi32>,
      tpu.vector_store %arg10[%swap3A_404], %get3A_403 {strides = array<i32>} : memref<64xi32, #tpu.memory_space<vmem>>, vector<16xi32>,
      %get3A_406 = arith.constant 16 : index
      %get3A_407 = tpu.vector_load %arg7[%get3A_406] {strides = array<i32>} : memref<4448xi32, #tpu.memory_space<vmem>>, vector<16xi32>,
      %swap3A_408 = arith.constant 16 : index
      %swap3A_409 = tpu.vector_load %arg10[%swap3A_408] {strides = array<i32>} : memref<64xi32, #tpu.memory_space<vmem>>, vector<16xi32>,
      tpu.vector_store %arg10[%swap3A_408], %get3A_407 {strides = array<i32>} : memref<64xi32, #tpu.memory_space<vmem>>, vector<16xi32>,
      %get3A_410 = arith.constant 32 : index
      %get3A_411 = tpu.vector_load %arg7[%get3A_410] {strides = array<i32>} : memref<4448xi32, #tpu.memory_space<vmem>>, vector<16xi32>,
      %swap3A_412 = arith.constant 32 : index
      %swap3A_413 = tpu.vector_load %arg10[%swap3A_412] {strides = array<i32>} : memref<64xi32, #tpu.memory_space<vmem>>, vector<16xi32>,
      tpu.vector_store %arg10[%swap3A_412], %get3A_411 {strides = array<i32>} : memref<64xi32, #tpu.memory_space<vmem>>, vector<16xi32>,
      %get3A_414 = arith.constant 48 : index
      %get3A_415 = tpu.vector_load %arg7[%get3A_414] {strides = array<i32>} : memref<4448xi32, #tpu.memory_space<vmem>>, vector<16xi32>,
      %swap3A_416 = arith.constant 48 : index
      %swap3A_417 = tpu.vector_load %arg10[%swap3A_416] {strides = array<i32>} : memref<64xi32, #tpu.memory_space<vmem>>, vector<16xi32>,
      tpu.vector_store %arg10[%swap3A_416], %get3A_415 {strides = array<i32>} : memref<64xi32, #tpu.memory_space<vmem>>, vector<16xi32>,
      %dma_start3A = arith.constant 0 : i32
      %dma_start3A_418 = arith.constant 0 : i32
      %dma_start3A_419 = tpu.memref_slice %arg5[%dma_start3A, %dma_start3A_418] : memref<10240x256xf32, #tpu.memory_space<hbm>> -> memref<10240x256xf32, #tpu.memory_space<hbm>>
      tpu.enqueue_indirect_dma source(%dma_start3A_419 : memref<10240x256xf32, #tpu.memory_space<hbm>>) target(%arg12 : memref<64x256xf32, #tpu.memory_space<vmem>>) offsets(%arg10 : memref<64xi32, #tpu.memory_space<vmem>>) semaphore(%arg15 : memref<!tpu.dma_semaphore, #tpu.memory_space<semaphore_mem>>)
      %while3A = arith.constant 0 : i32
      %while3A_420 = arith.constant 0 : i32
      %while3A_421 = arith.subi %max3A_402, %while3A : i32
      %while3A_422 = arith.addi %while3A, %while3A_421 : i32
      %while3A_423 = arith.constant 1 : i32
      %while3A_424 = arith.divsi %while3A_421, %while3A_423 : i32
      %while3A_425 = arith.muli %while3A_424, %while3A_423 : i32
      %while3A_426 = arith.addi %while3A, %while3A_425 : i32
      %while3A_427 = arith.constant 1 : i32
      %while3A_428 = scf.for %while3A_434 = %while3A to %while3A_426 step %while3A_427 iter_args(%while3A_435 = %while3A_420) -> (i32)  : i32 {
        %mul3A_436 = arith.constant 2 : i32
        %mul3A_437 = arith.muli %mul3A_436, %while3A_434 : i32
        %add3A_438 = arith.constant 1 : i32
        %add3A_439 = arith.addi %mul3A_437, %add3A_438 : i32
        %mul3A_440 = arith.constant 64 : i32
        %mul3A_441 = arith.muli %add3A_439, %mul3A_440 : i32
        %add3A_442 = arith.constant 0 : i32
        %add3A_443 = arith.addi %mul3A_441, %add3A_442 : i32
        %get3A_444 = arith.index_cast %add3A_443 : i32 to index
        %get3A_445 = tpu.vector_load %arg7[%get3A_444] {strides = array<i32>} : memref<4448xi32, #tpu.memory_space<vmem>>, vector<16xi32>,
        %swap3A_446 = arith.constant 0 : index
        %swap3A_447 = tpu.vector_load %arg11[%swap3A_446] {strides = array<i32>} : memref<64xi32, #tpu.memory_space<vmem>>, vector<16xi32>,
        tpu.vector_store %arg11[%swap3A_446], %get3A_445 {strides = array<i32>} : memref<64xi32, #tpu.memory_space<vmem>>, vector<16xi32>,
        %add3A_448 = arith.constant 16 : i32
        %add3A_449 = arith.addi %mul3A_441, %add3A_448 : i32
        %get3A_450 = arith.index_cast %add3A_449 : i32 to index
        %get3A_451 = tpu.vector_load %arg7[%get3A_450] {strides = array<i32>} : memref<4448xi32, #tpu.memory_space<vmem>>, vector<16xi32>,
        %swap3A_452 = arith.constant 16 : index
        %swap3A_453 = tpu.vector_load %arg11[%swap3A_452] {strides = array<i32>} : memref<64xi32, #tpu.memory_space<vmem>>, vector<16xi32>,
        tpu.vector_store %arg11[%swap3A_452], %get3A_451 {strides = array<i32>} : memref<64xi32, #tpu.memory_space<vmem>>, vector<16xi32>,
        %add3A_454 = arith.constant 32 : i32
        %add3A_455 = arith.addi %mul3A_441, %add3A_454 : i32
        %get3A_456 = arith.index_cast %add3A_455 : i32 to index
        %get3A_457 = tpu.vector_load %arg7[%get3A_456] {strides = array<i32>} : memref<4448xi32, #tpu.memory_space<vmem>>, vector<16xi32>,
        %swap3A_458 = arith.constant 32 : index
        %swap3A_459 = tpu.vector_load %arg11[%swap3A_458] {strides = array<i32>} : memref<64xi32, #tpu.memory_space<vmem>>, vector<16xi32>,
        tpu.vector_store %arg11[%swap3A_458], %get3A_457 {strides = array<i32>} : memref<64xi32, #tpu.memory_space<vmem>>, vector<16xi32>,
        %add3A_460 = arith.constant 48 : i32
        %add3A_461 = arith.addi %mul3A_441, %add3A_460 : i32
        %get3A_462 = arith.index_cast %add3A_461 : i32 to index
        %get3A_463 = tpu.vector_load %arg7[%get3A_462] {strides = array<i32>} : memref<4448xi32, #tpu.memory_space<vmem>>, vector<16xi32>,
        %swap3A_464 = arith.constant 48 : index
        %swap3A_465 = tpu.vector_load %arg11[%swap3A_464] {strides = array<i32>} : memref<64xi32, #tpu.memory_space<vmem>>, vector<16xi32>,
        tpu.vector_store %arg11[%swap3A_464], %get3A_463 {strides = array<i32>} : memref<64xi32, #tpu.memory_space<vmem>>, vector<16xi32>,
        %dma_start3A_466 = arith.constant 0 : i32
        %dma_start3A_467 = arith.constant 0 : i32
        %dma_start3A_468 = tpu.memref_slice %arg5[%dma_start3A_466, %dma_start3A_467] : memref<10240x256xf32, #tpu.memory_space<hbm>> -> memref<10240x256xf32, #tpu.memory_space<hbm>>
        tpu.enqueue_indirect_dma source(%dma_start3A_468 : memref<10240x256xf32, #tpu.memory_space<hbm>>) target(%arg13 : memref<64x256xf32, #tpu.memory_space<vmem>>) offsets(%arg11 : memref<64xi32, #tpu.memory_space<vmem>>) semaphore(%arg16 : memref<!tpu.dma_semaphore, #tpu.memory_space<semaphore_mem>>)
        %dma_wait3A_469 = arith.constant 0 : i32
        %dma_wait3A_470 = arith.constant 0 : i32
        %dma_wait3A_471 = tpu.memref_slice %arg5[%dma_wait3A_469, %dma_wait3A_470] : memref<10240x256xf32, #tpu.memory_space<hbm>> -> memref<10240x256xf32, #tpu.memory_space<hbm>>
        tpu.wait_indirect_dma semaphore(%arg15 : memref<!tpu.dma_semaphore, #tpu.memory_space<semaphore_mem>>) src(%dma_wait3A_471 : memref<10240x256xf32, #tpu.memory_space<hbm>>) dst(%arg12 : memref<64x256xf32, #tpu.memory_space<vmem>>)
        %mul3A_472 = arith.constant 64 : i32
        %mul3A_473 = arith.muli %mul3A_437, %mul3A_472 : i32
        %scan3A_474 = arith.constant 0 : i32
        %scan3A_475 = arith.constant 0 : i32
        %scan3A_476 = arith.constant 32 : i32
        %scan3A_477 = arith.addi %scan3A_475, %scan3A_476 : i32
        %scan3A_478 = arith.constant 1 : i32
        %scan3A_479 = scf.for %scan3A_527 = %scan3A_475 to %scan3A_477 step %scan3A_478 iter_args(%scan3A_528 = %scan3A_474) -> (i32)  : i32 {
          %mul3A_529 = arith.constant 2 : i32
          %mul3A_530 = arith.muli %scan3A_527, %mul3A_529 : i32
          %add3A_531 = arith.constant 1 : i32
          %add3A_532 = arith.addi %mul3A_530, %add3A_531 : i32
          %add3A_533 = arith.addi %mul3A_473, %mul3A_530 : i32
          %broadcast_in_dim3A_534 = vector.broadcast %add3A_533 : i32 to vector<16xi32>
          %add3A_535 = arith.addi %mul3A_473, %add3A_532 : i32
          %broadcast_in_dim3A_536 = vector.broadcast %add3A_535 : i32 to vector<16xi32>
          %gather3A = tpu.vector_load_idx %arg9[%broadcast_in_dim3A_534] : memref<4448xf32, #tpu.memory_space<vmem>>[vector<16xi32>], vector<16xf32>,
          %gather3A_537 = tpu.vector_load_idx %arg9[%broadcast_in_dim3A_536] : memref<4448xf32, #tpu.memory_space<vmem>>[vector<16xi32>], vector<16xf32>,
          %gather3A_538 = tpu.vector_load_idx %arg8[%broadcast_in_dim3A_534] : memref<4448xi32, #tpu.memory_space<vmem>>[vector<16xi32>], vector<16xi32>,
          %mul3A_539 = arith.constant 256 : i32
          %mul3A_540 = vector.broadcast %mul3A_539 : i32 to vector<16xi32>
          %mul3A_541 = arith.muli %gather3A_538, %mul3A_540 : vector<16xi32>
          %add3A_542 = arith.addi %mul3A_541, %iota3A : vector<16xi32>
          %gather3A_543 = tpu.vector_load_idx %arg8[%broadcast_in_dim3A_536] : memref<4448xi32, #tpu.memory_space<vmem>>[vector<16xi32>], vector<16xi32>,
          %mul3A_544 = arith.constant 256 : i32
          %mul3A_545 = vector.broadcast %mul3A_544 : i32 to vector<16xi32>
          %mul3A_546 = arith.muli %gather3A_543, %mul3A_545 : vector<16xi32>
          %add3A_547 = arith.addi %mul3A_546, %iota3A : vector<16xi32>
          %get3A_548 = arith.index_cast %mul3A_530 : i32 to index
          %get3A_549 = arith.constant 0 : index
          %get3A_550 = tpu.vector_load %arg12[%get3A_548, %get3A_549] {strides = array<i32>} : memref<64x256xf32, #tpu.memory_space<vmem>>, vector<16xf32>,
          %mul3A_551 = arith.mulf %get3A_550, %gather3A : vector<16xf32>
          %get3A_552 = arith.index_cast %add3A_532 : i32 to index
          %get3A_553 = arith.constant 0 : index
          %get3A_554 = tpu.vector_load %arg12[%get3A_552, %get3A_553] {strides = array<i32>} : memref<64x256xf32, #tpu.memory_space<vmem>>, vector<16xf32>,
          %mul3A_555 = arith.mulf %get3A_554, %gather3A_537 : vector<16xf32>
          %add3A_556 = arith.constant 0 : i32
          %add3A_557 = vector.broadcast %add3A_556 : i32 to vector<16xi32>
          %add3A_558 = arith.addi %add3A_542, %add3A_557 : vector<16xi32>
          tpu.vector_store_idx %arg14[%add3A_558], %mul3A_551 {add = true} : memref<81920xf32, #tpu.memory_space<vmem>>[vector<16xi32>], vector<16xf32>,
          %add3A_559 = arith.constant 0 : i32
          %add3A_560 = vector.broadcast %add3A_559 : i32 to vector<16xi32>
          %add3A_561 = arith.addi %add3A_547, %add3A_560 : vector<16xi32>
          tpu.vector_store_idx %arg14[%add3A_561], %mul3A_555 {add = true} : memref<81920xf32, #tpu.memory_space<vmem>>[vector<16xi32>], vector<16xf32>,
          %get3A_562 = arith.index_cast %mul3A_530 : i32 to index
          %get3A_563 = arith.constant 16 : index
          %get3A_564 = tpu.vector_load %arg12[%get3A_562, %get3A_563] {strides = array<i32>} : memref<64x256xf32, #tpu.memory_space<vmem>>, vector<16xf32>,
          %mul3A_565 = arith.mulf %get3A_564, %gather3A : vector<16xf32>
          %get3A_566 = arith.index_cast %add3A_532 : i32 to index
          %get3A_567 = arith.constant 16 : index
          %get3A_568 = tpu.vector_load %arg12[%get3A_566, %get3A_567] {strides = array<i32>} : memref<64x256xf32, #tpu.memory_space<vmem>>, vector<16xf32>,
          %mul3A_569 = arith.mulf %get3A_568, %gather3A_537 : vector<16xf32>
          %add3A_570 = arith.constant 16 : i32
          %add3A_571 = vector.broadcast %add3A_570 : i32 to vector<16xi32>
          %add3A_572 = arith.addi %add3A_542, %add3A_571 : vector<16xi32>
          tpu.vector_store_idx %arg14[%add3A_572], %mul3A_565 {add = true} : memref<81920xf32, #tpu.memory_space<vmem>>[vector<16xi32>], vector<16xf32>,
          %add3A_573 = arith.constant 16 : i32
          %add3A_574 = vector.broadcast %add3A_573 : i32 to vector<16xi32>
          %add3A_575 = arith.addi %add3A_547, %add3A_574 : vector<16xi32>
          tpu.vector_store_idx %arg14[%add3A_575], %mul3A_569 {add = true} : memref<81920xf32, #tpu.memory_space<vmem>>[vector<16xi32>], vector<16xf32>,
          %get3A_576 = arith.index_cast %mul3A_530 : i32 to index
          %get3A_577 = arith.constant 32 : index
          %get3A_578 = tpu.vector_load %arg12[%get3A_576, %get3A_577] {strides = array<i32>} : memref<64x256xf32, #tpu.memory_space<vmem>>, vector<16xf32>,
          %mul3A_579 = arith.mulf %get3A_578, %gather3A : vector<16xf32>
          %get3A_580 = arith.index_cast %add3A_532 : i32 to index
          %get3A_581 = arith.constant 32 : index
          %get3A_582 = tpu.vector_load %arg12[%get3A_580, %get3A_581] {strides = array<i32>} : memref<64x256xf32, #tpu.memory_space<vmem>>, vector<16xf32>,
          %mul3A_583 = arith.mulf %get3A_582, %gather3A_537 : vector<16xf32>
          %add3A_584 = arith.constant 32 : i32
          %add3A_585 = vector.broadcast %add3A_584 : i32 to vector<16xi32>
          %add3A_586 = arith.addi %add3A_542, %add3A_585 : vector<16xi32>
          tpu.vector_store_idx %arg14[%add3A_586], %mul3A_579 {add = true} : memref<81920xf32, #tpu.memory_space<vmem>>[vector<16xi32>], vector<16xf32>,
          %add3A_587 = arith.constant 32 : i32
          %add3A_588 = vector.broadcast %add3A_587 : i32 to vector<16xi32>
          %add3A_589 = arith.addi %add3A_547, %add3A_588 : vector<16xi32>
          tpu.vector_store_idx %arg14[%add3A_589], %mul3A_583 {add = true} : memref<81920xf32, #tpu.memory_space<vmem>>[vector<16xi32>], vector<16xf32>,
          %get3A_590 = arith.index_cast %mul3A_530 : i32 to index
          %get3A_591 = arith.constant 48 : index
          %get3A_592 = tpu.vector_load %arg12[%get3A_590, %get3A_591] {strides = array<i32>} : memref<64x256xf32, #tpu.memory_space<vmem>>, vector<16xf32>,
          %mul3A_593 = arith.mulf %get3A_592, %gather3A : vector<16xf32>
          %get3A_594 = arith.index_cast %add3A_532 : i32 to index
          %get3A_595 = arith.constant 48 : index
          %get3A_596 = tpu.vector_load %arg12[%get3A_594, %get3A_595] {strides = array<i32>} : memref<64x256xf32, #tpu.memory_space<vmem>>, vector<16xf32>,
          %mul3A_597 = arith.mulf %get3A_596, %gather3A_537 : vector<16xf32>
          %add3A_598 = arith.constant 48 : i32
          %add3A_599 = vector.broadcast %add3A_598 : i32 to vector<16xi32>
          %add3A_600 = arith.addi %add3A_542, %add3A_599 : vector<16xi32>
          tpu.vector_store_idx %arg14[%add3A_600], %mul3A_593 {add = true} : memref<81920xf32, #tpu.memory_space<vmem>>[vector<16xi32>], vector<16xf32>,
          %add3A_601 = arith.constant 48 : i32
          %add3A_602 = vector.broadcast %add3A_601 : i32 to vector<16xi32>
          %add3A_603 = arith.addi %add3A_547, %add3A_602 : vector<16xi32>
          tpu.vector_store_idx %arg14[%add3A_603], %mul3A_597 {add = true} : memref<81920xf32, #tpu.memory_space<vmem>>[vector<16xi32>], vector<16xf32>,
          %get3A_604 = arith.index_cast %mul3A_530 : i32 to index
          %get3A_605 = arith.constant 64 : index
          %get3A_606 = tpu.vector_load %arg12[%get3A_604, %get3A_605] {strides = array<i32>} : memref<64x256xf32, #tpu.memory_space<vmem>>, vector<16xf32>,
          %mul3A_607 = arith.mulf %get3A_606, %gather3A : vector<16xf32>
          %get3A_608 = arith.index_cast %add3A_532 : i32 to index
          %get3A_609 = arith.constant 64 : index
          %get3A_610 = tpu.vector_load %arg12[%get3A_608, %get3A_609] {strides = array<i32>} : memref<64x256xf32, #tpu.memory_space<vmem>>, vector<16xf32>,
          %mul3A_611 = arith.mulf %get3A_610, %gather3A_537 : vector<16xf32>
          %add3A_612 = arith.constant 64 : i32
          %add3A_613 = vector.broadcast %add3A_612 : i32 to vector<16xi32>
          %add3A_614 = arith.addi %add3A_542, %add3A_613 : vector<16xi32>
          tpu.vector_store_idx %arg14[%add3A_614], %mul3A_607 {add = true} : memref<81920xf32, #tpu.memory_space<vmem>>[vector<16xi32>], vector<16xf32>,
          %add3A_615 = arith.constant 64 : i32
          %add3A_616 = vector.broadcast %add3A_615 : i32 to vector<16xi32>
          %add3A_617 = arith.addi %add3A_547, %add3A_616 : vector<16xi32>
          tpu.vector_store_idx %arg14[%add3A_617], %mul3A_611 {add = true} : memref<81920xf32, #tpu.memory_space<vmem>>[vector<16xi32>], vector<16xf32>,
          %get3A_618 = arith.index_cast %mul3A_530 : i32 to index
          %get3A_619 = arith.constant 80 : index
          %get3A_620 = tpu.vector_load %arg12[%get3A_618, %get3A_619] {strides = array<i32>} : memref<64x256xf32, #tpu.memory_space<vmem>>, vector<16xf32>,
          %mul3A_621 = arith.mulf %get3A_620, %gather3A : vector<16xf32>
          %get3A_622 = arith.index_cast %add3A_532 : i32 to index
          %get3A_623 = arith.constant 80 : index
          %get3A_624 = tpu.vector_load %arg12[%get3A_622, %get3A_623] {strides = array<i32>} : memref<64x256xf32, #tpu.memory_space<vmem>>, vector<16xf32>,
          %mul3A_625 = arith.mulf %get3A_624, %gather3A_537 : vector<16xf32>
          %add3A_626 = arith.constant 80 : i32
          %add3A_627 = vector.broadcast %add3A_626 : i32 to vector<16xi32>
          %add3A_628 = arith.addi %add3A_542, %add3A_627 : vector<16xi32>
          tpu.vector_store_idx %arg14[%add3A_628], %mul3A_621 {add = true} : memref<81920xf32, #tpu.memory_space<vmem>>[vector<16xi32>], vector<16xf32>,
          %add3A_629 = arith.constant 80 : i32
          %add3A_630 = vector.broadcast %add3A_629 : i32 to vector<16xi32>
          %add3A_631 = arith.addi %add3A_547, %add3A_630 : vector<16xi32>
          tpu.vector_store_idx %arg14[%add3A_631], %mul3A_625 {add = true} : memref<81920xf32, #tpu.memory_space<vmem>>[vector<16xi32>], vector<16xf32>,
          %get3A_632 = arith.index_cast %mul3A_530 : i32 to index
          %get3A_633 = arith.constant 96 : index
          %get3A_634 = tpu.vector_load %arg12[%get3A_632, %get3A_633] {strides = array<i32>} : memref<64x256xf32, #tpu.memory_space<vmem>>, vector<16xf32>,
          %mul3A_635 = arith.mulf %get3A_634, %gather3A : vector<16xf32>
          %get3A_636 = arith.index_cast %add3A_532 : i32 to index
          %get3A_637 = arith.constant 96 : index
          %get3A_638 = tpu.vector_load %arg12[%get3A_636, %get3A_637] {strides = array<i32>} : memref<64x256xf32, #tpu.memory_space<vmem>>, vector<16xf32>,
          %mul3A_639 = arith.mulf %get3A_638, %gather3A_537 : vector<16xf32>
          %add3A_640 = arith.constant 96 : i32
          %add3A_641 = vector.broadcast %add3A_640 : i32 to vector<16xi32>
          %add3A_642 = arith.addi %add3A_542, %add3A_641 : vector<16xi32>
          tpu.vector_store_idx %arg14[%add3A_642], %mul3A_635 {add = true} : memref<81920xf32, #tpu.memory_space<vmem>>[vector<16xi32>], vector<16xf32>,
          %add3A_643 = arith.constant 96 : i32
          %add3A_644 = vector.broadcast %add3A_643 : i32 to vector<16xi32>
          %add3A_645 = arith.addi %add3A_547, %add3A_644 : vector<16xi32>
          tpu.vector_store_idx %arg14[%add3A_645], %mul3A_639 {add = true} : memref<81920xf32, #tpu.memory_space<vmem>>[vector<16xi32>], vector<16xf32>,
          %get3A_646 = arith.index_cast %mul3A_530 : i32 to index
          %get3A_647 = arith.constant 112 : index
          %get3A_648 = tpu.vector_load %arg12[%get3A_646, %get3A_647] {strides = array<i32>} : memref<64x256xf32, #tpu.memory_space<vmem>>, vector<16xf32>,
          %mul3A_649 = arith.mulf %get3A_648, %gather3A : vector<16xf32>
          %get3A_650 = arith.index_cast %add3A_532 : i32 to index
          %get3A_651 = arith.constant 112 : index
          %get3A_652 = tpu.vector_load %arg12[%get3A_650, %get3A_651] {strides = array<i32>} : memref<64x256xf32, #tpu.memory_space<vmem>>, vector<16xf32>,
          %mul3A_653 = arith.mulf %get3A_652, %gather3A_537 : vector<16xf32>
          %add3A_654 = arith.constant 112 : i32
          %add3A_655 = vector.broadcast %add3A_654 : i32 to vector<16xi32>
          %add3A_656 = arith.addi %add3A_542, %add3A_655 : vector<16xi32>
          tpu.vector_store_idx %arg14[%add3A_656], %mul3A_649 {add = true} : memref<81920xf32, #tpu.memory_space<vmem>>[vector<16xi32>], vector<16xf32>,
          %add3A_657 = arith.constant 112 : i32
          %add3A_658 = vector.broadcast %add3A_657 : i32 to vector<16xi32>
          %add3A_659 = arith.addi %add3A_547, %add3A_658 : vector<16xi32>
          tpu.vector_store_idx %arg14[%add3A_659], %mul3A_653 {add = true} : memref<81920xf32, #tpu.memory_space<vmem>>[vector<16xi32>], vector<16xf32>,
          %get3A_660 = arith.index_cast %mul3A_530 : i32 to index
          %get3A_661 = arith.constant 128 : index
          %get3A_662 = tpu.vector_load %arg12[%get3A_660, %get3A_661] {strides = array<i32>} : memref<64x256xf32, #tpu.memory_space<vmem>>, vector<16xf32>,
          %mul3A_663 = arith.mulf %get3A_662, %gather3A : vector<16xf32>
          %get3A_664 = arith.index_cast %add3A_532 : i32 to index
          %get3A_665 = arith.constant 128 : index
          %get3A_666 = tpu.vector_load %arg12[%get3A_664, %get3A_665] {strides = array<i32>} : memref<64x256xf32, #tpu.memory_space<vmem>>, vector<16xf32>,
          %mul3A_667 = arith.mulf %get3A_666, %gather3A_537 : vector<16xf32>
          %add3A_668 = arith.constant 128 : i32
          %add3A_669 = vector.broadcast %add3A_668 : i32 to vector<16xi32>
          %add3A_670 = arith.addi %add3A_542, %add3A_669 : vector<16xi32>
          tpu.vector_store_idx %arg14[%add3A_670], %mul3A_663 {add = true} : memref<81920xf32, #tpu.memory_space<vmem>>[vector<16xi32>], vector<16xf32>,
          %add3A_671 = arith.constant 128 : i32
          %add3A_672 = vector.broadcast %add3A_671 : i32 to vector<16xi32>
          %add3A_673 = arith.addi %add3A_547, %add3A_672 : vector<16xi32>
          tpu.vector_store_idx %arg14[%add3A_673], %mul3A_667 {add = true} : memref<81920xf32, #tpu.memory_space<vmem>>[vector<16xi32>], vector<16xf32>,
          %get3A_674 = arith.index_cast %mul3A_530 : i32 to index
          %get3A_675 = arith.constant 144 : index
          %get3A_676 = tpu.vector_load %arg12[%get3A_674, %get3A_675] {strides = array<i32>} : memref<64x256xf32, #tpu.memory_space<vmem>>, vector<16xf32>,
          %mul3A_677 = arith.mulf %get3A_676, %gather3A : vector<16xf32>
          %get3A_678 = arith.index_cast %add3A_532 : i32 to index
          %get3A_679 = arith.constant 144 : index
          %get3A_680 = tpu.vector_load %arg12[%get3A_678, %get3A_679] {strides = array<i32>} : memref<64x256xf32, #tpu.memory_space<vmem>>, vector<16xf32>,
          %mul3A_681 = arith.mulf %get3A_680, %gather3A_537 : vector<16xf32>
          %add3A_682 = arith.constant 144 : i32
          %add3A_683 = vector.broadcast %add3A_682 : i32 to vector<16xi32>
          %add3A_684 = arith.addi %add3A_542, %add3A_683 : vector<16xi32>
          tpu.vector_store_idx %arg14[%add3A_684], %mul3A_677 {add = true} : memref<81920xf32, #tpu.memory_space<vmem>>[vector<16xi32>], vector<16xf32>,
          %add3A_685 = arith.constant 144 : i32
          %add3A_686 = vector.broadcast %add3A_685 : i32 to vector<16xi32>
          %add3A_687 = arith.addi %add3A_547, %add3A_686 : vector<16xi32>
          tpu.vector_store_idx %arg14[%add3A_687], %mul3A_681 {add = true} : memref<81920xf32, #tpu.memory_space<vmem>>[vector<16xi32>], vector<16xf32>,
          %get3A_688 = arith.index_cast %mul3A_530 : i32 to index
          %get3A_689 = arith.constant 160 : index
          %get3A_690 = tpu.vector_load %arg12[%get3A_688, %get3A_689] {strides = array<i32>} : memref<64x256xf32, #tpu.memory_space<vmem>>, vector<16xf32>,
          %mul3A_691 = arith.mulf %get3A_690, %gather3A : vector<16xf32>
          %get3A_692 = arith.index_cast %add3A_532 : i32 to index
          %get3A_693 = arith.constant 160 : index
          %get3A_694 = tpu.vector_load %arg12[%get3A_692, %get3A_693] {strides = array<i32>} : memref<64x256xf32, #tpu.memory_space<vmem>>, vector<16xf32>,
          %mul3A_695 = arith.mulf %get3A_694, %gather3A_537 : vector<16xf32>
          %add3A_696 = arith.constant 160 : i32
          %add3A_697 = vector.broadcast %add3A_696 : i32 to vector<16xi32>
          %add3A_698 = arith.addi %add3A_542, %add3A_697 : vector<16xi32>
          tpu.vector_store_idx %arg14[%add3A_698], %mul3A_691 {add = true} : memref<81920xf32, #tpu.memory_space<vmem>>[vector<16xi32>], vector<16xf32>,
          %add3A_699 = arith.constant 160 : i32
          %add3A_700 = vector.broadcast %add3A_699 : i32 to vector<16xi32>
          %add3A_701 = arith.addi %add3A_547, %add3A_700 : vector<16xi32>
          tpu.vector_store_idx %arg14[%add3A_701], %mul3A_695 {add = true} : memref<81920xf32, #tpu.memory_space<vmem>>[vector<16xi32>], vector<16xf32>,
          %get3A_702 = arith.index_cast %mul3A_530 : i32 to index
          %get3A_703 = arith.constant 176 : index
          %get3A_704 = tpu.vector_load %arg12[%get3A_702, %get3A_703] {strides = array<i32>} : memref<64x256xf32, #tpu.memory_space<vmem>>, vector<16xf32>,
          %mul3A_705 = arith.mulf %get3A_704, %gather3A : vector<16xf32>
          %get3A_706 = arith.index_cast %add3A_532 : i32 to index
          %get3A_707 = arith.constant 176 : index
          %get3A_708 = tpu.vector_load %arg12[%get3A_706, %get3A_707] {strides = array<i32>} : memref<64x256xf32, #tpu.memory_space<vmem>>, vector<16xf32>,
          %mul3A_709 = arith.mulf %get3A_708, %gather3A_537 : vector<16xf32>
          %add3A_710 = arith.constant 176 : i32
          %add3A_711 = vector.broadcast %add3A_710 : i32 to vector<16xi32>
          %add3A_712 = arith.addi %add3A_542, %add3A_711 : vector<16xi32>
          tpu.vector_store_idx %arg14[%add3A_712], %mul3A_705 {add = true} : memref<81920xf32, #tpu.memory_space<vmem>>[vector<16xi32>], vector<16xf32>,
          %add3A_713 = arith.constant 176 : i32
          %add3A_714 = vector.broadcast %add3A_713 : i32 to vector<16xi32>
          %add3A_715 = arith.addi %add3A_547, %add3A_714 : vector<16xi32>
          tpu.vector_store_idx %arg14[%add3A_715], %mul3A_709 {add = true} : memref<81920xf32, #tpu.memory_space<vmem>>[vector<16xi32>], vector<16xf32>,
          %get3A_716 = arith.index_cast %mul3A_530 : i32 to index
          %get3A_717 = arith.constant 192 : index
          %get3A_718 = tpu.vector_load %arg12[%get3A_716, %get3A_717] {strides = array<i32>} : memref<64x256xf32, #tpu.memory_space<vmem>>, vector<16xf32>,
          %mul3A_719 = arith.mulf %get3A_718, %gather3A : vector<16xf32>
          %get3A_720 = arith.index_cast %add3A_532 : i32 to index
          %get3A_721 = arith.constant 192 : index
          %get3A_722 = tpu.vector_load %arg12[%get3A_720, %get3A_721] {strides = array<i32>} : memref<64x256xf32, #tpu.memory_space<vmem>>, vector<16xf32>,
          %mul3A_723 = arith.mulf %get3A_722, %gather3A_537 : vector<16xf32>
          %add3A_724 = arith.constant 192 : i32
          %add3A_725 = vector.broadcast %add3A_724 : i32 to vector<16xi32>
          %add3A_726 = arith.addi %add3A_542, %add3A_725 : vector<16xi32>
          tpu.vector_store_idx %arg14[%add3A_726], %mul3A_719 {add = true} : memref<81920xf32, #tpu.memory_space<vmem>>[vector<16xi32>], vector<16xf32>,
          %add3A_727 = arith.constant 192 : i32
          %add3A_728 = vector.broadcast %add3A_727 : i32 to vector<16xi32>
          %add3A_729 = arith.addi %add3A_547, %add3A_728 : vector<16xi32>
          tpu.vector_store_idx %arg14[%add3A_729], %mul3A_723 {add = true} : memref<81920xf32, #tpu.memory_space<vmem>>[vector<16xi32>], vector<16xf32>,
          %get3A_730 = arith.index_cast %mul3A_530 : i32 to index
          %get3A_731 = arith.constant 208 : index
          %get3A_732 = tpu.vector_load %arg12[%get3A_730, %get3A_731] {strides = array<i32>} : memref<64x256xf32, #tpu.memory_space<vmem>>, vector<16xf32>,
          %mul3A_733 = arith.mulf %get3A_732, %gather3A : vector<16xf32>
          %get3A_734 = arith.index_cast %add3A_532 : i32 to index
          %get3A_735 = arith.constant 208 : index
          %get3A_736 = tpu.vector_load %arg12[%get3A_734, %get3A_735] {strides = array<i32>} : memref<64x256xf32, #tpu.memory_space<vmem>>, vector<16xf32>,
          %mul3A_737 = arith.mulf %get3A_736, %gather3A_537 : vector<16xf32>
          %add3A_738 = arith.constant 208 : i32
          %add3A_739 = vector.broadcast %add3A_738 : i32 to vector<16xi32>
          %add3A_740 = arith.addi %add3A_542, %add3A_739 : vector<16xi32>
          tpu.vector_store_idx %arg14[%add3A_740], %mul3A_733 {add = true} : memref<81920xf32, #tpu.memory_space<vmem>>[vector<16xi32>], vector<16xf32>,
          %add3A_741 = arith.constant 208 : i32
          %add3A_742 = vector.broadcast %add3A_741 : i32 to vector<16xi32>
          %add3A_743 = arith.addi %add3A_547, %add3A_742 : vector<16xi32>
          tpu.vector_store_idx %arg14[%add3A_743], %mul3A_737 {add = true} : memref<81920xf32, #tpu.memory_space<vmem>>[vector<16xi32>], vector<16xf32>,
          %get3A_744 = arith.index_cast %mul3A_530 : i32 to index
          %get3A_745 = arith.constant 224 : index
          %get3A_746 = tpu.vector_load %arg12[%get3A_744, %get3A_745] {strides = array<i32>} : memref<64x256xf32, #tpu.memory_space<vmem>>, vector<16xf32>,
          %mul3A_747 = arith.mulf %get3A_746, %gather3A : vector<16xf32>
          %get3A_748 = arith.index_cast %add3A_532 : i32 to index
          %get3A_749 = arith.constant 224 : index
          %get3A_750 = tpu.vector_load %arg12[%get3A_748, %get3A_749] {strides = array<i32>} : memref<64x256xf32, #tpu.memory_space<vmem>>, vector<16xf32>,
          %mul3A_751 = arith.mulf %get3A_750, %gather3A_537 : vector<16xf32>
          %add3A_752 = arith.constant 224 : i32
          %add3A_753 = vector.broadcast %add3A_752 : i32 to vector<16xi32>
          %add3A_754 = arith.addi %add3A_542, %add3A_753 : vector<16xi32>
          tpu.vector_store_idx %arg14[%add3A_754], %mul3A_747 {add = true} : memref<81920xf32, #tpu.memory_space<vmem>>[vector<16xi32>], vector<16xf32>,
          %add3A_755 = arith.constant 224 : i32
          %add3A_756 = vector.broadcast %add3A_755 : i32 to vector<16xi32>
          %add3A_757 = arith.addi %add3A_547, %add3A_756 : vector<16xi32>
          tpu.vector_store_idx %arg14[%add3A_757], %mul3A_751 {add = true} : memref<81920xf32, #tpu.memory_space<vmem>>[vector<16xi32>], vector<16xf32>,
          %get3A_758 = arith.index_cast %mul3A_530 : i32 to index
          %get3A_759 = arith.constant 240 : index
          %get3A_760 = tpu.vector_load %arg12[%get3A_758, %get3A_759] {strides = array<i32>} : memref<64x256xf32, #tpu.memory_space<vmem>>, vector<16xf32>,
          %mul3A_761 = arith.mulf %get3A_760, %gather3A : vector<16xf32>
          %get3A_762 = arith.index_cast %add3A_532 : i32 to index
          %get3A_763 = arith.constant 240 : index
          %get3A_764 = tpu.vector_load %arg12[%get3A_762, %get3A_763] {strides = array<i32>} : memref<64x256xf32, #tpu.memory_space<vmem>>, vector<16xf32>,
          %mul3A_765 = arith.mulf %get3A_764, %gather3A_537 : vector<16xf32>
          %add3A_766 = arith.constant 240 : i32
          %add3A_767 = vector.broadcast %add3A_766 : i32 to vector<16xi32>
          %add3A_768 = arith.addi %add3A_542, %add3A_767 : vector<16xi32>
          tpu.vector_store_idx %arg14[%add3A_768], %mul3A_761 {add = true} : memref<81920xf32, #tpu.memory_space<vmem>>[vector<16xi32>], vector<16xf32>,
          %add3A_769 = arith.constant 240 : i32
          %add3A_770 = vector.broadcast %add3A_769 : i32 to vector<16xi32>
          %add3A_771 = arith.addi %add3A_547, %add3A_770 : vector<16xi32>
          tpu.vector_store_idx %arg14[%add3A_771], %mul3A_765 {add = true} : memref<81920xf32, #tpu.memory_space<vmem>>[vector<16xi32>], vector<16xf32>,
          %scan3A_772 = arith.constant 0 : i32
          scf.yield %scan3A_772 : i32
        }
        %scan3A_480 = arith.constant 32 : i32
        %add3A_481 = arith.constant 2 : i32
        %add3A_482 = arith.addi %mul3A_437, %add3A_481 : i32
        %mul3A_483 = arith.constant 64 : i32
        %mul3A_484 = arith.muli %add3A_482, %mul3A_483 : i32
        %add3A_485 = arith.constant 0 : i32
        %add3A_486 = arith.addi %mul3A_484, %add3A_485 : i32
        %get3A_487 = arith.index_cast %add3A_486 : i32 to index
        %get3A_488 = tpu.vector_load %arg7[%get3A_487] {strides = array<i32>} : memref<4448xi32, #tpu.memory_space<vmem>>, vector<16xi32>,
        %swap3A_489 = arith.constant 0 : index
        %swap3A_490 = tpu.vector_load %arg10[%swap3A_489] {strides = array<i32>} : memref<64xi32, #tpu.memory_space<vmem>>, vector<16xi32>,
        tpu.vector_store %arg10[%swap3A_489], %get3A_488 {strides = array<i32>} : memref<64xi32, #tpu.memory_space<vmem>>, vector<16xi32>,
        %add3A_491 = arith.constant 16 : i32
        %add3A_492 = arith.addi %mul3A_484, %add3A_491 : i32
        %get3A_493 = arith.index_cast %add3A_492 : i32 to index
        %get3A_494 = tpu.vector_load %arg7[%get3A_493] {strides = array<i32>} : memref<4448xi32, #tpu.memory_space<vmem>>, vector<16xi32>,
        %swap3A_495 = arith.constant 16 : index
        %swap3A_496 = tpu.vector_load %arg10[%swap3A_495] {strides = array<i32>} : memref<64xi32, #tpu.memory_space<vmem>>, vector<16xi32>,
        tpu.vector_store %arg10[%swap3A_495], %get3A_494 {strides = array<i32>} : memref<64xi32, #tpu.memory_space<vmem>>, vector<16xi32>,
        %add3A_497 = arith.constant 32 : i32
        %add3A_498 = arith.addi %mul3A_484, %add3A_497 : i32
        %get3A_499 = arith.index_cast %add3A_498 : i32 to index
        %get3A_500 = tpu.vector_load %arg7[%get3A_499] {strides = array<i32>} : memref<4448xi32, #tpu.memory_space<vmem>>, vector<16xi32>,
        %swap3A_501 = arith.constant 32 : index
        %swap3A_502 = tpu.vector_load %arg10[%swap3A_501] {strides = array<i32>} : memref<64xi32, #tpu.memory_space<vmem>>, vector<16xi32>,
        tpu.vector_store %arg10[%swap3A_501], %get3A_500 {strides = array<i32>} : memref<64xi32, #tpu.memory_space<vmem>>, vector<16xi32>,
        %add3A_503 = arith.constant 48 : i32
        %add3A_504 = arith.addi %mul3A_484, %add3A_503 : i32
        %get3A_505 = arith.index_cast %add3A_504 : i32 to index
        %get3A_506 = tpu.vector_load %arg7[%get3A_505] {strides = array<i32>} : memref<4448xi32, #tpu.memory_space<vmem>>, vector<16xi32>,
        %swap3A_507 = arith.constant 48 : index
        %swap3A_508 = tpu.vector_load %arg10[%swap3A_507] {strides = array<i32>} : memref<64xi32, #tpu.memory_space<vmem>>, vector<16xi32>,
        tpu.vector_store %arg10[%swap3A_507], %get3A_506 {strides = array<i32>} : memref<64xi32, #tpu.memory_space<vmem>>, vector<16xi32>,
        %dma_start3A_509 = arith.constant 0 : i32
        %dma_start3A_510 = arith.constant 0 : i32
        %dma_start3A_511 = tpu.memref_slice %arg5[%dma_start3A_509, %dma_start3A_510] : memref<10240x256xf32, #tpu.memory_space<hbm>> -> memref<10240x256xf32, #tpu.memory_space<hbm>>
        tpu.enqueue_indirect_dma source(%dma_start3A_511 : memref<10240x256xf32, #tpu.memory_space<hbm>>) target(%arg12 : memref<64x256xf32, #tpu.memory_space<vmem>>) offsets(%arg10 : memref<64xi32, #tpu.memory_space<vmem>>) semaphore(%arg15 : memref<!tpu.dma_semaphore, #tpu.memory_space<semaphore_mem>>)
        %dma_wait3A_512 = arith.constant 0 : i32
        %dma_wait3A_513 = arith.constant 0 : i32
        %dma_wait3A_514 = tpu.memref_slice %arg5[%dma_wait3A_512, %dma_wait3A_513] : memref<10240x256xf32, #tpu.memory_space<hbm>> -> memref<10240x256xf32, #tpu.memory_space<hbm>>
        tpu.wait_indirect_dma semaphore(%arg16 : memref<!tpu.dma_semaphore, #tpu.memory_space<semaphore_mem>>) src(%dma_wait3A_514 : memref<10240x256xf32, #tpu.memory_space<hbm>>) dst(%arg13 : memref<64x256xf32, #tpu.memory_space<vmem>>)
        %add3A_515 = arith.constant 1 : i32
        %add3A_516 = arith.addi %mul3A_437, %add3A_515 : i32
        %mul3A_517 = arith.constant 64 : i32
        %mul3A_518 = arith.muli %add3A_516, %mul3A_517 : i32
        %scan3A_519 = arith.constant 0 : i32
        %scan3A_520 = arith.constant 0 : i32
        %scan3A_521 = arith.constant 32 : i32
        %scan3A_522 = arith.addi %scan3A_520, %scan3A_521 : i32
        %scan3A_523 = arith.constant 1 : i32
        %scan3A_524 = scf.for %scan3A_527 = %scan3A_520 to %scan3A_522 step %scan3A_523 iter_args(%scan3A_528 = %scan3A_519) -> (i32)  : i32 {
          %mul3A_529 = arith.constant 2 : i32
          %mul3A_530 = arith.muli %scan3A_527, %mul3A_529 : i32
          %add3A_531 = arith.constant 1 : i32
          %add3A_532 = arith.addi %mul3A_530, %add3A_531 : i32
          %add3A_533 = arith.addi %mul3A_518, %mul3A_530 : i32
          %broadcast_in_dim3A_534 = vector.broadcast %add3A_533 : i32 to vector<16xi32>
          %add3A_535 = arith.addi %mul3A_518, %add3A_532 : i32
          %broadcast_in_dim3A_536 = vector.broadcast %add3A_535 : i32 to vector<16xi32>
          %gather3A = tpu.vector_load_idx %arg9[%broadcast_in_dim3A_534] : memref<4448xf32, #tpu.memory_space<vmem>>[vector<16xi32>], vector<16xf32>,
          %gather3A_537 = tpu.vector_load_idx %arg9[%broadcast_in_dim3A_536] : memref<4448xf32, #tpu.memory_space<vmem>>[vector<16xi32>], vector<16xf32>,
          %gather3A_538 = tpu.vector_load_idx %arg8[%broadcast_in_dim3A_534] : memref<4448xi32, #tpu.memory_space<vmem>>[vector<16xi32>], vector<16xi32>,
          %mul3A_539 = arith.constant 256 : i32
          %mul3A_540 = vector.broadcast %mul3A_539 : i32 to vector<16xi32>
          %mul3A_541 = arith.muli %gather3A_538, %mul3A_540 : vector<16xi32>
          %add3A_542 = arith.addi %mul3A_541, %iota3A : vector<16xi32>
          %gather3A_543 = tpu.vector_load_idx %arg8[%broadcast_in_dim3A_536] : memref<4448xi32, #tpu.memory_space<vmem>>[vector<16xi32>], vector<16xi32>,
          %mul3A_544 = arith.constant 256 : i32
          %mul3A_545 = vector.broadcast %mul3A_544 : i32 to vector<16xi32>
          %mul3A_546 = arith.muli %gather3A_543, %mul3A_545 : vector<16xi32>
          %add3A_547 = arith.addi %mul3A_546, %iota3A : vector<16xi32>
          %get3A_548 = arith.index_cast %mul3A_530 : i32 to index
          %get3A_549 = arith.constant 0 : index
          %get3A_550 = tpu.vector_load %arg13[%get3A_548, %get3A_549] {strides = array<i32>} : memref<64x256xf32, #tpu.memory_space<vmem>>, vector<16xf32>,
          %mul3A_551 = arith.mulf %get3A_550, %gather3A : vector<16xf32>
          %get3A_552 = arith.index_cast %add3A_532 : i32 to index
          %get3A_553 = arith.constant 0 : index
          %get3A_554 = tpu.vector_load %arg13[%get3A_552, %get3A_553] {strides = array<i32>} : memref<64x256xf32, #tpu.memory_space<vmem>>, vector<16xf32>,
          %mul3A_555 = arith.mulf %get3A_554, %gather3A_537 : vector<16xf32>
          %add3A_556 = arith.constant 0 : i32
          %add3A_557 = vector.broadcast %add3A_556 : i32 to vector<16xi32>
          %add3A_558 = arith.addi %add3A_542, %add3A_557 : vector<16xi32>
          tpu.vector_store_idx %arg14[%add3A_558], %mul3A_551 {add = true} : memref<81920xf32, #tpu.memory_space<vmem>>[vector<16xi32>], vector<16xf32>,
          %add3A_559 = arith.constant 0 : i32
          %add3A_560 = vector.broadcast %add3A_559 : i32 to vector<16xi32>
          %add3A_561 = arith.addi %add3A_547, %add3A_560 : vector<16xi32>
          tpu.vector_store_idx %arg14[%add3A_561], %mul3A_555 {add = true} : memref<81920xf32, #tpu.memory_space<vmem>>[vector<16xi32>], vector<16xf32>,
          %get3A_562 = arith.index_cast %mul3A_530 : i32 to index
          %get3A_563 = arith.constant 16 : index
          %get3A_564 = tpu.vector_load %arg13[%get3A_562, %get3A_563] {strides = array<i32>} : memref<64x256xf32, #tpu.memory_space<vmem>>, vector<16xf32>,
          %mul3A_565 = arith.mulf %get3A_564, %gather3A : vector<16xf32>
          %get3A_566 = arith.index_cast %add3A_532 : i32 to index
          %get3A_567 = arith.constant 16 : index
          %get3A_568 = tpu.vector_load %arg13[%get3A_566, %get3A_567] {strides = array<i32>} : memref<64x256xf32, #tpu.memory_space<vmem>>, vector<16xf32>,
          %mul3A_569 = arith.mulf %get3A_568, %gather3A_537 : vector<16xf32>
          %add3A_570 = arith.constant 16 : i32
          %add3A_571 = vector.broadcast %add3A_570 : i32 to vector<16xi32>
          %add3A_572 = arith.addi %add3A_542, %add3A_571 : vector<16xi32>
          tpu.vector_store_idx %arg14[%add3A_572], %mul3A_565 {add = true} : memref<81920xf32, #tpu.memory_space<vmem>>[vector<16xi32>], vector<16xf32>,
          %add3A_573 = arith.constant 16 : i32
          %add3A_574 = vector.broadcast %add3A_573 : i32 to vector<16xi32>
          %add3A_575 = arith.addi %add3A_547, %add3A_574 : vector<16xi32>
          tpu.vector_store_idx %arg14[%add3A_575], %mul3A_569 {add = true} : memref<81920xf32, #tpu.memory_space<vmem>>[vector<16xi32>], vector<16xf32>,
          %get3A_576 = arith.index_cast %mul3A_530 : i32 to index
          %get3A_577 = arith.constant 32 : index
          %get3A_578 = tpu.vector_load %arg13[%get3A_576, %get3A_577] {strides = array<i32>} : memref<64x256xf32, #tpu.memory_space<vmem>>, vector<16xf32>,
          %mul3A_579 = arith.mulf %get3A_578, %gather3A : vector<16xf32>
          %get3A_580 = arith.index_cast %add3A_532 : i32 to index
          %get3A_581 = arith.constant 32 : index
          %get3A_582 = tpu.vector_load %arg13[%get3A_580, %get3A_581] {strides = array<i32>} : memref<64x256xf32, #tpu.memory_space<vmem>>, vector<16xf32>,
          %mul3A_583 = arith.mulf %get3A_582, %gather3A_537 : vector<16xf32>
          %add3A_584 = arith.constant 32 : i32
          %add3A_585 = vector.broadcast %add3A_584 : i32 to vector<16xi32>
          %add3A_586 = arith.addi %add3A_542, %add3A_585 : vector<16xi32>
          tpu.vector_store_idx %arg14[%add3A_586], %mul3A_579 {add = true} : memref<81920xf32, #tpu.memory_space<vmem>>[vector<16xi32>], vector<16xf32>,
          %add3A_587 = arith.constant 32 : i32
          %add3A_588 = vector.broadcast %add3A_587 : i32 to vector<16xi32>
          %add3A_589 = arith.addi %add3A_547, %add3A_588 : vector<16xi32>
          tpu.vector_store_idx %arg14[%add3A_589], %mul3A_583 {add = true} : memref<81920xf32, #tpu.memory_space<vmem>>[vector<16xi32>], vector<16xf32>,
          %get3A_590 = arith.index_cast %mul3A_530 : i32 to index
          %get3A_591 = arith.constant 48 : index
          %get3A_592 = tpu.vector_load %arg13[%get3A_590, %get3A_591] {strides = array<i32>} : memref<64x256xf32, #tpu.memory_space<vmem>>, vector<16xf32>,
          %mul3A_593 = arith.mulf %get3A_592, %gather3A : vector<16xf32>
          %get3A_594 = arith.index_cast %add3A_532 : i32 to index
          %get3A_595 = arith.constant 48 : index
          %get3A_596 = tpu.vector_load %arg13[%get3A_594, %get3A_595] {strides = array<i32>} : memref<64x256xf32, #tpu.memory_space<vmem>>, vector<16xf32>,
          %mul3A_597 = arith.mulf %get3A_596, %gather3A_537 : vector<16xf32>
          %add3A_598 = arith.constant 48 : i32
          %add3A_599 = vector.broadcast %add3A_598 : i32 to vector<16xi32>
          %add3A_600 = arith.addi %add3A_542, %add3A_599 : vector<16xi32>
          tpu.vector_store_idx %arg14[%add3A_600], %mul3A_593 {add = true} : memref<81920xf32, #tpu.memory_space<vmem>>[vector<16xi32>], vector<16xf32>,
          %add3A_601 = arith.constant 48 : i32
          %add3A_602 = vector.broadcast %add3A_601 : i32 to vector<16xi32>
          %add3A_603 = arith.addi %add3A_547, %add3A_602 : vector<16xi32>
          tpu.vector_store_idx %arg14[%add3A_603], %mul3A_597 {add = true} : memref<81920xf32, #tpu.memory_space<vmem>>[vector<16xi32>], vector<16xf32>,
          %get3A_604 = arith.index_cast %mul3A_530 : i32 to index
          %get3A_605 = arith.constant 64 : index
          %get3A_606 = tpu.vector_load %arg13[%get3A_604, %get3A_605] {strides = array<i32>} : memref<64x256xf32, #tpu.memory_space<vmem>>, vector<16xf32>,
          %mul3A_607 = arith.mulf %get3A_606, %gather3A : vector<16xf32>
          %get3A_608 = arith.index_cast %add3A_532 : i32 to index
          %get3A_609 = arith.constant 64 : index
          %get3A_610 = tpu.vector_load %arg13[%get3A_608, %get3A_609] {strides = array<i32>} : memref<64x256xf32, #tpu.memory_space<vmem>>, vector<16xf32>,
          %mul3A_611 = arith.mulf %get3A_610, %gather3A_537 : vector<16xf32>
          %add3A_612 = arith.constant 64 : i32
          %add3A_613 = vector.broadcast %add3A_612 : i32 to vector<16xi32>
          %add3A_614 = arith.addi %add3A_542, %add3A_613 : vector<16xi32>
          tpu.vector_store_idx %arg14[%add3A_614], %mul3A_607 {add = true} : memref<81920xf32, #tpu.memory_space<vmem>>[vector<16xi32>], vector<16xf32>,
          %add3A_615 = arith.constant 64 : i32
          %add3A_616 = vector.broadcast %add3A_615 : i32 to vector<16xi32>
          %add3A_617 = arith.addi %add3A_547, %add3A_616 : vector<16xi32>
          tpu.vector_store_idx %arg14[%add3A_617], %mul3A_611 {add = true} : memref<81920xf32, #tpu.memory_space<vmem>>[vector<16xi32>], vector<16xf32>,
          %get3A_618 = arith.index_cast %mul3A_530 : i32 to index
          %get3A_619 = arith.constant 80 : index
          %get3A_620 = tpu.vector_load %arg13[%get3A_618, %get3A_619] {strides = array<i32>} : memref<64x256xf32, #tpu.memory_space<vmem>>, vector<16xf32>,
          %mul3A_621 = arith.mulf %get3A_620, %gather3A : vector<16xf32>
          %get3A_622 = arith.index_cast %add3A_532 : i32 to index
          %get3A_623 = arith.constant 80 : index
          %get3A_624 = tpu.vector_load %arg13[%get3A_622, %get3A_623] {strides = array<i32>} : memref<64x256xf32, #tpu.memory_space<vmem>>, vector<16xf32>,
          %mul3A_625 = arith.mulf %get3A_624, %gather3A_537 : vector<16xf32>
          %add3A_626 = arith.constant 80 : i32
          %add3A_627 = vector.broadcast %add3A_626 : i32 to vector<16xi32>
          %add3A_628 = arith.addi %add3A_542, %add3A_627 : vector<16xi32>
          tpu.vector_store_idx %arg14[%add3A_628], %mul3A_621 {add = true} : memref<81920xf32, #tpu.memory_space<vmem>>[vector<16xi32>], vector<16xf32>,
          %add3A_629 = arith.constant 80 : i32
          %add3A_630 = vector.broadcast %add3A_629 : i32 to vector<16xi32>
          %add3A_631 = arith.addi %add3A_547, %add3A_630 : vector<16xi32>
          tpu.vector_store_idx %arg14[%add3A_631], %mul3A_625 {add = true} : memref<81920xf32, #tpu.memory_space<vmem>>[vector<16xi32>], vector<16xf32>,
          %get3A_632 = arith.index_cast %mul3A_530 : i32 to index
          %get3A_633 = arith.constant 96 : index
          %get3A_634 = tpu.vector_load %arg13[%get3A_632, %get3A_633] {strides = array<i32>} : memref<64x256xf32, #tpu.memory_space<vmem>>, vector<16xf32>,
          %mul3A_635 = arith.mulf %get3A_634, %gather3A : vector<16xf32>
          %get3A_636 = arith.index_cast %add3A_532 : i32 to index
          %get3A_637 = arith.constant 96 : index
          %get3A_638 = tpu.vector_load %arg13[%get3A_636, %get3A_637] {strides = array<i32>} : memref<64x256xf32, #tpu.memory_space<vmem>>, vector<16xf32>,
          %mul3A_639 = arith.mulf %get3A_638, %gather3A_537 : vector<16xf32>
          %add3A_640 = arith.constant 96 : i32
          %add3A_641 = vector.broadcast %add3A_640 : i32 to vector<16xi32>
          %add3A_642 = arith.addi %add3A_542, %add3A_641 : vector<16xi32>
          tpu.vector_store_idx %arg14[%add3A_642], %mul3A_635 {add = true} : memref<81920xf32, #tpu.memory_space<vmem>>[vector<16xi32>], vector<16xf32>,
          %add3A_643 = arith.constant 96 : i32
          %add3A_644 = vector.broadcast %add3A_643 : i32 to vector<16xi32>
          %add3A_645 = arith.addi %add3A_547, %add3A_644 : vector<16xi32>
          tpu.vector_store_idx %arg14[%add3A_645], %mul3A_639 {add = true} : memref<81920xf32, #tpu.memory_space<vmem>>[vector<16xi32>], vector<16xf32>,
          %get3A_646 = arith.index_cast %mul3A_530 : i32 to index
          %get3A_647 = arith.constant 112 : index
          %get3A_648 = tpu.vector_load %arg13[%get3A_646, %get3A_647] {strides = array<i32>} : memref<64x256xf32, #tpu.memory_space<vmem>>, vector<16xf32>,
          %mul3A_649 = arith.mulf %get3A_648, %gather3A : vector<16xf32>
          %get3A_650 = arith.index_cast %add3A_532 : i32 to index
          %get3A_651 = arith.constant 112 : index
          %get3A_652 = tpu.vector_load %arg13[%get3A_650, %get3A_651] {strides = array<i32>} : memref<64x256xf32, #tpu.memory_space<vmem>>, vector<16xf32>,
          %mul3A_653 = arith.mulf %get3A_652, %gather3A_537 : vector<16xf32>
          %add3A_654 = arith.constant 112 : i32
          %add3A_655 = vector.broadcast %add3A_654 : i32 to vector<16xi32>
          %add3A_656 = arith.addi %add3A_542, %add3A_655 : vector<16xi32>
          tpu.vector_store_idx %arg14[%add3A_656], %mul3A_649 {add = true} : memref<81920xf32, #tpu.memory_space<vmem>>[vector<16xi32>], vector<16xf32>,
          %add3A_657 = arith.constant 112 : i32
          %add3A_658 = vector.broadcast %add3A_657 : i32 to vector<16xi32>
          %add3A_659 = arith.addi %add3A_547, %add3A_658 : vector<16xi32>
          tpu.vector_store_idx %arg14[%add3A_659], %mul3A_653 {add = true} : memref<81920xf32, #tpu.memory_space<vmem>>[vector<16xi32>], vector<16xf32>,
          %get3A_660 = arith.index_cast %mul3A_530 : i32 to index
          %get3A_661 = arith.constant 128 : index
          %get3A_662 = tpu.vector_load %arg13[%get3A_660, %get3A_661] {strides = array<i32>} : memref<64x256xf32, #tpu.memory_space<vmem>>, vector<16xf32>,
          %mul3A_663 = arith.mulf %get3A_662, %gather3A : vector<16xf32>
          %get3A_664 = arith.index_cast %add3A_532 : i32 to index
          %get3A_665 = arith.constant 128 : index
          %get3A_666 = tpu.vector_load %arg13[%get3A_664, %get3A_665] {strides = array<i32>} : memref<64x256xf32, #tpu.memory_space<vmem>>, vector<16xf32>,
          %mul3A_667 = arith.mulf %get3A_666, %gather3A_537 : vector<16xf32>
          %add3A_668 = arith.constant 128 : i32
          %add3A_669 = vector.broadcast %add3A_668 : i32 to vector<16xi32>
          %add3A_670 = arith.addi %add3A_542, %add3A_669 : vector<16xi32>
          tpu.vector_store_idx %arg14[%add3A_670], %mul3A_663 {add = true} : memref<81920xf32, #tpu.memory_space<vmem>>[vector<16xi32>], vector<16xf32>,
          %add3A_671 = arith.constant 128 : i32
          %add3A_672 = vector.broadcast %add3A_671 : i32 to vector<16xi32>
          %add3A_673 = arith.addi %add3A_547, %add3A_672 : vector<16xi32>
          tpu.vector_store_idx %arg14[%add3A_673], %mul3A_667 {add = true} : memref<81920xf32, #tpu.memory_space<vmem>>[vector<16xi32>], vector<16xf32>,
          %get3A_674 = arith.index_cast %mul3A_530 : i32 to index
          %get3A_675 = arith.constant 144 : index
          %get3A_676 = tpu.vector_load %arg13[%get3A_674, %get3A_675] {strides = array<i32>} : memref<64x256xf32, #tpu.memory_space<vmem>>, vector<16xf32>,
          %mul3A_677 = arith.mulf %get3A_676, %gather3A : vector<16xf32>
          %get3A_678 = arith.index_cast %add3A_532 : i32 to index
          %get3A_679 = arith.constant 144 : index
          %get3A_680 = tpu.vector_load %arg13[%get3A_678, %get3A_679] {strides = array<i32>} : memref<64x256xf32, #tpu.memory_space<vmem>>, vector<16xf32>,
          %mul3A_681 = arith.mulf %get3A_680, %gather3A_537 : vector<16xf32>
          %add3A_682 = arith.constant 144 : i32
          %add3A_683 = vector.broadcast %add3A_682 : i32 to vector<16xi32>
          %add3A_684 = arith.addi %add3A_542, %add3A_683 : vector<16xi32>
          tpu.vector_store_idx %arg14[%add3A_684], %mul3A_677 {add = true} : memref<81920xf32, #tpu.memory_space<vmem>>[vector<16xi32>], vector<16xf32>,
          %add3A_685 = arith.constant 144 : i32
          %add3A_686 = vector.broadcast %add3A_685 : i32 to vector<16xi32>
          %add3A_687 = arith.addi %add3A_547, %add3A_686 : vector<16xi32>
          tpu.vector_store_idx %arg14[%add3A_687], %mul3A_681 {add = true} : memref<81920xf32, #tpu.memory_space<vmem>>[vector<16xi32>], vector<16xf32>,
          %get3A_688 = arith.index_cast %mul3A_530 : i32 to index
          %get3A_689 = arith.constant 160 : index
          %get3A_690 = tpu.vector_load %arg13[%get3A_688, %get3A_689] {strides = array<i32>} : memref<64x256xf32, #tpu.memory_space<vmem>>, vector<16xf32>,
          %mul3A_691 = arith.mulf %get3A_690, %gather3A : vector<16xf32>
          %get3A_692 = arith.index_cast %add3A_532 : i32 to index
          %get3A_693 = arith.constant 160 : index
          %get3A_694 = tpu.vector_load %arg13[%get3A_692, %get3A_693] {strides = array<i32>} : memref<64x256xf32, #tpu.memory_space<vmem>>, vector<16xf32>,
          %mul3A_695 = arith.mulf %get3A_694, %gather3A_537 : vector<16xf32>
          %add3A_696 = arith.constant 160 : i32
          %add3A_697 = vector.broadcast %add3A_696 : i32 to vector<16xi32>
          %add3A_698 = arith.addi %add3A_542, %add3A_697 : vector<16xi32>
          tpu.vector_store_idx %arg14[%add3A_698], %mul3A_691 {add = true} : memref<81920xf32, #tpu.memory_space<vmem>>[vector<16xi32>], vector<16xf32>,
          %add3A_699 = arith.constant 160 : i32
          %add3A_700 = vector.broadcast %add3A_699 : i32 to vector<16xi32>
          %add3A_701 = arith.addi %add3A_547, %add3A_700 : vector<16xi32>
          tpu.vector_store_idx %arg14[%add3A_701], %mul3A_695 {add = true} : memref<81920xf32, #tpu.memory_space<vmem>>[vector<16xi32>], vector<16xf32>,
          %get3A_702 = arith.index_cast %mul3A_530 : i32 to index
          %get3A_703 = arith.constant 176 : index
          %get3A_704 = tpu.vector_load %arg13[%get3A_702, %get3A_703] {strides = array<i32>} : memref<64x256xf32, #tpu.memory_space<vmem>>, vector<16xf32>,
          %mul3A_705 = arith.mulf %get3A_704, %gather3A : vector<16xf32>
          %get3A_706 = arith.index_cast %add3A_532 : i32 to index
          %get3A_707 = arith.constant 176 : index
          %get3A_708 = tpu.vector_load %arg13[%get3A_706, %get3A_707] {strides = array<i32>} : memref<64x256xf32, #tpu.memory_space<vmem>>, vector<16xf32>,
          %mul3A_709 = arith.mulf %get3A_708, %gather3A_537 : vector<16xf32>
          %add3A_710 = arith.constant 176 : i32
          %add3A_711 = vector.broadcast %add3A_710 : i32 to vector<16xi32>
          %add3A_712 = arith.addi %add3A_542, %add3A_711 : vector<16xi32>
          tpu.vector_store_idx %arg14[%add3A_712], %mul3A_705 {add = true} : memref<81920xf32, #tpu.memory_space<vmem>>[vector<16xi32>], vector<16xf32>,
          %add3A_713 = arith.constant 176 : i32
          %add3A_714 = vector.broadcast %add3A_713 : i32 to vector<16xi32>
          %add3A_715 = arith.addi %add3A_547, %add3A_714 : vector<16xi32>
          tpu.vector_store_idx %arg14[%add3A_715], %mul3A_709 {add = true} : memref<81920xf32, #tpu.memory_space<vmem>>[vector<16xi32>], vector<16xf32>,
          %get3A_716 = arith.index_cast %mul3A_530 : i32 to index
          %get3A_717 = arith.constant 192 : index
          %get3A_718 = tpu.vector_load %arg13[%get3A_716, %get3A_717] {strides = array<i32>} : memref<64x256xf32, #tpu.memory_space<vmem>>, vector<16xf32>,
          %mul3A_719 = arith.mulf %get3A_718, %gather3A : vector<16xf32>
          %get3A_720 = arith.index_cast %add3A_532 : i32 to index
          %get3A_721 = arith.constant 192 : index
          %get3A_722 = tpu.vector_load %arg13[%get3A_720, %get3A_721] {strides = array<i32>} : memref<64x256xf32, #tpu.memory_space<vmem>>, vector<16xf32>,
          %mul3A_723 = arith.mulf %get3A_722, %gather3A_537 : vector<16xf32>
          %add3A_724 = arith.constant 192 : i32
          %add3A_725 = vector.broadcast %add3A_724 : i32 to vector<16xi32>
          %add3A_726 = arith.addi %add3A_542, %add3A_725 : vector<16xi32>
          tpu.vector_store_idx %arg14[%add3A_726], %mul3A_719 {add = true} : memref<81920xf32, #tpu.memory_space<vmem>>[vector<16xi32>], vector<16xf32>,
          %add3A_727 = arith.constant 192 : i32
          %add3A_728 = vector.broadcast %add3A_727 : i32 to vector<16xi32>
          %add3A_729 = arith.addi %add3A_547, %add3A_728 : vector<16xi32>
          tpu.vector_store_idx %arg14[%add3A_729], %mul3A_723 {add = true} : memref<81920xf32, #tpu.memory_space<vmem>>[vector<16xi32>], vector<16xf32>,
          %get3A_730 = arith.index_cast %mul3A_530 : i32 to index
          %get3A_731 = arith.constant 208 : index
          %get3A_732 = tpu.vector_load %arg13[%get3A_730, %get3A_731] {strides = array<i32>} : memref<64x256xf32, #tpu.memory_space<vmem>>, vector<16xf32>,
          %mul3A_733 = arith.mulf %get3A_732, %gather3A : vector<16xf32>
          %get3A_734 = arith.index_cast %add3A_532 : i32 to index
          %get3A_735 = arith.constant 208 : index
          %get3A_736 = tpu.vector_load %arg13[%get3A_734, %get3A_735] {strides = array<i32>} : memref<64x256xf32, #tpu.memory_space<vmem>>, vector<16xf32>,
          %mul3A_737 = arith.mulf %get3A_736, %gather3A_537 : vector<16xf32>
          %add3A_738 = arith.constant 208 : i32
          %add3A_739 = vector.broadcast %add3A_738 : i32 to vector<16xi32>
          %add3A_740 = arith.addi %add3A_542, %add3A_739 : vector<16xi32>
          tpu.vector_store_idx %arg14[%add3A_740], %mul3A_733 {add = true} : memref<81920xf32, #tpu.memory_space<vmem>>[vector<16xi32>], vector<16xf32>,
          %add3A_741 = arith.constant 208 : i32
          %add3A_742 = vector.broadcast %add3A_741 : i32 to vector<16xi32>
          %add3A_743 = arith.addi %add3A_547, %add3A_742 : vector<16xi32>
          tpu.vector_store_idx %arg14[%add3A_743], %mul3A_737 {add = true} : memref<81920xf32, #tpu.memory_space<vmem>>[vector<16xi32>], vector<16xf32>,
          %get3A_744 = arith.index_cast %mul3A_530 : i32 to index
          %get3A_745 = arith.constant 224 : index
          %get3A_746 = tpu.vector_load %arg13[%get3A_744, %get3A_745] {strides = array<i32>} : memref<64x256xf32, #tpu.memory_space<vmem>>, vector<16xf32>,
          %mul3A_747 = arith.mulf %get3A_746, %gather3A : vector<16xf32>
          %get3A_748 = arith.index_cast %add3A_532 : i32 to index
          %get3A_749 = arith.constant 224 : index
          %get3A_750 = tpu.vector_load %arg13[%get3A_748, %get3A_749] {strides = array<i32>} : memref<64x256xf32, #tpu.memory_space<vmem>>, vector<16xf32>,
          %mul3A_751 = arith.mulf %get3A_750, %gather3A_537 : vector<16xf32>
          %add3A_752 = arith.constant 224 : i32
          %add3A_753 = vector.broadcast %add3A_752 : i32 to vector<16xi32>
          %add3A_754 = arith.addi %add3A_542, %add3A_753 : vector<16xi32>
          tpu.vector_store_idx %arg14[%add3A_754], %mul3A_747 {add = true} : memref<81920xf32, #tpu.memory_space<vmem>>[vector<16xi32>], vector<16xf32>,
          %add3A_755 = arith.constant 224 : i32
          %add3A_756 = vector.broadcast %add3A_755 : i32 to vector<16xi32>
          %add3A_757 = arith.addi %add3A_547, %add3A_756 : vector<16xi32>
          tpu.vector_store_idx %arg14[%add3A_757], %mul3A_751 {add = true} : memref<81920xf32, #tpu.memory_space<vmem>>[vector<16xi32>], vector<16xf32>,
          %get3A_758 = arith.index_cast %mul3A_530 : i32 to index
          %get3A_759 = arith.constant 240 : index
          %get3A_760 = tpu.vector_load %arg13[%get3A_758, %get3A_759] {strides = array<i32>} : memref<64x256xf32, #tpu.memory_space<vmem>>, vector<16xf32>,
          %mul3A_761 = arith.mulf %get3A_760, %gather3A : vector<16xf32>
          %get3A_762 = arith.index_cast %add3A_532 : i32 to index
          %get3A_763 = arith.constant 240 : index
          %get3A_764 = tpu.vector_load %arg13[%get3A_762, %get3A_763] {strides = array<i32>} : memref<64x256xf32, #tpu.memory_space<vmem>>, vector<16xf32>,
          %mul3A_765 = arith.mulf %get3A_764, %gather3A_537 : vector<16xf32>
          %add3A_766 = arith.constant 240 : i32
          %add3A_767 = vector.broadcast %add3A_766 : i32 to vector<16xi32>
          %add3A_768 = arith.addi %add3A_542, %add3A_767 : vector<16xi32>
          tpu.vector_store_idx %arg14[%add3A_768], %mul3A_761 {add = true} : memref<81920xf32, #tpu.memory_space<vmem>>[vector<16xi32>], vector<16xf32>,
          %add3A_769 = arith.constant 240 : i32
          %add3A_770 = vector.broadcast %add3A_769 : i32 to vector<16xi32>
          %add3A_771 = arith.addi %add3A_547, %add3A_770 : vector<16xi32>
          tpu.vector_store_idx %arg14[%add3A_771], %mul3A_765 {add = true} : memref<81920xf32, #tpu.memory_space<vmem>>[vector<16xi32>], vector<16xf32>,
          %scan3A_772 = arith.constant 0 : i32
          scf.yield %scan3A_772 : i32
        }
        %scan3A_525 = arith.constant 32 : i32
        %while3A_526 = arith.constant 0 : i32
        scf.yield %while3A_526 : i32
      }
      %while3A_429 = arith.constant 1 : i32
      %while3A_430 = scf.for %while3A_434 = %while3A_426 to %while3A_422 step %while3A_429 iter_args(%while3A_435 = %while3A_428) -> (i32)  : i32 {
        %mul3A_436 = arith.constant 2 : i32
        %mul3A_437 = arith.muli %mul3A_436, %while3A_434 : i32
        %add3A_438 = arith.constant 1 : i32
        %add3A_439 = arith.addi %mul3A_437, %add3A_438 : i32
        %mul3A_440 = arith.constant 64 : i32
        %mul3A_441 = arith.muli %add3A_439, %mul3A_440 : i32
        %add3A_442 = arith.constant 0 : i32
        %add3A_443 = arith.addi %mul3A_441, %add3A_442 : i32
        %get3A_444 = arith.index_cast %add3A_443 : i32 to index
        %get3A_445 = tpu.vector_load %arg7[%get3A_444] {strides = array<i32>} : memref<4448xi32, #tpu.memory_space<vmem>>, vector<16xi32>,
        %swap3A_446 = arith.constant 0 : index
        %swap3A_447 = tpu.vector_load %arg11[%swap3A_446] {strides = array<i32>} : memref<64xi32, #tpu.memory_space<vmem>>, vector<16xi32>,
        tpu.vector_store %arg11[%swap3A_446], %get3A_445 {strides = array<i32>} : memref<64xi32, #tpu.memory_space<vmem>>, vector<16xi32>,
        %add3A_448 = arith.constant 16 : i32
        %add3A_449 = arith.addi %mul3A_441, %add3A_448 : i32
        %get3A_450 = arith.index_cast %add3A_449 : i32 to index
        %get3A_451 = tpu.vector_load %arg7[%get3A_450] {strides = array<i32>} : memref<4448xi32, #tpu.memory_space<vmem>>, vector<16xi32>,
        %swap3A_452 = arith.constant 16 : index
        %swap3A_453 = tpu.vector_load %arg11[%swap3A_452] {strides = array<i32>} : memref<64xi32, #tpu.memory_space<vmem>>, vector<16xi32>,
        tpu.vector_store %arg11[%swap3A_452], %get3A_451 {strides = array<i32>} : memref<64xi32, #tpu.memory_space<vmem>>, vector<16xi32>,
        %add3A_454 = arith.constant 32 : i32
        %add3A_455 = arith.addi %mul3A_441, %add3A_454 : i32
        %get3A_456 = arith.index_cast %add3A_455 : i32 to index
        %get3A_457 = tpu.vector_load %arg7[%get3A_456] {strides = array<i32>} : memref<4448xi32, #tpu.memory_space<vmem>>, vector<16xi32>,
        %swap3A_458 = arith.constant 32 : index
        %swap3A_459 = tpu.vector_load %arg11[%swap3A_458] {strides = array<i32>} : memref<64xi32, #tpu.memory_space<vmem>>, vector<16xi32>,
        tpu.vector_store %arg11[%swap3A_458], %get3A_457 {strides = array<i32>} : memref<64xi32, #tpu.memory_space<vmem>>, vector<16xi32>,
        %add3A_460 = arith.constant 48 : i32
        %add3A_461 = arith.addi %mul3A_441, %add3A_460 : i32
        %get3A_462 = arith.index_cast %add3A_461 : i32 to index
        %get3A_463 = tpu.vector_load %arg7[%get3A_462] {strides = array<i32>} : memref<4448xi32, #tpu.memory_space<vmem>>, vector<16xi32>,
        %swap3A_464 = arith.constant 48 : index
        %swap3A_465 = tpu.vector_load %arg11[%swap3A_464] {strides = array<i32>} : memref<64xi32, #tpu.memory_space<vmem>>, vector<16xi32>,
        tpu.vector_store %arg11[%swap3A_464], %get3A_463 {strides = array<i32>} : memref<64xi32, #tpu.memory_space<vmem>>, vector<16xi32>,
        %dma_start3A_466 = arith.constant 0 : i32
        %dma_start3A_467 = arith.constant 0 : i32
        %dma_start3A_468 = tpu.memref_slice %arg5[%dma_start3A_466, %dma_start3A_467] : memref<10240x256xf32, #tpu.memory_space<hbm>> -> memref<10240x256xf32, #tpu.memory_space<hbm>>
        tpu.enqueue_indirect_dma source(%dma_start3A_468 : memref<10240x256xf32, #tpu.memory_space<hbm>>) target(%arg13 : memref<64x256xf32, #tpu.memory_space<vmem>>) offsets(%arg11 : memref<64xi32, #tpu.memory_space<vmem>>) semaphore(%arg16 : memref<!tpu.dma_semaphore, #tpu.memory_space<semaphore_mem>>)
        %dma_wait3A_469 = arith.constant 0 : i32
        %dma_wait3A_470 = arith.constant 0 : i32
        %dma_wait3A_471 = tpu.memref_slice %arg5[%dma_wait3A_469, %dma_wait3A_470] : memref<10240x256xf32, #tpu.memory_space<hbm>> -> memref<10240x256xf32, #tpu.memory_space<hbm>>
        tpu.wait_indirect_dma semaphore(%arg15 : memref<!tpu.dma_semaphore, #tpu.memory_space<semaphore_mem>>) src(%dma_wait3A_471 : memref<10240x256xf32, #tpu.memory_space<hbm>>) dst(%arg12 : memref<64x256xf32, #tpu.memory_space<vmem>>)
        %mul3A_472 = arith.constant 64 : i32
        %mul3A_473 = arith.muli %mul3A_437, %mul3A_472 : i32
        %scan3A_474 = arith.constant 0 : i32
        %scan3A_475 = arith.constant 0 : i32
        %scan3A_476 = arith.constant 32 : i32
        %scan3A_477 = arith.addi %scan3A_475, %scan3A_476 : i32
        %scan3A_478 = arith.constant 1 : i32
        %scan3A_479 = scf.for %scan3A_527 = %scan3A_475 to %scan3A_477 step %scan3A_478 iter_args(%scan3A_528 = %scan3A_474) -> (i32)  : i32 {
          %mul3A_529 = arith.constant 2 : i32
          %mul3A_530 = arith.muli %scan3A_527, %mul3A_529 : i32
          %add3A_531 = arith.constant 1 : i32
          %add3A_532 = arith.addi %mul3A_530, %add3A_531 : i32
          %add3A_533 = arith.addi %mul3A_473, %mul3A_530 : i32
          %broadcast_in_dim3A_534 = vector.broadcast %add3A_533 : i32 to vector<16xi32>
          %add3A_535 = arith.addi %mul3A_473, %add3A_532 : i32
          %broadcast_in_dim3A_536 = vector.broadcast %add3A_535 : i32 to vector<16xi32>
          %gather3A = tpu.vector_load_idx %arg9[%broadcast_in_dim3A_534] : memref<4448xf32, #tpu.memory_space<vmem>>[vector<16xi32>], vector<16xf32>,
          %gather3A_537 = tpu.vector_load_idx %arg9[%broadcast_in_dim3A_536] : memref<4448xf32, #tpu.memory_space<vmem>>[vector<16xi32>], vector<16xf32>,
          %gather3A_538 = tpu.vector_load_idx %arg8[%broadcast_in_dim3A_534] : memref<4448xi32, #tpu.memory_space<vmem>>[vector<16xi32>], vector<16xi32>,
          %mul3A_539 = arith.constant 256 : i32
          %mul3A_540 = vector.broadcast %mul3A_539 : i32 to vector<16xi32>
          %mul3A_541 = arith.muli %gather3A_538, %mul3A_540 : vector<16xi32>
          %add3A_542 = arith.addi %mul3A_541, %iota3A : vector<16xi32>
          %gather3A_543 = tpu.vector_load_idx %arg8[%broadcast_in_dim3A_536] : memref<4448xi32, #tpu.memory_space<vmem>>[vector<16xi32>], vector<16xi32>,
          %mul3A_544 = arith.constant 256 : i32
          %mul3A_545 = vector.broadcast %mul3A_544 : i32 to vector<16xi32>
          %mul3A_546 = arith.muli %gather3A_543, %mul3A_545 : vector<16xi32>
          %add3A_547 = arith.addi %mul3A_546, %iota3A : vector<16xi32>
          %get3A_548 = arith.index_cast %mul3A_530 : i32 to index
          %get3A_549 = arith.constant 0 : index
          %get3A_550 = tpu.vector_load %arg12[%get3A_548, %get3A_549] {strides = array<i32>} : memref<64x256xf32, #tpu.memory_space<vmem>>, vector<16xf32>,
          %mul3A_551 = arith.mulf %get3A_550, %gather3A : vector<16xf32>
          %get3A_552 = arith.index_cast %add3A_532 : i32 to index
          %get3A_553 = arith.constant 0 : index
          %get3A_554 = tpu.vector_load %arg12[%get3A_552, %get3A_553] {strides = array<i32>} : memref<64x256xf32, #tpu.memory_space<vmem>>, vector<16xf32>,
          %mul3A_555 = arith.mulf %get3A_554, %gather3A_537 : vector<16xf32>
          %add3A_556 = arith.constant 0 : i32
          %add3A_557 = vector.broadcast %add3A_556 : i32 to vector<16xi32>
          %add3A_558 = arith.addi %add3A_542, %add3A_557 : vector<16xi32>
          tpu.vector_store_idx %arg14[%add3A_558], %mul3A_551 {add = true} : memref<81920xf32, #tpu.memory_space<vmem>>[vector<16xi32>], vector<16xf32>,
          %add3A_559 = arith.constant 0 : i32
          %add3A_560 = vector.broadcast %add3A_559 : i32 to vector<16xi32>
          %add3A_561 = arith.addi %add3A_547, %add3A_560 : vector<16xi32>
          tpu.vector_store_idx %arg14[%add3A_561], %mul3A_555 {add = true} : memref<81920xf32, #tpu.memory_space<vmem>>[vector<16xi32>], vector<16xf32>,
          %get3A_562 = arith.index_cast %mul3A_530 : i32 to index
          %get3A_563 = arith.constant 16 : index
          %get3A_564 = tpu.vector_load %arg12[%get3A_562, %get3A_563] {strides = array<i32>} : memref<64x256xf32, #tpu.memory_space<vmem>>, vector<16xf32>,
          %mul3A_565 = arith.mulf %get3A_564, %gather3A : vector<16xf32>
          %get3A_566 = arith.index_cast %add3A_532 : i32 to index
          %get3A_567 = arith.constant 16 : index
          %get3A_568 = tpu.vector_load %arg12[%get3A_566, %get3A_567] {strides = array<i32>} : memref<64x256xf32, #tpu.memory_space<vmem>>, vector<16xf32>,
          %mul3A_569 = arith.mulf %get3A_568, %gather3A_537 : vector<16xf32>
          %add3A_570 = arith.constant 16 : i32
          %add3A_571 = vector.broadcast %add3A_570 : i32 to vector<16xi32>
          %add3A_572 = arith.addi %add3A_542, %add3A_571 : vector<16xi32>
          tpu.vector_store_idx %arg14[%add3A_572], %mul3A_565 {add = true} : memref<81920xf32, #tpu.memory_space<vmem>>[vector<16xi32>], vector<16xf32>,
          %add3A_573 = arith.constant 16 : i32
          %add3A_574 = vector.broadcast %add3A_573 : i32 to vector<16xi32>
          %add3A_575 = arith.addi %add3A_547, %add3A_574 : vector<16xi32>
          tpu.vector_store_idx %arg14[%add3A_575], %mul3A_569 {add = true} : memref<81920xf32, #tpu.memory_space<vmem>>[vector<16xi32>], vector<16xf32>,
          %get3A_576 = arith.index_cast %mul3A_530 : i32 to index
          %get3A_577 = arith.constant 32 : index
          %get3A_578 = tpu.vector_load %arg12[%get3A_576, %get3A_577] {strides = array<i32>} : memref<64x256xf32, #tpu.memory_space<vmem>>, vector<16xf32>,
          %mul3A_579 = arith.mulf %get3A_578, %gather3A : vector<16xf32>
          %get3A_580 = arith.index_cast %add3A_532 : i32 to index
          %get3A_581 = arith.constant 32 : index
          %get3A_582 = tpu.vector_load %arg12[%get3A_580, %get3A_581] {strides = array<i32>} : memref<64x256xf32, #tpu.memory_space<vmem>>, vector<16xf32>,
          %mul3A_583 = arith.mulf %get3A_582, %gather3A_537 : vector<16xf32>
          %add3A_584 = arith.constant 32 : i32
          %add3A_585 = vector.broadcast %add3A_584 : i32 to vector<16xi32>
          %add3A_586 = arith.addi %add3A_542, %add3A_585 : vector<16xi32>
          tpu.vector_store_idx %arg14[%add3A_586], %mul3A_579 {add = true} : memref<81920xf32, #tpu.memory_space<vmem>>[vector<16xi32>], vector<16xf32>,
          %add3A_587 = arith.constant 32 : i32
          %add3A_588 = vector.broadcast %add3A_587 : i32 to vector<16xi32>
          %add3A_589 = arith.addi %add3A_547, %add3A_588 : vector<16xi32>
          tpu.vector_store_idx %arg14[%add3A_589], %mul3A_583 {add = true} : memref<81920xf32, #tpu.memory_space<vmem>>[vector<16xi32>], vector<16xf32>,
          %get3A_590 = arith.index_cast %mul3A_530 : i32 to index
          %get3A_591 = arith.constant 48 : index
          %get3A_592 = tpu.vector_load %arg12[%get3A_590, %get3A_591] {strides = array<i32>} : memref<64x256xf32, #tpu.memory_space<vmem>>, vector<16xf32>,
          %mul3A_593 = arith.mulf %get3A_592, %gather3A : vector<16xf32>
          %get3A_594 = arith.index_cast %add3A_532 : i32 to index
          %get3A_595 = arith.constant 48 : index
          %get3A_596 = tpu.vector_load %arg12[%get3A_594, %get3A_595] {strides = array<i32>} : memref<64x256xf32, #tpu.memory_space<vmem>>, vector<16xf32>,
          %mul3A_597 = arith.mulf %get3A_596, %gather3A_537 : vector<16xf32>
          %add3A_598 = arith.constant 48 : i32
          %add3A_599 = vector.broadcast %add3A_598 : i32 to vector<16xi32>
          %add3A_600 = arith.addi %add3A_542, %add3A_599 : vector<16xi32>
          tpu.vector_store_idx %arg14[%add3A_600], %mul3A_593 {add = true} : memref<81920xf32, #tpu.memory_space<vmem>>[vector<16xi32>], vector<16xf32>,
          %add3A_601 = arith.constant 48 : i32
          %add3A_602 = vector.broadcast %add3A_601 : i32 to vector<16xi32>
          %add3A_603 = arith.addi %add3A_547, %add3A_602 : vector<16xi32>
          tpu.vector_store_idx %arg14[%add3A_603], %mul3A_597 {add = true} : memref<81920xf32, #tpu.memory_space<vmem>>[vector<16xi32>], vector<16xf32>,
          %get3A_604 = arith.index_cast %mul3A_530 : i32 to index
          %get3A_605 = arith.constant 64 : index
          %get3A_606 = tpu.vector_load %arg12[%get3A_604, %get3A_605] {strides = array<i32>} : memref<64x256xf32, #tpu.memory_space<vmem>>, vector<16xf32>,
          %mul3A_607 = arith.mulf %get3A_606, %gather3A : vector<16xf32>
          %get3A_608 = arith.index_cast %add3A_532 : i32 to index
          %get3A_609 = arith.constant 64 : index
          %get3A_610 = tpu.vector_load %arg12[%get3A_608, %get3A_609] {strides = array<i32>} : memref<64x256xf32, #tpu.memory_space<vmem>>, vector<16xf32>,
          %mul3A_611 = arith.mulf %get3A_610, %gather3A_537 : vector<16xf32>
          %add3A_612 = arith.constant 64 : i32
          %add3A_613 = vector.broadcast %add3A_612 : i32 to vector<16xi32>
          %add3A_614 = arith.addi %add3A_542, %add3A_613 : vector<16xi32>
          tpu.vector_store_idx %arg14[%add3A_614], %mul3A_607 {add = true} : memref<81920xf32, #tpu.memory_space<vmem>>[vector<16xi32>], vector<16xf32>,
          %add3A_615 = arith.constant 64 : i32
          %add3A_616 = vector.broadcast %add3A_615 : i32 to vector<16xi32>
          %add3A_617 = arith.addi %add3A_547, %add3A_616 : vector<16xi32>
          tpu.vector_store_idx %arg14[%add3A_617], %mul3A_611 {add = true} : memref<81920xf32, #tpu.memory_space<vmem>>[vector<16xi32>], vector<16xf32>,
          %get3A_618 = arith.index_cast %mul3A_530 : i32 to index
          %get3A_619 = arith.constant 80 : index
          %get3A_620 = tpu.vector_load %arg12[%get3A_618, %get3A_619] {strides = array<i32>} : memref<64x256xf32, #tpu.memory_space<vmem>>, vector<16xf32>,
          %mul3A_621 = arith.mulf %get3A_620, %gather3A : vector<16xf32>
          %get3A_622 = arith.index_cast %add3A_532 : i32 to index
          %get3A_623 = arith.constant 80 : index
          %get3A_624 = tpu.vector_load %arg12[%get3A_622, %get3A_623] {strides = array<i32>} : memref<64x256xf32, #tpu.memory_space<vmem>>, vector<16xf32>,
          %mul3A_625 = arith.mulf %get3A_624, %gather3A_537 : vector<16xf32>
          %add3A_626 = arith.constant 80 : i32
          %add3A_627 = vector.broadcast %add3A_626 : i32 to vector<16xi32>
          %add3A_628 = arith.addi %add3A_542, %add3A_627 : vector<16xi32>
          tpu.vector_store_idx %arg14[%add3A_628], %mul3A_621 {add = true} : memref<81920xf32, #tpu.memory_space<vmem>>[vector<16xi32>], vector<16xf32>,
          %add3A_629 = arith.constant 80 : i32
          %add3A_630 = vector.broadcast %add3A_629 : i32 to vector<16xi32>
          %add3A_631 = arith.addi %add3A_547, %add3A_630 : vector<16xi32>
          tpu.vector_store_idx %arg14[%add3A_631], %mul3A_625 {add = true} : memref<81920xf32, #tpu.memory_space<vmem>>[vector<16xi32>], vector<16xf32>,
          %get3A_632 = arith.index_cast %mul3A_530 : i32 to index
          %get3A_633 = arith.constant 96 : index
          %get3A_634 = tpu.vector_load %arg12[%get3A_632, %get3A_633] {strides = array<i32>} : memref<64x256xf32, #tpu.memory_space<vmem>>, vector<16xf32>,
          %mul3A_635 = arith.mulf %get3A_634, %gather3A : vector<16xf32>
          %get3A_636 = arith.index_cast %add3A_532 : i32 to index
          %get3A_637 = arith.constant 96 : index
          %get3A_638 = tpu.vector_load %arg12[%get3A_636, %get3A_637] {strides = array<i32>} : memref<64x256xf32, #tpu.memory_space<vmem>>, vector<16xf32>,
          %mul3A_639 = arith.mulf %get3A_638, %gather3A_537 : vector<16xf32>
          %add3A_640 = arith.constant 96 : i32
          %add3A_641 = vector.broadcast %add3A_640 : i32 to vector<16xi32>
          %add3A_642 = arith.addi %add3A_542, %add3A_641 : vector<16xi32>
          tpu.vector_store_idx %arg14[%add3A_642], %mul3A_635 {add = true} : memref<81920xf32, #tpu.memory_space<vmem>>[vector<16xi32>], vector<16xf32>,
          %add3A_643 = arith.constant 96 : i32
          %add3A_644 = vector.broadcast %add3A_643 : i32 to vector<16xi32>
          %add3A_645 = arith.addi %add3A_547, %add3A_644 : vector<16xi32>
          tpu.vector_store_idx %arg14[%add3A_645], %mul3A_639 {add = true} : memref<81920xf32, #tpu.memory_space<vmem>>[vector<16xi32>], vector<16xf32>,
          %get3A_646 = arith.index_cast %mul3A_530 : i32 to index
          %get3A_647 = arith.constant 112 : index
          %get3A_648 = tpu.vector_load %arg12[%get3A_646, %get3A_647] {strides = array<i32>} : memref<64x256xf32, #tpu.memory_space<vmem>>, vector<16xf32>,
          %mul3A_649 = arith.mulf %get3A_648, %gather3A : vector<16xf32>
          %get3A_650 = arith.index_cast %add3A_532 : i32 to index
          %get3A_651 = arith.constant 112 : index
          %get3A_652 = tpu.vector_load %arg12[%get3A_650, %get3A_651] {strides = array<i32>} : memref<64x256xf32, #tpu.memory_space<vmem>>, vector<16xf32>,
          %mul3A_653 = arith.mulf %get3A_652, %gather3A_537 : vector<16xf32>
          %add3A_654 = arith.constant 112 : i32
          %add3A_655 = vector.broadcast %add3A_654 : i32 to vector<16xi32>
          %add3A_656 = arith.addi %add3A_542, %add3A_655 : vector<16xi32>
          tpu.vector_store_idx %arg14[%add3A_656], %mul3A_649 {add = true} : memref<81920xf32, #tpu.memory_space<vmem>>[vector<16xi32>], vector<16xf32>,
          %add3A_657 = arith.constant 112 : i32
          %add3A_658 = vector.broadcast %add3A_657 : i32 to vector<16xi32>
          %add3A_659 = arith.addi %add3A_547, %add3A_658 : vector<16xi32>
          tpu.vector_store_idx %arg14[%add3A_659], %mul3A_653 {add = true} : memref<81920xf32, #tpu.memory_space<vmem>>[vector<16xi32>], vector<16xf32>,
          %get3A_660 = arith.index_cast %mul3A_530 : i32 to index
          %get3A_661 = arith.constant 128 : index
          %get3A_662 = tpu.vector_load %arg12[%get3A_660, %get3A_661] {strides = array<i32>} : memref<64x256xf32, #tpu.memory_space<vmem>>, vector<16xf32>,
          %mul3A_663 = arith.mulf %get3A_662, %gather3A : vector<16xf32>
          %get3A_664 = arith.index_cast %add3A_532 : i32 to index
          %get3A_665 = arith.constant 128 : index
          %get3A_666 = tpu.vector_load %arg12[%get3A_664, %get3A_665] {strides = array<i32>} : memref<64x256xf32, #tpu.memory_space<vmem>>, vector<16xf32>,
          %mul3A_667 = arith.mulf %get3A_666, %gather3A_537 : vector<16xf32>
          %add3A_668 = arith.constant 128 : i32
          %add3A_669 = vector.broadcast %add3A_668 : i32 to vector<16xi32>
          %add3A_670 = arith.addi %add3A_542, %add3A_669 : vector<16xi32>
          tpu.vector_store_idx %arg14[%add3A_670], %mul3A_663 {add = true} : memref<81920xf32, #tpu.memory_space<vmem>>[vector<16xi32>], vector<16xf32>,
          %add3A_671 = arith.constant 128 : i32
          %add3A_672 = vector.broadcast %add3A_671 : i32 to vector<16xi32>
          %add3A_673 = arith.addi %add3A_547, %add3A_672 : vector<16xi32>
          tpu.vector_store_idx %arg14[%add3A_673], %mul3A_667 {add = true} : memref<81920xf32, #tpu.memory_space<vmem>>[vector<16xi32>], vector<16xf32>,
          %get3A_674 = arith.index_cast %mul3A_530 : i32 to index
          %get3A_675 = arith.constant 144 : index
          %get3A_676 = tpu.vector_load %arg12[%get3A_674, %get3A_675] {strides = array<i32>} : memref<64x256xf32, #tpu.memory_space<vmem>>, vector<16xf32>,
          %mul3A_677 = arith.mulf %get3A_676, %gather3A : vector<16xf32>
          %get3A_678 = arith.index_cast %add3A_532 : i32 to index
          %get3A_679 = arith.constant 144 : index
          %get3A_680 = tpu.vector_load %arg12[%get3A_678, %get3A_679] {strides = array<i32>} : memref<64x256xf32, #tpu.memory_space<vmem>>, vector<16xf32>,
          %mul3A_681 = arith.mulf %get3A_680, %gather3A_537 : vector<16xf32>
          %add3A_682 = arith.constant 144 : i32
          %add3A_683 = vector.broadcast %add3A_682 : i32 to vector<16xi32>
          %add3A_684 = arith.addi %add3A_542, %add3A_683 : vector<16xi32>
          tpu.vector_store_idx %arg14[%add3A_684], %mul3A_677 {add = true} : memref<81920xf32, #tpu.memory_space<vmem>>[vector<16xi32>], vector<16xf32>,
          %add3A_685 = arith.constant 144 : i32
          %add3A_686 = vector.broadcast %add3A_685 : i32 to vector<16xi32>
          %add3A_687 = arith.addi %add3A_547, %add3A_686 : vector<16xi32>
          tpu.vector_store_idx %arg14[%add3A_687], %mul3A_681 {add = true} : memref<81920xf32, #tpu.memory_space<vmem>>[vector<16xi32>], vector<16xf32>,
          %get3A_688 = arith.index_cast %mul3A_530 : i32 to index
          %get3A_689 = arith.constant 160 : index
          %get3A_690 = tpu.vector_load %arg12[%get3A_688, %get3A_689] {strides = array<i32>} : memref<64x256xf32, #tpu.memory_space<vmem>>, vector<16xf32>,
          %mul3A_691 = arith.mulf %get3A_690, %gather3A : vector<16xf32>
          %get3A_692 = arith.index_cast %add3A_532 : i32 to index
          %get3A_693 = arith.constant 160 : index
          %get3A_694 = tpu.vector_load %arg12[%get3A_692, %get3A_693] {strides = array<i32>} : memref<64x256xf32, #tpu.memory_space<vmem>>, vector<16xf32>,
          %mul3A_695 = arith.mulf %get3A_694, %gather3A_537 : vector<16xf32>
          %add3A_696 = arith.constant 160 : i32
          %add3A_697 = vector.broadcast %add3A_696 : i32 to vector<16xi32>
          %add3A_698 = arith.addi %add3A_542, %add3A_697 : vector<16xi32>
          tpu.vector_store_idx %arg14[%add3A_698], %mul3A_691 {add = true} : memref<81920xf32, #tpu.memory_space<vmem>>[vector<16xi32>], vector<16xf32>,
          %add3A_699 = arith.constant 160 : i32
          %add3A_700 = vector.broadcast %add3A_699 : i32 to vector<16xi32>
          %add3A_701 = arith.addi %add3A_547, %add3A_700 : vector<16xi32>
          tpu.vector_store_idx %arg14[%add3A_701], %mul3A_695 {add = true} : memref<81920xf32, #tpu.memory_space<vmem>>[vector<16xi32>], vector<16xf32>,
          %get3A_702 = arith.index_cast %mul3A_530 : i32 to index
          %get3A_703 = arith.constant 176 : index
          %get3A_704 = tpu.vector_load %arg12[%get3A_702, %get3A_703] {strides = array<i32>} : memref<64x256xf32, #tpu.memory_space<vmem>>, vector<16xf32>,
          %mul3A_705 = arith.mulf %get3A_704, %gather3A : vector<16xf32>
          %get3A_706 = arith.index_cast %add3A_532 : i32 to index
          %get3A_707 = arith.constant 176 : index
          %get3A_708 = tpu.vector_load %arg12[%get3A_706, %get3A_707] {strides = array<i32>} : memref<64x256xf32, #tpu.memory_space<vmem>>, vector<16xf32>,
          %mul3A_709 = arith.mulf %get3A_708, %gather3A_537 : vector<16xf32>
          %add3A_710 = arith.constant 176 : i32
          %add3A_711 = vector.broadcast %add3A_710 : i32 to vector<16xi32>
          %add3A_712 = arith.addi %add3A_542, %add3A_711 : vector<16xi32>
          tpu.vector_store_idx %arg14[%add3A_712], %mul3A_705 {add = true} : memref<81920xf32, #tpu.memory_space<vmem>>[vector<16xi32>], vector<16xf32>,
          %add3A_713 = arith.constant 176 : i32
          %add3A_714 = vector.broadcast %add3A_713 : i32 to vector<16xi32>
          %add3A_715 = arith.addi %add3A_547, %add3A_714 : vector<16xi32>
          tpu.vector_store_idx %arg14[%add3A_715], %mul3A_709 {add = true} : memref<81920xf32, #tpu.memory_space<vmem>>[vector<16xi32>], vector<16xf32>,
          %get3A_716 = arith.index_cast %mul3A_530 : i32 to index
          %get3A_717 = arith.constant 192 : index
          %get3A_718 = tpu.vector_load %arg12[%get3A_716, %get3A_717] {strides = array<i32>} : memref<64x256xf32, #tpu.memory_space<vmem>>, vector<16xf32>,
          %mul3A_719 = arith.mulf %get3A_718, %gather3A : vector<16xf32>
          %get3A_720 = arith.index_cast %add3A_532 : i32 to index
          %get3A_721 = arith.constant 192 : index
          %get3A_722 = tpu.vector_load %arg12[%get3A_720, %get3A_721] {strides = array<i32>} : memref<64x256xf32, #tpu.memory_space<vmem>>, vector<16xf32>,
          %mul3A_723 = arith.mulf %get3A_722, %gather3A_537 : vector<16xf32>
          %add3A_724 = arith.constant 192 : i32
          %add3A_725 = vector.broadcast %add3A_724 : i32 to vector<16xi32>
          %add3A_726 = arith.addi %add3A_542, %add3A_725 : vector<16xi32>
          tpu.vector_store_idx %arg14[%add3A_726], %mul3A_719 {add = true} : memref<81920xf32, #tpu.memory_space<vmem>>[vector<16xi32>], vector<16xf32>,
          %add3A_727 = arith.constant 192 : i32
          %add3A_728 = vector.broadcast %add3A_727 : i32 to vector<16xi32>
          %add3A_729 = arith.addi %add3A_547, %add3A_728 : vector<16xi32>
          tpu.vector_store_idx %arg14[%add3A_729], %mul3A_723 {add = true} : memref<81920xf32, #tpu.memory_space<vmem>>[vector<16xi32>], vector<16xf32>,
          %get3A_730 = arith.index_cast %mul3A_530 : i32 to index
          %get3A_731 = arith.constant 208 : index
          %get3A_732 = tpu.vector_load %arg12[%get3A_730, %get3A_731] {strides = array<i32>} : memref<64x256xf32, #tpu.memory_space<vmem>>, vector<16xf32>,
          %mul3A_733 = arith.mulf %get3A_732, %gather3A : vector<16xf32>
          %get3A_734 = arith.index_cast %add3A_532 : i32 to index
          %get3A_735 = arith.constant 208 : index
          %get3A_736 = tpu.vector_load %arg12[%get3A_734, %get3A_735] {strides = array<i32>} : memref<64x256xf32, #tpu.memory_space<vmem>>, vector<16xf32>,
          %mul3A_737 = arith.mulf %get3A_736, %gather3A_537 : vector<16xf32>
          %add3A_738 = arith.constant 208 : i32
          %add3A_739 = vector.broadcast %add3A_738 : i32 to vector<16xi32>
          %add3A_740 = arith.addi %add3A_542, %add3A_739 : vector<16xi32>
          tpu.vector_store_idx %arg14[%add3A_740], %mul3A_733 {add = true} : memref<81920xf32, #tpu.memory_space<vmem>>[vector<16xi32>], vector<16xf32>,
          %add3A_741 = arith.constant 208 : i32
          %add3A_742 = vector.broadcast %add3A_741 : i32 to vector<16xi32>
          %add3A_743 = arith.addi %add3A_547, %add3A_742 : vector<16xi32>
          tpu.vector_store_idx %arg14[%add3A_743], %mul3A_737 {add = true} : memref<81920xf32, #tpu.memory_space<vmem>>[vector<16xi32>], vector<16xf32>,
          %get3A_744 = arith.index_cast %mul3A_530 : i32 to index
          %get3A_745 = arith.constant 224 : index
          %get3A_746 = tpu.vector_load %arg12[%get3A_744, %get3A_745] {strides = array<i32>} : memref<64x256xf32, #tpu.memory_space<vmem>>, vector<16xf32>,
          %mul3A_747 = arith.mulf %get3A_746, %gather3A : vector<16xf32>
          %get3A_748 = arith.index_cast %add3A_532 : i32 to index
          %get3A_749 = arith.constant 224 : index
          %get3A_750 = tpu.vector_load %arg12[%get3A_748, %get3A_749] {strides = array<i32>} : memref<64x256xf32, #tpu.memory_space<vmem>>, vector<16xf32>,
          %mul3A_751 = arith.mulf %get3A_750, %gather3A_537 : vector<16xf32>
          %add3A_752 = arith.constant 224 : i32
          %add3A_753 = vector.broadcast %add3A_752 : i32 to vector<16xi32>
          %add3A_754 = arith.addi %add3A_542, %add3A_753 : vector<16xi32>
          tpu.vector_store_idx %arg14[%add3A_754], %mul3A_747 {add = true} : memref<81920xf32, #tpu.memory_space<vmem>>[vector<16xi32>], vector<16xf32>,
          %add3A_755 = arith.constant 224 : i32
          %add3A_756 = vector.broadcast %add3A_755 : i32 to vector<16xi32>
          %add3A_757 = arith.addi %add3A_547, %add3A_756 : vector<16xi32>
          tpu.vector_store_idx %arg14[%add3A_757], %mul3A_751 {add = true} : memref<81920xf32, #tpu.memory_space<vmem>>[vector<16xi32>], vector<16xf32>,
          %get3A_758 = arith.index_cast %mul3A_530 : i32 to index
          %get3A_759 = arith.constant 240 : index
          %get3A_760 = tpu.vector_load %arg12[%get3A_758, %get3A_759] {strides = array<i32>} : memref<64x256xf32, #tpu.memory_space<vmem>>, vector<16xf32>,
          %mul3A_761 = arith.mulf %get3A_760, %gather3A : vector<16xf32>
          %get3A_762 = arith.index_cast %add3A_532 : i32 to index
          %get3A_763 = arith.constant 240 : index
          %get3A_764 = tpu.vector_load %arg12[%get3A_762, %get3A_763] {strides = array<i32>} : memref<64x256xf32, #tpu.memory_space<vmem>>, vector<16xf32>,
          %mul3A_765 = arith.mulf %get3A_764, %gather3A_537 : vector<16xf32>
          %add3A_766 = arith.constant 240 : i32
          %add3A_767 = vector.broadcast %add3A_766 : i32 to vector<16xi32>
          %add3A_768 = arith.addi %add3A_542, %add3A_767 : vector<16xi32>
          tpu.vector_store_idx %arg14[%add3A_768], %mul3A_761 {add = true} : memref<81920xf32, #tpu.memory_space<vmem>>[vector<16xi32>], vector<16xf32>,
          %add3A_769 = arith.constant 240 : i32
          %add3A_770 = vector.broadcast %add3A_769 : i32 to vector<16xi32>
          %add3A_771 = arith.addi %add3A_547, %add3A_770 : vector<16xi32>
          tpu.vector_store_idx %arg14[%add3A_771], %mul3A_765 {add = true} : memref<81920xf32, #tpu.memory_space<vmem>>[vector<16xi32>], vector<16xf32>,
          %scan3A_772 = arith.constant 0 : i32
          scf.yield %scan3A_772 : i32
        }
        %scan3A_480 = arith.constant 32 : i32
        %add3A_481 = arith.constant 2 : i32
        %add3A_482 = arith.addi %mul3A_437, %add3A_481 : i32
        %mul3A_483 = arith.constant 64 : i32
        %mul3A_484 = arith.muli %add3A_482, %mul3A_483 : i32
        %add3A_485 = arith.constant 0 : i32
        %add3A_486 = arith.addi %mul3A_484, %add3A_485 : i32
        %get3A_487 = arith.index_cast %add3A_486 : i32 to index
        %get3A_488 = tpu.vector_load %arg7[%get3A_487] {strides = array<i32>} : memref<4448xi32, #tpu.memory_space<vmem>>, vector<16xi32>,
        %swap3A_489 = arith.constant 0 : index
        %swap3A_490 = tpu.vector_load %arg10[%swap3A_489] {strides = array<i32>} : memref<64xi32, #tpu.memory_space<vmem>>, vector<16xi32>,
        tpu.vector_store %arg10[%swap3A_489], %get3A_488 {strides = array<i32>} : memref<64xi32, #tpu.memory_space<vmem>>, vector<16xi32>,
        %add3A_491 = arith.constant 16 : i32
        %add3A_492 = arith.addi %mul3A_484, %add3A_491 : i32
        %get3A_493 = arith.index_cast %add3A_492 : i32 to index
        %get3A_494 = tpu.vector_load %arg7[%get3A_493] {strides = array<i32>} : memref<4448xi32, #tpu.memory_space<vmem>>, vector<16xi32>,
        %swap3A_495 = arith.constant 16 : index
        %swap3A_496 = tpu.vector_load %arg10[%swap3A_495] {strides = array<i32>} : memref<64xi32, #tpu.memory_space<vmem>>, vector<16xi32>,
        tpu.vector_store %arg10[%swap3A_495], %get3A_494 {strides = array<i32>} : memref<64xi32, #tpu.memory_space<vmem>>, vector<16xi32>,
        %add3A_497 = arith.constant 32 : i32
        %add3A_498 = arith.addi %mul3A_484, %add3A_497 : i32
        %get3A_499 = arith.index_cast %add3A_498 : i32 to index
        %get3A_500 = tpu.vector_load %arg7[%get3A_499] {strides = array<i32>} : memref<4448xi32, #tpu.memory_space<vmem>>, vector<16xi32>,
        %swap3A_501 = arith.constant 32 : index
        %swap3A_502 = tpu.vector_load %arg10[%swap3A_501] {strides = array<i32>} : memref<64xi32, #tpu.memory_space<vmem>>, vector<16xi32>,
        tpu.vector_store %arg10[%swap3A_501], %get3A_500 {strides = array<i32>} : memref<64xi32, #tpu.memory_space<vmem>>, vector<16xi32>,
        %add3A_503 = arith.constant 48 : i32
        %add3A_504 = arith.addi %mul3A_484, %add3A_503 : i32
        %get3A_505 = arith.index_cast %add3A_504 : i32 to index
        %get3A_506 = tpu.vector_load %arg7[%get3A_505] {strides = array<i32>} : memref<4448xi32, #tpu.memory_space<vmem>>, vector<16xi32>,
        %swap3A_507 = arith.constant 48 : index
        %swap3A_508 = tpu.vector_load %arg10[%swap3A_507] {strides = array<i32>} : memref<64xi32, #tpu.memory_space<vmem>>, vector<16xi32>,
        tpu.vector_store %arg10[%swap3A_507], %get3A_506 {strides = array<i32>} : memref<64xi32, #tpu.memory_space<vmem>>, vector<16xi32>,
        %dma_start3A_509 = arith.constant 0 : i32
        %dma_start3A_510 = arith.constant 0 : i32
        %dma_start3A_511 = tpu.memref_slice %arg5[%dma_start3A_509, %dma_start3A_510] : memref<10240x256xf32, #tpu.memory_space<hbm>> -> memref<10240x256xf32, #tpu.memory_space<hbm>>
        tpu.enqueue_indirect_dma source(%dma_start3A_511 : memref<10240x256xf32, #tpu.memory_space<hbm>>) target(%arg12 : memref<64x256xf32, #tpu.memory_space<vmem>>) offsets(%arg10 : memref<64xi32, #tpu.memory_space<vmem>>) semaphore(%arg15 : memref<!tpu.dma_semaphore, #tpu.memory_space<semaphore_mem>>)
        %dma_wait3A_512 = arith.constant 0 : i32
        %dma_wait3A_513 = arith.constant 0 : i32
        %dma_wait3A_514 = tpu.memref_slice %arg5[%dma_wait3A_512, %dma_wait3A_513] : memref<10240x256xf32, #tpu.memory_space<hbm>> -> memref<10240x256xf32, #tpu.memory_space<hbm>>
        tpu.wait_indirect_dma semaphore(%arg16 : memref<!tpu.dma_semaphore, #tpu.memory_space<semaphore_mem>>) src(%dma_wait3A_514 : memref<10240x256xf32, #tpu.memory_space<hbm>>) dst(%arg13 : memref<64x256xf32, #tpu.memory_space<vmem>>)
        %add3A_515 = arith.constant 1 : i32
        %add3A_516 = arith.addi %mul3A_437, %add3A_515 : i32
        %mul3A_517 = arith.constant 64 : i32
        %mul3A_518 = arith.muli %add3A_516, %mul3A_517 : i32
        %scan3A_519 = arith.constant 0 : i32
        %scan3A_520 = arith.constant 0 : i32
        %scan3A_521 = arith.constant 32 : i32
        %scan3A_522 = arith.addi %scan3A_520, %scan3A_521 : i32
        %scan3A_523 = arith.constant 1 : i32
        %scan3A_524 = scf.for %scan3A_527 = %scan3A_520 to %scan3A_522 step %scan3A_523 iter_args(%scan3A_528 = %scan3A_519) -> (i32)  : i32 {
          %mul3A_529 = arith.constant 2 : i32
          %mul3A_530 = arith.muli %scan3A_527, %mul3A_529 : i32
          %add3A_531 = arith.constant 1 : i32
          %add3A_532 = arith.addi %mul3A_530, %add3A_531 : i32
          %add3A_533 = arith.addi %mul3A_518, %mul3A_530 : i32
          %broadcast_in_dim3A_534 = vector.broadcast %add3A_533 : i32 to vector<16xi32>
          %add3A_535 = arith.addi %mul3A_518, %add3A_532 : i32
          %broadcast_in_dim3A_536 = vector.broadcast %add3A_535 : i32 to vector<16xi32>
          %gather3A = tpu.vector_load_idx %arg9[%broadcast_in_dim3A_534] : memref<4448xf32, #tpu.memory_space<vmem>>[vector<16xi32>], vector<16xf32>,
          %gather3A_537 = tpu.vector_load_idx %arg9[%broadcast_in_dim3A_536] : memref<4448xf32, #tpu.memory_space<vmem>>[vector<16xi32>], vector<16xf32>,
          %gather3A_538 = tpu.vector_load_idx %arg8[%broadcast_in_dim3A_534] : memref<4448xi32, #tpu.memory_space<vmem>>[vector<16xi32>], vector<16xi32>,
          %mul3A_539 = arith.constant 256 : i32
          %mul3A_540 = vector.broadcast %mul3A_539 : i32 to vector<16xi32>
          %mul3A_541 = arith.muli %gather3A_538, %mul3A_540 : vector<16xi32>
          %add3A_542 = arith.addi %mul3A_541, %iota3A : vector<16xi32>
          %gather3A_543 = tpu.vector_load_idx %arg8[%broadcast_in_dim3A_536] : memref<4448xi32, #tpu.memory_space<vmem>>[vector<16xi32>], vector<16xi32>,
          %mul3A_544 = arith.constant 256 : i32
          %mul3A_545 = vector.broadcast %mul3A_544 : i32 to vector<16xi32>
          %mul3A_546 = arith.muli %gather3A_543, %mul3A_545 : vector<16xi32>
          %add3A_547 = arith.addi %mul3A_546, %iota3A : vector<16xi32>
          %get3A_548 = arith.index_cast %mul3A_530 : i32 to index
          %get3A_549 = arith.constant 0 : index
          %get3A_550 = tpu.vector_load %arg13[%get3A_548, %get3A_549] {strides = array<i32>} : memref<64x256xf32, #tpu.memory_space<vmem>>, vector<16xf32>,
          %mul3A_551 = arith.mulf %get3A_550, %gather3A : vector<16xf32>
          %get3A_552 = arith.index_cast %add3A_532 : i32 to index
          %get3A_553 = arith.constant 0 : index
          %get3A_554 = tpu.vector_load %arg13[%get3A_552, %get3A_553] {strides = array<i32>} : memref<64x256xf32, #tpu.memory_space<vmem>>, vector<16xf32>,
          %mul3A_555 = arith.mulf %get3A_554, %gather3A_537 : vector<16xf32>
          %add3A_556 = arith.constant 0 : i32
          %add3A_557 = vector.broadcast %add3A_556 : i32 to vector<16xi32>
          %add3A_558 = arith.addi %add3A_542, %add3A_557 : vector<16xi32>
          tpu.vector_store_idx %arg14[%add3A_558], %mul3A_551 {add = true} : memref<81920xf32, #tpu.memory_space<vmem>>[vector<16xi32>], vector<16xf32>,
          %add3A_559 = arith.constant 0 : i32
          %add3A_560 = vector.broadcast %add3A_559 : i32 to vector<16xi32>
          %add3A_561 = arith.addi %add3A_547, %add3A_560 : vector<16xi32>
          tpu.vector_store_idx %arg14[%add3A_561], %mul3A_555 {add = true} : memref<81920xf32, #tpu.memory_space<vmem>>[vector<16xi32>], vector<16xf32>,
          %get3A_562 = arith.index_cast %mul3A_530 : i32 to index
          %get3A_563 = arith.constant 16 : index
          %get3A_564 = tpu.vector_load %arg13[%get3A_562, %get3A_563] {strides = array<i32>} : memref<64x256xf32, #tpu.memory_space<vmem>>, vector<16xf32>,
          %mul3A_565 = arith.mulf %get3A_564, %gather3A : vector<16xf32>
          %get3A_566 = arith.index_cast %add3A_532 : i32 to index
          %get3A_567 = arith.constant 16 : index
          %get3A_568 = tpu.vector_load %arg13[%get3A_566, %get3A_567] {strides = array<i32>} : memref<64x256xf32, #tpu.memory_space<vmem>>, vector<16xf32>,
          %mul3A_569 = arith.mulf %get3A_568, %gather3A_537 : vector<16xf32>
          %add3A_570 = arith.constant 16 : i32
          %add3A_571 = vector.broadcast %add3A_570 : i32 to vector<16xi32>
          %add3A_572 = arith.addi %add3A_542, %add3A_571 : vector<16xi32>
          tpu.vector_store_idx %arg14[%add3A_572], %mul3A_565 {add = true} : memref<81920xf32, #tpu.memory_space<vmem>>[vector<16xi32>], vector<16xf32>,
          %add3A_573 = arith.constant 16 : i32
          %add3A_574 = vector.broadcast %add3A_573 : i32 to vector<16xi32>
          %add3A_575 = arith.addi %add3A_547, %add3A_574 : vector<16xi32>
          tpu.vector_store_idx %arg14[%add3A_575], %mul3A_569 {add = true} : memref<81920xf32, #tpu.memory_space<vmem>>[vector<16xi32>], vector<16xf32>,
          %get3A_576 = arith.index_cast %mul3A_530 : i32 to index
          %get3A_577 = arith.constant 32 : index
          %get3A_578 = tpu.vector_load %arg13[%get3A_576, %get3A_577] {strides = array<i32>} : memref<64x256xf32, #tpu.memory_space<vmem>>, vector<16xf32>,
          %mul3A_579 = arith.mulf %get3A_578, %gather3A : vector<16xf32>
          %get3A_580 = arith.index_cast %add3A_532 : i32 to index
          %get3A_581 = arith.constant 32 : index
          %get3A_582 = tpu.vector_load %arg13[%get3A_580, %get3A_581] {strides = array<i32>} : memref<64x256xf32, #tpu.memory_space<vmem>>, vector<16xf32>,
          %mul3A_583 = arith.mulf %get3A_582, %gather3A_537 : vector<16xf32>
          %add3A_584 = arith.constant 32 : i32
          %add3A_585 = vector.broadcast %add3A_584 : i32 to vector<16xi32>
          %add3A_586 = arith.addi %add3A_542, %add3A_585 : vector<16xi32>
          tpu.vector_store_idx %arg14[%add3A_586], %mul3A_579 {add = true} : memref<81920xf32, #tpu.memory_space<vmem>>[vector<16xi32>], vector<16xf32>,
          %add3A_587 = arith.constant 32 : i32
          %add3A_588 = vector.broadcast %add3A_587 : i32 to vector<16xi32>
          %add3A_589 = arith.addi %add3A_547, %add3A_588 : vector<16xi32>
          tpu.vector_store_idx %arg14[%add3A_589], %mul3A_583 {add = true} : memref<81920xf32, #tpu.memory_space<vmem>>[vector<16xi32>], vector<16xf32>,
          %get3A_590 = arith.index_cast %mul3A_530 : i32 to index
          %get3A_591 = arith.constant 48 : index
          %get3A_592 = tpu.vector_load %arg13[%get3A_590, %get3A_591] {strides = array<i32>} : memref<64x256xf32, #tpu.memory_space<vmem>>, vector<16xf32>,
          %mul3A_593 = arith.mulf %get3A_592, %gather3A : vector<16xf32>
          %get3A_594 = arith.index_cast %add3A_532 : i32 to index
          %get3A_595 = arith.constant 48 : index
          %get3A_596 = tpu.vector_load %arg13[%get3A_594, %get3A_595] {strides = array<i32>} : memref<64x256xf32, #tpu.memory_space<vmem>>, vector<16xf32>,
          %mul3A_597 = arith.mulf %get3A_596, %gather3A_537 : vector<16xf32>
          %add3A_598 = arith.constant 48 : i32
          %add3A_599 = vector.broadcast %add3A_598 : i32 to vector<16xi32>
          %add3A_600 = arith.addi %add3A_542, %add3A_599 : vector<16xi32>
          tpu.vector_store_idx %arg14[%add3A_600], %mul3A_593 {add = true} : memref<81920xf32, #tpu.memory_space<vmem>>[vector<16xi32>], vector<16xf32>,
          %add3A_601 = arith.constant 48 : i32
          %add3A_602 = vector.broadcast %add3A_601 : i32 to vector<16xi32>
          %add3A_603 = arith.addi %add3A_547, %add3A_602 : vector<16xi32>
          tpu.vector_store_idx %arg14[%add3A_603], %mul3A_597 {add = true} : memref<81920xf32, #tpu.memory_space<vmem>>[vector<16xi32>], vector<16xf32>,
          %get3A_604 = arith.index_cast %mul3A_530 : i32 to index
          %get3A_605 = arith.constant 64 : index
          %get3A_606 = tpu.vector_load %arg13[%get3A_604, %get3A_605] {strides = array<i32>} : memref<64x256xf32, #tpu.memory_space<vmem>>, vector<16xf32>,
          %mul3A_607 = arith.mulf %get3A_606, %gather3A : vector<16xf32>
          %get3A_608 = arith.index_cast %add3A_532 : i32 to index
          %get3A_609 = arith.constant 64 : index
          %get3A_610 = tpu.vector_load %arg13[%get3A_608, %get3A_609] {strides = array<i32>} : memref<64x256xf32, #tpu.memory_space<vmem>>, vector<16xf32>,
          %mul3A_611 = arith.mulf %get3A_610, %gather3A_537 : vector<16xf32>
          %add3A_612 = arith.constant 64 : i32
          %add3A_613 = vector.broadcast %add3A_612 : i32 to vector<16xi32>
          %add3A_614 = arith.addi %add3A_542, %add3A_613 : vector<16xi32>
          tpu.vector_store_idx %arg14[%add3A_614], %mul3A_607 {add = true} : memref<81920xf32, #tpu.memory_space<vmem>>[vector<16xi32>], vector<16xf32>,
          %add3A_615 = arith.constant 64 : i32
          %add3A_616 = vector.broadcast %add3A_615 : i32 to vector<16xi32>
          %add3A_617 = arith.addi %add3A_547, %add3A_616 : vector<16xi32>
          tpu.vector_store_idx %arg14[%add3A_617], %mul3A_611 {add = true} : memref<81920xf32, #tpu.memory_space<vmem>>[vector<16xi32>], vector<16xf32>,
          %get3A_618 = arith.index_cast %mul3A_530 : i32 to index
          %get3A_619 = arith.constant 80 : index
          %get3A_620 = tpu.vector_load %arg13[%get3A_618, %get3A_619] {strides = array<i32>} : memref<64x256xf32, #tpu.memory_space<vmem>>, vector<16xf32>,
          %mul3A_621 = arith.mulf %get3A_620, %gather3A : vector<16xf32>
          %get3A_622 = arith.index_cast %add3A_532 : i32 to index
          %get3A_623 = arith.constant 80 : index
          %get3A_624 = tpu.vector_load %arg13[%get3A_622, %get3A_623] {strides = array<i32>} : memref<64x256xf32, #tpu.memory_space<vmem>>, vector<16xf32>,
          %mul3A_625 = arith.mulf %get3A_624, %gather3A_537 : vector<16xf32>
          %add3A_626 = arith.constant 80 : i32
          %add3A_627 = vector.broadcast %add3A_626 : i32 to vector<16xi32>
          %add3A_628 = arith.addi %add3A_542, %add3A_627 : vector<16xi32>
          tpu.vector_store_idx %arg14[%add3A_628], %mul3A_621 {add = true} : memref<81920xf32, #tpu.memory_space<vmem>>[vector<16xi32>], vector<16xf32>,
          %add3A_629 = arith.constant 80 : i32
          %add3A_630 = vector.broadcast %add3A_629 : i32 to vector<16xi32>
          %add3A_631 = arith.addi %add3A_547, %add3A_630 : vector<16xi32>
          tpu.vector_store_idx %arg14[%add3A_631], %mul3A_625 {add = true} : memref<81920xf32, #tpu.memory_space<vmem>>[vector<16xi32>], vector<16xf32>,
          %get3A_632 = arith.index_cast %mul3A_530 : i32 to index
          %get3A_633 = arith.constant 96 : index
          %get3A_634 = tpu.vector_load %arg13[%get3A_632, %get3A_633] {strides = array<i32>} : memref<64x256xf32, #tpu.memory_space<vmem>>, vector<16xf32>,
          %mul3A_635 = arith.mulf %get3A_634, %gather3A : vector<16xf32>
          %get3A_636 = arith.index_cast %add3A_532 : i32 to index
          %get3A_637 = arith.constant 96 : index
          %get3A_638 = tpu.vector_load %arg13[%get3A_636, %get3A_637] {strides = array<i32>} : memref<64x256xf32, #tpu.memory_space<vmem>>, vector<16xf32>,
          %mul3A_639 = arith.mulf %get3A_638, %gather3A_537 : vector<16xf32>
          %add3A_640 = arith.constant 96 : i32
          %add3A_641 = vector.broadcast %add3A_640 : i32 to vector<16xi32>
          %add3A_642 = arith.addi %add3A_542, %add3A_641 : vector<16xi32>
          tpu.vector_store_idx %arg14[%add3A_642], %mul3A_635 {add = true} : memref<81920xf32, #tpu.memory_space<vmem>>[vector<16xi32>], vector<16xf32>,
          %add3A_643 = arith.constant 96 : i32
          %add3A_644 = vector.broadcast %add3A_643 : i32 to vector<16xi32>
          %add3A_645 = arith.addi %add3A_547, %add3A_644 : vector<16xi32>
          tpu.vector_store_idx %arg14[%add3A_645], %mul3A_639 {add = true} : memref<81920xf32, #tpu.memory_space<vmem>>[vector<16xi32>], vector<16xf32>,
          %get3A_646 = arith.index_cast %mul3A_530 : i32 to index
          %get3A_647 = arith.constant 112 : index
          %get3A_648 = tpu.vector_load %arg13[%get3A_646, %get3A_647] {strides = array<i32>} : memref<64x256xf32, #tpu.memory_space<vmem>>, vector<16xf32>,
          %mul3A_649 = arith.mulf %get3A_648, %gather3A : vector<16xf32>
          %get3A_650 = arith.index_cast %add3A_532 : i32 to index
          %get3A_651 = arith.constant 112 : index
          %get3A_652 = tpu.vector_load %arg13[%get3A_650, %get3A_651] {strides = array<i32>} : memref<64x256xf32, #tpu.memory_space<vmem>>, vector<16xf32>,
          %mul3A_653 = arith.mulf %get3A_652, %gather3A_537 : vector<16xf32>
          %add3A_654 = arith.constant 112 : i32
          %add3A_655 = vector.broadcast %add3A_654 : i32 to vector<16xi32>
          %add3A_656 = arith.addi %add3A_542, %add3A_655 : vector<16xi32>
          tpu.vector_store_idx %arg14[%add3A_656], %mul3A_649 {add = true} : memref<81920xf32, #tpu.memory_space<vmem>>[vector<16xi32>], vector<16xf32>,
          %add3A_657 = arith.constant 112 : i32
          %add3A_658 = vector.broadcast %add3A_657 : i32 to vector<16xi32>
          %add3A_659 = arith.addi %add3A_547, %add3A_658 : vector<16xi32>
          tpu.vector_store_idx %arg14[%add3A_659], %mul3A_653 {add = true} : memref<81920xf32, #tpu.memory_space<vmem>>[vector<16xi32>], vector<16xf32>,
          %get3A_660 = arith.index_cast %mul3A_530 : i32 to index
          %get3A_661 = arith.constant 128 : index
          %get3A_662 = tpu.vector_load %arg13[%get3A_660, %get3A_661] {strides = array<i32>} : memref<64x256xf32, #tpu.memory_space<vmem>>, vector<16xf32>,
          %mul3A_663 = arith.mulf %get3A_662, %gather3A : vector<16xf32>
          %get3A_664 = arith.index_cast %add3A_532 : i32 to index
          %get3A_665 = arith.constant 128 : index
          %get3A_666 = tpu.vector_load %arg13[%get3A_664, %get3A_665] {strides = array<i32>} : memref<64x256xf32, #tpu.memory_space<vmem>>, vector<16xf32>,
          %mul3A_667 = arith.mulf %get3A_666, %gather3A_537 : vector<16xf32>
          %add3A_668 = arith.constant 128 : i32
          %add3A_669 = vector.broadcast %add3A_668 : i32 to vector<16xi32>
          %add3A_670 = arith.addi %add3A_542, %add3A_669 : vector<16xi32>
          tpu.vector_store_idx %arg14[%add3A_670], %mul3A_663 {add = true} : memref<81920xf32, #tpu.memory_space<vmem>>[vector<16xi32>], vector<16xf32>,
          %add3A_671 = arith.constant 128 : i32
          %add3A_672 = vector.broadcast %add3A_671 : i32 to vector<16xi32>
          %add3A_673 = arith.addi %add3A_547, %add3A_672 : vector<16xi32>
          tpu.vector_store_idx %arg14[%add3A_673], %mul3A_667 {add = true} : memref<81920xf32, #tpu.memory_space<vmem>>[vector<16xi32>], vector<16xf32>,
          %get3A_674 = arith.index_cast %mul3A_530 : i32 to index
          %get3A_675 = arith.constant 144 : index
          %get3A_676 = tpu.vector_load %arg13[%get3A_674, %get3A_675] {strides = array<i32>} : memref<64x256xf32, #tpu.memory_space<vmem>>, vector<16xf32>,
          %mul3A_677 = arith.mulf %get3A_676, %gather3A : vector<16xf32>
          %get3A_678 = arith.index_cast %add3A_532 : i32 to index
          %get3A_679 = arith.constant 144 : index
          %get3A_680 = tpu.vector_load %arg13[%get3A_678, %get3A_679] {strides = array<i32>} : memref<64x256xf32, #tpu.memory_space<vmem>>, vector<16xf32>,
          %mul3A_681 = arith.mulf %get3A_680, %gather3A_537 : vector<16xf32>
          %add3A_682 = arith.constant 144 : i32
          %add3A_683 = vector.broadcast %add3A_682 : i32 to vector<16xi32>
          %add3A_684 = arith.addi %add3A_542, %add3A_683 : vector<16xi32>
          tpu.vector_store_idx %arg14[%add3A_684], %mul3A_677 {add = true} : memref<81920xf32, #tpu.memory_space<vmem>>[vector<16xi32>], vector<16xf32>,
          %add3A_685 = arith.constant 144 : i32
          %add3A_686 = vector.broadcast %add3A_685 : i32 to vector<16xi32>
          %add3A_687 = arith.addi %add3A_547, %add3A_686 : vector<16xi32>
          tpu.vector_store_idx %arg14[%add3A_687], %mul3A_681 {add = true} : memref<81920xf32, #tpu.memory_space<vmem>>[vector<16xi32>], vector<16xf32>,
          %get3A_688 = arith.index_cast %mul3A_530 : i32 to index
          %get3A_689 = arith.constant 160 : index
          %get3A_690 = tpu.vector_load %arg13[%get3A_688, %get3A_689] {strides = array<i32>} : memref<64x256xf32, #tpu.memory_space<vmem>>, vector<16xf32>,
          %mul3A_691 = arith.mulf %get3A_690, %gather3A : vector<16xf32>
          %get3A_692 = arith.index_cast %add3A_532 : i32 to index
          %get3A_693 = arith.constant 160 : index
          %get3A_694 = tpu.vector_load %arg13[%get3A_692, %get3A_693] {strides = array<i32>} : memref<64x256xf32, #tpu.memory_space<vmem>>, vector<16xf32>,
          %mul3A_695 = arith.mulf %get3A_694, %gather3A_537 : vector<16xf32>
          %add3A_696 = arith.constant 160 : i32
          %add3A_697 = vector.broadcast %add3A_696 : i32 to vector<16xi32>
          %add3A_698 = arith.addi %add3A_542, %add3A_697 : vector<16xi32>
          tpu.vector_store_idx %arg14[%add3A_698], %mul3A_691 {add = true} : memref<81920xf32, #tpu.memory_space<vmem>>[vector<16xi32>], vector<16xf32>,
          %add3A_699 = arith.constant 160 : i32
          %add3A_700 = vector.broadcast %add3A_699 : i32 to vector<16xi32>
          %add3A_701 = arith.addi %add3A_547, %add3A_700 : vector<16xi32>
          tpu.vector_store_idx %arg14[%add3A_701], %mul3A_695 {add = true} : memref<81920xf32, #tpu.memory_space<vmem>>[vector<16xi32>], vector<16xf32>,
          %get3A_702 = arith.index_cast %mul3A_530 : i32 to index
          %get3A_703 = arith.constant 176 : index
          %get3A_704 = tpu.vector_load %arg13[%get3A_702, %get3A_703] {strides = array<i32>} : memref<64x256xf32, #tpu.memory_space<vmem>>, vector<16xf32>,
          %mul3A_705 = arith.mulf %get3A_704, %gather3A : vector<16xf32>
          %get3A_706 = arith.index_cast %add3A_532 : i32 to index
          %get3A_707 = arith.constant 176 : index
          %get3A_708 = tpu.vector_load %arg13[%get3A_706, %get3A_707] {strides = array<i32>} : memref<64x256xf32, #tpu.memory_space<vmem>>, vector<16xf32>,
          %mul3A_709 = arith.mulf %get3A_708, %gather3A_537 : vector<16xf32>
          %add3A_710 = arith.constant 176 : i32
          %add3A_711 = vector.broadcast %add3A_710 : i32 to vector<16xi32>
          %add3A_712 = arith.addi %add3A_542, %add3A_711 : vector<16xi32>
          tpu.vector_store_idx %arg14[%add3A_712], %mul3A_705 {add = true} : memref<81920xf32, #tpu.memory_space<vmem>>[vector<16xi32>], vector<16xf32>,
          %add3A_713 = arith.constant 176 : i32
          %add3A_714 = vector.broadcast %add3A_713 : i32 to vector<16xi32>
          %add3A_715 = arith.addi %add3A_547, %add3A_714 : vector<16xi32>
          tpu.vector_store_idx %arg14[%add3A_715], %mul3A_709 {add = true} : memref<81920xf32, #tpu.memory_space<vmem>>[vector<16xi32>], vector<16xf32>,
          %get3A_716 = arith.index_cast %mul3A_530 : i32 to index
          %get3A_717 = arith.constant 192 : index
          %get3A_718 = tpu.vector_load %arg13[%get3A_716, %get3A_717] {strides = array<i32>} : memref<64x256xf32, #tpu.memory_space<vmem>>, vector<16xf32>,
          %mul3A_719 = arith.mulf %get3A_718, %gather3A : vector<16xf32>
          %get3A_720 = arith.index_cast %add3A_532 : i32 to index
          %get3A_721 = arith.constant 192 : index
          %get3A_722 = tpu.vector_load %arg13[%get3A_720, %get3A_721] {strides = array<i32>} : memref<64x256xf32, #tpu.memory_space<vmem>>, vector<16xf32>,
          %mul3A_723 = arith.mulf %get3A_722, %gather3A_537 : vector<16xf32>
          %add3A_724 = arith.constant 192 : i32
          %add3A_725 = vector.broadcast %add3A_724 : i32 to vector<16xi32>
          %add3A_726 = arith.addi %add3A_542, %add3A_725 : vector<16xi32>
          tpu.vector_store_idx %arg14[%add3A_726], %mul3A_719 {add = true} : memref<81920xf32, #tpu.memory_space<vmem>>[vector<16xi32>], vector<16xf32>,
          %add3A_727 = arith.constant 192 : i32
          %add3A_728 = vector.broadcast %add3A_727 : i32 to vector<16xi32>
          %add3A_729 = arith.addi %add3A_547, %add3A_728 : vector<16xi32>
          tpu.vector_store_idx %arg14[%add3A_729], %mul3A_723 {add = true} : memref<81920xf32, #tpu.memory_space<vmem>>[vector<16xi32>], vector<16xf32>,
          %get3A_730 = arith.index_cast %mul3A_530 : i32 to index
          %get3A_731 = arith.constant 208 : index
          %get3A_732 = tpu.vector_load %arg13[%get3A_730, %get3A_731] {strides = array<i32>} : memref<64x256xf32, #tpu.memory_space<vmem>>, vector<16xf32>,
          %mul3A_733 = arith.mulf %get3A_732, %gather3A : vector<16xf32>
          %get3A_734 = arith.index_cast %add3A_532 : i32 to index
          %get3A_735 = arith.constant 208 : index
          %get3A_736 = tpu.vector_load %arg13[%get3A_734, %get3A_735] {strides = array<i32>} : memref<64x256xf32, #tpu.memory_space<vmem>>, vector<16xf32>,
          %mul3A_737 = arith.mulf %get3A_736, %gather3A_537 : vector<16xf32>
          %add3A_738 = arith.constant 208 : i32
          %add3A_739 = vector.broadcast %add3A_738 : i32 to vector<16xi32>
          %add3A_740 = arith.addi %add3A_542, %add3A_739 : vector<16xi32>
          tpu.vector_store_idx %arg14[%add3A_740], %mul3A_733 {add = true} : memref<81920xf32, #tpu.memory_space<vmem>>[vector<16xi32>], vector<16xf32>,
          %add3A_741 = arith.constant 208 : i32
          %add3A_742 = vector.broadcast %add3A_741 : i32 to vector<16xi32>
          %add3A_743 = arith.addi %add3A_547, %add3A_742 : vector<16xi32>
          tpu.vector_store_idx %arg14[%add3A_743], %mul3A_737 {add = true} : memref<81920xf32, #tpu.memory_space<vmem>>[vector<16xi32>], vector<16xf32>,
          %get3A_744 = arith.index_cast %mul3A_530 : i32 to index
          %get3A_745 = arith.constant 224 : index
          %get3A_746 = tpu.vector_load %arg13[%get3A_744, %get3A_745] {strides = array<i32>} : memref<64x256xf32, #tpu.memory_space<vmem>>, vector<16xf32>,
          %mul3A_747 = arith.mulf %get3A_746, %gather3A : vector<16xf32>
          %get3A_748 = arith.index_cast %add3A_532 : i32 to index
          %get3A_749 = arith.constant 224 : index
          %get3A_750 = tpu.vector_load %arg13[%get3A_748, %get3A_749] {strides = array<i32>} : memref<64x256xf32, #tpu.memory_space<vmem>>, vector<16xf32>,
          %mul3A_751 = arith.mulf %get3A_750, %gather3A_537 : vector<16xf32>
          %add3A_752 = arith.constant 224 : i32
          %add3A_753 = vector.broadcast %add3A_752 : i32 to vector<16xi32>
          %add3A_754 = arith.addi %add3A_542, %add3A_753 : vector<16xi32>
          tpu.vector_store_idx %arg14[%add3A_754], %mul3A_747 {add = true} : memref<81920xf32, #tpu.memory_space<vmem>>[vector<16xi32>], vector<16xf32>,
          %add3A_755 = arith.constant 224 : i32
          %add3A_756 = vector.broadcast %add3A_755 : i32 to vector<16xi32>
          %add3A_757 = arith.addi %add3A_547, %add3A_756 : vector<16xi32>
          tpu.vector_store_idx %arg14[%add3A_757], %mul3A_751 {add = true} : memref<81920xf32, #tpu.memory_space<vmem>>[vector<16xi32>], vector<16xf32>,
          %get3A_758 = arith.index_cast %mul3A_530 : i32 to index
          %get3A_759 = arith.constant 240 : index
          %get3A_760 = tpu.vector_load %arg13[%get3A_758, %get3A_759] {strides = array<i32>} : memref<64x256xf32, #tpu.memory_space<vmem>>, vector<16xf32>,
          %mul3A_761 = arith.mulf %get3A_760, %gather3A : vector<16xf32>
          %get3A_762 = arith.index_cast %add3A_532 : i32 to index
          %get3A_763 = arith.constant 240 : index
          %get3A_764 = tpu.vector_load %arg13[%get3A_762, %get3A_763] {strides = array<i32>} : memref<64x256xf32, #tpu.memory_space<vmem>>, vector<16xf32>,
          %mul3A_765 = arith.mulf %get3A_764, %gather3A_537 : vector<16xf32>
          %add3A_766 = arith.constant 240 : i32
          %add3A_767 = vector.broadcast %add3A_766 : i32 to vector<16xi32>
          %add3A_768 = arith.addi %add3A_542, %add3A_767 : vector<16xi32>
          tpu.vector_store_idx %arg14[%add3A_768], %mul3A_761 {add = true} : memref<81920xf32, #tpu.memory_space<vmem>>[vector<16xi32>], vector<16xf32>,
          %add3A_769 = arith.constant 240 : i32
          %add3A_770 = vector.broadcast %add3A_769 : i32 to vector<16xi32>
          %add3A_771 = arith.addi %add3A_547, %add3A_770 : vector<16xi32>
          tpu.vector_store_idx %arg14[%add3A_771], %mul3A_765 {add = true} : memref<81920xf32, #tpu.memory_space<vmem>>[vector<16xi32>], vector<16xf32>,
          %scan3A_772 = arith.constant 0 : i32
          scf.yield %scan3A_772 : i32
        }
        %scan3A_525 = arith.constant 32 : i32
        %while3A_526 = arith.constant 0 : i32
        scf.yield %while3A_526 : i32
      }
      %dma_wait3A = arith.constant 0 : i32
      %dma_wait3A_431 = arith.constant 0 : i32
      %dma_wait3A_432 = tpu.memref_slice %arg5[%dma_wait3A, %dma_wait3A_431] : memref<10240x256xf32, #tpu.memory_space<hbm>> -> memref<10240x256xf32, #tpu.memory_space<hbm>>
      tpu.wait_indirect_dma semaphore(%arg15 : memref<!tpu.dma_semaphore, #tpu.memory_space<semaphore_mem>>) src(%dma_wait3A_432 : memref<10240x256xf32, #tpu.memory_space<hbm>>) dst(%arg12 : memref<64x256xf32, #tpu.memory_space<vmem>>)
      %scan3A_433 = arith.constant 0 : i32
      scf.yield %scan3A_433 : i32
    }
    %scan3A_16 = arith.constant 40 : i32
    %mul3A_17 = arith.constant 320 : i32
    %mul3A_18 = arith.muli %add3A, %mul3A_17 : i32
    %mul3A_19 = arith.constant 256 : i32
    %mul3A_20 = arith.muli %mul3A_18, %mul3A_19 : i32
    "tpu.region"() ({
      %run_scoped3A = tpu.sem_alloc : memref<!tpu.dma_semaphore, #tpu.memory_space<semaphore_mem>>
      %dma_start3A = tpu.memref_slice %arg6[%mul3A_20] : memref<2621440xf32, #tpu.memory_space<hbm>> -> memref<81920xf32, #tpu.memory_space<hbm>>
      %dma_start3A_21 = tpu.memref_slice %arg6[%mul3A_20] : memref<2621440xf32, #tpu.memory_space<hbm>> -> memref<81920xf32, #tpu.memory_space<hbm>>
      tpu.enqueue_dma source(%arg14 : memref<81920xf32, #tpu.memory_space<vmem>>) target(%dma_start3A_21 : memref<81920xf32, #tpu.memory_space<hbm>>) target_semaphore(%run_scoped3A : memref<!tpu.dma_semaphore, #tpu.memory_space<semaphore_mem>>)
      %dma_wait3A = tpu.memref_slice %arg6[%mul3A_20] : memref<2621440xf32, #tpu.memory_space<hbm>> -> memref<81920xf32, #tpu.memory_space<hbm>>
      %dma_wait3A_22 = tpu.memref_slice %arg6[%mul3A_20] : memref<2621440xf32, #tpu.memory_space<hbm>> -> memref<81920xf32, #tpu.memory_space<hbm>>
      tpu.wait_dma2 semaphore(%run_scoped3A : memref<!tpu.dma_semaphore, #tpu.memory_space<semaphore_mem>>) src(%arg14 : memref<81920xf32, #tpu.memory_space<vmem>>) dst(%dma_wait3A_22 : memref<81920xf32, #tpu.memory_space<hbm>>)
      tpu.yield
    }) : () -> ()
    return
  }
}

module attributes {stable_mosaic.version = 14 : i64} {
  func.func @body(%arg0: i32, %arg1: memref<128x256xf32, #tpu.memory_space<vmem>>, %arg2: memref<256x256xf32, #tpu.memory_space<vmem>>, %arg3: memref<128x1xf32, #tpu.memory_space<vmem>>, %arg4: memref<128x1xf32, #tpu.memory_space<vmem>>, %arg5: memref<128x256xf32, #tpu.memory_space<vmem>>) attributes {dimension_semantics = [#tpu.dimension_semantics<arbitrary>], iteration_bounds = array<i64: 80>, scalar_prefetch = 0 : i64, scratch_operands = 0 : i64, tpu.core_type = #tpu.core_type<tc>, window_params = [{transform_indices = @transform_0, window_bounds = array<i64: 128, 256>}, {pipeline_mode = #tpu.pipeline_mode<synchronous>, transform_indices = @transform_1, window_bounds = array<i64: 256, 256>}, {transform_indices = @transform_2, window_bounds = array<i64: 128, 1>}, {transform_indices = @transform_3, window_bounds = array<i64: 128, 1>}, {transform_indices = @transform_4, window_bounds = array<i64: 128, 256>}]} {
    %get3A = arith.constant 0 : index
    %get3A_0 = arith.constant 0 : index
    %get3A_1 = vector.load %arg3[%get3A, %get3A_0] : memref<128x1xf32, #tpu.memory_space<vmem>>, vector<128x1xf32>
    %get3A_2 = arith.constant 0 : index
    %get3A_3 = arith.constant 0 : index
    %get3A_4 = vector.load %arg4[%get3A_2, %get3A_3] : memref<128x1xf32, #tpu.memory_space<vmem>>, vector<128x1xf32>
    %add3A = arith.addf %get3A_1, %get3A_4 : vector<128x1xf32>
    %add3A_5 = arith.constant 1.000000e+00 : f32
    %add3A_6 = vector.broadcast %add3A_5 : f32 to vector<128x1xf32>
    %add3A_7 = arith.addf %add3A, %add3A_6 : vector<128x1xf32>
    %rsqrt3A = math.rsqrt %add3A_7 : vector<128x1xf32>
    %get3A_8 = arith.constant 0 : index
    %get3A_9 = arith.constant 0 : index
    %get3A_10 = vector.load %arg1[%get3A_8, %get3A_9] : memref<128x256xf32, #tpu.memory_space<vmem>>, vector<128x256xf32>
    %get3A_11 = arith.constant 0 : index
    %get3A_12 = arith.constant 0 : index
    %get3A_13 = vector.load %arg2[%get3A_11, %get3A_12] : memref<256x256xf32, #tpu.memory_space<vmem>>, vector<256x256xf32>
    %dot_general3A = arith.constant dense<0.000000e+00> : vector<128x256xf32>
    %dot_general3A_14 = tpu.matmul %get3A_10, %get3A_13, %dot_general3A {dimension_numbers = #tpu.dot_dimension_numbers<[1], [0], [0], [1], [0, 0, 1, 1], [], []>, transpose_lhs_hint = false} : vector<128x256xf32>, vector<256x256xf32>, vector<128x256xf32> -> vector<128x256xf32>
    %mul3A = vector.broadcast %rsqrt3A : vector<128x1xf32> to vector<128x256xf32>
    %mul3A_15 = arith.mulf %dot_general3A_14, %mul3A : vector<128x256xf32>
    %swap3A = arith.constant 0 : index
    %swap3A_16 = arith.constant 0 : index
    %swap3A_17 = vector.load %arg5[%swap3A, %swap3A_16] : memref<128x256xf32, #tpu.memory_space<vmem>>, vector<128x256xf32>
    tpu.vector_store %arg5[%swap3A, %swap3A_16], %mul3A_15 {strides = array<i32>} : memref<128x256xf32, #tpu.memory_space<vmem>>, vector<128x256xf32>,
    return
  }
  func.func @transform_0(%arg0: i32) -> (i32, i32) {
    %c0_i32 = arith.constant 0 : i32
    %c0_i32_0 = arith.constant 0 : i32
    return %arg0, %c0_i32 : i32, i32
  }
  func.func @transform_1(%arg0: i32) -> (i32, i32) {
    %c0_i32 = arith.constant 0 : i32
    %c0_i32_0 = arith.constant 0 : i32
    %c0_i32_1 = arith.constant 0 : i32
    return %c0_i32, %c0_i32_0 : i32, i32
  }
  func.func @transform_2(%arg0: i32) -> (i32, i32) {
    %c0_i32 = arith.constant 0 : i32
    %c0_i32_0 = arith.constant 0 : i32
    return %arg0, %c0_i32 : i32, i32
  }
  func.func @transform_3(%arg0: i32) -> (i32, i32) {
    %c0_i32 = arith.constant 0 : i32
    %c0_i32_0 = arith.constant 0 : i32
    return %arg0, %c0_i32 : i32, i32
  }
  func.func @transform_4(%arg0: i32) -> (i32, i32) {
    %c0_i32 = arith.constant 0 : i32
    %c0_i32_0 = arith.constant 0 : i32
    return %arg0, %c0_i32 : i32, i32
  }
}

module attributes {stable_mosaic.version = 14 : i64} {
  func.func @body(%arg0: i32, %arg1: memref<128x256xf32, #tpu.memory_space<vmem>>, %arg2: memref<128x256xf32, #tpu.memory_space<vmem>>, %arg3: memref<128x1xf32, #tpu.memory_space<vmem>>, %arg4: memref<128x1xf32, #tpu.memory_space<vmem>>, %arg5: memref<1x256xf32, #tpu.memory_space<vmem>>, %arg6: memref<128x256xf32, #tpu.memory_space<vmem>>) attributes {dimension_semantics = [#tpu.dimension_semantics<arbitrary>], iteration_bounds = array<i64: 80>, scalar_prefetch = 0 : i64, scratch_operands = 0 : i64, tpu.core_type = #tpu.core_type<tc>, window_params = [{transform_indices = @transform_0, window_bounds = array<i64: 128, 256>}, {transform_indices = @transform_1, window_bounds = array<i64: 128, 256>}, {transform_indices = @transform_2, window_bounds = array<i64: 128, 1>}, {transform_indices = @transform_3, window_bounds = array<i64: 128, 1>}, {pipeline_mode = #tpu.pipeline_mode<synchronous>, transform_indices = @transform_4, window_bounds = array<i64: 1, 256>}, {transform_indices = @transform_5, window_bounds = array<i64: 128, 256>}]} {
    %get3A = arith.constant 0 : index
    %get3A_0 = arith.constant 0 : index
    %get3A_1 = vector.load %arg3[%get3A, %get3A_0] : memref<128x1xf32, #tpu.memory_space<vmem>>, vector<128x1xf32>
    %get3A_2 = arith.constant 0 : index
    %get3A_3 = arith.constant 0 : index
    %get3A_4 = vector.load %arg4[%get3A_2, %get3A_3] : memref<128x1xf32, #tpu.memory_space<vmem>>, vector<128x1xf32>
    %add3A = arith.addf %get3A_1, %get3A_4 : vector<128x1xf32>
    %add3A_5 = arith.constant 1.000000e+00 : f32
    %add3A_6 = vector.broadcast %add3A_5 : f32 to vector<128x1xf32>
    %add3A_7 = arith.addf %add3A, %add3A_6 : vector<128x1xf32>
    %rsqrt3A = math.rsqrt %add3A_7 : vector<128x1xf32>
    %get3A_8 = arith.constant 0 : index
    %get3A_9 = arith.constant 0 : index
    %get3A_10 = vector.load %arg1[%get3A_8, %get3A_9] : memref<128x256xf32, #tpu.memory_space<vmem>>, vector<128x256xf32>
    %get3A_11 = arith.constant 0 : index
    %get3A_12 = arith.constant 0 : index
    %get3A_13 = vector.load %arg2[%get3A_11, %get3A_12] : memref<128x256xf32, #tpu.memory_space<vmem>>, vector<128x256xf32>
    %add3A_14 = arith.addf %get3A_10, %get3A_13 : vector<128x256xf32>
    %mul3A = vector.broadcast %rsqrt3A : vector<128x1xf32> to vector<128x256xf32>
    %mul3A_15 = arith.mulf %mul3A, %add3A_14 : vector<128x256xf32>
    %get3A_16 = arith.constant 0 : index
    %get3A_17 = arith.constant 0 : index
    %get3A_18 = vector.load %arg5[%get3A_16, %get3A_17] : memref<1x256xf32, #tpu.memory_space<vmem>>, vector<1x256xf32>
    %add3A_19 = vector.broadcast %get3A_18 : vector<1x256xf32> to vector<128x256xf32>
    %add3A_20 = arith.addf %mul3A_15, %add3A_19 : vector<128x256xf32>
    %swap3A = arith.constant 0 : index
    %swap3A_21 = arith.constant 0 : index
    %swap3A_22 = vector.load %arg6[%swap3A, %swap3A_21] : memref<128x256xf32, #tpu.memory_space<vmem>>, vector<128x256xf32>
    tpu.vector_store %arg6[%swap3A, %swap3A_21], %add3A_20 {strides = array<i32>} : memref<128x256xf32, #tpu.memory_space<vmem>>, vector<128x256xf32>,
    return
  }
  func.func @transform_0(%arg0: i32) -> (i32, i32) {
    %c0_i32 = arith.constant 0 : i32
    %c0_i32_0 = arith.constant 0 : i32
    return %arg0, %c0_i32 : i32, i32
  }
  func.func @transform_1(%arg0: i32) -> (i32, i32) {
    %c0_i32 = arith.constant 0 : i32
    %c0_i32_0 = arith.constant 0 : i32
    return %arg0, %c0_i32 : i32, i32
  }
  func.func @transform_2(%arg0: i32) -> (i32, i32) {
    %c0_i32 = arith.constant 0 : i32
    %c0_i32_0 = arith.constant 0 : i32
    return %arg0, %c0_i32 : i32, i32
  }
  func.func @transform_3(%arg0: i32) -> (i32, i32) {
    %c0_i32 = arith.constant 0 : i32
    %c0_i32_0 = arith.constant 0 : i32
    return %arg0, %c0_i32 : i32, i32
  }
  func.func @transform_4(%arg0: i32) -> (i32, i32) {
    %c0_i32 = arith.constant 0 : i32
    %c0_i32_0 = arith.constant 0 : i32
    %c0_i32_1 = arith.constant 0 : i32
    return %c0_i32, %c0_i32_0 : i32, i32
  }
  func.func @transform_5(%arg0: i32) -> (i32, i32) {
    %c0_i32 = arith.constant 0 : i32
    %c0_i32_0 = arith.constant 0 : i32
    return %arg0, %c0_i32 : i32, i32
  }
}

</mosaic_0001>

<sc_bundles>
// kernel: kernel.6.cloned.1.call-start
scs
__scs_entry_jumppad:
0x0: {  	(pc) =	sbr.rel $0x88, $3  }
0x1: {  	(tag) =	ssettag $0x0;
	lr =	simm.s32 $0x1  }
0x2: {  	[smem:$0x3F9C] =	sst lr;
	_ =	strace $0xD0000000  }
0x3: {  	_ = 	snop  }
0x4: {  	_ = 	snop  }
0x5: {  	_ = 	snop  }
0x6: {  	_ = 	snop  }
0x7: {  	_ = 	snop  }
__scs_overlays_trampoline_lowered:
0x8: {  	[smem:$0x3FAB] =	sst s0  }
0x9: {  	[smem:$0x3FAC] =	sst s1  }
0xa: {  	[smem:$0x3FAD] =	sst s2  }
0xb: {  	[smem:$0x3FAE] =	sst s3  }
0xc: {  	[smem:$0x3FAF] =	sst s4  }
0xd: {  	[smem:$0x3FB0] =	sst s5  }
0xe: {  	[smem:$0x3FB1] =	sst s6  }
0xf: {  	[smem:$0x3FB2] =	sst s7  }
0x10: {  	[smem:$0x3FB3] =	sst s8  }
0x11: {  	[smem:$0x3FB4] =	sst s9;
	s0 =	simm.s32 @!p0 $0x0  }
0x12: {  	s1 =	sld [smem:$0x3F9A];
	s0 =	simm.s32 @p0 $0x1  }
0x13: {  	[smem:$0x3FB5] =	sst s0;
	s0 =	simm.s32 @!p1 $0x0  }
0x14: {  	s2 =	sld [smem:$0x3F99];
	s0 =	simm.s32 @p1 $0x1  }
0x15: {  	[smem:$0x3FB6] =	sst s0;
	s0 =	simm.s32 @!p2 $0x0  }
0x16: {  	s3 =	sld [smem:$0x3FDB];
	s0 =	simm.s32 @p2 $0x1  }
0x17: {  	s4 =	simm.s32 $0x1BF5;
	[smem:$0x3FB8] =	sst s0  }
0x18: {  	s0 =	sld [smem:$0x3F9B];
	_ =	swait.ge [sflag:s4], $0x0  }
0x19: {  	s7 =	sld [smem:$0x3F9C]  }
0x1a: {  	s8 =	sadd.s32 $0xFFFFE003, lr  }
0x1b: {  	s9 =	sadd.s32 $0xFFFFFEF7, lr;
	s5 =	simm.s32 $0xFFFFFFFF;
	p2 =	slt.u32 s8, $0xFFFFF086  }
0x1c: {  	p1 =	slt.u32 s9, $0xF7A;
	s5 =	simm.s32 @!p2 $0x0  }
0x1d: {  	s5 =	simm.s32 @p1 $0x1;
	p0 =	seq.s32 s7, s2  }
0x1e: {  	s7 =	smul.u32 @!p0 $0xF7A, s2;
	p2 =	seq.s32 @!p0 s5, $0x0  }
0x1f: {  	s9 =	smul.u32 $0xF7A, s1;
	s8 =	simm.s32 @!p0 $0x1BF5;
	p2 =	por !p2, p0  }
0x20: {  	[sflag:s8] =	ssyncset.s32 @!p0 $0xFFFFF086;
	s6 =	sadd.s32 @!p0 s3, s7;
	s7 =	simm.s32 @!p0 $0x108  }
0x21: {  	s3 =	sadd.s32 s3, s9;
	s6 =	sadd.s32 @!p0 $0x88, s6;
	s7 =	simm.s32 @p2 $0x1082  }
0x22: {  	[simem:s7], [sflag:s8] =	dma.local @!p0 [hbm:s6], $0xF7A  }
0x23: {  	s9 =	sor.u32 $0xD0000000, s2;
	s6 =	simm.s32 $0x108;
	_ =	swait.ge @!p0 [sflag:s8], $0x0  }
0x24: {  	s3 =	sadd.s32 $0x88, s3;
	s6 =	simm.s32 @!p1 $0x1082;
	[sflag:s4] =	ssyncset.s32 $0xFFFFF086  }
0x25: {  	[simem:s6], [sflag:s4] =	dma.local [hbm:s3], $0xF7A  }
0x26: {  	[smem:$0x3F9C] =	sst s1;
	(tag) =	ssettag s2;
	_ =	strace s9  }
0x27: {  	s1 =	sld [smem:$0x3FAC]  }
0x28: {  	s2 =	sld [smem:$0x3FAD]  }
0x29: {  	s4 =	sld [smem:$0x3FAF]  }
0x2a: {  	p0 =	seq.s32 s5, $0x0;
	s5 =	sld [smem:$0x3FB0]  }
0x2b: {  	s6 =	sld [smem:$0x3FB1]  }
0x2c: {  	s7 =	sld [smem:$0x3FB2]  }
0x2d: {  	s3 =	simm.s32 $0x108;
	s8 =	sld [smem:$0x3FB3]  }
0x2e: {  	s3 =	simm.s32 @!p0 $0x1082;
	s9 =	sld [smem:$0x3FB4]  }
0x2f: {  	lr =	sadd.s32 s0, s3;
	s0 =	sld [smem:$0x3FAB]  }
0x30: {  	s3 =	sld [smem:$0x3FAE]  }
0x31: {  	[smem:$0x3FB7] =	sst s10  }
0x32: {  	s10 =	sld [smem:$0x3FB5];
	_ =	sdelay $0x3  }
0x33: {  	p0 =	seq.s32 s10, $0x1;
	s10 =	sld [smem:$0x3FB7];
	_ =	sdelay $0x3  }
0x34: {  	[smem:$0x3FB7] =	sst s10  }
0x35: {  	s10 =	sld [smem:$0x3FB6];
	_ =	sdelay $0x3  }
0x36: {  	p1 =	seq.s32 s10, $0x1;
	s10 =	sld [smem:$0x3FB7];
	_ =	sdelay $0x3  }
0x37: {  	[smem:$0x3FB7] =	sst s10  }
0x38: {  	s10 =	sld [smem:$0x3FB8]  }
0x39: {  	_ = 	snop;
	(pc) =	sbr.ind lr, $3  }
0x3a: {  	_ = 	snop  }
0x3b: {  	_ = 	snop  }
0x3c: {  	p2 =	seq.s32 s10, $0x1;
	s10 =	sld [smem:$0x3FB7]  }
0x3d: {  	_ =	shalt  }
0x3e: {  	_ =	shalt  }
0x3f: {  	_ =	shalt  }
0x40: {  	_ =	shalt  }
0x41: {  	_ =	shalt  }
0x42: {  	_ =	shalt  }
0x43: {  	_ =	shalt  }
0x44: {  	_ =	shalt  }
0x45: {  	_ =	shalt  }
0x46: {  	_ =	shalt  }
0x47: {  	_ =	shalt  }
0x48: {  	_ =	shalt  }
0x49: {  	_ =	shalt  }
0x4a: {  	_ =	shalt  }
0x4b: {  	_ =	shalt  }
0x4c: {  	_ =	shalt  }
0x4d: {  	_ =	shalt  }
0x4e: {  	_ =	shalt  }
0x4f: {  	_ =	shalt  }
0x50: {  	_ =	shalt  }
0x51: {  	_ =	shalt  }
0x52: {  	_ =	shalt  }
0x53: {  	_ =	shalt  }
0x54: {  	_ =	shalt  }
0x55: {  	_ =	shalt  }
0x56: {  	_ =	shalt  }
0x57: {  	_ =	shalt  }
0x58: {  	_ =	shalt  }
0x59: {  	_ =	shalt  }
0x5a: {  	_ =	shalt  }
0x5b: {  	_ =	shalt  }
0x5c: {  	_ =	shalt  }
0x5d: {  	_ =	shalt  }
0x5e: {  	_ =	shalt  }
0x5f: {  	_ =	shalt  }
0x60: {  	_ =	shalt  }
0x61: {  	_ =	shalt  }
0x62: {  	_ =	shalt  }
0x63: {  	_ =	shalt  }
0x64: {  	_ =	shalt  }
0x65: {  	_ =	shalt  }
0x66: {  	_ =	shalt  }
0x67: {  	_ =	shalt  }
0x68: {  	_ =	shalt  }
0x69: {  	_ =	shalt  }
0x6a: {  	_ =	shalt  }
0x6b: {  	_ =	shalt  }
0x6c: {  	_ =	shalt  }
0x6d: {  	_ =	shalt  }
0x6e: {  	_ =	shalt  }
0x6f: {  	_ =	shalt  }
0x70: {  	_ =	shalt  }
0x71: {  	_ =	shalt  }
0x72: {  	_ =	shalt  }
0x73: {  	_ =	shalt  }
0x74: {  	_ =	shalt  }
0x75: {  	_ =	shalt  }
0x76: {  	_ =	shalt  }
0x77: {  	_ =	shalt  }
0x78: {  	_ =	shalt  }
0x79: {  	_ =	shalt  }
0x7a: {  	_ =	shalt  }
0x7b: {  	_ =	shalt  }
0x7c: {  	_ =	shalt  }
0x7d: {  	_ =	shalt  }
0x7e: {  	_ =	shalt  }
0x7f: {  	_ =	shalt  }
0x80: {  	_ =	shalt  }
0x81: {  	_ =	shalt  }
0x82: {  	_ =	shalt  }
0x83: {  	_ =	shalt  }
0x84: {  	_ =	shalt  }
0x85: {  	_ =	shalt  }
0x86: {  	_ =	shalt  }
0x87: {  	_ =	shalt  }
.Lfunc_end0:
.L_simem_size_0:
called_computation_lowered:
.L_overlay_start_0:
0x88: {  	s2 =	sld [smem:$0x3FD9]  }
0x89: {  	s3 =	sld [smem:$0x3FFE];
	_ =	sdelay $0x1  }
0x8a: {  	s1 =	srdreg.scid  }
0x8b: {  	s0 =	sand.u32 $0x1, s1  }
0x8c: {  	s16 =	sshll.u32 s0, $0xA;
	s2 =	sadd.s32 s3, s2  }
0x8d: {  	s2 =	sadd.s32 s2, s16  }
0x8e: {  	[smem:$0x3FC3] =	sst s2  }
0x8f: {  	_ = 	snop  }
0x90: {  	(tm) =	ssettm $0x1  }
0x91: {  	s17 =	sld [smem:$0x3FFB];
	_ =	sdelay $0x3  }
0x92: {  	_ =	strace s17  }
0x93: {  	s2 =	sld [smem:$0x3FFC];
	_ =	sdelay $0x3  }
0x94: {  	_ =	strace s2  }
0x95: {  	s2 =	sld [smem:$0x3FFD];
	_ =	sdelay $0x3  }
0x96: {  	_ =	strace s2  }
0x97: {  	_ =	strace $0x8FFFFFFF  }
0x98: {  	s18 =	sld [smem:$0x3FDB];
	_ =	sdelay $0x1  }
0x99: {  	s19 =	simm.s32 $_scs_section_size  }
0x9a: {  	s4 =	simm.s32 $_size__tile_overlayer_lowered;
	s5 =	simm.s32 $_tile_overlayer_lowered  }
0x9b: {  	s22 =	simm.s32 $0x1BFF;
	s21 =	sshll.u32 s5, $0x1;
	s2 =	sadd.s32 s19, s18  }
0x9c: {  	s6 =	simm.s32 $0x0;
	s20 =	sshll.u32 s4, $0x1;
	s4 =	sadd.s32 s21, s2  }
0x9d: {  	[timem:s6], [sflag:s22] =	dma.local [hbm:s4], s20  }
0x9e: {  	_ =	swait.ge [sflag:s22], s20  }
0x9f: {  	s3 =	ssub.s32 $0x0, s20;
	[sflag:s22] =	ssyncset.done $0x0  }
0xa0: {  	[sflag:s22] =	ssyncadd.s32 s3;
	_ =	sdelay $0x1  }
0xa1: {  	s23 =	simm.s32 $0x1B8B  }
0xa2: {  	_ =	swait.ge [sflag:s23], $0x1  }
0xa3: {  	[sflag:s23] =	ssyncset.done $0x0  }
0xa4: {  	s25 =	simm.s32 $0x1B8E;
	s24 =	sld [smem:$0x3FFE];
	[sflag:s23] =	ssyncadd.s32 $0xFFFFFFFF  }
0xa5: {  	s26 =	simm.s32 $execute0_lowered;
	[smem:$0x3FD2] =	sst s25  }
0xa6: {  	s4 =	sshll.u32 s26, $0x1;
	_ =	strace $0x80000046;
	[dreg:$0x1] =	wrdreg $0xFFFFFFFF  }
0xa7: {  	s28 =	simm.s32 $_size_execute0_lowered;
	s2 =	sadd.s32 s2, s4;
	[dreg:$0x0] =	wrdreg $0x0  }
0xa8: {  	s4 =	sshll.u32 s28, $0x1;
	[dreg:$0x2] =	wrdreg s2  }
0xa9: {  	[dreg:$0x3] =	wrdreg s4  }
0xaa: {  	[dreg:$0x4] =	wrdreg $0xC0  }
0xab: {  	_ =	task [dreg:s6], $0x5FFFF  }
0xac: {  	[dreg:$0x1] =	wrdreg $0xFFFFFFFF  }
0xad: {  	[dreg:$0x0] =	wrdreg $0x60  }
0xae: {  	[dreg:$0x2] =	wrdreg s24  }
0xaf: {  	[dreg:$0x3] =	wrdreg $0x7A800  }
0xb0: {  	[dreg:$0x4] =	wrdreg $0x9  }
0xb1: {  	_ =	task.clear_ibuf [dreg:s6], $0x5FFFF;
	_ =	strace $0x90000046  }
0xb2: {  	s29 =	simm.s32 $0x9;
	_ =	strace $0x80000048  }
0xb3: {  	_ =	swait.ge [sflag:s29], $0x1  }
0xb4: {  	[sflag:s29] =	ssyncadd.s32 $0xFFFFFFFF  }
0xb5: {  	_ =	strace $0x90000048  }
0xb6: {  	_ =	sfence  }
0xb7: {  	s30 =	sld [smem:$0x0];
	_ =	sdelay $0x2  }
0xb8: {  	s31 =	sshll.u32 s1, $0xD;
	s1 =	sshrl.u32 s1, $0x2  }
0xb9: {  	s3 =	sand.u32 $0x4000, s31;
	s1 =	sadd.s32 s1, s30  }
0xba: {  	s0 =	sor.u32 s3, s0;
	s1 =	sshll.u32 s1, $0x11  }
0xbb: {  	s0 =	sor.u32 s1, s0  }
0xbc: {  	s0 =	sadd.s32 $0x8F2B, s0  }
0xbd: {  	[sflag:s0] =	ssyncadd.remote.s32 $0x1  }
0xbe: {  	_ =	sfence.sel $0xFFFF  }
0xbf: {  	[dreg:$0x0] =	wrdreg $0xFFFFFFFF;
	(pc) =	sbr.abs _section_cstart, $3  }
0xc0: {  	[dreg:$0x1] =	wrdreg $0xFFFFFFFF  }
0xc1: {  	_ =	task.clear_ibuf [dreg:s6], $0x2FFFF;
	_ =	strace $0x9FFFFFFF  }
0xc2: {  	(tm) =	ssettm $0x7FFFFFFF  }
0xc3: {  	_ =	shalt  }
tec
execute0_lowered:
.L_overlay_start_1:
0x0: {  	(tag) =	ssettag $0x1  }
0x1: {  	s0 =	srdreg.scid;
	s1 =	rddreg [dreg:$0x0]  }
0x2: {  	s3 =	rddreg [dreg:$0x1];
	s9 =	stileid.u32  }
0x3: {  	s0 =	sand.u32 $0x1, s0;
	s5 =	sshrl.u32 s9, $0x3;
	s8 =	smul.u32 $0x5000, s9  }
0x4: {  	s2 =	simm.s32 $0x0;
	s6 =	ssub.s32 $0x2, s0;
	s5 =	smul.u32 $0x50000, s5  }
0x5: {  	[smem:$0x7FF] =	sst s2;
	s7 =	sshrl.u32 s6, $0x1  }
0x6: {  	s25 =	sshrl.u32 s8, $0x2;
	s6 =	ssub.s32 s6, s7;
	s5 =	sshrl.u32 s5, $0x2  }
0x7: {  	s26 =	sadd.s32 s5, s3;
	s5 =	sadd.s32 s25, s3;
	s7 =	smax.u32 s6, $0x1  }
0x8: {  	_ =	strace $0x80000047;
	s11 =	sadd.s32 $0x80, s5;
	[dreg:$0x15] =	wrdreg s7  }
0x9: {  	s12 =	sadd.s32 $0x100, s5;
	[dreg:$0x6] =	wrdreg s11  }
0xa: {  	s13 =	sadd.s32 $0x180, s5;
	[dreg:$0x7] =	wrdreg s12  }
0xb: {  	s14 =	sadd.s32 $0x200, s5;
	[dreg:$0x8] =	wrdreg s13  }
0xc: {  	s15 =	sadd.s32 $0x280, s5;
	[dreg:$0x9] =	wrdreg s14  }
0xd: {  	s16 =	sadd.s32 $0x300, s5;
	[dreg:$0xa] =	wrdreg s15  }
0xe: {  	s17 =	sadd.s32 $0x380, s5;
	[dreg:$0xb] =	wrdreg s16  }
0xf: {  	s4 =	sshll.u32 s0, $0x4;
	s18 =	sadd.s32 $0x14000, s5;
	[dreg:$0xc] =	wrdreg s17  }
0x10: {  	p0 =	seq.s32 s0, $0x1;
	s19 =	sadd.s32 $0x14080, s5;
	[dreg:$0xd] =	wrdreg s18  }
0x11: {  	s0 =	simm.s32 $0xAA00;
	s20 =	sadd.s32 $0x14100, s5;
	[dreg:$0xe] =	wrdreg s19  }
0x12: {  	s4 =	sor.u32 s9, s4;
	s21 =	sadd.s32 $0x14180, s5;
	[dreg:$0xf] =	wrdreg s20  }
0x13: {  	s0 =	simm.s32 @!p0 $0xB000;
	s22 =	sadd.s32 $0x14200, s5;
	[dreg:$0x10] =	wrdreg s21  }
0x14: {  	s4 =	smul.u32 $0x280, s4;
	s25 =	sadd.s32 $0x14300, s5;
	[dreg:$0x11] =	wrdreg s22  }
0x15: {  	s0 =	sadd.s32 s0, s1;
	s8 =	sadd.s32 $0x400, s5;
	[dreg:$0x13] =	wrdreg s25  }
0x16: {  	s4 =	sadd.s32 s4, s1;
	s1 =	sadd.s32 $0x1200, s5;
	[dreg:$0x16] =	wrdreg s8  }
0x17: {  	s3 =	sadd.s32 $0x680, s5;
	[smem:$0x7E6] =	sst s1  }
0x18: {  	s6 =	sadd.s32 $0xE80, s5;
	[smem:$0x7E7] =	sst s3  }
0x19: {  	s7 =	sadd.s32 $0x1280, s5;
	[smem:$0x7E9] =	sst s6  }
0x1a: {  	s23 =	sadd.s32 $0x5A00, s4;
	[smem:$0x7EA] =	sst s7  }
0x1b: {  	s4 =	sadd.s32 $0xA00, s4;
	[dreg:$0x3] =	wrdreg s23  }
0x1c: {  	s11 =	sadd.s32 $0x1000, s5;
	[dreg:$0x4] =	wrdreg s4  }
0x1d: {  	s12 =	sadd.s32 $0x480, s5;
	[dreg:$0x1a] =	wrdreg s11  }
0x1e: {  	s13 =	sadd.s32 $0x880, s5;
	[dreg:$0x1b] =	wrdreg s12  }
0x1f: {  	s14 =	sadd.s32 $0xC80, s5;
	[dreg:$0x1c] =	wrdreg s13  }
0x20: {  	s15 =	sadd.s32 $0x1080, s5;
	[dreg:$0x1d] =	wrdreg s14  }
0x21: {  	s16 =	sadd.s32 $0x500, s5;
	[dreg:$0x1e] =	wrdreg s15  }
0x22: {  	s17 =	sadd.s32 $0x900, s5;
	[dreg:$0x1f] =	wrdreg s16  }
0x23: {  	s18 =	sadd.s32 $0xD00, s5;
	[smem:$0x7DC] =	sst s17  }
0x24: {  	s19 =	sadd.s32 $0x1100, s5;
	[smem:$0x7DD] =	sst s18  }
0x25: {  	s20 =	sadd.s32 $0x580, s5;
	[smem:$0x7DE] =	sst s19  }
0x26: {  	s21 =	sadd.s32 $0x980, s5;
	[smem:$0x7DF] =	sst s20  }
0x27: {  	s22 =	sadd.s32 $0xD80, s5;
	[smem:$0x7E0] =	sst s21  }
0x28: {  	s25 =	sadd.s32 $0xA00, s5;
	[smem:$0x7E1] =	sst s22  }
0x29: {  	s24 =	sshll.u32 s9, $0x7;
	s8 =	sadd.s32 $0x700, s5;
	[smem:$0x7E4] =	sst s25  }
0x2a: {  	s4 =	sand.u32 $0x380, s24;
	s23 =	sadd.s32 $0x14280, s5;
	[smem:$0x7EB] =	sst s8  }
0x2b: {  	s24 =	smul.u32 $0x50, s9;
	s9 =	sadd.s32 $0x800, s5;
	[dreg:$0x12] =	wrdreg s23  }
0x2c: {  	s11 =	sadd.s32 $0x1300, s5;
	[dreg:$0x18] =	wrdreg s9  }
0x2d: {  	s12 =	sadd.s32 $0x780, s5;
	[smem:$0x7EE] =	sst s11  }
0x2e: {  	s13 =	sadd.s32 $0xB80, s5;
	[smem:$0x7EF] =	sst s12  }
0x2f: {  	s14 =	sadd.s32 $0xF80, s5;
	[smem:$0x7F0] =	sst s13  }
0x30: {  	s15 =	sadd.s32 $0x1380, s5;
	[smem:$0x7F1] =	sst s14  }
0x31: {  	s16 =	sadd.s32 $0x14400, s5;
	[smem:$0x7F2] =	sst s15  }
0x32: {  	s17 =	sadd.s32 $0x14800, s5;
	[smem:$0x7F3] =	sst s16  }
0x33: {  	s31 =	simm.s32 $0x1;
	s18 =	sadd.s32 $0x14C00, s5;
	[smem:$0x7F4] =	sst s17  }
0x34: {  	s28 =	sadd.s32 $0x14B80, s5;
	s19 =	sadd.s32 $0x15000, s5;
	[smem:$0x7F5] =	sst s18  }
0x35: {  	s29 =	sadd.s32 $0x14F80, s5;
	s20 =	sadd.s32 $0x14480, s5;
	[smem:$0x7F6] =	sst s19  }
0x36: {  	s30 =	sadd.s32 $0x15380, s5;
	s21 =	sadd.s32 $0x14880, s5;
	[smem:$0x7F7] =	sst s20  }
0x37: {  	s1 =	simm.s32 $0x0;
	s22 =	sadd.s32 $0x14C80, s5;
	[smem:$0x7F8] =	sst s21  }
0x38: {  	s25 =	sadd.s32 $0x14900, s5;
	s10 =	sadd.s32 s4, s26;
	[smem:$0x7F9] =	sst s22  }
0x39: {  	s26 =	sadd.s32 $0x14380, s5;
	s23 =	sadd.s32 $0x1180, s5;
	[smem:$0x7FC] =	sst s25  }
0x3a: {  	s4 =	sadd.s32 $0xA80, s5;
	s9 =	sadd.s32 $0xB00, s5;
	[dreg:$0x5] =	wrdreg s10  }
0x3b: {  	s11 =	sadd.s32 $0x14980, s5;
	s12 =	sadd.s32 $0x14D80, s5;
	[dreg:$0x14] =	wrdreg s26  }
0x3c: {  	s13 =	sadd.s32 $0x15180, s5;
	s14 =	sadd.s32 $0x14600, s5;
	[smem:$0x7E2] =	sst s23  }
0x3d: {  	s15 =	sadd.s32 $0x14A00, s5;
	s16 =	sadd.s32 $0x14E00, s5;
	[smem:$0x7E8] =	sst s4  }
0x3e: {  	s17 =	sadd.s32 $0x15200, s5;
	s0 =	sadd.s32 s0, s24;
	[smem:$0x7EC] =	sst s9  }
0x3f: {  	s18 =	sadd.s32 $0x14680, s5;
	s10 =	sadd.s32 $0xC00, s5;
	[dreg:$0x17] =	wrdreg s0  }
0x40: {  	s19 =	sadd.s32 $0x14A80, s5;
	s24 =	sadd.s32 $0x600, s5;
	[dreg:$0x19] =	wrdreg s10  }
0x41: {  	s20 =	sadd.s32 $0x14E80, s5;
	s26 =	sadd.s32 $0xE00, s5;
	[smem:$0x7E3] =	sst s24  }
0x42: {  	s21 =	sadd.s32 $0x15280, s5;
	s23 =	sadd.s32 $0x15080, s5;
	[smem:$0x7E5] =	sst s26  }
0x43: {  	s22 =	sadd.s32 $0x14700, s5;
	s10 =	sadd.s32 $0xF00, s5;
	[smem:$0x7FA] =	sst s23  }
0x44: {  	s25 =	sadd.s32 $0x15300, s5;
	s24 =	sadd.s32 $0x14500, s5;
	[smem:$0x7ED] =	sst s10  }
0x45: {  	s9 =	sadd.s32 $0x15100, s5;
	s26 =	sadd.s32 $0x14D00, s5;
	[smem:$0x7FB] =	sst s24  }
0x46: {  	s23 =	sadd.s32 $0x14B00, s5;
	s0 =	simm.s32 $0x2800;
	[smem:$0x7FD] =	sst s26  }
0x47: {  	v0 =	vimm.f32 $0.0e+00;
	s10 =	sadd.s32 $0x14580, s5;
	s24 =	sadd.s32 $0x14F00, s5;
	s26 =	sadd.s32 $0x14780, s5  }
.LBB2_1:
0x48: {  	s3 =	rddreg [dreg:$0x3]  }
0x49: {  	[tilespmem:s2], [sflag:$0x1] =	stream.linear.gather [hbm4b:s3+s2], $0x1400, $0x38;
	[tilespmem:$0xA280] =	vst v63  }
0x4a: {  	_ =	swait.ge [sflag:s31], $0x1400  }
0x4b: {  	[sflag:s31] =	ssyncset.done $0x0  }
0x4c: {  	s4 =	simm.s32 $0x1400;
	s8 =	rddreg [dreg:$0x4];
	[sflag:s31] =	ssyncadd.s32 $0xFFFFEC00  }
0x4d: {  	[tilespmem:s4], [sflag:$0x1] =	stream.linear.gather [hbm4b:s8+s2], $0x1400, $0x38;
	[tilespmem:$0xA280] =	vst v63  }
0x4e: {  	_ =	swait.ge [sflag:s31], $0x1400  }
0x4f: {  	[sflag:s31] =	ssyncset.done $0x0  }
0x50: {  	s3 =	simm.s32 $0x0;
	[sflag:s31] =	ssyncadd.s32 $0xFFFFEC00  }
.LBB2_2:
0x51: {  	p0 =	sne.s32 s3, $0x9FC0  }
.Ltmp0:
0x52: {  	_ = 	snop;
	(pc) =	sbr.rel @p0 .LBB2_2-.Ltmp0, $3  }
0x53: {  	_ =	sdelay $0x1  }
0x54: {  	s4 =	sshra.s32 s3, $0x2  }
0x55: {  	s3 =	sadd.s32 $0x40, s3;
	[tilespmem:s4+$0x2800] =	vst v0  }
0x56: {  	s4 =	simm.s32 $0x0;
	s3 =	simm.s32 $0x40  }
.LBB2_4:
0x57: {  	p0 =	sne.s32 s3, $0x4FC0;
	v1 =	vld [tilespmem:s4+$0x0];
	_ =	sdelay $0x2  }
0x58: {  	v2 =	vld [tilespmem:s4+$0x1400]  }
.Ltmp1:
0x59: {  	(pc) =	sbr.rel @p0 .LBB2_4-.Ltmp1, $2  }
0x5a: {  	_ =	sdelay $0x2  }
0x5b: {  	s4 =	sshra.s32 s3, $0x2;
	s3 =	sadd.s32 $0x40, s3;
	[tilespmem:v1+s0+$0x0] =	vst.idx.add.f32.msk $0xffff, v2  }
0x5c: {  	v1 =	vld [tilespmem:s4+$0x0];
	_ =	sdelay $0x2  }
0x5d: {  	v2 =	vld [tilespmem:s4+$0x1400];
	_ =	sdelay $0x4  }
0x5e: {  	s3 =	rddreg [dreg:$0x5];
	s8 =	simm.s32 $0x80;
	s6 =	simm.s32 $0x400;
	[tilespmem:v1+s0+$0x0] =	vst.idx.add.f32.msk $0xffff, v2  }
0x5f: {  	[spmem:s3] =	stream.strided.scatter [tilespmem:s0], [sflag:$0x1], $0x2800, s6, s8, $0x38;
	[tilespmem:$0xA280] =	vst v63  }
0x60: {  	_ =	swait.ge [sflag:s31], $0x2800  }
0x61: {  	[sflag:s31] =	ssyncset.done $0x0  }
0x62: {  	[sflag:s31] =	ssyncadd.s32 $0xFFFFD800  }
0x63: {  	s6 =	simm.s32 $0x5000;
	[bflag:$0x0] =	sbarrier.arrive $0xFFFF  }
0x64: {  	[tilespmem:s6], [sflag:$0x1] =	stream.linear.gather [spmem:s5], $0x80, $0x38;
	[tilespmem:$0xA280] =	vst v63  }
0x65: {  	s8 =	simm.s32 $0x5400;
	s7 =	rddreg [dreg:$0x16]  }
0x66: {  	[tilespmem:s8], [sflag:$0x1] =	stream.linear.gather [spmem:s7], $0x80, $0x38;
	[tilespmem:$0xA280] =	vst v63  }
0x67: {  	s4 =	rddreg [dreg:$0x18];
	s6 =	simm.s32 $0x5800  }
0x68: {  	[tilespmem:s6], [sflag:$0x1] =	stream.linear.gather [spmem:s4], $0x80, $0x38;
	[tilespmem:$0xA280] =	vst v63  }
0x69: {  	s7 =	rddreg [dreg:$0x19];
	s8 =	simm.s32 $0x5C00  }
0x6a: {  	[tilespmem:s8], [sflag:$0x1] =	stream.linear.gather [spmem:s7], $0x80, $0x38;
	[tilespmem:$0xA280] =	vst v63  }
0x6b: {  	s4 =	rddreg [dreg:$0x1a];
	s6 =	simm.s32 $0x6000  }
0x6c: {  	[tilespmem:s6], [sflag:$0x1] =	stream.linear.gather [spmem:s4], $0x80, $0x38;
	[tilespmem:$0xA280] =	vst v63  }
0x6d: {  	_ =	swait.ge [sflag:s31], $0x280  }
0x6e: {  	[sflag:s31] =	ssyncset.done $0x0  }
0x6f: {  	s8 =	simm.s32 $0x5080;
	s7 =	rddreg [dreg:$0x6];
	[sflag:s31] =	ssyncadd.s32 $0xFFFFFD80  }
0x70: {  	[tilespmem:s8], [sflag:$0x1] =	stream.linear.gather [spmem:s7], $0x80, $0x38;
	[tilespmem:$0xA280] =	vst v63  }
0x71: {  	s6 =	simm.s32 $0x5480;
	s4 =	rddreg [dreg:$0x1b]  }
0x72: {  	[tilespmem:s6], [sflag:$0x1] =	stream.linear.gather [spmem:s4], $0x80, $0x38;
	[tilespmem:$0xA280] =	vst v63  }
0x73: {  	s7 =	rddreg [dreg:$0x1c];
	s8 =	simm.s32 $0x5880  }
0x74: {  	[tilespmem:s8], [sflag:$0x1] =	stream.linear.gather [spmem:s7], $0x80, $0x38;
	[tilespmem:$0xA280] =	vst v63  }
0x75: {  	s4 =	rddreg [dreg:$0x1d];
	s6 =	simm.s32 $0x5C80  }
0x76: {  	[tilespmem:s6], [sflag:$0x1] =	stream.linear.gather [spmem:s4], $0x80, $0x38;
	[tilespmem:$0xA280] =	vst v63  }
0x77: {  	s7 =	rddreg [dreg:$0x1e];
	s8 =	simm.s32 $0x6080  }
0x78: {  	[tilespmem:s8], [sflag:$0x1] =	stream.linear.gather [spmem:s7], $0x80, $0x38;
	[tilespmem:$0xA280] =	vst v63  }
0x79: {  	_ =	swait.ge [sflag:s31], $0x280  }
0x7a: {  	[sflag:s31] =	ssyncset.done $0x0;
	s4 =	rddreg [dreg:$0x7]  }
0x7b: {  	s6 =	simm.s32 $0x5100;
	s7 =	rddreg [dreg:$0x1f];
	[sflag:s31] =	ssyncadd.s32 $0xFFFFFD80  }
0x7c: {  	[tilespmem:s6], [sflag:$0x1] =	stream.linear.gather [spmem:s4], $0x80, $0x38;
	[tilespmem:$0xA280] =	vst v63  }
0x7d: {  	s8 =	simm.s32 $0x5500;
	s4 =	sld [smem:$0x7DC]  }
0x7e: {  	[tilespmem:s8], [sflag:$0x1] =	stream.linear.gather [spmem:s7], $0x80, $0x38;
	[tilespmem:$0xA280] =	vst v63  }
0x7f: {  	s6 =	simm.s32 $0x5900;
	s7 =	sld [smem:$0x7DD]  }
0x80: {  	[tilespmem:s6], [sflag:$0x1] =	stream.linear.gather [spmem:s4], $0x80, $0x38;
	[tilespmem:$0xA280] =	vst v63  }
0x81: {  	s8 =	simm.s32 $0x5D00;
	s4 =	sld [smem:$0x7DE]  }
0x82: {  	[tilespmem:s8], [sflag:$0x1] =	stream.linear.gather [spmem:s7], $0x80, $0x38;
	[tilespmem:$0xA280] =	vst v63  }
0x83: {  	s6 =	simm.s32 $0x6100  }
0x84: {  	[tilespmem:s6], [sflag:$0x1] =	stream.linear.gather [spmem:s4], $0x80, $0x38;
	[tilespmem:$0xA280] =	vst v63  }
0x85: {  	_ =	swait.ge [sflag:s31], $0x280  }
0x86: {  	[sflag:s31] =	ssyncset.done $0x0;
	s7 =	rddreg [dreg:$0x8]  }
0x87: {  	s8 =	simm.s32 $0x5180;
	s4 =	sld [smem:$0x7DF];
	[sflag:s31] =	ssyncadd.s32 $0xFFFFFD80  }
0x88: {  	[tilespmem:s8], [sflag:$0x1] =	stream.linear.gather [spmem:s7], $0x80, $0x38;
	[tilespmem:$0xA280] =	vst v63  }
0x89: {  	s6 =	simm.s32 $0x5580;
	s7 =	sld [smem:$0x7E0]  }
0x8a: {  	[tilespmem:s6], [sflag:$0x1] =	stream.linear.gather [spmem:s4], $0x80, $0x38;
	[tilespmem:$0xA280] =	vst v63  }
0x8b: {  	s8 =	simm.s32 $0x5980;
	s4 =	sld [smem:$0x7E1]  }
0x8c: {  	[tilespmem:s8], [sflag:$0x1] =	stream.linear.gather [spmem:s7], $0x80, $0x38;
	[tilespmem:$0xA280] =	vst v63  }
0x8d: {  	s6 =	simm.s32 $0x5D80;
	s7 =	sld [smem:$0x7E2]  }
0x8e: {  	[tilespmem:s6], [sflag:$0x1] =	stream.linear.gather [spmem:s4], $0x80, $0x38;
	[tilespmem:$0xA280] =	vst v63  }
0x8f: {  	s8 =	simm.s32 $0x6180  }
0x90: {  	[tilespmem:s8], [sflag:$0x1] =	stream.linear.gather [spmem:s7], $0x80, $0x38;
	[tilespmem:$0xA280] =	vst v63  }
0x91: {  	_ =	swait.ge [sflag:s31], $0x280  }
0x92: {  	[sflag:s31] =	ssyncset.done $0x0;
	s4 =	rddreg [dreg:$0x9]  }
0x93: {  	s6 =	simm.s32 $0x5200;
	s7 =	sld [smem:$0x7E3];
	[sflag:s31] =	ssyncadd.s32 $0xFFFFFD80  }
0x94: {  	[tilespmem:s6], [sflag:$0x1] =	stream.linear.gather [spmem:s4], $0x80, $0x38;
	[tilespmem:$0xA280] =	vst v63  }
0x95: {  	s8 =	simm.s32 $0x5600;
	s4 =	sld [smem:$0x7E4]  }
0x96: {  	[tilespmem:s8], [sflag:$0x1] =	stream.linear.gather [spmem:s7], $0x80, $0x38;
	[tilespmem:$0xA280] =	vst v63  }
0x97: {  	s6 =	simm.s32 $0x5A00;
	s7 =	sld [smem:$0x7E5]  }
0x98: {  	[tilespmem:s6], [sflag:$0x1] =	stream.linear.gather [spmem:s4], $0x80, $0x38;
	[tilespmem:$0xA280] =	vst v63  }
0x99: {  	s8 =	simm.s32 $0x5E00;
	s4 =	sld [smem:$0x7E6]  }
0x9a: {  	[tilespmem:s8], [sflag:$0x1] =	stream.linear.gather [spmem:s7], $0x80, $0x38;
	[tilespmem:$0xA280] =	vst v63  }
0x9b: {  	s6 =	simm.s32 $0x6200  }
0x9c: {  	[tilespmem:s6], [sflag:$0x1] =	stream.linear.gather [spmem:s4], $0x80, $0x38;
	[tilespmem:$0xA280] =	vst v63  }
0x9d: {  	_ =	swait.ge [sflag:s31], $0x280  }
0x9e: {  	[sflag:s31] =	ssyncset.done $0x0;
	s7 =	rddreg [dreg:$0xa]  }
0x9f: {  	s8 =	simm.s32 $0x5280;
	s4 =	sld [smem:$0x7E7];
	[sflag:s31] =	ssyncadd.s32 $0xFFFFFD80  }
0xa0: {  	[tilespmem:s8], [sflag:$0x1] =	stream.linear.gather [spmem:s7], $0x80, $0x38;
	[tilespmem:$0xA280] =	vst v63  }
0xa1: {  	s6 =	simm.s32 $0x5680;
	s7 =	sld [smem:$0x7E8]  }
0xa2: {  	[tilespmem:s6], [sflag:$0x1] =	stream.linear.gather [spmem:s4], $0x80, $0x38;
	[tilespmem:$0xA280] =	vst v63  }
0xa3: {  	s8 =	simm.s32 $0x5A80;
	s4 =	sld [smem:$0x7E9]  }
0xa4: {  	[tilespmem:s8], [sflag:$0x1] =	stream.linear.gather [spmem:s7], $0x80, $0x38;
	[tilespmem:$0xA280] =	vst v63  }
0xa5: {  	s6 =	simm.s32 $0x5E80;
	s7 =	sld [smem:$0x7EA]  }
0xa6: {  	[tilespmem:s6], [sflag:$0x1] =	stream.linear.gather [spmem:s4], $0x80, $0x38;
	[tilespmem:$0xA280] =	vst v63  }
0xa7: {  	s8 =	simm.s32 $0x6280  }
0xa8: {  	[tilespmem:s8], [sflag:$0x1] =	stream.linear.gather [spmem:s7], $0x80, $0x38;
	[tilespmem:$0xA280] =	vst v63  }
0xa9: {  	_ =	swait.ge [sflag:s31], $0x280  }
0xaa: {  	[sflag:s31] =	ssyncset.done $0x0;
	s4 =	rddreg [dreg:$0xb]  }
0xab: {  	s6 =	simm.s32 $0x5300;
	s7 =	sld [smem:$0x7EB];
	[sflag:s31] =	ssyncadd.s32 $0xFFFFFD80  }
0xac: {  	[tilespmem:s6], [sflag:$0x1] =	stream.linear.gather [spmem:s4], $0x80, $0x38;
	[tilespmem:$0xA280] =	vst v63  }
0xad: {  	s8 =	simm.s32 $0x5700;
	s4 =	sld [smem:$0x7EC]  }
0xae: {  	[tilespmem:s8], [sflag:$0x1] =	stream.linear.gather [spmem:s7], $0x80, $0x38;
	[tilespmem:$0xA280] =	vst v63  }
0xaf: {  	s6 =	simm.s32 $0x5B00;
	s7 =	sld [smem:$0x7ED]  }
0xb0: {  	[tilespmem:s6], [sflag:$0x1] =	stream.linear.gather [spmem:s4], $0x80, $0x38;
	[tilespmem:$0xA280] =	vst v63  }
0xb1: {  	s8 =	simm.s32 $0x5F00;
	s4 =	sld [smem:$0x7EE]  }
0xb2: {  	[tilespmem:s8], [sflag:$0x1] =	stream.linear.gather [spmem:s7], $0x80, $0x38;
	[tilespmem:$0xA280] =	vst v63  }
0xb3: {  	s6 =	simm.s32 $0x6300  }
0xb4: {  	[tilespmem:s6], [sflag:$0x1] =	stream.linear.gather [spmem:s4], $0x80, $0x38;
	[tilespmem:$0xA280] =	vst v63  }
0xb5: {  	_ =	swait.ge [sflag:s31], $0x280  }
0xb6: {  	[sflag:s31] =	ssyncset.done $0x0;
	s7 =	rddreg [dreg:$0xc]  }
0xb7: {  	s8 =	simm.s32 $0x5380;
	s4 =	sld [smem:$0x7EF];
	[sflag:s31] =	ssyncadd.s32 $0xFFFFFD80  }
0xb8: {  	[tilespmem:s8], [sflag:$0x1] =	stream.linear.gather [spmem:s7], $0x80, $0x38;
	[tilespmem:$0xA280] =	vst v63  }
0xb9: {  	s6 =	simm.s32 $0x5780;
	s7 =	sld [smem:$0x7F0]  }
0xba: {  	[tilespmem:s6], [sflag:$0x1] =	stream.linear.gather [spmem:s4], $0x80, $0x38;
	[tilespmem:$0xA280] =	vst v63  }
0xbb: {  	s8 =	simm.s32 $0x5B80;
	s4 =	sld [smem:$0x7F1]  }
0xbc: {  	[tilespmem:s8], [sflag:$0x1] =	stream.linear.gather [spmem:s7], $0x80, $0x38;
	[tilespmem:$0xA280] =	vst v63  }
0xbd: {  	s6 =	simm.s32 $0x5F80;
	s7 =	sld [smem:$0x7F2]  }
0xbe: {  	[tilespmem:s6], [sflag:$0x1] =	stream.linear.gather [spmem:s4], $0x80, $0x38;
	[tilespmem:$0xA280] =	vst v63  }
0xbf: {  	s8 =	simm.s32 $0x6380  }
0xc0: {  	[tilespmem:s8], [sflag:$0x1] =	stream.linear.gather [spmem:s7], $0x80, $0x38;
	[tilespmem:$0xA280] =	vst v63  }
0xc1: {  	_ =	swait.ge [sflag:s31], $0x280  }
0xc2: {  	[sflag:s31] =	ssyncset.done $0x0;
	s4 =	rddreg [dreg:$0xd]  }
0xc3: {  	s6 =	simm.s32 $0x6400;
	s7 =	sld [smem:$0x7F3];
	[sflag:s31] =	ssyncadd.s32 $0xFFFFFD80  }
0xc4: {  	[tilespmem:s6], [sflag:$0x1] =	stream.linear.gather [spmem:s4], $0x80, $0x38;
	[tilespmem:$0xA280] =	vst v63  }
0xc5: {  	s8 =	simm.s32 $0x6800;
	s4 =	sld [smem:$0x7F4]  }
0xc6: {  	[tilespmem:s8], [sflag:$0x1] =	stream.linear.gather [spmem:s7], $0x80, $0x38;
	[tilespmem:$0xA280] =	vst v63  }
0xc7: {  	s6 =	simm.s32 $0x6C00;
	s7 =	sld [smem:$0x7F5]  }
0xc8: {  	[tilespmem:s6], [sflag:$0x1] =	stream.linear.gather [spmem:s4], $0x80, $0x38;
	[tilespmem:$0xA280] =	vst v63  }
0xc9: {  	s8 =	simm.s32 $0x7000;
	s4 =	sld [smem:$0x7F6]  }
0xca: {  	[tilespmem:s8], [sflag:$0x1] =	stream.linear.gather [spmem:s7], $0x80, $0x38;
	[tilespmem:$0xA280] =	vst v63  }
0xcb: {  	s6 =	simm.s32 $0x7400  }
0xcc: {  	[tilespmem:s6], [sflag:$0x1] =	stream.linear.gather [spmem:s4], $0x80, $0x38;
	[tilespmem:$0xA280] =	vst v63  }
0xcd: {  	_ =	swait.ge [sflag:s31], $0x280  }
0xce: {  	[sflag:s31] =	ssyncset.done $0x0;
	s7 =	rddreg [dreg:$0xe]  }
0xcf: {  	s8 =	simm.s32 $0x6480;
	s4 =	sld [smem:$0x7F7];
	[sflag:s31] =	ssyncadd.s32 $0xFFFFFD80  }
0xd0: {  	[tilespmem:s8], [sflag:$0x1] =	stream.linear.gather [spmem:s7], $0x80, $0x38;
	[tilespmem:$0xA280] =	vst v63  }
0xd1: {  	s6 =	simm.s32 $0x6880;
	s7 =	sld [smem:$0x7F8]  }
0xd2: {  	[tilespmem:s6], [sflag:$0x1] =	stream.linear.gather [spmem:s4], $0x80, $0x38;
	[tilespmem:$0xA280] =	vst v63  }
0xd3: {  	s8 =	simm.s32 $0x6C80;
	s4 =	sld [smem:$0x7F9]  }
0xd4: {  	[tilespmem:s8], [sflag:$0x1] =	stream.linear.gather [spmem:s7], $0x80, $0x38;
	[tilespmem:$0xA280] =	vst v63  }
0xd5: {  	s6 =	simm.s32 $0x7080;
	s7 =	sld [smem:$0x7FA]  }
0xd6: {  	[tilespmem:s6], [sflag:$0x1] =	stream.linear.gather [spmem:s4], $0x80, $0x38;
	[tilespmem:$0xA280] =	vst v63  }
0xd7: {  	s8 =	simm.s32 $0x7480  }
0xd8: {  	[tilespmem:s8], [sflag:$0x1] =	stream.linear.gather [spmem:s7], $0x80, $0x38;
	[tilespmem:$0xA280] =	vst v63  }
0xd9: {  	_ =	swait.ge [sflag:s31], $0x280  }
0xda: {  	[sflag:s31] =	ssyncset.done $0x0;
	s4 =	rddreg [dreg:$0xf]  }
0xdb: {  	s6 =	simm.s32 $0x6500;
	s7 =	sld [smem:$0x7FB];
	[sflag:s31] =	ssyncadd.s32 $0xFFFFFD80  }
0xdc: {  	[tilespmem:s6], [sflag:$0x1] =	stream.linear.gather [spmem:s4], $0x80, $0x38;
	[tilespmem:$0xA280] =	vst v63  }
0xdd: {  	s8 =	simm.s32 $0x6900;
	s4 =	sld [smem:$0x7FC]  }
0xde: {  	[tilespmem:s8], [sflag:$0x1] =	stream.linear.gather [spmem:s7], $0x80, $0x38;
	[tilespmem:$0xA280] =	vst v63  }
0xdf: {  	s6 =	simm.s32 $0x6D00;
	s7 =	sld [smem:$0x7FD]  }
0xe0: {  	[tilespmem:s6], [sflag:$0x1] =	stream.linear.gather [spmem:s4], $0x80, $0x38;
	[tilespmem:$0xA280] =	vst v63  }
0xe1: {  	s8 =	simm.s32 $0x7100  }
0xe2: {  	[tilespmem:s8], [sflag:$0x1] =	stream.linear.gather [spmem:s7], $0x80, $0x38;
	[tilespmem:$0xA280] =	vst v63  }
0xe3: {  	s6 =	simm.s32 $0x7500  }
0xe4: {  	[tilespmem:s6], [sflag:$0x1] =	stream.linear.gather [spmem:s9], $0x80, $0x38;
	[tilespmem:$0xA280] =	vst v63  }
0xe5: {  	_ =	swait.ge [sflag:s31], $0x280  }
0xe6: {  	[sflag:s31] =	ssyncset.done $0x0  }
0xe7: {  	s8 =	simm.s32 $0x6580;
	s7 =	rddreg [dreg:$0x10];
	[sflag:s31] =	ssyncadd.s32 $0xFFFFFD80  }
0xe8: {  	[tilespmem:s8], [sflag:$0x1] =	stream.linear.gather [spmem:s7], $0x80, $0x38;
	[tilespmem:$0xA280] =	vst v63  }
0xe9: {  	s4 =	simm.s32 $0x6980  }
0xea: {  	[tilespmem:s4], [sflag:$0x1] =	stream.linear.gather [spmem:s10], $0x80, $0x38;
	[tilespmem:$0xA280] =	vst v63  }
0xeb: {  	s6 =	simm.s32 $0x6D80  }
0xec: {  	[tilespmem:s6], [sflag:$0x1] =	stream.linear.gather [spmem:s11], $0x80, $0x38;
	[tilespmem:$0xA280] =	vst v63  }
0xed: {  	s7 =	simm.s32 $0x7180  }
0xee: {  	[tilespmem:s7], [sflag:$0x1] =	stream.linear.gather [spmem:s12], $0x80, $0x38;
	[tilespmem:$0xA280] =	vst v63  }
0xef: {  	s8 =	simm.s32 $0x7580  }
0xf0: {  	[tilespmem:s8], [sflag:$0x1] =	stream.linear.gather [spmem:s13], $0x80, $0x38;
	[tilespmem:$0xA280] =	vst v63  }
0xf1: {  	_ =	swait.ge [sflag:s31], $0x280  }
0xf2: {  	[sflag:s31] =	ssyncset.done $0x0  }
0xf3: {  	s6 =	simm.s32 $0x6600;
	s4 =	rddreg [dreg:$0x11];
	[sflag:s31] =	ssyncadd.s32 $0xFFFFFD80  }
0xf4: {  	[tilespmem:s6], [sflag:$0x1] =	stream.linear.gather [spmem:s4], $0x80, $0x38;
	[tilespmem:$0xA280] =	vst v63  }
0xf5: {  	s7 =	simm.s32 $0x6A00  }
0xf6: {  	[tilespmem:s7], [sflag:$0x1] =	stream.linear.gather [spmem:s14], $0x80, $0x38;
	[tilespmem:$0xA280] =	vst v63  }
0xf7: {  	s8 =	simm.s32 $0x6E00  }
0xf8: {  	[tilespmem:s8], [sflag:$0x1] =	stream.linear.gather [spmem:s15], $0x80, $0x38;
	[tilespmem:$0xA280] =	vst v63  }
0xf9: {  	s4 =	simm.s32 $0x7200  }
0xfa: {  	[tilespmem:s4], [sflag:$0x1] =	stream.linear.gather [spmem:s16], $0x80, $0x38;
	[tilespmem:$0xA280] =	vst v63  }
0xfb: {  	s6 =	simm.s32 $0x7600  }
0xfc: {  	[tilespmem:s6], [sflag:$0x1] =	stream.linear.gather [spmem:s17], $0x80, $0x38;
	[tilespmem:$0xA280] =	vst v63  }
0xfd: {  	_ =	swait.ge [sflag:s31], $0x280  }
0xfe: {  	[sflag:s31] =	ssyncset.done $0x0  }
0xff: {  	s8 =	simm.s32 $0x6680;
	s7 =	rddreg [dreg:$0x12];
	[sflag:s31] =	ssyncadd.s32 $0xFFFFFD80  }
0x100: {  	[tilespmem:s8], [sflag:$0x1] =	stream.linear.gather [spmem:s7], $0x80, $0x38;
	[tilespmem:$0xA280] =	vst v63  }
0x101: {  	s4 =	simm.s32 $0x6A80  }
0x102: {  	[tilespmem:s4], [sflag:$0x1] =	stream.linear.gather [spmem:s18], $0x80, $0x38;
	[tilespmem:$0xA280] =	vst v63  }
0x103: {  	s6 =	simm.s32 $0x6E80  }
0x104: {  	[tilespmem:s6], [sflag:$0x1] =	stream.linear.gather [spmem:s19], $0x80, $0x38;
	[tilespmem:$0xA280] =	vst v63  }
0x105: {  	s7 =	simm.s32 $0x7280  }
0x106: {  	[tilespmem:s7], [sflag:$0x1] =	stream.linear.gather [spmem:s20], $0x80, $0x38;
	[tilespmem:$0xA280] =	vst v63  }
0x107: {  	s8 =	simm.s32 $0x7680  }
0x108: {  	[tilespmem:s8], [sflag:$0x1] =	stream.linear.gather [spmem:s21], $0x80, $0x38;
	[tilespmem:$0xA280] =	vst v63  }
0x109: {  	_ =	swait.ge [sflag:s31], $0x280  }
0x10a: {  	[sflag:s31] =	ssyncset.done $0x0  }
0x10b: {  	s6 =	simm.s32 $0x6700;
	s4 =	rddreg [dreg:$0x13];
	[sflag:s31] =	ssyncadd.s32 $0xFFFFFD80  }
0x10c: {  	[tilespmem:s6], [sflag:$0x1] =	stream.linear.gather [spmem:s4], $0x80, $0x38;
	[tilespmem:$0xA280] =	vst v63  }
0x10d: {  	s7 =	simm.s32 $0x6B00  }
0x10e: {  	[tilespmem:s7], [sflag:$0x1] =	stream.linear.gather [spmem:s22], $0x80, $0x38;
	[tilespmem:$0xA280] =	vst v63  }
0x10f: {  	s8 =	simm.s32 $0x6F00  }
0x110: {  	[tilespmem:s8], [sflag:$0x1] =	stream.linear.gather [spmem:s23], $0x80, $0x38;
	[tilespmem:$0xA280] =	vst v63  }
0x111: {  	s4 =	simm.s32 $0x7300  }
0x112: {  	[tilespmem:s4], [sflag:$0x1] =	stream.linear.gather [spmem:s24], $0x80, $0x38;
	[tilespmem:$0xA280] =	vst v63  }
0x113: {  	s6 =	simm.s32 $0x7700  }
0x114: {  	[tilespmem:s6], [sflag:$0x1] =	stream.linear.gather [spmem:s25], $0x80, $0x38;
	[tilespmem:$0xA280] =	vst v63  }
0x115: {  	_ =	swait.ge [sflag:s31], $0x280  }
0x116: {  	[sflag:s31] =	ssyncset.done $0x0  }
0x117: {  	s8 =	simm.s32 $0x6780;
	s7 =	rddreg [dreg:$0x14];
	[sflag:s31] =	ssyncadd.s32 $0xFFFFFD80  }
0x118: {  	[tilespmem:s8], [sflag:$0x1] =	stream.linear.gather [spmem:s7], $0x80, $0x38;
	[tilespmem:$0xA280] =	vst v63  }
0x119: {  	s6 =	simm.s32 $0x6B80  }
0x11a: {  	[tilespmem:s6], [sflag:$0x1] =	stream.linear.gather [spmem:s26], $0x80, $0x38;
	[tilespmem:$0xA280] =	vst v63  }
0x11b: {  	s7 =	simm.s32 $0x6F80  }
0x11c: {  	[tilespmem:s7], [sflag:$0x1] =	stream.linear.gather [spmem:s28], $0x80, $0x38;
	[tilespmem:$0xA280] =	vst v63  }
0x11d: {  	s8 =	simm.s32 $0x7380  }
0x11e: {  	[tilespmem:s8], [sflag:$0x1] =	stream.linear.gather [spmem:s29], $0x80, $0x38;
	[tilespmem:$0xA280] =	vst v63  }
0x11f: {  	s4 =	simm.s32 $0x7780  }
0x120: {  	[tilespmem:s4], [sflag:$0x1] =	stream.linear.gather [spmem:s30], $0x80, $0x38;
	[tilespmem:$0xA280] =	vst v63  }
0x121: {  	s6 =	simm.s32 $0x0;
	_ =	swait.ge [sflag:s31], $0x280  }
0x122: {  	s3 =	sand.u32 $0x1C00, s6;
	s7 =	sand.u32 $0x70, s6;
	[sflag:s31] =	ssyncset.done $0x0  }
0x123: {  	s3 =	sor.u32 s7, s3;
	[sflag:s31] =	ssyncadd.s32 $0xFFFFFD80  }
0x124: {  	v1 =	vld [tilespmem:s3+$0x5080]  }
0x125: {  	v2 =	vld [tilespmem:s3+$0x5000];
	_ =	sdelay $0x1  }
0x126: {  	v3 =	vld [tilespmem:s3+$0x5100];
	_ =	sdelay $0x1  }
0x127: {  	v4 =	vld [tilespmem:s3+$0x5180]  }
0x128: {  	v1 =	vadd.f32 v1, v2  }
0x129: {  	v2 =	vld [tilespmem:s3+$0x5200]  }
0x12a: {  	v1 =	vadd.f32 v3, v1  }
0x12b: {  	v3 =	vld [tilespmem:s3+$0x5280]  }
0x12c: {  	v1 =	vadd.f32 v4, v1  }
0x12d: {  	v60 =	vld [tilespmem:s3+$0x5300]  }
0x12e: {  	v1 =	vadd.f32 v2, v1  }
0x12f: {  	v2 =	vld [tilespmem:s3+$0x5380]  }
0x130: {  	v1 =	vadd.f32 v3, v1  }
0x131: {  	v3 =	vld [tilespmem:s3+$0x6400]  }
0x132: {  	v1 =	vadd.f32 v60, v1  }
0x133: {  	v61 =	vld [tilespmem:s3+$0x6480]  }
0x134: {  	v1 =	vadd.f32 v2, v1  }
0x135: {  	v2 =	vld [tilespmem:s3+$0x6500]  }
0x136: {  	v1 =	vadd.f32 v3, v1  }
0x137: {  	v3 =	vld [tilespmem:s3+$0x6580]  }
0x138: {  	v1 =	vadd.f32 v61, v1  }
0x139: {  	v62 =	vld [tilespmem:s3+$0x6600]  }
0x13a: {  	v1 =	vadd.f32 v2, v1  }
0x13b: {  	v2 =	vld [tilespmem:s3+$0x6680]  }
0x13c: {  	v1 =	vadd.f32 v3, v1  }
0x13d: {  	v3 =	vld [tilespmem:s3+$0x6700]  }
0x13e: {  	v1 =	vadd.f32 v62, v1  }
0x13f: {  	v63 =	vld [tilespmem:s3+$0x6780]  }
0x140: {  	v1 =	vadd.f32 v2, v1;
	_ =	sdelay $0x1  }
0x141: {  	v1 =	vadd.f32 v3, v1;
	_ =	sdelay $0x1  }
0x142: {  	s6 =	simm.s32 $0x80;
	s8 =	simm.s32 $0x10;
	v1 =	vadd.f32 v63, v1  }
0x143: {  	s7 =	sand.u32 $0x1C00, s6;
	s4 =	sand.u32 $0x70, s8;
	s3 =	simm.s32 $0x7800  }
0x144: {  	s4 =	sor.u32 s4, s7;
	s7 =	simm.s32 $0x20;
	[tilespmem:s3+$0x0] =	vst v1  }
.LBB2_6:
0x145: {  	p0 =	sne.s32 s7, $0x270;
	v1 =	vld [tilespmem:s4+$0x5080]  }
0x146: {  	v2 =	vld [tilespmem:s4+$0x5000];
	_ =	sdelay $0x1  }
0x147: {  	v3 =	vld [tilespmem:s4+$0x5100];
	_ =	sdelay $0x1  }
0x148: {  	v4 =	vld [tilespmem:s4+$0x5180]  }
0x149: {  	v1 =	vadd.f32 v1, v2  }
0x14a: {  	v2 =	vld [tilespmem:s4+$0x5200]  }
0x14b: {  	v1 =	vadd.f32 v3, v1  }
0x14c: {  	v3 =	vld [tilespmem:s4+$0x5280]  }
0x14d: {  	v1 =	vadd.f32 v4, v1  }
0x14e: {  	v4 =	vld [tilespmem:s4+$0x5300]  }
0x14f: {  	v1 =	vadd.f32 v2, v1  }
0x150: {  	v2 =	vld [tilespmem:s4+$0x5380]  }
0x151: {  	v1 =	vadd.f32 v3, v1  }
0x152: {  	v3 =	vld [tilespmem:s4+$0x6400]  }
0x153: {  	v1 =	vadd.f32 v4, v1  }
0x154: {  	v4 =	vld [tilespmem:s4+$0x6480]  }
0x155: {  	v1 =	vadd.f32 v2, v1  }
0x156: {  	v2 =	vld [tilespmem:s4+$0x6500]  }
0x157: {  	v1 =	vadd.f32 v3, v1  }
0x158: {  	v3 =	vld [tilespmem:s4+$0x6580]  }
0x159: {  	v1 =	vadd.f32 v4, v1  }
0x15a: {  	v4 =	vld [tilespmem:s4+$0x6600]  }
0x15b: {  	v1 =	vadd.f32 v2, v1  }
0x15c: {  	v2 =	vld [tilespmem:s4+$0x6680]  }
0x15d: {  	v1 =	vadd.f32 v3, v1  }
0x15e: {  	v3 =	vld [tilespmem:s4+$0x6700]  }
0x15f: {  	v1 =	vadd.f32 v4, v1  }
0x160: {  	v4 =	vld [tilespmem:s4+$0x6780]  }
0x161: {  	v1 =	vadd.f32 v2, v1;
	_ =	sdelay $0x1  }
.Ltmp2:
0x162: {  	v1 =	vadd.f32 v3, v1;
	(pc) =	sbr.rel @p0 .LBB2_6-.Ltmp2, $4  }
0x163: {  	_ = 	snop  }
0x164: {  	s6 =	sadd.s32 $0x80, s6;
	v1 =	vadd.f32 v4, v1  }
0x165: {  	s3 =	sadd.s32 $0x10, s3;
	s8 =	sand.u32 $0x1C00, s6;
	s4 =	sand.u32 $0x70, s7  }
0x166: {  	s7 =	sadd.s32 $0x10, s7;
	s4 =	sor.u32 s4, s8;
	[tilespmem:s3+$0x0] =	vst v1  }
0x167: {  	v1 =	vld [tilespmem:s4+$0x5080]  }
0x168: {  	v2 =	vld [tilespmem:s4+$0x5000];
	_ =	sdelay $0x1  }
0x169: {  	v3 =	vld [tilespmem:s4+$0x5100];
	_ =	sdelay $0x1  }
0x16a: {  	v4 =	vld [tilespmem:s4+$0x5180]  }
0x16b: {  	v1 =	vadd.f32 v1, v2  }
0x16c: {  	v2 =	vld [tilespmem:s4+$0x5200]  }
0x16d: {  	v1 =	vadd.f32 v3, v1  }
0x16e: {  	v3 =	vld [tilespmem:s4+$0x5280]  }
0x16f: {  	v1 =	vadd.f32 v4, v1  }
0x170: {  	v60 =	vld [tilespmem:s4+$0x5300]  }
0x171: {  	v1 =	vadd.f32 v2, v1  }
0x172: {  	v2 =	vld [tilespmem:s4+$0x5380]  }
0x173: {  	v1 =	vadd.f32 v3, v1  }
0x174: {  	v3 =	vld [tilespmem:s4+$0x6400]  }
0x175: {  	v1 =	vadd.f32 v60, v1  }
0x176: {  	v61 =	vld [tilespmem:s4+$0x6480]  }
0x177: {  	v1 =	vadd.f32 v2, v1  }
0x178: {  	v2 =	vld [tilespmem:s4+$0x6500]  }
0x179: {  	v1 =	vadd.f32 v3, v1  }
0x17a: {  	v3 =	vld [tilespmem:s4+$0x6580]  }
0x17b: {  	v1 =	vadd.f32 v61, v1  }
0x17c: {  	v62 =	vld [tilespmem:s4+$0x6600]  }
0x17d: {  	v1 =	vadd.f32 v2, v1  }
0x17e: {  	v2 =	vld [tilespmem:s4+$0x6680]  }
0x17f: {  	v1 =	vadd.f32 v3, v1  }
0x180: {  	v3 =	vld [tilespmem:s4+$0x6700]  }
0x181: {  	v1 =	vadd.f32 v62, v1  }
0x182: {  	v63 =	vld [tilespmem:s4+$0x6780]  }
0x183: {  	v1 =	vadd.f32 v2, v1;
	_ =	sdelay $0x1  }
0x184: {  	v1 =	vadd.f32 v3, v1;
	_ =	sdelay $0x1  }
0x185: {  	v1 =	vadd.f32 v63, v1  }
0x186: {  	s3 =	sadd.s32 $0x10, s3  }
0x187: {  	s6 =	rddreg [dreg:$0x17];
	s7 =	simm.s32 $0x7800;
	[tilespmem:s3+$0x0] =	vst v1  }
0x188: {  	[hbm4b:s6+s2] =	stream.linear.scatter [tilespmem:s7], [sflag:$0x1], $0x280, $0x38;
	[tilespmem:$0xA280] =	vst v63  }
0x189: {  	_ =	swait.ge [sflag:s31], $0x280  }
0x18a: {  	s1 =	sadd.s32 $0x1, s1;
	s8 =	rddreg [dreg:$0x15]  }
0x18b: {  	p0 =	sne.s32 s1, s8  }
.Ltmp3:
0x18c: {  	_ = 	snop;
	(pc) =	sbr.rel @p0 .LBB2_1-.Ltmp3, $3  }
0x18d: {  	_ =	sdelay $0x1  }
0x18e: {  	[sflag:s31] =	ssyncset.done $0x0  }
0x18f: {  	[sflag:s31] =	ssyncadd.s32 $0xFFFFFD80  }
0x190: {  	_ =	sfence.sel $0x180000  }
0x191: {  	[bflag:$0x0] =	sbarrier.arrive $0xFFFF  }
0x192: {  	_ =	strace $0x90000047  }
0x193: {  	s0 =	stileid.u32;
	[bflag:$0x2] =	sbarrier.arrive $0xFFFF  }
0x194: {  	p0 =	sne.s32 s0, $0x0;
	s0 =	rddreg [dreg:$0x2]  }
0x195: {  	s0 =	sadd.s32 @!p0 $0x100000, s0  }
0x196: {  	[sflag:s0] =	ssyncadd.tile.s32 @!p0 $0x1;
	_ =	shalt  }
.Lfunc_end2:
_tile_overlayer_lowered:
.L_overlay_start_2:
0x197: {  	(tag) =	ssettag $0x2  }
0x198: {  	s0 =	rddreg [dreg:$0x0];
	s2 =	stileid.u32  }
0x199: {  	s1 =	rddreg [dreg:$0x1];
	p0 =	sne.s32 s2, $0x0  }
0x19a: {  	s3 =	rddreg [dreg:$0x2];
	[bflag:$0x3] =	sbarrier.arrive $0xFFFF;
	s2 =	simm.s32 @!p0 $0x1C01  }
0x19b: {  	[timem:s3], [sflag:s2] =	dma.local @!p0 [hbm:s0], s1  }
0x19c: {  	s0 =	simm.s32 @!p0 $0x1  }
0x19d: {  	_ =	swait.ge @!p0 [sflag:s0], s1  }
0x19e: {  	s1 =	ssub.s32 @!p0 $0x0, s1;
	[sflag:s0] =	ssyncset.done @!p0 $0x0  }
0x19f: {  	[sflag:s0] =	ssyncadd.s32 @!p0 s1  }
0x1a0: {  	[bflag:$0x3] =	sbarrier.arrive $0xFFFF  }
0x1a1: {  	_ =	shalt  }

// kernel: kernel.9.cloned.1.call-start
scs
__scs_entry_jumppad:
0x0: {  	(pc) =	sbr.rel $0x88, $3  }
0x1: {  	(tag) =	ssettag $0x0;
	lr =	simm.s32 $0x1  }
0x2: {  	[smem:$0x3F9C] =	sst lr;
	_ =	strace $0xD0000000  }
0x3: {  	_ = 	snop  }
0x4: {  	_ = 	snop  }
0x5: {  	_ = 	snop  }
0x6: {  	_ = 	snop  }
0x7: {  	_ = 	snop  }
__scs_overlays_trampoline_lowered:
0x8: {  	[smem:$0x3FAB] =	sst s0  }
0x9: {  	[smem:$0x3FAC] =	sst s1  }
0xa: {  	[smem:$0x3FAD] =	sst s2  }
0xb: {  	[smem:$0x3FAE] =	sst s3  }
0xc: {  	[smem:$0x3FAF] =	sst s4  }
0xd: {  	[smem:$0x3FB0] =	sst s5  }
0xe: {  	[smem:$0x3FB1] =	sst s6  }
0xf: {  	[smem:$0x3FB2] =	sst s7  }
0x10: {  	[smem:$0x3FB3] =	sst s8  }
0x11: {  	[smem:$0x3FB4] =	sst s9;
	s0 =	simm.s32 @!p0 $0x0  }
0x12: {  	s1 =	sld [smem:$0x3F9A];
	s0 =	simm.s32 @p0 $0x1  }
0x13: {  	[smem:$0x3FB5] =	sst s0;
	s0 =	simm.s32 @!p1 $0x0  }
0x14: {  	s2 =	sld [smem:$0x3F99];
	s0 =	simm.s32 @p1 $0x1  }
0x15: {  	[smem:$0x3FB6] =	sst s0;
	s0 =	simm.s32 @!p2 $0x0  }
0x16: {  	s3 =	sld [smem:$0x3FDB];
	s0 =	simm.s32 @p2 $0x1  }
0x17: {  	s4 =	simm.s32 $0x1BF5;
	[smem:$0x3FB8] =	sst s0  }
0x18: {  	s0 =	sld [smem:$0x3F9B];
	_ =	swait.ge [sflag:s4], $0x0  }
0x19: {  	s7 =	sld [smem:$0x3F9C]  }
0x1a: {  	s8 =	sadd.s32 $0xFFFFE003, lr  }
0x1b: {  	s9 =	sadd.s32 $0xFFFFFEF7, lr;
	s5 =	simm.s32 $0xFFFFFFFF;
	p2 =	slt.u32 s8, $0xFFFFF086  }
0x1c: {  	p1 =	slt.u32 s9, $0xF7A;
	s5 =	simm.s32 @!p2 $0x0  }
0x1d: {  	s5 =	simm.s32 @p1 $0x1;
	p0 =	seq.s32 s7, s2  }
0x1e: {  	s7 =	smul.u32 @!p0 $0xF7A, s2;
	p2 =	seq.s32 @!p0 s5, $0x0  }
0x1f: {  	s9 =	smul.u32 $0xF7A, s1;
	s8 =	simm.s32 @!p0 $0x1BF5;
	p2 =	por !p2, p0  }
0x20: {  	[sflag:s8] =	ssyncset.s32 @!p0 $0xFFFFF086;
	s6 =	sadd.s32 @!p0 s3, s7;
	s7 =	simm.s32 @!p0 $0x108  }
0x21: {  	s3 =	sadd.s32 s3, s9;
	s6 =	sadd.s32 @!p0 $0x88, s6;
	s7 =	simm.s32 @p2 $0x1082  }
0x22: {  	[simem:s7], [sflag:s8] =	dma.local @!p0 [hbm:s6], $0xF7A  }
0x23: {  	s9 =	sor.u32 $0xD0000000, s2;
	s6 =	simm.s32 $0x108;
	_ =	swait.ge @!p0 [sflag:s8], $0x0  }
0x24: {  	s3 =	sadd.s32 $0x88, s3;
	s6 =	simm.s32 @!p1 $0x1082;
	[sflag:s4] =	ssyncset.s32 $0xFFFFF086  }
0x25: {  	[simem:s6], [sflag:s4] =	dma.local [hbm:s3], $0xF7A  }
0x26: {  	[smem:$0x3F9C] =	sst s1;
	(tag) =	ssettag s2;
	_ =	strace s9  }
0x27: {  	s1 =	sld [smem:$0x3FAC]  }
0x28: {  	s2 =	sld [smem:$0x3FAD]  }
0x29: {  	s4 =	sld [smem:$0x3FAF]  }
0x2a: {  	p0 =	seq.s32 s5, $0x0;
	s5 =	sld [smem:$0x3FB0]  }
0x2b: {  	s6 =	sld [smem:$0x3FB1]  }
0x2c: {  	s7 =	sld [smem:$0x3FB2]  }
0x2d: {  	s3 =	simm.s32 $0x108;
	s8 =	sld [smem:$0x3FB3]  }
0x2e: {  	s3 =	simm.s32 @!p0 $0x1082;
	s9 =	sld [smem:$0x3FB4]  }
0x2f: {  	lr =	sadd.s32 s0, s3;
	s0 =	sld [smem:$0x3FAB]  }
0x30: {  	s3 =	sld [smem:$0x3FAE]  }
0x31: {  	[smem:$0x3FB7] =	sst s10  }
0x32: {  	s10 =	sld [smem:$0x3FB5];
	_ =	sdelay $0x3  }
0x33: {  	p0 =	seq.s32 s10, $0x1;
	s10 =	sld [smem:$0x3FB7];
	_ =	sdelay $0x3  }
0x34: {  	[smem:$0x3FB7] =	sst s10  }
0x35: {  	s10 =	sld [smem:$0x3FB6];
	_ =	sdelay $0x3  }
0x36: {  	p1 =	seq.s32 s10, $0x1;
	s10 =	sld [smem:$0x3FB7];
	_ =	sdelay $0x3  }
0x37: {  	[smem:$0x3FB7] =	sst s10  }
0x38: {  	s10 =	sld [smem:$0x3FB8]  }
0x39: {  	_ = 	snop;
	(pc) =	sbr.ind lr, $3  }
0x3a: {  	_ = 	snop  }
0x3b: {  	_ = 	snop  }
0x3c: {  	p2 =	seq.s32 s10, $0x1;
	s10 =	sld [smem:$0x3FB7]  }
0x3d: {  	_ =	shalt  }
0x3e: {  	_ =	shalt  }
0x3f: {  	_ =	shalt  }
0x40: {  	_ =	shalt  }
0x41: {  	_ =	shalt  }
0x42: {  	_ =	shalt  }
0x43: {  	_ =	shalt  }
0x44: {  	_ =	shalt  }
0x45: {  	_ =	shalt  }
0x46: {  	_ =	shalt  }
0x47: {  	_ =	shalt  }
0x48: {  	_ =	shalt  }
0x49: {  	_ =	shalt  }
0x4a: {  	_ =	shalt  }
0x4b: {  	_ =	shalt  }
0x4c: {  	_ =	shalt  }
0x4d: {  	_ =	shalt  }
0x4e: {  	_ =	shalt  }
0x4f: {  	_ =	shalt  }
0x50: {  	_ =	shalt  }
0x51: {  	_ =	shalt  }
0x52: {  	_ =	shalt  }
0x53: {  	_ =	shalt  }
0x54: {  	_ =	shalt  }
0x55: {  	_ =	shalt  }
0x56: {  	_ =	shalt  }
0x57: {  	_ =	shalt  }
0x58: {  	_ =	shalt  }
0x59: {  	_ =	shalt  }
0x5a: {  	_ =	shalt  }
0x5b: {  	_ =	shalt  }
0x5c: {  	_ =	shalt  }
0x5d: {  	_ =	shalt  }
0x5e: {  	_ =	shalt  }
0x5f: {  	_ =	shalt  }
0x60: {  	_ =	shalt  }
0x61: {  	_ =	shalt  }
0x62: {  	_ =	shalt  }
0x63: {  	_ =	shalt  }
0x64: {  	_ =	shalt  }
0x65: {  	_ =	shalt  }
0x66: {  	_ =	shalt  }
0x67: {  	_ =	shalt  }
0x68: {  	_ =	shalt  }
0x69: {  	_ =	shalt  }
0x6a: {  	_ =	shalt  }
0x6b: {  	_ =	shalt  }
0x6c: {  	_ =	shalt  }
0x6d: {  	_ =	shalt  }
0x6e: {  	_ =	shalt  }
0x6f: {  	_ =	shalt  }
0x70: {  	_ =	shalt  }
0x71: {  	_ =	shalt  }
0x72: {  	_ =	shalt  }
0x73: {  	_ =	shalt  }
0x74: {  	_ =	shalt  }
0x75: {  	_ =	shalt  }
0x76: {  	_ =	shalt  }
0x77: {  	_ =	shalt  }
0x78: {  	_ =	shalt  }
0x79: {  	_ =	shalt  }
0x7a: {  	_ =	shalt  }
0x7b: {  	_ =	shalt  }
0x7c: {  	_ =	shalt  }
0x7d: {  	_ =	shalt  }
0x7e: {  	_ =	shalt  }
0x7f: {  	_ =	shalt  }
0x80: {  	_ =	shalt  }
0x81: {  	_ =	shalt  }
0x82: {  	_ =	shalt  }
0x83: {  	_ =	shalt  }
0x84: {  	_ =	shalt  }
0x85: {  	_ =	shalt  }
0x86: {  	_ =	shalt  }
0x87: {  	_ =	shalt  }
.Lfunc_end0:
.L_simem_size_0:
called_computation.1_lowered:
.L_overlay_start_0:
0x88: {  	s2 =	sld [smem:$0x3FD9]  }
0x89: {  	s3 =	sld [smem:$0x3FFE];
	_ =	sdelay $0x1  }
0x8a: {  	s1 =	srdreg.scid  }
0x8b: {  	s0 =	sand.u32 $0x1, s1  }
0x8c: {  	s17 =	sshll.u32 s0, $0xA;
	s2 =	sadd.s32 s3, s2  }
0x8d: {  	s2 =	sadd.s32 s2, s17  }
0x8e: {  	[smem:$0x3FC3] =	sst s2  }
0x8f: {  	_ = 	snop  }
0x90: {  	s2 =	sld [smem:$0x3FD0];
	(tm) =	ssettm $0x1  }
0x91: {  	s18 =	sld [smem:$0x3FFB];
	_ =	sdelay $0x3  }
0x92: {  	_ =	strace s18  }
0x93: {  	s3 =	sld [smem:$0x3FFC];
	_ =	sdelay $0x3  }
0x94: {  	_ =	strace s3  }
0x95: {  	s3 =	sld [smem:$0x3FFD];
	_ =	sdelay $0x3  }
0x96: {  	_ =	strace s3  }
0x97: {  	_ =	strace $0x8FFFFFFF  }
0x98: {  	s19 =	sld [smem:$0x3FDB];
	_ =	sdelay $0x1  }
0x99: {  	s4 =	simm.s32 $_scs_section_size  }
0x9a: {  	s5 =	simm.s32 $_size__tile_overlayer_lowered;
	s6 =	simm.s32 $_tile_overlayer_lowered  }
0x9b: {  	s22 =	simm.s32 $0x1BFF;
	s21 =	sshll.u32 s6, $0x1;
	s3 =	sadd.s32 s4, s19  }
0x9c: {  	s7 =	simm.s32 $0x0;
	s20 =	sshll.u32 s5, $0x1;
	s5 =	sadd.s32 s21, s3  }
0x9d: {  	[timem:s7], [sflag:s22] =	dma.local [hbm:s5], s20  }
0x9e: {  	_ =	swait.ge [sflag:s22], s20  }
0x9f: {  	s4 =	ssub.s32 $0x0, s20;
	[sflag:s22] =	ssyncset.done $0x0  }
0xa0: {  	[sflag:s22] =	ssyncadd.s32 s4;
	_ =	sdelay $0x1  }
0xa1: {  	s23 =	simm.s32 $0x1B8B  }
0xa2: {  	_ =	swait.ge [sflag:s23], $0x1  }
0xa3: {  	[sflag:s23] =	ssyncset.done $0x0  }
0xa4: {  	s25 =	simm.s32 $0x1B8E;
	s24 =	sld [smem:$0x3FFE];
	[sflag:s23] =	ssyncadd.s32 $0xFFFFFFFF  }
0xa5: {  	s26 =	simm.s32 $execute0_lowered;
	[smem:$0x3FD2] =	sst s25  }
0xa6: {  	s5 =	sshll.u32 s26, $0x1;
	_ =	strace $0x80000049;
	[dreg:$0x1] =	wrdreg $0xFFFFFFFF  }
0xa7: {  	s28 =	simm.s32 $_size_execute0_lowered;
	s3 =	sadd.s32 s3, s5;
	[dreg:$0x0] =	wrdreg $0x0  }
0xa8: {  	s5 =	sshll.u32 s28, $0x1;
	[dreg:$0x2] =	wrdreg s3  }
0xa9: {  	[dreg:$0x3] =	wrdreg s5  }
0xaa: {  	[dreg:$0x4] =	wrdreg $0xC0  }
0xab: {  	_ =	task [dreg:s7], $0x5FFFF  }
0xac: {  	[dreg:$0x1] =	wrdreg $0xFFFFFFFF  }
0xad: {  	[dreg:$0x0] =	wrdreg $0x60  }
0xae: {  	[dreg:$0x2] =	wrdreg s2  }
0xaf: {  	[dreg:$0x3] =	wrdreg s24  }
0xb0: {  	[dreg:$0x4] =	wrdreg $0x9  }
0xb1: {  	_ =	task.clear_ibuf [dreg:s7], $0x5FFFF;
	_ =	strace $0x90000049  }
0xb2: {  	s29 =	simm.s32 $0x9;
	_ =	strace $0x8000004B  }
0xb3: {  	_ =	swait.ge [sflag:s29], $0x1  }
0xb4: {  	[sflag:s29] =	ssyncadd.s32 $0xFFFFFFFF  }
0xb5: {  	_ =	strace $0x9000004B  }
0xb6: {  	_ =	sfence  }
0xb7: {  	s30 =	sld [smem:$0x0];
	_ =	sdelay $0x2  }
0xb8: {  	s31 =	sshll.u32 s1, $0xD;
	s1 =	sshrl.u32 s1, $0x2  }
0xb9: {  	s3 =	sand.u32 $0x4000, s31;
	s1 =	sadd.s32 s1, s30  }
0xba: {  	s0 =	sor.u32 s3, s0;
	s1 =	sshll.u32 s1, $0x11  }
0xbb: {  	s0 =	sor.u32 s1, s0  }
0xbc: {  	s0 =	sadd.s32 $0x8F2B, s0  }
0xbd: {  	[sflag:s0] =	ssyncadd.remote.s32 $0x1  }
0xbe: {  	_ =	sfence.sel $0xFFFF  }
0xbf: {  	[dreg:$0x0] =	wrdreg $0xFFFFFFFF;
	(pc) =	sbr.abs _section_cstart, $3  }
0xc0: {  	[dreg:$0x1] =	wrdreg $0xFFFFFFFF  }
0xc1: {  	_ =	task.clear_ibuf [dreg:s7], $0x2FFFF;
	_ =	strace $0x9FFFFFFF  }
0xc2: {  	(tm) =	ssettm $0x7FFFFFFF  }
0xc3: {  	_ =	shalt  }
tec
execute0_lowered:
.L_overlay_start_1:
0x0: {  	(tag) =	ssettag $0x1  }
0x1: {  	s0 =	srdreg.scid;
	v0 =	vlaneseq.u32;
	v3 =	vimm.f32 $0.0e+00;
	v4 =	vimm.s32 $0x0  }
0x2: {  	s2 =	stileid.u32;
	s24 =	rddreg [dreg:$0x1];
	s3 =	simm.s32 $0x0;
	vm0 =	vmmov $0xffff;
	v2 =	vmul.u32 $0x10, v0;
	v5 =	vadd.s32 $0x1, v0  }
0x3: {  	s10 =	simm.s32 $0x1180;
	s11 =	simm.s32 $0x2300;
	s12 =	simm.s32 $0x1;
	v22 =	vand.u32 $0x7, v0;
	v23 =	vshrl.u32 v0, $0x3;
	v24 =	vor.u32 $0x8, v0  }
0x4: {  	s13 =	simm.s32 $0x3580;
	s14 =	simm.s32 $0x3D80;
	s15 =	simm.s32 $0x4580;
	v25 =	vor.u32 $0x10, v0;
	v26 =	vor.u32 $0x20, v0;
	v27 =	vor.u32 $0x30, v0  }
0x5: {  	s16 =	simm.s32 $0x4D80;
	s17 =	simm.s32 $0x5580;
	s18 =	simm.s32 $0x5D80;
	v28 =	vor.u32 $0x40, v0;
	v29 =	vor.u32 $0x50, v0;
	v30 =	vor.u32 $0x60, v0  }
0x6: {  	s19 =	simm.s32 $0x6580;
	s20 =	simm.s32 $0x6D80;
	s28 =	simm.s32 $0xA580;
	v31 =	vor.u32 $0x70, v0;
	v32 =	vor.u32 $0x80, v0;
	v33 =	vor.u32 $0x90, v0  }
0x7: {  	s29 =	simm.s32 $0xAD80;
	s30 =	simm.s32 $0xB580;
	s0 =	sand.u32 $0x1, s0;
	v34 =	vor.u32 $0xA0, v0;
	v35 =	vor.u32 $0xB0, v0;
	v36 =	vor.u32 $0xC0, v0  }
0x8: {  	s31 =	simm.s32 $0x2;
	[smem:$0x7FF] =	sst s3;
	v37 =	vor.u32 $0xD0, v0;
	v38 =	vor.u32 $0xE0, v0;
	v39 =	vor.u32 $0xF0, v0;
	s1 =	sshll.u32 s0, $0x4  }
0x9: {  	s4 =	sadd.s32 $0x5A00, s24;
	s0 =	ssub.s32 $0x2, s0;
	v23 =	vmul.u32 $0x8, v23;
	s1 =	sor.u32 s2, s1;
	v6 =	vor.u32 $0x1, v2;
	v7 =	vor.u32 $0x2, v2  }
0xa: {  	s25 =	sadd.s32 $0xA00, s24;
	v8 =	vor.u32 $0x3, v2;
	v9 =	vor.u32 $0x4, v2;
	s26 =	sshrl.u32 s0, $0x1;
	v1 =	vmov s1;
	s1 =	smul.u32 $0x2800, s1  }
0xb: {  	_ =	strace $0x8000004A;
	[dreg:$0x3] =	wrdreg s4;
	v10 =	vor.u32 $0x5, v2;
	v11 =	vor.u32 $0x6, v2;
	v12 =	vor.u32 $0x7, v2;
	s0 =	ssub.s32 s0, s26  }
0xc: {  	[dreg:$0x4] =	wrdreg s25;
	v13 =	vor.u32 $0x8, v2;
	v14 =	vor.u32 $0x9, v2;
	v15 =	vor.u32 $0xA, v2;
	s0 =	smax.u32 s0, $0x1;
	s1 =	sadd.s32 s1, s24  }
0xd: {  	s8 =	simm.s32 $0x0;
	v16 =	vor.u32 $0xB, v2;
	v17 =	vor.u32 $0xC, v2;
	v18 =	vor.u32 $0xD, v2;
	[dreg:$0x6] =	wrdreg s0;
	s1 =	sadd.s32 $0x5AA00, s1  }
0xe: {  	s6 =	sadd.s32 $0xAA00, s24;
	v19 =	vor.u32 $0xE, v2;
	v20 =	vor.u32 $0xF, v2;
	v21 =	vadd.s32 $0x10, v2;
	s2 =	simm.s32 $0x0;
	[dreg:$0x5] =	wrdreg s1  }
.LBB2_1:
0xf: {  	[dreg:$0x7] =	wrdreg s2;
	s0 =	simm.s32 $0x40;
	s1 =	simm.s32 $0x0  }
.LBB2_2:
0x10: {  	p0 =	sne.s32 s0, $0x4FFC0;
	[tilespmem:s1+$0xB580] =	vst v3;
	s1 =	smov.u32 s0;
	s0 =	sadd.s32 $0x40, s0  }
.Ltmp0:
0x11: {  	(pc) =	sbr.rel @p0 .LBB2_2-.Ltmp0, $2  }
0x12: {  	_ =	sdelay $0x2  }
0x13: {  	s1 =	sshra.s32 s1, $0x2  }
0x14: {  	[tilespmem:s1+$0xB580] =	vst v3;
	s0 =	simm.s32 $0x0  }
.LBB2_4:
0x15: {  	[dreg:$0x8] =	wrdreg s0  }
0x16: {  	s23 =	sshll.u32 s0, $0x9;
	s1 =	rddreg [dreg:$0x0]  }
0x17: {  	s4 =	simm.s32 $0x0;
	s2 =	simm.s32 $0x3;
	s1 =	sadd.s32 s1, s23  }
0x18: {  	[tilespmem:s4], [sflag:$0x3] =	stream.linear.gather [hbm4b:s1+s4], $0x1000, $0x38;
	[tilespmem:$0x1F580] =	vst v63  }
0x19: {  	_ =	swait.ge [sflag:s2], $0x1000  }
0x1a: {  	[sflag:s2] =	ssyncset.done $0x0;
	s24 =	rddreg [dreg:$0x3]  }
0x1b: {  	[sflag:s2] =	ssyncadd.s32 $0xFFFFF000;
	s1 =	sadd.s32 s24, s23  }
0x1c: {  	[tilespmem:s10], [sflag:$0x3] =	stream.linear.gather [hbm4b:s1+s4], $0x1000, $0x38;
	[tilespmem:$0x1F580] =	vst v63  }
0x1d: {  	_ =	swait.ge [sflag:s2], $0x1000  }
0x1e: {  	[sflag:s2] =	ssyncset.done $0x0;
	s25 =	rddreg [dreg:$0x4]  }
0x1f: {  	[sflag:s2] =	ssyncadd.s32 $0xFFFFF000;
	s0 =	sadd.s32 s25, s23  }
0x20: {  	[tilespmem:s11], [sflag:$0x3] =	stream.linear.gather [hbm4b:s0+s4], $0x1000, $0x38;
	[tilespmem:$0x1F580] =	vst v63  }
0x21: {  	_ =	swait.ge [sflag:s2], $0x1000  }
0x22: {  	[sflag:s2] =	ssyncset.done $0x0  }
0x23: {  	s26 =	simm.s32 $0x0;
	[sflag:s2] =	ssyncadd.s32 $0xFFFFF000  }
0x24: {  	v40 =	vld [tilespmem:s26+$0x1180];
	_ =	sdelay $0x4  }
0x25: {  	v41 =	vmul.u32 $0xCCD, v40;
	_ =	sdelay $0x1  }
0x26: {  	v41 =	vshra.s32 v41, $0x14  }
0x27: {  	vm1 =	veq.s32 v41, v1  }
0x28: {  	v42 =	vsel vm1, $0x1, v4  }
0x29: {  	(xrf0) =	vadd.scan.msk.s32 $0xffff, v42;
	_ =	sdelay $0x2  }
0x2a: {  	v61 =	vmov s4  }
0x2b: {  	v42 =	vadd.s32 $0xFFFFFFFF, v61  }
0x2c: {  	v42 =	vbroadcast v42, $0x0  }
0x2d: {  	v43, _, _ =	vpop (xrf0)  }
0x2e: {  	v44 =	vld [tilespmem:s26+$0x0];
	v42 =	vadd.s32 v43, v42;
	(v2sf) =	vpush v43, $0xF;
	_ =	sdelay $0x1  }
0x2f: {  	v62 =	vld [tilespmem:s26+$0x2300]  }
0x30: {  	v41 =	vmul.u32 $0xFFFFFEC0, v41;
	_ =	sdelay $0x1  }
0x31: {  	v40 =	vadd.s32 v40, v41;
	[tilespmem:v42+s3+$0x0] =	vst.idx.msk vm1, v44  }
0x32: {  	[tilespmem:v42+s10+$0x0] =	vst.idx.msk vm1, v40  }
0x33: {  	s1 =	simm.s32 $0x10;
	[tilespmem:v42+s11+$0x0] =	vst.idx.msk vm1, v62  }
0x34: {  	v40 =	vld [tilespmem:s1+$0x1180];
	_ =	sdelay $0x4  }
0x35: {  	v63 =	vmul.u32 $0xCCD, v40;
	_ =	sdelay $0x1  }
0x36: {  	s0 =	simm.s32 $0x0;
	s2 =	simm.s32 $0x80;
	v41 =	vshra.s32 v63, $0x14;
	s4 =	spop (v2sf)  }
.LBB2_5:
0x37: {  	p0 =	sne.s32 s2, $0x3FC0  }
0x38: {  	vm1 =	veq.s32 v41, v1;
	s0 =	sadd.s32 s0, s4;
	s4 =	smov.u32 s2;
	s2 =	sadd.s32 $0x40, s2  }
0x39: {  	v42 =	vsel vm1, $0x1, v4;
	v43 =	vmov s0  }
0x3a: {  	v43 =	vadd.s32 $0xFFFFFFFF, v43;
	(xrf0) =	vadd.scan.msk.s32 $0xffff, v42;
	_ =	sdelay $0x4  }
0x3b: {  	v42 =	vbroadcast v43, $0x0  }
0x3c: {  	v43, _, _ =	vpop (xrf0)  }
0x3d: {  	v44 =	vld [tilespmem:s1+$0x0];
	v42 =	vadd.s32 v43, v42;
	(v2sf) =	vpush v43, $0xF;
	_ =	sdelay $0x1  }
0x3e: {  	v43 =	vld [tilespmem:s1+$0x2300]  }
0x3f: {  	v41 =	vmul.u32 $0xFFFFFEC0, v41;
	_ =	sdelay $0x1  }
0x40: {  	v40 =	vadd.s32 v40, v41;
	[tilespmem:v42+s3+$0x0] =	vst.idx.msk vm1, v44  }
0x41: {  	[tilespmem:v42+s10+$0x0] =	vst.idx.msk vm1, v40  }
0x42: {  	s1 =	sshra.s32 s4, $0x2;
	[tilespmem:v42+s11+$0x0] =	vst.idx.msk vm1, v43  }
0x43: {  	v40 =	vld [tilespmem:s1+$0x1180];
	_ =	sdelay $0x2  }
.Ltmp1:
0x44: {  	(pc) =	sbr.rel @p0 .LBB2_5-.Ltmp1, $3  }
0x45: {  	_ = 	snop  }
0x46: {  	v41 =	vmul.u32 $0xCCD, v40;
	_ =	sdelay $0x1  }
0x47: {  	v41 =	vshra.s32 v41, $0x14;
	s4 =	spop (v2sf)  }
0x48: {  	vm1 =	veq.s32 v41, v1  }
0x49: {  	v42 =	vsel vm1, $0x1, v4  }
0x4a: {  	(xrf0) =	vadd.scan.msk.s32 $0xffff, v42;
	_ =	sdelay $0x5  }
0x4b: {  	v42, _, _ =	vpop (xrf0)  }
0x4c: {  	(v2sf) =	vpush v42, $0xF;
	_ =	sdelay $0xe  }
0x4d: {  	s2 =	sadd.s32 s0, s4;
	s25 =	spop (v2sf)  }
0x4e: {  	s0 =	sadd.s32 s2, s25  }
0x4f: {  	s26 =	sand.u32 $0xF, s0  }
0x50: {  	s5 =	sshra.s32 s0, $0x1F;
	p0 =	slt.s32 s0, $0x1;
	p1 =	sne.s32 s26, $0x0  }
0x51: {  	s7 =	sshrl.u32 s5, $0x1C;
	p0 =	por !p0, !p1  }
0x52: {  	s4 =	simm.s32 $0x1;
	v43 =	vmov s2;
	s9 =	sadd.s32 s7, s0;
	p0 =	por !p0, !p0  }
0x53: {  	v43 =	vadd.s32 $0xFFFFFFFF, v43;
	s2 =	sshrl.u32 s9, $0x4;
	s4 =	simm.s32 @!p0 $0x0  }
0x54: {  	v43 =	vbroadcast v43, $0x0;
	s2 =	ssub.s32 s2, s4  }
0x55: {  	s2 =	sshll.u32 s2, $0x4  }
0x56: {  	v44 =	vld [tilespmem:s1+$0x0];
	v42 =	vadd.s32 v42, v43;
	s21 =	ssub.s32 s0, s2  }
0x57: {  	v53 =	vmov s21  }
0x58: {  	v45 =	vld [tilespmem:s1+$0x2300];
	vm2 =	vlt.s32 v53, v5  }
0x59: {  	v54 =	vmul.u32 $0xFFFFFEC0, v41;
	v55 =	vor.u32 s2, v0;
	_ =	sdelay $0x1  }
0x5a: {  	v40 =	vadd.s32 v40, v54;
	[tilespmem:v42+s3+$0x0] =	vst.idx.msk vm1, v44  }
0x5b: {  	[tilespmem:v42+s10+$0x0] =	vst.idx.msk vm1, v40  }
0x5c: {  	[tilespmem:v42+s11+$0x0] =	vst.idx.msk vm1, v45  }
0x5d: {  	[tilespmem:v55+s8+$0x0] =	vst.idx.msk vm2, v2  }
0x5e: {  	[tilespmem:v55+s10+$0x0] =	vst.idx.msk vm2, v4  }
0x5f: {  	[tilespmem:v55+s11+$0x0] =	vst.idx.msk vm2, v3  }
0x60: {  	[tilespmem:s2+$0x10] =	vst v6  }
0x61: {  	[tilespmem:s2+$0x1190] =	vst v4  }
0x62: {  	[tilespmem:s2+$0x2310] =	vst v3  }
0x63: {  	[tilespmem:s2+$0x20] =	vst v7  }
0x64: {  	[tilespmem:s2+$0x11A0] =	vst v4  }
0x65: {  	[tilespmem:s2+$0x2320] =	vst v3  }
0x66: {  	[tilespmem:s2+$0x30] =	vst v8  }
0x67: {  	[tilespmem:s2+$0x11B0] =	vst v4  }
0x68: {  	[tilespmem:s2+$0x2330] =	vst v3  }
0x69: {  	[tilespmem:s2+$0x40] =	vst v9  }
0x6a: {  	[tilespmem:s2+$0x11C0] =	vst v4  }
0x6b: {  	[tilespmem:s2+$0x2340] =	vst v3  }
0x6c: {  	[tilespmem:s2+$0x50] =	vst v10  }
0x6d: {  	[tilespmem:s2+$0x11D0] =	vst v4  }
0x6e: {  	[tilespmem:s2+$0x2350] =	vst v3  }
0x6f: {  	[tilespmem:s2+$0x60] =	vst v11  }
0x70: {  	[tilespmem:s2+$0x11E0] =	vst v4  }
0x71: {  	[tilespmem:s2+$0x2360] =	vst v3  }
0x72: {  	[tilespmem:s2+$0x70] =	vst v12  }
0x73: {  	[tilespmem:s2+$0x11F0] =	vst v4  }
0x74: {  	[tilespmem:s2+$0x2370] =	vst v3  }
0x75: {  	[tilespmem:s2+$0x80] =	vst v13  }
0x76: {  	[tilespmem:s2+$0x1200] =	vst v4  }
0x77: {  	[tilespmem:s2+$0x2380] =	vst v3  }
0x78: {  	[tilespmem:s2+$0x90] =	vst v14  }
0x79: {  	[tilespmem:s2+$0x1210] =	vst v4  }
0x7a: {  	[tilespmem:s2+$0x2390] =	vst v3  }
0x7b: {  	[tilespmem:s2+$0xA0] =	vst v15  }
0x7c: {  	[tilespmem:s2+$0x1220] =	vst v4  }
0x7d: {  	[tilespmem:s2+$0x23A0] =	vst v3  }
0x7e: {  	[tilespmem:s2+$0xB0] =	vst v16  }
0x7f: {  	[tilespmem:s2+$0x1230] =	vst v4  }
0x80: {  	[tilespmem:s2+$0x23B0] =	vst v3  }
0x81: {  	[tilespmem:s2+$0xC0] =	vst v17  }
0x82: {  	[tilespmem:s2+$0x1240] =	vst v4  }
0x83: {  	[tilespmem:s2+$0x23C0] =	vst v3  }
0x84: {  	[tilespmem:s2+$0xD0] =	vst v18  }
0x85: {  	[tilespmem:s2+$0x1250] =	vst v4  }
0x86: {  	[tilespmem:s2+$0x23D0] =	vst v3  }
0x87: {  	[tilespmem:s2+$0xE0] =	vst v19  }
0x88: {  	[tilespmem:s2+$0x1260] =	vst v4  }
0x89: {  	[tilespmem:s2+$0x23E0] =	vst v3  }
0x8a: {  	[tilespmem:s2+$0xF0] =	vst v20  }
0x8b: {  	[tilespmem:s2+$0x1270] =	vst v4  }
0x8c: {  	[tilespmem:s2+$0x23F0] =	vst v3  }
0x8d: {  	[tilespmem:s2+$0x100] =	vst v21  }
0x8e: {  	[tilespmem:s2+$0x1280] =	vst v4  }
0x8f: {  	[tilespmem:s2+$0x2400] =	vst v3  }
0x90: {  	v40 =	vld [tilespmem:$0x0];
	_ =	sdelay $0x4  }
0x91: {  	v56 =	vshll.u32 v40, $0x1  }
0x92: {  	v57 =	vand.u32 $0x7, v40;
	v41 =	vand.u32 $0xFFFFFFF0, v56  }
0x93: {  	v43 =	vld [tilespmem:$0x10];
	v41 =	vor.u32 v57, v41  }
0x94: {  	v58 =	vld [tilespmem:$0x20];
	v59 =	vperm.xlane v41, v22  }
0x95: {  	v45 =	vld [tilespmem:$0x30]  }
0x96: {  	v41 =	vperm.xlane v41, v24;
	v44 =	vadd.s32 v23, v59  }
0x97: {  	[tilespmem:$0x3480] =	vst v40  }
0x98: {  	[tilespmem:$0x3490] =	vst v43;
	v60 =	vadd.s32 v23, v41  }
0x99: {  	[tilespmem:$0x34A0] =	vst v58  }
0x9a: {  	[tilespmem:$0x34B0] =	vst v45  }
0x9b: {  	[tilespmem:s13], [sflag:$0x1] =	stream.indirect_vreg.gather [hbm4b:s6+s8], $0x80, v44, vm0, $0xb8;
	[tilespmem:$0x1F580] =	vst v63  }
0x9c: {  	_ = 	snop  }
0x9d: {  	[tilespmem:s14], [sflag:$0x1] =	stream.indirect_vreg.gather [hbm4b:s6+s8], $0x80, v60, vm0, $0xb8;
	[tilespmem:$0x1F580] =	vst v63  }
0x9e: {  	v40 =	vld [tilespmem:$0x3490];
	_ =	sdelay $0x4  }
0x9f: {  	v61 =	vshll.u32 v40, $0x1  }
0xa0: {  	v40 =	vand.u32 $0x7, v40;
	v41 =	vand.u32 $0xFFFFFFF0, v61  }
0xa1: {  	v40 =	vor.u32 v40, v41  }
0xa2: {  	v41 =	vperm.xlane v40, v22;
	_ =	sdelay $0x1  }
0xa3: {  	v40 =	vperm.xlane v40, v24;
	v41 =	vadd.s32 v23, v41;
	_ =	sdelay $0x1  }
0xa4: {  	v40 =	vadd.s32 v23, v40;
	_ =	sdelay $0x2  }
0xa5: {  	[tilespmem:s15], [sflag:$0x1] =	stream.indirect_vreg.gather [hbm4b:s6+s8], $0x80, v41, vm0, $0xb8;
	[tilespmem:$0x1F580] =	vst v63  }
0xa6: {  	_ = 	snop  }
0xa7: {  	[tilespmem:s16], [sflag:$0x1] =	stream.indirect_vreg.gather [hbm4b:s6+s8], $0x80, v40, vm0, $0xb8;
	[tilespmem:$0x1F580] =	vst v63  }
0xa8: {  	v40 =	vld [tilespmem:$0x34A0];
	_ =	sdelay $0x4  }
0xa9: {  	v62 =	vshll.u32 v40, $0x1  }
0xaa: {  	v40 =	vand.u32 $0x7, v40;
	v41 =	vand.u32 $0xFFFFFFF0, v62  }
0xab: {  	v40 =	vor.u32 v40, v41  }
0xac: {  	v41 =	vperm.xlane v40, v22;
	_ =	sdelay $0x1  }
0xad: {  	v40 =	vperm.xlane v40, v24;
	v41 =	vadd.s32 v23, v41;
	_ =	sdelay $0x1  }
0xae: {  	v40 =	vadd.s32 v23, v40;
	_ =	sdelay $0x2  }
0xaf: {  	[tilespmem:s17], [sflag:$0x1] =	stream.indirect_vreg.gather [hbm4b:s6+s8], $0x80, v41, vm0, $0xb8;
	[tilespmem:$0x1F580] =	vst v63  }
0xb0: {  	_ = 	snop  }
0xb1: {  	[tilespmem:s18], [sflag:$0x1] =	stream.indirect_vreg.gather [hbm4b:s6+s8], $0x80, v40, vm0, $0xb8;
	[tilespmem:$0x1F580] =	vst v63  }
0xb2: {  	s0 =	sadd.s32 $0x3F, s0;
	v40 =	vld [tilespmem:$0x34B0]  }
0xb3: {  	s22 =	sand.u32 $0x3F, s0  }
0xb4: {  	s23 =	sshra.s32 s0, $0x1F;
	p3 =	slt.s32 s0, $0x1;
	p4 =	sne.s32 s22, $0x0  }
0xb5: {  	s24 =	sshrl.u32 s23, $0x1A;
	p0 =	por !p3, !p4  }
0xb6: {  	s1 =	simm.s32 $0x1;
	s0 =	sadd.s32 s24, s0;
	p0 =	por !p0, !p0  }
0xb7: {  	s0 =	sshra.s32 s0, $0x6;
	s1 =	simm.s32 @!p0 $0x0;
	v63 =	vshll.u32 v40, $0x1  }
0xb8: {  	s0 =	ssub.s32 s0, s1;
	v40 =	vand.u32 $0x7, v40;
	v41 =	vand.u32 $0xFFFFFFF0, v63  }
0xb9: {  	s1 =	sadd.s32 $0x1, s0;
	v40 =	vor.u32 v40, v41  }
0xba: {  	s25 =	sand.u32 $0x1, s1;
	v41 =	vperm.xlane v40, v22  }
0xbb: {  	p5 =	slt.s32 s0, $0x0;
	p6 =	seq.s32 s25, $0x1  }
0xbc: {  	s26 =	sshrl.u32 s1, $0x1F;
	p0 =	por !p5, !p6;
	v40 =	vperm.xlane v40, v24;
	v41 =	vadd.s32 v23, v41  }
0xbd: {  	s0 =	sadd.s32 s26, s1;
	s1 =	simm.s32 $0x1;
	p0 =	por !p0, !p0  }
0xbe: {  	s0 =	sshra.s32 s0, $0x1;
	s1 =	simm.s32 @!p0 $0x0;
	v40 =	vadd.s32 v23, v40  }
0xbf: {  	s1 =	ssub.s32 s0, s1  }
0xc0: {  	s5 =	simm.s32 $0x0;
	p0 =	sgt.s32 s1, $0x1  }
0xc1: {  	[tilespmem:s19], [sflag:$0x1] =	stream.indirect_vreg.gather [hbm4b:s6+s8], $0x80, v41, vm0, $0xb8;
	[tilespmem:$0x1F580] =	vst v63  }
0xc2: {  	s4 =	simm.s32 $0x0;
	s2 =	simm.s32 $0x40;
	s1 =	simm.s32 @!p0 $0x1  }
0xc3: {  	[tilespmem:s20], [sflag:$0x1] =	stream.indirect_vreg.gather [hbm4b:s6+s8], $0x80, v40, vm0, $0xb8;
	[tilespmem:$0x1F580] =	vst v63  }
.LBB2_7:
0xc4: {  	s0 =	sshll.u32 s5, $0x9  }
0xc5: {  	s0 =	sshra.s32 s0, $0x2  }
0xc6: {  	v40 =	vld [tilespmem:s0+$0x40];
	_ =	sdelay $0x4  }
0xc7: {  	[tilespmem:$0x3500] =	vst v40  }
0xc8: {  	v41 =	vld [tilespmem:s0+$0x50];
	_ =	sdelay $0x4  }
0xc9: {  	[tilespmem:$0x3510] =	vst v41  }
0xca: {  	v41 =	vld [tilespmem:s0+$0x60];
	_ =	sdelay $0x1  }
0xcb: {  	v42 =	vshll.u32 v40, $0x1  }
0xcc: {  	v40 =	vand.u32 $0x7, v40;
	v42 =	vand.u32 $0xFFFFFFF0, v42  }
0xcd: {  	v40 =	vor.u32 v40, v42  }
0xce: {  	v62 =	vperm.xlane v40, v22;
	[tilespmem:$0x3520] =	vst v41  }
0xcf: {  	v63 =	vld [tilespmem:s0+$0x70]  }
0xd0: {  	v40 =	vperm.xlane v40, v24;
	v41 =	vadd.s32 v23, v62;
	_ =	sdelay $0x1  }
0xd1: {  	v40 =	vadd.s32 v23, v40;
	_ =	sdelay $0x1  }
0xd2: {  	s26 =	simm.s32 $0x7580;
	[tilespmem:$0x3530] =	vst v63  }
0xd3: {  	[tilespmem:s26], [sflag:$0x2] =	stream.indirect_vreg.gather [hbm4b:s6+s8], $0x80, v41, vm0, $0xb8;
	[tilespmem:$0x1F580] =	vst v63  }
0xd4: {  	s7 =	simm.s32 $0x7D80  }
0xd5: {  	[tilespmem:s7], [sflag:$0x2] =	stream.indirect_vreg.gather [hbm4b:s6+s8], $0x80, v40, vm0, $0xb8;
	[tilespmem:$0x1F580] =	vst v63  }
0xd6: {  	v40 =	vld [tilespmem:$0x3510];
	_ =	sdelay $0x4  }
0xd7: {  	v44 =	vshll.u32 v40, $0x1  }
0xd8: {  	v40 =	vand.u32 $0x7, v40;
	v41 =	vand.u32 $0xFFFFFFF0, v44  }
0xd9: {  	v40 =	vor.u32 v40, v41  }
0xda: {  	v41 =	vperm.xlane v40, v22;
	_ =	sdelay $0x1  }
0xdb: {  	v40 =	vperm.xlane v40, v24;
	v41 =	vadd.s32 v23, v41;
	_ =	sdelay $0x1  }
0xdc: {  	v40 =	vadd.s32 v23, v40;
	_ =	sdelay $0x1  }
0xdd: {  	s9 =	simm.s32 $0x8580  }
0xde: {  	[tilespmem:s9], [sflag:$0x2] =	stream.indirect_vreg.gather [hbm4b:s6+s8], $0x80, v41, vm0, $0xb8;
	[tilespmem:$0x1F580] =	vst v63  }
0xdf: {  	s21 =	simm.s32 $0x8D80  }
0xe0: {  	[tilespmem:s21], [sflag:$0x2] =	stream.indirect_vreg.gather [hbm4b:s6+s8], $0x80, v40, vm0, $0xb8;
	[tilespmem:$0x1F580] =	vst v63  }
0xe1: {  	v40 =	vld [tilespmem:$0x3520];
	_ =	sdelay $0x4  }
0xe2: {  	v45 =	vshll.u32 v40, $0x1  }
0xe3: {  	v40 =	vand.u32 $0x7, v40;
	v41 =	vand.u32 $0xFFFFFFF0, v45  }
0xe4: {  	v40 =	vor.u32 v40, v41  }
0xe5: {  	v41 =	vperm.xlane v40, v22;
	_ =	sdelay $0x1  }
0xe6: {  	v40 =	vperm.xlane v40, v24;
	v41 =	vadd.s32 v23, v41;
	_ =	sdelay $0x1  }
0xe7: {  	v40 =	vadd.s32 v23, v40;
	_ =	sdelay $0x1  }
0xe8: {  	s22 =	simm.s32 $0x9580  }
0xe9: {  	[tilespmem:s22], [sflag:$0x2] =	stream.indirect_vreg.gather [hbm4b:s6+s8], $0x80, v41, vm0, $0xb8;
	[tilespmem:$0x1F580] =	vst v63  }
0xea: {  	s23 =	simm.s32 $0x9D80  }
0xeb: {  	[tilespmem:s23], [sflag:$0x2] =	stream.indirect_vreg.gather [hbm4b:s6+s8], $0x80, v40, vm0, $0xb8;
	[tilespmem:$0x1F580] =	vst v63  }
0xec: {  	v40 =	vld [tilespmem:$0x3530];
	_ =	sdelay $0x4  }
0xed: {  	v46 =	vshll.u32 v40, $0x1  }
0xee: {  	v40 =	vand.u32 $0x7, v40;
	v41 =	vand.u32 $0xFFFFFFF0, v46  }
0xef: {  	v40 =	vor.u32 v40, v41  }
0xf0: {  	v41 =	vperm.xlane v40, v22;
	_ =	sdelay $0x1  }
0xf1: {  	v40 =	vperm.xlane v40, v24;
	v41 =	vadd.s32 v23, v41;
	_ =	sdelay $0x1  }
0xf2: {  	v40 =	vadd.s32 v23, v40  }
0xf3: {  	v47 =	vmov s4  }
0xf4: {  	v42 =	vand.u32 $0xFFFFFFFE, v47  }
0xf5: {  	v48 =	vbroadcast v42, $0x0;
	[tilespmem:s28], [sflag:$0x2] =	stream.indirect_vreg.gather [hbm4b:s6+s8], $0x80, v41, vm0, $0xb8;
	[tilespmem:$0x1F580] =	vst v63  }
0xf6: {  	s24 =	sadd.s32 $0x1, s4  }
0xf7: {  	v49 =	vmov s24;
	[tilespmem:s29], [sflag:$0x2] =	stream.indirect_vreg.gather [hbm4b:s6+s8], $0x80, v40, vm0, $0xb8;
	[tilespmem:$0x1F580] =	vst v63  }
0xf8: {  	_ =	swait.ge [sflag:s12], $0x4000  }
0xf9: {  	[sflag:s12] =	ssyncset.done $0x0  }
0xfa: {  	s25 =	sand.u32 $0x3800, s8;
	s7 =	simm.s32 $0x0;
	[sflag:s12] =	ssyncadd.s32 $0xFFFFC000  }
0xfb: {  	s7 =	sand.u32 $0x300, s7;
	s9 =	sadd.s32 $0x3580, s25;
	v42 =	vld.idx.msk [tilespmem:v48+s10+$0x0], $0xffff  }
0xfc: {  	s0 =	sadd.s32 s7, s9;
	v43 =	vld.idx.msk [tilespmem:v49+s10+$0x0], $0xffff  }
0xfd: {  	s26 =	simm.s32 $0x80;
	v44 =	vld [tilespmem:s0+$0x0]  }
0xfe: {  	s7 =	sand.u32 $0x380, s26;
	v41 =	vld.idx.msk [tilespmem:v48+s11+$0x0], $0xffff  }
0xff: {  	s7 =	sadd.s32 s7, s9;
	v40 =	vld.idx.msk [tilespmem:v49+s11+$0x0], $0xffff  }
0x100: {  	v46 =	vld [tilespmem:s7+$0x0];
	v45 =	vshll.u32 v42, $0x8  }
0x101: {  	v42 =	vshll.u32 v43, $0x8;
	v50 =	vor.u32 v0, v45  }
0x102: {  	v47 =	vor.u32 v0, v42;
	_ =	sdelay $0x1  }
0x103: {  	v44 =	vmul.f32 v44, v41  }
0x104: {  	v46 =	vmul.f32 v46, v40  }
0x105: {  	[tilespmem:v50+s30+$0x0] =	vst.idx.add.f32.msk $0xffff, v44  }
0x106: {  	[tilespmem:v47+s30+$0x0] =	vst.idx.add.f32.msk $0xffff, v46  }
0x107: {  	v43 =	vld [tilespmem:s0+$0x10]  }
0x108: {  	v44 =	vld [tilespmem:s7+$0x10]  }
0x109: {  	v51 =	vor.u32 v25, v45  }
0x10a: {  	v52 =	vor.u32 v25, v42;
	_ =	sdelay $0x1  }
0x10b: {  	v43 =	vmul.f32 v43, v41  }
0x10c: {  	v44 =	vmul.f32 v44, v40  }
0x10d: {  	[tilespmem:v51+s30+$0x0] =	vst.idx.add.f32.msk $0xffff, v43  }
0x10e: {  	[tilespmem:v52+s30+$0x0] =	vst.idx.add.f32.msk $0xffff, v44  }
0x10f: {  	v43 =	vld [tilespmem:s0+$0x20]  }
0x110: {  	v44 =	vld [tilespmem:s7+$0x20]  }
0x111: {  	v53 =	vor.u32 v26, v45  }
0x112: {  	v54 =	vor.u32 v26, v42;
	_ =	sdelay $0x1  }
0x113: {  	v43 =	vmul.f32 v43, v41  }
0x114: {  	v44 =	vmul.f32 v44, v40  }
0x115: {  	[tilespmem:v53+s30+$0x0] =	vst.idx.add.f32.msk $0xffff, v43  }
0x116: {  	[tilespmem:v54+s30+$0x0] =	vst.idx.add.f32.msk $0xffff, v44  }
0x117: {  	v43 =	vld [tilespmem:s0+$0x30]  }
0x118: {  	v44 =	vld [tilespmem:s7+$0x30]  }
0x119: {  	v55 =	vor.u32 v27, v45  }
0x11a: {  	v56 =	vor.u32 v27, v42;
	_ =	sdelay $0x1  }
0x11b: {  	v43 =	vmul.f32 v43, v41  }
0x11c: {  	v44 =	vmul.f32 v44, v40  }
0x11d: {  	[tilespmem:v55+s30+$0x0] =	vst.idx.add.f32.msk $0xffff, v43  }
0x11e: {  	[tilespmem:v56+s30+$0x0] =	vst.idx.add.f32.msk $0xffff, v44  }
0x11f: {  	v43 =	vld [tilespmem:s0+$0x40]  }
0x120: {  	v44 =	vld [tilespmem:s7+$0x40]  }
0x121: {  	v57 =	vor.u32 v28, v45  }
0x122: {  	v58 =	vor.u32 v28, v42;
	_ =	sdelay $0x1  }
0x123: {  	v43 =	vmul.f32 v43, v41  }
0x124: {  	v44 =	vmul.f32 v44, v40  }
0x125: {  	[tilespmem:v57+s30+$0x0] =	vst.idx.add.f32.msk $0xffff, v43  }
0x126: {  	[tilespmem:v58+s30+$0x0] =	vst.idx.add.f32.msk $0xffff, v44  }
0x127: {  	v43 =	vld [tilespmem:s0+$0x50]  }
0x128: {  	v44 =	vld [tilespmem:s7+$0x50]  }
0x129: {  	v59 =	vor.u32 v29, v45  }
0x12a: {  	v60 =	vor.u32 v29, v42;
	_ =	sdelay $0x1  }
0x12b: {  	v43 =	vmul.f32 v43, v41  }
0x12c: {  	v44 =	vmul.f32 v44, v40  }
0x12d: {  	[tilespmem:v59+s30+$0x0] =	vst.idx.add.f32.msk $0xffff, v43  }
0x12e: {  	[tilespmem:v60+s30+$0x0] =	vst.idx.add.f32.msk $0xffff, v44  }
0x12f: {  	v43 =	vld [tilespmem:s0+$0x60]  }
0x130: {  	v44 =	vld [tilespmem:s7+$0x60]  }
0x131: {  	v61 =	vor.u32 v30, v45  }
0x132: {  	v62 =	vor.u32 v30, v42;
	_ =	sdelay $0x1  }
0x133: {  	v43 =	vmul.f32 v43, v41  }
0x134: {  	v44 =	vmul.f32 v44, v40  }
0x135: {  	[tilespmem:v61+s30+$0x0] =	vst.idx.add.f32.msk $0xffff, v43  }
0x136: {  	[tilespmem:v62+s30+$0x0] =	vst.idx.add.f32.msk $0xffff, v44  }
0x137: {  	v43 =	vld [tilespmem:s0+$0x70]  }
0x138: {  	v44 =	vld [tilespmem:s7+$0x70]  }
0x139: {  	v63 =	vor.u32 v31, v45  }
0x13a: {  	v48 =	vor.u32 v31, v42;
	_ =	sdelay $0x1  }
0x13b: {  	v43 =	vmul.f32 v43, v41  }
0x13c: {  	v44 =	vmul.f32 v44, v40  }
0x13d: {  	[tilespmem:v63+s30+$0x0] =	vst.idx.add.f32.msk $0xffff, v43  }
0x13e: {  	[tilespmem:v48+s30+$0x0] =	vst.idx.add.f32.msk $0xffff, v44  }
0x13f: {  	v43 =	vld [tilespmem:s0+$0x400]  }
0x140: {  	v44 =	vld [tilespmem:s7+$0x400]  }
0x141: {  	v49 =	vor.u32 v32, v45  }
0x142: {  	v50 =	vor.u32 v32, v42;
	_ =	sdelay $0x1  }
0x143: {  	v43 =	vmul.f32 v43, v41  }
0x144: {  	v44 =	vmul.f32 v44, v40  }
0x145: {  	[tilespmem:v49+s30+$0x0] =	vst.idx.add.f32.msk $0xffff, v43  }
0x146: {  	[tilespmem:v50+s30+$0x0] =	vst.idx.add.f32.msk $0xffff, v44  }
0x147: {  	v43 =	vld [tilespmem:s0+$0x410]  }
0x148: {  	v44 =	vld [tilespmem:s7+$0x410]  }
0x149: {  	v51 =	vor.u32 v33, v45  }
0x14a: {  	v52 =	vor.u32 v33, v42;
	_ =	sdelay $0x1  }
0x14b: {  	v43 =	vmul.f32 v43, v41  }
0x14c: {  	v44 =	vmul.f32 v44, v40  }
0x14d: {  	[tilespmem:v51+s30+$0x0] =	vst.idx.add.f32.msk $0xffff, v43  }
0x14e: {  	[tilespmem:v52+s30+$0x0] =	vst.idx.add.f32.msk $0xffff, v44  }
0x14f: {  	v43 =	vld [tilespmem:s0+$0x420]  }
0x150: {  	v44 =	vld [tilespmem:s7+$0x420]  }
0x151: {  	v53 =	vor.u32 v34, v45  }
0x152: {  	v54 =	vor.u32 v34, v42;
	_ =	sdelay $0x1  }
0x153: {  	v43 =	vmul.f32 v43, v41  }
0x154: {  	v44 =	vmul.f32 v44, v40  }
0x155: {  	[tilespmem:v53+s30+$0x0] =	vst.idx.add.f32.msk $0xffff, v43  }
0x156: {  	[tilespmem:v54+s30+$0x0] =	vst.idx.add.f32.msk $0xffff, v44  }
0x157: {  	v43 =	vld [tilespmem:s0+$0x430]  }
0x158: {  	v44 =	vld [tilespmem:s7+$0x430]  }
0x159: {  	v55 =	vor.u32 v35, v45  }
0x15a: {  	v56 =	vor.u32 v35, v42;
	_ =	sdelay $0x1  }
0x15b: {  	v43 =	vmul.f32 v43, v41  }
0x15c: {  	v44 =	vmul.f32 v44, v40  }
0x15d: {  	[tilespmem:v55+s30+$0x0] =	vst.idx.add.f32.msk $0xffff, v43  }
0x15e: {  	[tilespmem:v56+s30+$0x0] =	vst.idx.add.f32.msk $0xffff, v44  }
0x15f: {  	v43 =	vld [tilespmem:s0+$0x440]  }
0x160: {  	v44 =	vld [tilespmem:s7+$0x440]  }
0x161: {  	v57 =	vor.u32 v36, v45  }
0x162: {  	v58 =	vor.u32 v36, v42;
	_ =	sdelay $0x1  }
0x163: {  	v43 =	vmul.f32 v43, v41  }
0x164: {  	v44 =	vmul.f32 v44, v40  }
0x165: {  	[tilespmem:v57+s30+$0x0] =	vst.idx.add.f32.msk $0xffff, v43  }
0x166: {  	[tilespmem:v58+s30+$0x0] =	vst.idx.add.f32.msk $0xffff, v44  }
0x167: {  	v43 =	vld [tilespmem:s0+$0x450]  }
0x168: {  	v44 =	vld [tilespmem:s7+$0x450]  }
0x169: {  	v59 =	vor.u32 v37, v45  }
0x16a: {  	v60 =	vor.u32 v37, v42;
	_ =	sdelay $0x1  }
0x16b: {  	v43 =	vmul.f32 v43, v41  }
0x16c: {  	v44 =	vmul.f32 v44, v40  }
0x16d: {  	[tilespmem:v59+s30+$0x0] =	vst.idx.add.f32.msk $0xffff, v43  }
0x16e: {  	[tilespmem:v60+s30+$0x0] =	vst.idx.add.f32.msk $0xffff, v44  }
0x16f: {  	v43 =	vld [tilespmem:s0+$0x460]  }
0x170: {  	v44 =	vld [tilespmem:s7+$0x460]  }
0x171: {  	v61 =	vor.u32 v38, v45  }
0x172: {  	v62 =	vor.u32 v38, v42;
	_ =	sdelay $0x1  }
0x173: {  	v43 =	vmul.f32 v43, v41  }
0x174: {  	v44 =	vmul.f32 v44, v40  }
0x175: {  	[tilespmem:v61+s30+$0x0] =	vst.idx.add.f32.msk $0xffff, v43  }
0x176: {  	[tilespmem:v62+s30+$0x0] =	vst.idx.add.f32.msk $0xffff, v44  }
0x177: {  	v43 =	vld [tilespmem:s0+$0x470];
	_ =	sdelay $0x1  }
0x178: {  	v46 =	vld [tilespmem:s7+$0x470];
	s7 =	sadd.s32 $0x2, s4  }
0x179: {  	v45 =	vor.u32 v39, v45;
	v63 =	vmov s7  }
0x17a: {  	v44 =	vand.u32 $0xFFFFFFFE, v63  }
0x17b: {  	v44 =	vbroadcast v44, $0x0;
	v41 =	vmul.f32 v43, v41;
	v43 =	vor.u32 v39, v42  }
0x17c: {  	s22 =	sadd.s32 $0x1, s7  }
0x17d: {  	s9 =	simm.s32 $0x180;
	v42 =	vmov s22  }
0x17e: {  	s21 =	simm.s32 $0x280;
	s0 =	sshll.u32 s5, $0x7;
	v40 =	vmul.f32 v46, v40;
	s22 =	simm.s32 $0x0;
	[tilespmem:v45+s30+$0x0] =	vst.idx.add.f32.msk $0xffff, v41  }
.LBB2_8:
0x17f: {  	p0 =	sne.s32 s21, $0x1F80  }
0x180: {  	[tilespmem:v43+s30+$0x0] =	vst.idx.add.f32.msk $0xffff, v40;
	s22 =	sadd.s32 $0x200, s22;
	s24 =	smov.u32 s21;
	s21 =	sadd.s32 $0x100, s21  }
0x181: {  	s25 =	sadd.s32 $0xFFFFFF80, s9;
	v43 =	vld.idx.msk [tilespmem:v44+s10+$0x0], $0xffff;
	s23 =	sand.u32 $0x3800, s22  }
0x182: {  	s25 =	sand.u32 $0x300, s25;
	v45 =	vld.idx.msk [tilespmem:v42+s10+$0x0], $0xffff;
	s26 =	sadd.s32 $0x3580, s23  }
0x183: {  	s23 =	sadd.s32 s25, s26  }
0x184: {  	v46 =	vld [tilespmem:s23+$0x0]  }
0x185: {  	s25 =	sand.u32 $0x380, s9;
	s9 =	smov.u32 s24;
	v40 =	vld.idx.msk [tilespmem:v44+s11+$0x0], $0xffff  }
0x186: {  	s24 =	sadd.s32 s25, s26;
	v41 =	vld.idx.msk [tilespmem:v42+s11+$0x0], $0xffff  }
0x187: {  	v42 =	vshll.u32 v43, $0x8;
	v44 =	vld [tilespmem:s24+$0x0]  }
0x188: {  	v43 =	vshll.u32 v45, $0x8;
	v45 =	vor.u32 v0, v42  }
0x189: {  	v47 =	vor.u32 v0, v43;
	_ =	sdelay $0x1  }
0x18a: {  	v46 =	vmul.f32 v46, v40  }
0x18b: {  	v44 =	vmul.f32 v44, v41  }
0x18c: {  	[tilespmem:v45+s30+$0x0] =	vst.idx.add.f32.msk $0xffff, v46  }
0x18d: {  	[tilespmem:v47+s30+$0x0] =	vst.idx.add.f32.msk $0xffff, v44  }
0x18e: {  	v44 =	vld [tilespmem:s23+$0x10]  }
0x18f: {  	v45 =	vld [tilespmem:s24+$0x10]  }
0x190: {  	v46 =	vor.u32 v25, v42  }
0x191: {  	v47 =	vor.u32 v25, v43;
	_ =	sdelay $0x1  }
0x192: {  	v44 =	vmul.f32 v44, v40  }
0x193: {  	v45 =	vmul.f32 v45, v41  }
0x194: {  	[tilespmem:v46+s30+$0x0] =	vst.idx.add.f32.msk $0xffff, v44  }
0x195: {  	[tilespmem:v47+s30+$0x0] =	vst.idx.add.f32.msk $0xffff, v45  }
0x196: {  	v44 =	vld [tilespmem:s23+$0x20]  }
0x197: {  	v45 =	vld [tilespmem:s24+$0x20]  }
0x198: {  	v46 =	vor.u32 v26, v42  }
0x199: {  	v47 =	vor.u32 v26, v43;
	_ =	sdelay $0x1  }
0x19a: {  	v44 =	vmul.f32 v44, v40  }
0x19b: {  	v45 =	vmul.f32 v45, v41  }
0x19c: {  	[tilespmem:v46+s30+$0x0] =	vst.idx.add.f32.msk $0xffff, v44  }
0x19d: {  	[tilespmem:v47+s30+$0x0] =	vst.idx.add.f32.msk $0xffff, v45  }
0x19e: {  	v44 =	vld [tilespmem:s23+$0x30]  }
0x19f: {  	v45 =	vld [tilespmem:s24+$0x30]  }
0x1a0: {  	v46 =	vor.u32 v27, v42  }
0x1a1: {  	v47 =	vor.u32 v27, v43;
	_ =	sdelay $0x1  }
0x1a2: {  	v44 =	vmul.f32 v44, v40  }
0x1a3: {  	v45 =	vmul.f32 v45, v41  }
0x1a4: {  	[tilespmem:v46+s30+$0x0] =	vst.idx.add.f32.msk $0xffff, v44  }
0x1a5: {  	[tilespmem:v47+s30+$0x0] =	vst.idx.add.f32.msk $0xffff, v45  }
0x1a6: {  	v44 =	vld [tilespmem:s23+$0x40]  }
0x1a7: {  	v45 =	vld [tilespmem:s24+$0x40]  }
0x1a8: {  	v46 =	vor.u32 v28, v42  }
0x1a9: {  	v47 =	vor.u32 v28, v43;
	_ =	sdelay $0x1  }
0x1aa: {  	v44 =	vmul.f32 v44, v40  }
0x1ab: {  	v45 =	vmul.f32 v45, v41  }
0x1ac: {  	[tilespmem:v46+s30+$0x0] =	vst.idx.add.f32.msk $0xffff, v44  }
0x1ad: {  	[tilespmem:v47+s30+$0x0] =	vst.idx.add.f32.msk $0xffff, v45  }
0x1ae: {  	v44 =	vld [tilespmem:s23+$0x50]  }
0x1af: {  	v45 =	vld [tilespmem:s24+$0x50]  }
0x1b0: {  	v46 =	vor.u32 v29, v42  }
0x1b1: {  	v47 =	vor.u32 v29, v43;
	_ =	sdelay $0x1  }
0x1b2: {  	v44 =	vmul.f32 v44, v40  }
0x1b3: {  	v45 =	vmul.f32 v45, v41  }
0x1b4: {  	[tilespmem:v46+s30+$0x0] =	vst.idx.add.f32.msk $0xffff, v44  }
0x1b5: {  	[tilespmem:v47+s30+$0x0] =	vst.idx.add.f32.msk $0xffff, v45  }
0x1b6: {  	v44 =	vld [tilespmem:s23+$0x60]  }
0x1b7: {  	v45 =	vld [tilespmem:s24+$0x60]  }
0x1b8: {  	v46 =	vor.u32 v30, v42  }
0x1b9: {  	v47 =	vor.u32 v30, v43;
	_ =	sdelay $0x1  }
0x1ba: {  	v44 =	vmul.f32 v44, v40  }
0x1bb: {  	v45 =	vmul.f32 v45, v41  }
0x1bc: {  	[tilespmem:v46+s30+$0x0] =	vst.idx.add.f32.msk $0xffff, v44  }
0x1bd: {  	[tilespmem:v47+s30+$0x0] =	vst.idx.add.f32.msk $0xffff, v45  }
0x1be: {  	v44 =	vld [tilespmem:s23+$0x70]  }
0x1bf: {  	v45 =	vld [tilespmem:s24+$0x70]  }
0x1c0: {  	v46 =	vor.u32 v31, v42  }
0x1c1: {  	v47 =	vor.u32 v31, v43;
	_ =	sdelay $0x1  }
0x1c2: {  	v44 =	vmul.f32 v44, v40  }
0x1c3: {  	v45 =	vmul.f32 v45, v41  }
0x1c4: {  	[tilespmem:v46+s30+$0x0] =	vst.idx.add.f32.msk $0xffff, v44  }
0x1c5: {  	[tilespmem:v47+s30+$0x0] =	vst.idx.add.f32.msk $0xffff, v45  }
0x1c6: {  	v44 =	vld [tilespmem:s23+$0x400]  }
0x1c7: {  	v45 =	vld [tilespmem:s24+$0x400]  }
0x1c8: {  	v46 =	vor.u32 v32, v42  }
0x1c9: {  	v47 =	vor.u32 v32, v43;
	_ =	sdelay $0x1  }
0x1ca: {  	v44 =	vmul.f32 v44, v40  }
0x1cb: {  	v45 =	vmul.f32 v45, v41  }
0x1cc: {  	[tilespmem:v46+s30+$0x0] =	vst.idx.add.f32.msk $0xffff, v44  }
0x1cd: {  	[tilespmem:v47+s30+$0x0] =	vst.idx.add.f32.msk $0xffff, v45  }
0x1ce: {  	v44 =	vld [tilespmem:s23+$0x410]  }
0x1cf: {  	v45 =	vld [tilespmem:s24+$0x410]  }
0x1d0: {  	v46 =	vor.u32 v33, v42  }
0x1d1: {  	v47 =	vor.u32 v33, v43;
	_ =	sdelay $0x1  }
0x1d2: {  	v44 =	vmul.f32 v44, v40  }
0x1d3: {  	v45 =	vmul.f32 v45, v41  }
0x1d4: {  	[tilespmem:v46+s30+$0x0] =	vst.idx.add.f32.msk $0xffff, v44  }
0x1d5: {  	[tilespmem:v47+s30+$0x0] =	vst.idx.add.f32.msk $0xffff, v45  }
0x1d6: {  	v44 =	vld [tilespmem:s23+$0x420]  }
0x1d7: {  	v45 =	vld [tilespmem:s24+$0x420]  }
0x1d8: {  	v46 =	vor.u32 v34, v42  }
0x1d9: {  	v47 =	vor.u32 v34, v43;
	_ =	sdelay $0x1  }
0x1da: {  	v44 =	vmul.f32 v44, v40  }
0x1db: {  	v45 =	vmul.f32 v45, v41  }
0x1dc: {  	[tilespmem:v46+s30+$0x0] =	vst.idx.add.f32.msk $0xffff, v44  }
0x1dd: {  	[tilespmem:v47+s30+$0x0] =	vst.idx.add.f32.msk $0xffff, v45  }
0x1de: {  	v44 =	vld [tilespmem:s23+$0x430]  }
0x1df: {  	v45 =	vld [tilespmem:s24+$0x430]  }
0x1e0: {  	v46 =	vor.u32 v35, v42  }
0x1e1: {  	v47 =	vor.u32 v35, v43;
	_ =	sdelay $0x1  }
0x1e2: {  	v44 =	vmul.f32 v44, v40  }
0x1e3: {  	v45 =	vmul.f32 v45, v41  }
0x1e4: {  	[tilespmem:v46+s30+$0x0] =	vst.idx.add.f32.msk $0xffff, v44  }
0x1e5: {  	[tilespmem:v47+s30+$0x0] =	vst.idx.add.f32.msk $0xffff, v45  }
0x1e6: {  	v44 =	vld [tilespmem:s23+$0x440]  }
0x1e7: {  	v45 =	vld [tilespmem:s24+$0x440]  }
0x1e8: {  	v46 =	vor.u32 v36, v42  }
0x1e9: {  	v47 =	vor.u32 v36, v43;
	_ =	sdelay $0x1  }
0x1ea: {  	v44 =	vmul.f32 v44, v40  }
0x1eb: {  	v45 =	vmul.f32 v45, v41  }
0x1ec: {  	[tilespmem:v46+s30+$0x0] =	vst.idx.add.f32.msk $0xffff, v44  }
0x1ed: {  	[tilespmem:v47+s30+$0x0] =	vst.idx.add.f32.msk $0xffff, v45  }
0x1ee: {  	v44 =	vld [tilespmem:s23+$0x450]  }
0x1ef: {  	v45 =	vld [tilespmem:s24+$0x450]  }
0x1f0: {  	v46 =	vor.u32 v37, v42  }
0x1f1: {  	v47 =	vor.u32 v37, v43;
	_ =	sdelay $0x1  }
0x1f2: {  	v44 =	vmul.f32 v44, v40  }
0x1f3: {  	v45 =	vmul.f32 v45, v41  }
0x1f4: {  	[tilespmem:v46+s30+$0x0] =	vst.idx.add.f32.msk $0xffff, v44  }
0x1f5: {  	[tilespmem:v47+s30+$0x0] =	vst.idx.add.f32.msk $0xffff, v45  }
0x1f6: {  	v44 =	vld [tilespmem:s23+$0x460]  }
0x1f7: {  	v45 =	vld [tilespmem:s24+$0x460]  }
0x1f8: {  	v46 =	vor.u32 v38, v42  }
0x1f9: {  	v47 =	vor.u32 v38, v43;
	_ =	sdelay $0x1  }
0x1fa: {  	v44 =	vmul.f32 v44, v40  }
0x1fb: {  	v45 =	vmul.f32 v45, v41  }
0x1fc: {  	[tilespmem:v46+s30+$0x0] =	vst.idx.add.f32.msk $0xffff, v44  }
0x1fd: {  	[tilespmem:v47+s30+$0x0] =	vst.idx.add.f32.msk $0xffff, v45  }
0x1fe: {  	s7 =	sadd.s32 $0x2, s7;
	v45 =	vld [tilespmem:s23+$0x470]  }
0x1ff: {  	v44 =	vmov s7;
	v46 =	vld [tilespmem:s24+$0x470]  }
0x200: {  	v44 =	vand.u32 $0xFFFFFFFE, v44;
	v47 =	vor.u32 v39, v42  }
.Ltmp2:
0x201: {  	v43 =	vor.u32 v39, v43;
	v44 =	vbroadcast v44, $0x0;
	(pc) =	sbr.rel @p0 .LBB2_8-.Ltmp2, $4  }
0x202: {  	s23 =	sadd.s32 $0x1, s7  }
0x203: {  	v42 =	vmov s23;
	v45 =	vmul.f32 v45, v40  }
0x204: {  	v40 =	vmul.f32 v46, v41  }
0x205: {  	[tilespmem:v47+s30+$0x0] =	vst.idx.add.f32.msk $0xffff, v45  }
0x206: {  	_ =	sdelay $0x3  }
0x207: {  	[tilespmem:v43+s30+$0x0] =	vst.idx.add.f32.msk $0xffff, v40  }
0x208: {  	s7 =	sadd.s32 $0x200, s22;
	v41 =	vld.idx.msk [tilespmem:v44+s10+$0x0], $0xffff  }
0x209: {  	s21 =	sadd.s32 $0xFFFFFF80, s9;
	s7 =	sand.u32 $0x3800, s7;
	v43 =	vld.idx.msk [tilespmem:v42+s10+$0x0], $0xffff  }
0x20a: {  	s21 =	sand.u32 $0x300, s21;
	v40 =	vld.idx.msk [tilespmem:v44+s11+$0x0], $0xffff;
	s25 =	sadd.s32 $0x3580, s7  }
0x20b: {  	s26 =	sand.u32 $0x380, s9;
	v42 =	vld.idx.msk [tilespmem:v42+s11+$0x0], $0xffff;
	s7 =	sadd.s32 s21, s25  }
0x20c: {  	s9 =	sadd.s32 s26, s25;
	v45 =	vld [tilespmem:s7+$0x0]  }
0x20d: {  	v56 =	vld [tilespmem:s9+$0x0];
	v41 =	vshll.u32 v41, $0x8  }
0x20e: {  	v43 =	vshll.u32 v43, $0x8;
	v46 =	vor.u32 v0, v41  }
0x20f: {  	v47 =	vor.u32 v0, v43;
	_ =	sdelay $0x1  }
0x210: {  	v45 =	vmul.f32 v45, v40  }
0x211: {  	v44 =	vmul.f32 v56, v42  }
0x212: {  	[tilespmem:v46+s30+$0x0] =	vst.idx.add.f32.msk $0xffff, v45  }
0x213: {  	[tilespmem:v47+s30+$0x0] =	vst.idx.add.f32.msk $0xffff, v44  }
0x214: {  	v44 =	vld [tilespmem:s7+$0x10]  }
0x215: {  	v45 =	vld [tilespmem:s9+$0x10]  }
0x216: {  	v57 =	vor.u32 v25, v41  }
0x217: {  	v58 =	vor.u32 v25, v43;
	_ =	sdelay $0x1  }
0x218: {  	v44 =	vmul.f32 v44, v40  }
0x219: {  	v45 =	vmul.f32 v45, v42  }
0x21a: {  	[tilespmem:v57+s30+$0x0] =	vst.idx.add.f32.msk $0xffff, v44  }
0x21b: {  	[tilespmem:v58+s30+$0x0] =	vst.idx.add.f32.msk $0xffff, v45  }
0x21c: {  	v44 =	vld [tilespmem:s7+$0x20]  }
0x21d: {  	v45 =	vld [tilespmem:s9+$0x20]  }
0x21e: {  	v59 =	vor.u32 v26, v41  }
0x21f: {  	v60 =	vor.u32 v26, v43;
	_ =	sdelay $0x1  }
0x220: {  	v44 =	vmul.f32 v44, v40  }
0x221: {  	v45 =	vmul.f32 v45, v42  }
0x222: {  	[tilespmem:v59+s30+$0x0] =	vst.idx.add.f32.msk $0xffff, v44  }
0x223: {  	[tilespmem:v60+s30+$0x0] =	vst.idx.add.f32.msk $0xffff, v45  }
0x224: {  	v44 =	vld [tilespmem:s7+$0x30]  }
0x225: {  	v45 =	vld [tilespmem:s9+$0x30]  }
0x226: {  	v61 =	vor.u32 v27, v41  }
0x227: {  	v62 =	vor.u32 v27, v43;
	_ =	sdelay $0x1  }
0x228: {  	v44 =	vmul.f32 v44, v40  }
0x229: {  	v45 =	vmul.f32 v45, v42  }
0x22a: {  	[tilespmem:v61+s30+$0x0] =	vst.idx.add.f32.msk $0xffff, v44  }
0x22b: {  	[tilespmem:v62+s30+$0x0] =	vst.idx.add.f32.msk $0xffff, v45  }
0x22c: {  	v44 =	vld [tilespmem:s7+$0x40]  }
0x22d: {  	v45 =	vld [tilespmem:s9+$0x40]  }
0x22e: {  	v63 =	vor.u32 v28, v41  }
0x22f: {  	v48 =	vor.u32 v28, v43;
	_ =	sdelay $0x1  }
0x230: {  	v44 =	vmul.f32 v44, v40  }
0x231: {  	v45 =	vmul.f32 v45, v42  }
0x232: {  	[tilespmem:v63+s30+$0x0] =	vst.idx.add.f32.msk $0xffff, v44  }
0x233: {  	[tilespmem:v48+s30+$0x0] =	vst.idx.add.f32.msk $0xffff, v45  }
0x234: {  	v44 =	vld [tilespmem:s7+$0x50]  }
0x235: {  	v45 =	vld [tilespmem:s9+$0x50]  }
0x236: {  	v49 =	vor.u32 v29, v41  }
0x237: {  	v50 =	vor.u32 v29, v43;
	_ =	sdelay $0x1  }
0x238: {  	v44 =	vmul.f32 v44, v40  }
0x239: {  	v45 =	vmul.f32 v45, v42  }
0x23a: {  	[tilespmem:v49+s30+$0x0] =	vst.idx.add.f32.msk $0xffff, v44  }
0x23b: {  	[tilespmem:v50+s30+$0x0] =	vst.idx.add.f32.msk $0xffff, v45  }
0x23c: {  	v44 =	vld [tilespmem:s7+$0x60]  }
0x23d: {  	v45 =	vld [tilespmem:s9+$0x60]  }
0x23e: {  	v51 =	vor.u32 v30, v41  }
0x23f: {  	v52 =	vor.u32 v30, v43;
	_ =	sdelay $0x1  }
0x240: {  	v44 =	vmul.f32 v44, v40  }
0x241: {  	v45 =	vmul.f32 v45, v42  }
0x242: {  	[tilespmem:v51+s30+$0x0] =	vst.idx.add.f32.msk $0xffff, v44  }
0x243: {  	[tilespmem:v52+s30+$0x0] =	vst.idx.add.f32.msk $0xffff, v45  }
0x244: {  	v44 =	vld [tilespmem:s7+$0x70]  }
0x245: {  	v45 =	vld [tilespmem:s9+$0x70]  }
0x246: {  	v53 =	vor.u32 v31, v41  }
0x247: {  	v54 =	vor.u32 v31, v43;
	_ =	sdelay $0x1  }
0x248: {  	v44 =	vmul.f32 v44, v40  }
0x249: {  	v45 =	vmul.f32 v45, v42  }
0x24a: {  	[tilespmem:v53+s30+$0x0] =	vst.idx.add.f32.msk $0xffff, v44  }
0x24b: {  	[tilespmem:v54+s30+$0x0] =	vst.idx.add.f32.msk $0xffff, v45  }
0x24c: {  	v44 =	vld [tilespmem:s7+$0x400]  }
0x24d: {  	v45 =	vld [tilespmem:s9+$0x400]  }
0x24e: {  	v55 =	vor.u32 v32, v41  }
0x24f: {  	v56 =	vor.u32 v32, v43;
	_ =	sdelay $0x1  }
0x250: {  	v44 =	vmul.f32 v44, v40  }
0x251: {  	v45 =	vmul.f32 v45, v42  }
0x252: {  	[tilespmem:v55+s30+$0x0] =	vst.idx.add.f32.msk $0xffff, v44  }
0x253: {  	[tilespmem:v56+s30+$0x0] =	vst.idx.add.f32.msk $0xffff, v45  }
0x254: {  	v44 =	vld [tilespmem:s7+$0x410]  }
0x255: {  	v45 =	vld [tilespmem:s9+$0x410]  }
0x256: {  	v57 =	vor.u32 v33, v41  }
0x257: {  	v58 =	vor.u32 v33, v43;
	_ =	sdelay $0x1  }
0x258: {  	v44 =	vmul.f32 v44, v40  }
0x259: {  	v45 =	vmul.f32 v45, v42  }
0x25a: {  	[tilespmem:v57+s30+$0x0] =	vst.idx.add.f32.msk $0xffff, v44  }
0x25b: {  	[tilespmem:v58+s30+$0x0] =	vst.idx.add.f32.msk $0xffff, v45  }
0x25c: {  	v44 =	vld [tilespmem:s7+$0x420]  }
0x25d: {  	v45 =	vld [tilespmem:s9+$0x420]  }
0x25e: {  	v59 =	vor.u32 v34, v41  }
0x25f: {  	v60 =	vor.u32 v34, v43;
	_ =	sdelay $0x1  }
0x260: {  	v44 =	vmul.f32 v44, v40  }
0x261: {  	v45 =	vmul.f32 v45, v42  }
0x262: {  	[tilespmem:v59+s30+$0x0] =	vst.idx.add.f32.msk $0xffff, v44  }
0x263: {  	[tilespmem:v60+s30+$0x0] =	vst.idx.add.f32.msk $0xffff, v45  }
0x264: {  	v44 =	vld [tilespmem:s7+$0x430]  }
0x265: {  	v45 =	vld [tilespmem:s9+$0x430]  }
0x266: {  	v61 =	vor.u32 v35, v41  }
0x267: {  	v62 =	vor.u32 v35, v43;
	_ =	sdelay $0x1  }
0x268: {  	v44 =	vmul.f32 v44, v40  }
0x269: {  	v45 =	vmul.f32 v45, v42  }
0x26a: {  	[tilespmem:v61+s30+$0x0] =	vst.idx.add.f32.msk $0xffff, v44  }
0x26b: {  	[tilespmem:v62+s30+$0x0] =	vst.idx.add.f32.msk $0xffff, v45  }
0x26c: {  	v44 =	vld [tilespmem:s7+$0x440]  }
0x26d: {  	v45 =	vld [tilespmem:s9+$0x440]  }
0x26e: {  	v63 =	vor.u32 v36, v41  }
0x26f: {  	v48 =	vor.u32 v36, v43;
	_ =	sdelay $0x1  }
0x270: {  	v44 =	vmul.f32 v44, v40  }
0x271: {  	v45 =	vmul.f32 v45, v42  }
0x272: {  	[tilespmem:v63+s30+$0x0] =	vst.idx.add.f32.msk $0xffff, v44  }
0x273: {  	[tilespmem:v48+s30+$0x0] =	vst.idx.add.f32.msk $0xffff, v45  }
0x274: {  	v44 =	vld [tilespmem:s7+$0x450]  }
0x275: {  	v45 =	vld [tilespmem:s9+$0x450]  }
0x276: {  	v49 =	vor.u32 v37, v41  }
0x277: {  	v50 =	vor.u32 v37, v43;
	_ =	sdelay $0x1  }
0x278: {  	v44 =	vmul.f32 v44, v40  }
0x279: {  	v45 =	vmul.f32 v45, v42  }
0x27a: {  	[tilespmem:v49+s30+$0x0] =	vst.idx.add.f32.msk $0xffff, v44  }
0x27b: {  	[tilespmem:v50+s30+$0x0] =	vst.idx.add.f32.msk $0xffff, v45  }
0x27c: {  	v44 =	vld [tilespmem:s7+$0x460]  }
0x27d: {  	v45 =	vld [tilespmem:s9+$0x460]  }
0x27e: {  	v51 =	vor.u32 v38, v41  }
0x27f: {  	v52 =	vor.u32 v38, v43;
	_ =	sdelay $0x1  }
0x280: {  	v44 =	vmul.f32 v44, v40  }
0x281: {  	v45 =	vmul.f32 v45, v42  }
0x282: {  	[tilespmem:v51+s30+$0x0] =	vst.idx.add.f32.msk $0xffff, v44  }
0x283: {  	[tilespmem:v52+s30+$0x0] =	vst.idx.add.f32.msk $0xffff, v45  }
0x284: {  	v44 =	vld [tilespmem:s7+$0x470]  }
0x285: {  	v45 =	vld [tilespmem:s9+$0x470]  }
0x286: {  	v41 =	vor.u32 v39, v41  }
0x287: {  	v43 =	vor.u32 v39, v43;
	_ =	sdelay $0x1  }
0x288: {  	v40 =	vmul.f32 v44, v40  }
0x289: {  	v42 =	vmul.f32 v45, v42  }
0x28a: {  	[tilespmem:v41+s30+$0x0] =	vst.idx.add.f32.msk $0xffff, v40  }
0x28b: {  	[tilespmem:v43+s30+$0x0] =	vst.idx.add.f32.msk $0xffff, v42  }
0x28c: {  	v40 =	vld [tilespmem:s0+$0x80];
	_ =	sdelay $0x4  }
0x28d: {  	[tilespmem:$0x3480] =	vst v40  }
0x28e: {  	v41 =	vld [tilespmem:s0+$0x90];
	_ =	sdelay $0x4  }
0x28f: {  	[tilespmem:$0x3490] =	vst v41  }
0x290: {  	v41 =	vld [tilespmem:s0+$0xA0];
	_ =	sdelay $0x1  }
0x291: {  	v53 =	vshll.u32 v40, $0x1  }
0x292: {  	v40 =	vand.u32 $0x7, v40;
	v42 =	vand.u32 $0xFFFFFFF0, v53  }
0x293: {  	v40 =	vor.u32 v40, v42  }
0x294: {  	v54 =	vperm.xlane v40, v22;
	[tilespmem:$0x34A0] =	vst v41  }
0x295: {  	v55 =	vld [tilespmem:s0+$0xB0]  }
0x296: {  	v40 =	vperm.xlane v40, v24;
	v41 =	vadd.s32 v23, v54;
	_ =	sdelay $0x1  }
0x297: {  	v40 =	vadd.s32 v23, v40;
	_ =	sdelay $0x1  }
0x298: {  	s0 =	simm.s32 $0x0;
	[tilespmem:$0x34B0] =	vst v55  }
0x299: {  	[tilespmem:s13], [sflag:$0x1] =	stream.indirect_vreg.gather [hbm4b:s6+s0], $0x80, v41, vm0, $0xb8;
	[tilespmem:$0x1F580] =	vst v63  }
0x29a: {  	_ = 	snop  }
0x29b: {  	[tilespmem:s14], [sflag:$0x1] =	stream.indirect_vreg.gather [hbm4b:s6+s0], $0x80, v40, vm0, $0xb8;
	[tilespmem:$0x1F580] =	vst v63  }
0x29c: {  	v40 =	vld [tilespmem:$0x3490];
	_ =	sdelay $0x4  }
0x29d: {  	v56 =	vshll.u32 v40, $0x1  }
0x29e: {  	v40 =	vand.u32 $0x7, v40;
	v41 =	vand.u32 $0xFFFFFFF0, v56  }
0x29f: {  	v40 =	vor.u32 v40, v41  }
0x2a0: {  	v41 =	vperm.xlane v40, v22;
	_ =	sdelay $0x1  }
0x2a1: {  	v40 =	vperm.xlane v40, v24;
	v41 =	vadd.s32 v23, v41;
	_ =	sdelay $0x1  }
0x2a2: {  	v40 =	vadd.s32 v23, v40;
	_ =	sdelay $0x2  }
0x2a3: {  	[tilespmem:s15], [sflag:$0x1] =	stream.indirect_vreg.gather [hbm4b:s6+s0], $0x80, v41, vm0, $0xb8;
	[tilespmem:$0x1F580] =	vst v63  }
0x2a4: {  	_ = 	snop  }
0x2a5: {  	[tilespmem:s16], [sflag:$0x1] =	stream.indirect_vreg.gather [hbm4b:s6+s0], $0x80, v40, vm0, $0xb8;
	[tilespmem:$0x1F580] =	vst v63  }
0x2a6: {  	v40 =	vld [tilespmem:$0x34A0];
	_ =	sdelay $0x4  }
0x2a7: {  	v57 =	vshll.u32 v40, $0x1  }
0x2a8: {  	v40 =	vand.u32 $0x7, v40;
	v41 =	vand.u32 $0xFFFFFFF0, v57  }
0x2a9: {  	v40 =	vor.u32 v40, v41  }
0x2aa: {  	v41 =	vperm.xlane v40, v22;
	_ =	sdelay $0x1  }
0x2ab: {  	v40 =	vperm.xlane v40, v24;
	v41 =	vadd.s32 v23, v41;
	_ =	sdelay $0x1  }
0x2ac: {  	v40 =	vadd.s32 v23, v40;
	_ =	sdelay $0x2  }
0x2ad: {  	[tilespmem:s17], [sflag:$0x1] =	stream.indirect_vreg.gather [hbm4b:s6+s0], $0x80, v41, vm0, $0xb8;
	[tilespmem:$0x1F580] =	vst v63  }
0x2ae: {  	_ = 	snop  }
0x2af: {  	[tilespmem:s18], [sflag:$0x1] =	stream.indirect_vreg.gather [hbm4b:s6+s0], $0x80, v40, vm0, $0xb8;
	[tilespmem:$0x1F580] =	vst v63  }
0x2b0: {  	v40 =	vld [tilespmem:$0x34B0];
	_ =	sdelay $0x4  }
0x2b1: {  	v58 =	vshll.u32 v40, $0x1  }
0x2b2: {  	v40 =	vand.u32 $0x7, v40;
	v41 =	vand.u32 $0xFFFFFFF0, v58  }
0x2b3: {  	v40 =	vor.u32 v40, v41  }
0x2b4: {  	v41 =	vperm.xlane v40, v22;
	_ =	sdelay $0x1  }
0x2b5: {  	v40 =	vperm.xlane v40, v24;
	v41 =	vadd.s32 v23, v41;
	_ =	sdelay $0x1  }
0x2b6: {  	v40 =	vadd.s32 v23, v40  }
0x2b7: {  	v59 =	vmov s2  }
0x2b8: {  	v42 =	vand.u32 $0xFFFFFFFE, v59  }
0x2b9: {  	v60 =	vbroadcast v42, $0x0;
	[tilespmem:s19], [sflag:$0x1] =	stream.indirect_vreg.gather [hbm4b:s6+s0], $0x80, v41, vm0, $0xb8;
	[tilespmem:$0x1F580] =	vst v63  }
0x2ba: {  	s21 =	sadd.s32 $0x1, s2  }
0x2bb: {  	v61 =	vmov s21;
	[tilespmem:s20], [sflag:$0x1] =	stream.indirect_vreg.gather [hbm4b:s6+s0], $0x80, v40, vm0, $0xb8;
	[tilespmem:$0x1F580] =	vst v63  }
0x2bc: {  	_ =	swait.ge [sflag:s31], $0x4000  }
0x2bd: {  	[sflag:s31] =	ssyncset.done $0x0  }
0x2be: {  	s23 =	simm.s32 $0x0;
	s22 =	sand.u32 $0x3800, s0;
	[sflag:s31] =	ssyncadd.s32 $0xFFFFC000  }
0x2bf: {  	s9 =	sand.u32 $0x300, s23;
	s24 =	sadd.s32 $0x7580, s22;
	v42 =	vld.idx.msk [tilespmem:v60+s10+$0x0], $0xffff  }
0x2c0: {  	s7 =	sadd.s32 s9, s24;
	v62 =	vld.idx.msk [tilespmem:v61+s10+$0x0], $0xffff  }
0x2c1: {  	s25 =	simm.s32 $0x80;
	v63 =	vld [tilespmem:s7+$0x0]  }
0x2c2: {  	s9 =	sand.u32 $0x380, s25;
	v41 =	vld.idx.msk [tilespmem:v60+s11+$0x0], $0xffff  }
0x2c3: {  	s9 =	sadd.s32 s9, s24;
	v40 =	vld.idx.msk [tilespmem:v61+s11+$0x0], $0xffff  }
0x2c4: {  	v48 =	vld [tilespmem:s9+$0x0];
	v45 =	vshll.u32 v42, $0x8  }
0x2c5: {  	v42 =	vshll.u32 v62, $0x8;
	v49 =	vor.u32 v0, v45  }
0x2c6: {  	v50 =	vor.u32 v0, v42;
	_ =	sdelay $0x1  }
0x2c7: {  	v44 =	vmul.f32 v63, v41  }
0x2c8: {  	v46 =	vmul.f32 v48, v40  }
0x2c9: {  	[tilespmem:v49+s30+$0x0] =	vst.idx.add.f32.msk $0xffff, v44  }
0x2ca: {  	[tilespmem:v50+s30+$0x0] =	vst.idx.add.f32.msk $0xffff, v46  }
0x2cb: {  	v43 =	vld [tilespmem:s7+$0x10]  }
0x2cc: {  	v44 =	vld [tilespmem:s9+$0x10]  }
0x2cd: {  	v51 =	vor.u32 v25, v45  }
0x2ce: {  	v52 =	vor.u32 v25, v42;
	_ =	sdelay $0x1  }
0x2cf: {  	v43 =	vmul.f32 v43, v41  }
0x2d0: {  	v44 =	vmul.f32 v44, v40  }
0x2d1: {  	[tilespmem:v51+s30+$0x0] =	vst.idx.add.f32.msk $0xffff, v43  }
0x2d2: {  	[tilespmem:v52+s30+$0x0] =	vst.idx.add.f32.msk $0xffff, v44  }
0x2d3: {  	v43 =	vld [tilespmem:s7+$0x20]  }
0x2d4: {  	v44 =	vld [tilespmem:s9+$0x20]  }
0x2d5: {  	v53 =	vor.u32 v26, v45  }
0x2d6: {  	v54 =	vor.u32 v26, v42;
	_ =	sdelay $0x1  }
0x2d7: {  	v43 =	vmul.f32 v43, v41  }
0x2d8: {  	v44 =	vmul.f32 v44, v40  }
0x2d9: {  	[tilespmem:v53+s30+$0x0] =	vst.idx.add.f32.msk $0xffff, v43  }
0x2da: {  	[tilespmem:v54+s30+$0x0] =	vst.idx.add.f32.msk $0xffff, v44  }
0x2db: {  	v43 =	vld [tilespmem:s7+$0x30]  }
0x2dc: {  	v44 =	vld [tilespmem:s9+$0x30]  }
0x2dd: {  	v55 =	vor.u32 v27, v45  }
0x2de: {  	v56 =	vor.u32 v27, v42;
	_ =	sdelay $0x1  }
0x2df: {  	v43 =	vmul.f32 v43, v41  }
0x2e0: {  	v44 =	vmul.f32 v44, v40  }
0x2e1: {  	[tilespmem:v55+s30+$0x0] =	vst.idx.add.f32.msk $0xffff, v43  }
0x2e2: {  	[tilespmem:v56+s30+$0x0] =	vst.idx.add.f32.msk $0xffff, v44  }
0x2e3: {  	v43 =	vld [tilespmem:s7+$0x40]  }
0x2e4: {  	v44 =	vld [tilespmem:s9+$0x40]  }
0x2e5: {  	v57 =	vor.u32 v28, v45  }
0x2e6: {  	v58 =	vor.u32 v28, v42;
	_ =	sdelay $0x1  }
0x2e7: {  	v43 =	vmul.f32 v43, v41  }
0x2e8: {  	v44 =	vmul.f32 v44, v40  }
0x2e9: {  	[tilespmem:v57+s30+$0x0] =	vst.idx.add.f32.msk $0xffff, v43  }
0x2ea: {  	[tilespmem:v58+s30+$0x0] =	vst.idx.add.f32.msk $0xffff, v44  }
0x2eb: {  	v43 =	vld [tilespmem:s7+$0x50]  }
0x2ec: {  	v44 =	vld [tilespmem:s9+$0x50]  }
0x2ed: {  	v59 =	vor.u32 v29, v45  }
0x2ee: {  	v60 =	vor.u32 v29, v42;
	_ =	sdelay $0x1  }
0x2ef: {  	v43 =	vmul.f32 v43, v41  }
0x2f0: {  	v44 =	vmul.f32 v44, v40  }
0x2f1: {  	[tilespmem:v59+s30+$0x0] =	vst.idx.add.f32.msk $0xffff, v43  }
0x2f2: {  	[tilespmem:v60+s30+$0x0] =	vst.idx.add.f32.msk $0xffff, v44  }
0x2f3: {  	v43 =	vld [tilespmem:s7+$0x60]  }
0x2f4: {  	v44 =	vld [tilespmem:s9+$0x60]  }
0x2f5: {  	v61 =	vor.u32 v30, v45  }
0x2f6: {  	v62 =	vor.u32 v30, v42;
	_ =	sdelay $0x1  }
0x2f7: {  	v43 =	vmul.f32 v43, v41  }
0x2f8: {  	v44 =	vmul.f32 v44, v40  }
0x2f9: {  	[tilespmem:v61+s30+$0x0] =	vst.idx.add.f32.msk $0xffff, v43  }
0x2fa: {  	[tilespmem:v62+s30+$0x0] =	vst.idx.add.f32.msk $0xffff, v44  }
0x2fb: {  	v43 =	vld [tilespmem:s7+$0x70]  }
0x2fc: {  	v44 =	vld [tilespmem:s9+$0x70]  }
0x2fd: {  	v63 =	vor.u32 v31, v45  }
0x2fe: {  	v48 =	vor.u32 v31, v42;
	_ =	sdelay $0x1  }
0x2ff: {  	v43 =	vmul.f32 v43, v41  }
0x300: {  	v44 =	vmul.f32 v44, v40  }
0x301: {  	[tilespmem:v63+s30+$0x0] =	vst.idx.add.f32.msk $0xffff, v43  }
0x302: {  	[tilespmem:v48+s30+$0x0] =	vst.idx.add.f32.msk $0xffff, v44  }
0x303: {  	v43 =	vld [tilespmem:s7+$0x400]  }
0x304: {  	v44 =	vld [tilespmem:s9+$0x400]  }
0x305: {  	v49 =	vor.u32 v32, v45  }
0x306: {  	v50 =	vor.u32 v32, v42;
	_ =	sdelay $0x1  }
0x307: {  	v43 =	vmul.f32 v43, v41  }
0x308: {  	v44 =	vmul.f32 v44, v40  }
0x309: {  	[tilespmem:v49+s30+$0x0] =	vst.idx.add.f32.msk $0xffff, v43  }
0x30a: {  	[tilespmem:v50+s30+$0x0] =	vst.idx.add.f32.msk $0xffff, v44  }
0x30b: {  	v43 =	vld [tilespmem:s7+$0x410]  }
0x30c: {  	v44 =	vld [tilespmem:s9+$0x410]  }
0x30d: {  	v51 =	vor.u32 v33, v45  }
0x30e: {  	v52 =	vor.u32 v33, v42;
	_ =	sdelay $0x1  }
0x30f: {  	v43 =	vmul.f32 v43, v41  }
0x310: {  	v44 =	vmul.f32 v44, v40  }
0x311: {  	[tilespmem:v51+s30+$0x0] =	vst.idx.add.f32.msk $0xffff, v43  }
0x312: {  	[tilespmem:v52+s30+$0x0] =	vst.idx.add.f32.msk $0xffff, v44  }
0x313: {  	v43 =	vld [tilespmem:s7+$0x420]  }
0x314: {  	v44 =	vld [tilespmem:s9+$0x420]  }
0x315: {  	v53 =	vor.u32 v34, v45  }
0x316: {  	v54 =	vor.u32 v34, v42;
	_ =	sdelay $0x1  }
0x317: {  	v43 =	vmul.f32 v43, v41  }
0x318: {  	v44 =	vmul.f32 v44, v40  }
0x319: {  	[tilespmem:v53+s30+$0x0] =	vst.idx.add.f32.msk $0xffff, v43  }
0x31a: {  	[tilespmem:v54+s30+$0x0] =	vst.idx.add.f32.msk $0xffff, v44  }
0x31b: {  	v43 =	vld [tilespmem:s7+$0x430]  }
0x31c: {  	v44 =	vld [tilespmem:s9+$0x430]  }
0x31d: {  	v55 =	vor.u32 v35, v45  }
0x31e: {  	v56 =	vor.u32 v35, v42;
	_ =	sdelay $0x1  }
0x31f: {  	v43 =	vmul.f32 v43, v41  }
0x320: {  	v44 =	vmul.f32 v44, v40  }
0x321: {  	[tilespmem:v55+s30+$0x0] =	vst.idx.add.f32.msk $0xffff, v43  }
0x322: {  	[tilespmem:v56+s30+$0x0] =	vst.idx.add.f32.msk $0xffff, v44  }
0x323: {  	v43 =	vld [tilespmem:s7+$0x440]  }
0x324: {  	v44 =	vld [tilespmem:s9+$0x440]  }
0x325: {  	v57 =	vor.u32 v36, v45  }
0x326: {  	v58 =	vor.u32 v36, v42;
	_ =	sdelay $0x1  }
0x327: {  	v43 =	vmul.f32 v43, v41  }
0x328: {  	v44 =	vmul.f32 v44, v40  }
0x329: {  	[tilespmem:v57+s30+$0x0] =	vst.idx.add.f32.msk $0xffff, v43  }
0x32a: {  	[tilespmem:v58+s30+$0x0] =	vst.idx.add.f32.msk $0xffff, v44  }
0x32b: {  	v43 =	vld [tilespmem:s7+$0x450]  }
0x32c: {  	v44 =	vld [tilespmem:s9+$0x450]  }
0x32d: {  	v59 =	vor.u32 v37, v45  }
0x32e: {  	v60 =	vor.u32 v37, v42;
	_ =	sdelay $0x1  }
0x32f: {  	v43 =	vmul.f32 v43, v41  }
0x330: {  	v44 =	vmul.f32 v44, v40  }
0x331: {  	[tilespmem:v59+s30+$0x0] =	vst.idx.add.f32.msk $0xffff, v43  }
0x332: {  	[tilespmem:v60+s30+$0x0] =	vst.idx.add.f32.msk $0xffff, v44  }
0x333: {  	v43 =	vld [tilespmem:s7+$0x460]  }
0x334: {  	v44 =	vld [tilespmem:s9+$0x460]  }
0x335: {  	v61 =	vor.u32 v38, v45  }
0x336: {  	v62 =	vor.u32 v38, v42;
	_ =	sdelay $0x1  }
0x337: {  	v43 =	vmul.f32 v43, v41  }
0x338: {  	v44 =	vmul.f32 v44, v40  }
0x339: {  	[tilespmem:v61+s30+$0x0] =	vst.idx.add.f32.msk $0xffff, v43  }
0x33a: {  	[tilespmem:v62+s30+$0x0] =	vst.idx.add.f32.msk $0xffff, v44  }
0x33b: {  	v43 =	vld [tilespmem:s7+$0x470];
	_ =	sdelay $0x1  }
0x33c: {  	s7 =	sadd.s32 $0x2, s2  }
0x33d: {  	v45 =	vor.u32 v39, v45;
	v46 =	vld [tilespmem:s9+$0x470];
	v63 =	vmov s7  }
0x33e: {  	v44 =	vand.u32 $0xFFFFFFFE, v63  }
0x33f: {  	v44 =	vbroadcast v44, $0x0;
	v41 =	vmul.f32 v43, v41;
	v43 =	vor.u32 v39, v42  }
0x340: {  	s26 =	sadd.s32 $0x1, s7  }
0x341: {  	v42 =	vmov s26  }
0x342: {  	s21 =	simm.s32 $0x280;
	s9 =	simm.s32 $0x180;
	v40 =	vmul.f32 v46, v40;
	[tilespmem:v45+s30+$0x0] =	vst.idx.add.f32.msk $0xffff, v41  }
.LBB2_10:
0x343: {  	p0 =	sne.s32 s21, $0x1F80  }
0x344: {  	[tilespmem:v43+s30+$0x0] =	vst.idx.add.f32.msk $0xffff, v40;
	s0 =	sadd.s32 $0x200, s0;
	s23 =	smov.u32 s21;
	s21 =	sadd.s32 $0x100, s21  }
0x345: {  	s24 =	sadd.s32 $0xFFFFFF80, s9;
	v43 =	vld.idx.msk [tilespmem:v44+s10+$0x0], $0xffff;
	s22 =	sand.u32 $0x3800, s0  }
0x346: {  	s24 =	sand.u32 $0x300, s24;
	v45 =	vld.idx.msk [tilespmem:v42+s10+$0x0], $0xffff;
	s25 =	sadd.s32 $0x7580, s22  }
0x347: {  	s22 =	sadd.s32 s24, s25  }
0x348: {  	v46 =	vld [tilespmem:s22+$0x0]  }
0x349: {  	s24 =	sand.u32 $0x380, s9;
	s9 =	smov.u32 s23;
	v40 =	vld.idx.msk [tilespmem:v44+s11+$0x0], $0xffff  }
0x34a: {  	s23 =	sadd.s32 s24, s25;
	v41 =	vld.idx.msk [tilespmem:v42+s11+$0x0], $0xffff  }
0x34b: {  	v42 =	vshll.u32 v43, $0x8;
	v44 =	vld [tilespmem:s23+$0x0]  }
0x34c: {  	v43 =	vshll.u32 v45, $0x8;
	v45 =	vor.u32 v0, v42  }
0x34d: {  	v47 =	vor.u32 v0, v43;
	_ =	sdelay $0x1  }
0x34e: {  	v46 =	vmul.f32 v46, v40  }
0x34f: {  	v44 =	vmul.f32 v44, v41  }
0x350: {  	[tilespmem:v45+s30+$0x0] =	vst.idx.add.f32.msk $0xffff, v46  }
0x351: {  	[tilespmem:v47+s30+$0x0] =	vst.idx.add.f32.msk $0xffff, v44  }
0x352: {  	v44 =	vld [tilespmem:s22+$0x10]  }
0x353: {  	v45 =	vld [tilespmem:s23+$0x10]  }
0x354: {  	v46 =	vor.u32 v25, v42  }
0x355: {  	v47 =	vor.u32 v25, v43;
	_ =	sdelay $0x1  }
0x356: {  	v44 =	vmul.f32 v44, v40  }
0x357: {  	v45 =	vmul.f32 v45, v41  }
0x358: {  	[tilespmem:v46+s30+$0x0] =	vst.idx.add.f32.msk $0xffff, v44  }
0x359: {  	[tilespmem:v47+s30+$0x0] =	vst.idx.add.f32.msk $0xffff, v45  }
0x35a: {  	v44 =	vld [tilespmem:s22+$0x20]  }
0x35b: {  	v45 =	vld [tilespmem:s23+$0x20]  }
0x35c: {  	v46 =	vor.u32 v26, v42  }
0x35d: {  	v47 =	vor.u32 v26, v43;
	_ =	sdelay $0x1  }
0x35e: {  	v44 =	vmul.f32 v44, v40  }
0x35f: {  	v45 =	vmul.f32 v45, v41  }
0x360: {  	[tilespmem:v46+s30+$0x0] =	vst.idx.add.f32.msk $0xffff, v44  }
0x361: {  	[tilespmem:v47+s30+$0x0] =	vst.idx.add.f32.msk $0xffff, v45  }
0x362: {  	v44 =	vld [tilespmem:s22+$0x30]  }
0x363: {  	v45 =	vld [tilespmem:s23+$0x30]  }
0x364: {  	v46 =	vor.u32 v27, v42  }
0x365: {  	v47 =	vor.u32 v27, v43;
	_ =	sdelay $0x1  }
0x366: {  	v44 =	vmul.f32 v44, v40  }
0x367: {  	v45 =	vmul.f32 v45, v41  }
0x368: {  	[tilespmem:v46+s30+$0x0] =	vst.idx.add.f32.msk $0xffff, v44  }
0x369: {  	[tilespmem:v47+s30+$0x0] =	vst.idx.add.f32.msk $0xffff, v45  }
0x36a: {  	v44 =	vld [tilespmem:s22+$0x40]  }
0x36b: {  	v45 =	vld [tilespmem:s23+$0x40]  }
0x36c: {  	v46 =	vor.u32 v28, v42  }
0x36d: {  	v47 =	vor.u32 v28, v43;
	_ =	sdelay $0x1  }
0x36e: {  	v44 =	vmul.f32 v44, v40  }
0x36f: {  	v45 =	vmul.f32 v45, v41  }
0x370: {  	[tilespmem:v46+s30+$0x0] =	vst.idx.add.f32.msk $0xffff, v44  }
0x371: {  	[tilespmem:v47+s30+$0x0] =	vst.idx.add.f32.msk $0xffff, v45  }
0x372: {  	v44 =	vld [tilespmem:s22+$0x50]  }
0x373: {  	v45 =	vld [tilespmem:s23+$0x50]  }
0x374: {  	v46 =	vor.u32 v29, v42  }
0x375: {  	v47 =	vor.u32 v29, v43;
	_ =	sdelay $0x1  }
0x376: {  	v44 =	vmul.f32 v44, v40  }
0x377: {  	v45 =	vmul.f32 v45, v41  }
0x378: {  	[tilespmem:v46+s30+$0x0] =	vst.idx.add.f32.msk $0xffff, v44  }
0x379: {  	[tilespmem:v47+s30+$0x0] =	vst.idx.add.f32.msk $0xffff, v45  }
0x37a: {  	v44 =	vld [tilespmem:s22+$0x60]  }
0x37b: {  	v45 =	vld [tilespmem:s23+$0x60]  }
0x37c: {  	v46 =	vor.u32 v30, v42  }
0x37d: {  	v47 =	vor.u32 v30, v43;
	_ =	sdelay $0x1  }
0x37e: {  	v44 =	vmul.f32 v44, v40  }
0x37f: {  	v45 =	vmul.f32 v45, v41  }
0x380: {  	[tilespmem:v46+s30+$0x0] =	vst.idx.add.f32.msk $0xffff, v44  }
0x381: {  	[tilespmem:v47+s30+$0x0] =	vst.idx.add.f32.msk $0xffff, v45  }
0x382: {  	v44 =	vld [tilespmem:s22+$0x70]  }
0x383: {  	v45 =	vld [tilespmem:s23+$0x70]  }
0x384: {  	v46 =	vor.u32 v31, v42  }
0x385: {  	v47 =	vor.u32 v31, v43;
	_ =	sdelay $0x1  }
0x386: {  	v44 =	vmul.f32 v44, v40  }
0x387: {  	v45 =	vmul.f32 v45, v41  }
0x388: {  	[tilespmem:v46+s30+$0x0] =	vst.idx.add.f32.msk $0xffff, v44  }
0x389: {  	[tilespmem:v47+s30+$0x0] =	vst.idx.add.f32.msk $0xffff, v45  }
0x38a: {  	v44 =	vld [tilespmem:s22+$0x400]  }
0x38b: {  	v45 =	vld [tilespmem:s23+$0x400]  }
0x38c: {  	v46 =	vor.u32 v32, v42  }
0x38d: {  	v47 =	vor.u32 v32, v43;
	_ =	sdelay $0x1  }
0x38e: {  	v44 =	vmul.f32 v44, v40  }
0x38f: {  	v45 =	vmul.f32 v45, v41  }
0x390: {  	[tilespmem:v46+s30+$0x0] =	vst.idx.add.f32.msk $0xffff, v44  }
0x391: {  	[tilespmem:v47+s30+$0x0] =	vst.idx.add.f32.msk $0xffff, v45  }
0x392: {  	v44 =	vld [tilespmem:s22+$0x410]  }
0x393: {  	v45 =	vld [tilespmem:s23+$0x410]  }
0x394: {  	v46 =	vor.u32 v33, v42  }
0x395: {  	v47 =	vor.u32 v33, v43;
	_ =	sdelay $0x1  }
0x396: {  	v44 =	vmul.f32 v44, v40  }
0x397: {  	v45 =	vmul.f32 v45, v41  }
0x398: {  	[tilespmem:v46+s30+$0x0] =	vst.idx.add.f32.msk $0xffff, v44  }
0x399: {  	[tilespmem:v47+s30+$0x0] =	vst.idx.add.f32.msk $0xffff, v45  }
0x39a: {  	v44 =	vld [tilespmem:s22+$0x420]  }
0x39b: {  	v45 =	vld [tilespmem:s23+$0x420]  }
0x39c: {  	v46 =	vor.u32 v34, v42  }
0x39d: {  	v47 =	vor.u32 v34, v43;
	_ =	sdelay $0x1  }
0x39e: {  	v44 =	vmul.f32 v44, v40  }
0x39f: {  	v45 =	vmul.f32 v45, v41  }
0x3a0: {  	[tilespmem:v46+s30+$0x0] =	vst.idx.add.f32.msk $0xffff, v44  }
0x3a1: {  	[tilespmem:v47+s30+$0x0] =	vst.idx.add.f32.msk $0xffff, v45  }
0x3a2: {  	v44 =	vld [tilespmem:s22+$0x430]  }
0x3a3: {  	v45 =	vld [tilespmem:s23+$0x430]  }
0x3a4: {  	v46 =	vor.u32 v35, v42  }
0x3a5: {  	v47 =	vor.u32 v35, v43;
	_ =	sdelay $0x1  }
0x3a6: {  	v44 =	vmul.f32 v44, v40  }
0x3a7: {  	v45 =	vmul.f32 v45, v41  }
0x3a8: {  	[tilespmem:v46+s30+$0x0] =	vst.idx.add.f32.msk $0xffff, v44  }
0x3a9: {  	[tilespmem:v47+s30+$0x0] =	vst.idx.add.f32.msk $0xffff, v45  }
0x3aa: {  	v44 =	vld [tilespmem:s22+$0x440]  }
0x3ab: {  	v45 =	vld [tilespmem:s23+$0x440]  }
0x3ac: {  	v46 =	vor.u32 v36, v42  }
0x3ad: {  	v47 =	vor.u32 v36, v43;
	_ =	sdelay $0x1  }
0x3ae: {  	v44 =	vmul.f32 v44, v40  }
0x3af: {  	v45 =	vmul.f32 v45, v41  }
0x3b0: {  	[tilespmem:v46+s30+$0x0] =	vst.idx.add.f32.msk $0xffff, v44  }
0x3b1: {  	[tilespmem:v47+s30+$0x0] =	vst.idx.add.f32.msk $0xffff, v45  }
0x3b2: {  	v44 =	vld [tilespmem:s22+$0x450]  }
0x3b3: {  	v45 =	vld [tilespmem:s23+$0x450]  }
0x3b4: {  	v46 =	vor.u32 v37, v42  }
0x3b5: {  	v47 =	vor.u32 v37, v43;
	_ =	sdelay $0x1  }
0x3b6: {  	v44 =	vmul.f32 v44, v40  }
0x3b7: {  	v45 =	vmul.f32 v45, v41  }
0x3b8: {  	[tilespmem:v46+s30+$0x0] =	vst.idx.add.f32.msk $0xffff, v44  }
0x3b9: {  	[tilespmem:v47+s30+$0x0] =	vst.idx.add.f32.msk $0xffff, v45  }
0x3ba: {  	v44 =	vld [tilespmem:s22+$0x460]  }
0x3bb: {  	v45 =	vld [tilespmem:s23+$0x460]  }
0x3bc: {  	v46 =	vor.u32 v38, v42  }
0x3bd: {  	v47 =	vor.u32 v38, v43;
	_ =	sdelay $0x1  }
0x3be: {  	v44 =	vmul.f32 v44, v40  }
0x3bf: {  	v45 =	vmul.f32 v45, v41  }
0x3c0: {  	[tilespmem:v46+s30+$0x0] =	vst.idx.add.f32.msk $0xffff, v44  }
0x3c1: {  	[tilespmem:v47+s30+$0x0] =	vst.idx.add.f32.msk $0xffff, v45  }
0x3c2: {  	s7 =	sadd.s32 $0x2, s7;
	v45 =	vld [tilespmem:s22+$0x470]  }
0x3c3: {  	v44 =	vmov s7;
	v46 =	vld [tilespmem:s23+$0x470]  }
0x3c4: {  	v44 =	vand.u32 $0xFFFFFFFE, v44;
	v47 =	vor.u32 v39, v42  }
.Ltmp3:
0x3c5: {  	v43 =	vor.u32 v39, v43;
	v44 =	vbroadcast v44, $0x0;
	(pc) =	sbr.rel @p0 .LBB2_10-.Ltmp3, $4  }
0x3c6: {  	s22 =	sadd.s32 $0x1, s7  }
0x3c7: {  	v42 =	vmov s22;
	v45 =	vmul.f32 v45, v40  }
0x3c8: {  	v40 =	vmul.f32 v46, v41  }
0x3c9: {  	[tilespmem:v47+s30+$0x0] =	vst.idx.add.f32.msk $0xffff, v45  }
0x3ca: {  	_ =	sdelay $0x3  }
0x3cb: {  	[tilespmem:v43+s30+$0x0] =	vst.idx.add.f32.msk $0xffff, v40  }
0x3cc: {  	s0 =	sadd.s32 $0x200, s0;
	v41 =	vld.idx.msk [tilespmem:v44+s10+$0x0], $0xffff  }
0x3cd: {  	s7 =	sadd.s32 $0xFFFFFF80, s9;
	s0 =	sand.u32 $0x3800, s0;
	v43 =	vld.idx.msk [tilespmem:v42+s10+$0x0], $0xffff  }
0x3ce: {  	s7 =	sand.u32 $0x300, s7;
	v40 =	vld.idx.msk [tilespmem:v44+s11+$0x0], $0xffff;
	s21 =	sadd.s32 $0x7580, s0  }
0x3cf: {  	s26 =	sand.u32 $0x380, s9;
	v42 =	vld.idx.msk [tilespmem:v42+s11+$0x0], $0xffff;
	s0 =	sadd.s32 s7, s21  }
0x3d0: {  	s7 =	sadd.s32 s26, s21;
	v45 =	vld [tilespmem:s0+$0x0]  }
0x3d1: {  	v51 =	vld [tilespmem:s7+$0x0];
	v41 =	vshll.u32 v41, $0x8  }
0x3d2: {  	v43 =	vshll.u32 v43, $0x8;
	v46 =	vor.u32 v0, v41  }
0x3d3: {  	v47 =	vor.u32 v0, v43;
	_ =	sdelay $0x1  }
0x3d4: {  	v45 =	vmul.f32 v45, v40  }
0x3d5: {  	v44 =	vmul.f32 v51, v42  }
0x3d6: {  	[tilespmem:v46+s30+$0x0] =	vst.idx.add.f32.msk $0xffff, v45  }
0x3d7: {  	[tilespmem:v47+s30+$0x0] =	vst.idx.add.f32.msk $0xffff, v44  }
0x3d8: {  	v44 =	vld [tilespmem:s0+$0x10]  }
0x3d9: {  	v45 =	vld [tilespmem:s7+$0x10]  }
0x3da: {  	v52 =	vor.u32 v25, v41  }
0x3db: {  	v53 =	vor.u32 v25, v43;
	_ =	sdelay $0x1  }
0x3dc: {  	v44 =	vmul.f32 v44, v40  }
0x3dd: {  	v45 =	vmul.f32 v45, v42  }
0x3de: {  	[tilespmem:v52+s30+$0x0] =	vst.idx.add.f32.msk $0xffff, v44  }
0x3df: {  	[tilespmem:v53+s30+$0x0] =	vst.idx.add.f32.msk $0xffff, v45  }
0x3e0: {  	v44 =	vld [tilespmem:s0+$0x20]  }
0x3e1: {  	v45 =	vld [tilespmem:s7+$0x20]  }
0x3e2: {  	v54 =	vor.u32 v26, v41  }
0x3e3: {  	v55 =	vor.u32 v26, v43;
	_ =	sdelay $0x1  }
0x3e4: {  	v44 =	vmul.f32 v44, v40  }
0x3e5: {  	v45 =	vmul.f32 v45, v42  }
0x3e6: {  	[tilespmem:v54+s30+$0x0] =	vst.idx.add.f32.msk $0xffff, v44  }
0x3e7: {  	[tilespmem:v55+s30+$0x0] =	vst.idx.add.f32.msk $0xffff, v45  }
0x3e8: {  	v44 =	vld [tilespmem:s0+$0x30]  }
0x3e9: {  	v45 =	vld [tilespmem:s7+$0x30]  }
0x3ea: {  	v56 =	vor.u32 v27, v41  }
0x3eb: {  	v57 =	vor.u32 v27, v43;
	_ =	sdelay $0x1  }
0x3ec: {  	v44 =	vmul.f32 v44, v40  }
0x3ed: {  	v45 =	vmul.f32 v45, v42  }
0x3ee: {  	[tilespmem:v56+s30+$0x0] =	vst.idx.add.f32.msk $0xffff, v44  }
0x3ef: {  	[tilespmem:v57+s30+$0x0] =	vst.idx.add.f32.msk $0xffff, v45  }
0x3f0: {  	v44 =	vld [tilespmem:s0+$0x40]  }
0x3f1: {  	v45 =	vld [tilespmem:s7+$0x40]  }
0x3f2: {  	v58 =	vor.u32 v28, v41  }
0x3f3: {  	v59 =	vor.u32 v28, v43;
	_ =	sdelay $0x1  }
0x3f4: {  	v44 =	vmul.f32 v44, v40  }
0x3f5: {  	v45 =	vmul.f32 v45, v42  }
0x3f6: {  	[tilespmem:v58+s30+$0x0] =	vst.idx.add.f32.msk $0xffff, v44  }
0x3f7: {  	[tilespmem:v59+s30+$0x0] =	vst.idx.add.f32.msk $0xffff, v45  }
0x3f8: {  	v44 =	vld [tilespmem:s0+$0x50]  }
0x3f9: {  	v45 =	vld [tilespmem:s7+$0x50]  }
0x3fa: {  	v60 =	vor.u32 v29, v41  }
0x3fb: {  	v61 =	vor.u32 v29, v43;
	_ =	sdelay $0x1  }
0x3fc: {  	v44 =	vmul.f32 v44, v40  }
0x3fd: {  	v45 =	vmul.f32 v45, v42  }
0x3fe: {  	[tilespmem:v60+s30+$0x0] =	vst.idx.add.f32.msk $0xffff, v44  }
0x3ff: {  	[tilespmem:v61+s30+$0x0] =	vst.idx.add.f32.msk $0xffff, v45  }
0x400: {  	v44 =	vld [tilespmem:s0+$0x60]  }
0x401: {  	v45 =	vld [tilespmem:s7+$0x60]  }
0x402: {  	v62 =	vor.u32 v30, v41  }
0x403: {  	v63 =	vor.u32 v30, v43;
	_ =	sdelay $0x1  }
0x404: {  	v44 =	vmul.f32 v44, v40  }
0x405: {  	v45 =	vmul.f32 v45, v42  }
0x406: {  	[tilespmem:v62+s30+$0x0] =	vst.idx.add.f32.msk $0xffff, v44  }
0x407: {  	[tilespmem:v63+s30+$0x0] =	vst.idx.add.f32.msk $0xffff, v45  }
0x408: {  	v44 =	vld [tilespmem:s0+$0x70]  }
0x409: {  	v45 =	vld [tilespmem:s7+$0x70]  }
0x40a: {  	v48 =	vor.u32 v31, v41  }
0x40b: {  	v49 =	vor.u32 v31, v43;
	_ =	sdelay $0x1  }
0x40c: {  	v44 =	vmul.f32 v44, v40  }
0x40d: {  	v45 =	vmul.f32 v45, v42  }
0x40e: {  	[tilespmem:v48+s30+$0x0] =	vst.idx.add.f32.msk $0xffff, v44  }
0x40f: {  	[tilespmem:v49+s30+$0x0] =	vst.idx.add.f32.msk $0xffff, v45  }
0x410: {  	v44 =	vld [tilespmem:s0+$0x400]  }
0x411: {  	v45 =	vld [tilespmem:s7+$0x400]  }
0x412: {  	v50 =	vor.u32 v32, v41  }
0x413: {  	v51 =	vor.u32 v32, v43;
	_ =	sdelay $0x1  }
0x414: {  	v44 =	vmul.f32 v44, v40  }
0x415: {  	v45 =	vmul.f32 v45, v42  }
0x416: {  	[tilespmem:v50+s30+$0x0] =	vst.idx.add.f32.msk $0xffff, v44  }
0x417: {  	[tilespmem:v51+s30+$0x0] =	vst.idx.add.f32.msk $0xffff, v45  }
0x418: {  	v44 =	vld [tilespmem:s0+$0x410]  }
0x419: {  	v45 =	vld [tilespmem:s7+$0x410]  }
0x41a: {  	v52 =	vor.u32 v33, v41  }
0x41b: {  	v53 =	vor.u32 v33, v43;
	_ =	sdelay $0x1  }
0x41c: {  	v44 =	vmul.f32 v44, v40  }
0x41d: {  	v45 =	vmul.f32 v45, v42  }
0x41e: {  	[tilespmem:v52+s30+$0x0] =	vst.idx.add.f32.msk $0xffff, v44  }
0x41f: {  	[tilespmem:v53+s30+$0x0] =	vst.idx.add.f32.msk $0xffff, v45  }
0x420: {  	v44 =	vld [tilespmem:s0+$0x420]  }
0x421: {  	v45 =	vld [tilespmem:s7+$0x420]  }
0x422: {  	v54 =	vor.u32 v34, v41  }
0x423: {  	v55 =	vor.u32 v34, v43;
	_ =	sdelay $0x1  }
0x424: {  	v44 =	vmul.f32 v44, v40  }
0x425: {  	v45 =	vmul.f32 v45, v42  }
0x426: {  	[tilespmem:v54+s30+$0x0] =	vst.idx.add.f32.msk $0xffff, v44  }
0x427: {  	[tilespmem:v55+s30+$0x0] =	vst.idx.add.f32.msk $0xffff, v45  }
0x428: {  	v44 =	vld [tilespmem:s0+$0x430]  }
0x429: {  	v45 =	vld [tilespmem:s7+$0x430]  }
0x42a: {  	v56 =	vor.u32 v35, v41  }
0x42b: {  	v57 =	vor.u32 v35, v43;
	_ =	sdelay $0x1  }
0x42c: {  	v44 =	vmul.f32 v44, v40  }
0x42d: {  	v45 =	vmul.f32 v45, v42  }
0x42e: {  	[tilespmem:v56+s30+$0x0] =	vst.idx.add.f32.msk $0xffff, v44  }
0x42f: {  	[tilespmem:v57+s30+$0x0] =	vst.idx.add.f32.msk $0xffff, v45  }
0x430: {  	v44 =	vld [tilespmem:s0+$0x440]  }
0x431: {  	v45 =	vld [tilespmem:s7+$0x440]  }
0x432: {  	v58 =	vor.u32 v36, v41  }
0x433: {  	v59 =	vor.u32 v36, v43;
	_ =	sdelay $0x1  }
0x434: {  	v44 =	vmul.f32 v44, v40  }
0x435: {  	v45 =	vmul.f32 v45, v42  }
0x436: {  	[tilespmem:v58+s30+$0x0] =	vst.idx.add.f32.msk $0xffff, v44  }
0x437: {  	[tilespmem:v59+s30+$0x0] =	vst.idx.add.f32.msk $0xffff, v45  }
0x438: {  	v44 =	vld [tilespmem:s0+$0x450]  }
0x439: {  	v45 =	vld [tilespmem:s7+$0x450]  }
0x43a: {  	v60 =	vor.u32 v37, v41  }
0x43b: {  	v61 =	vor.u32 v37, v43;
	_ =	sdelay $0x1  }
0x43c: {  	v44 =	vmul.f32 v44, v40  }
0x43d: {  	v45 =	vmul.f32 v45, v42  }
0x43e: {  	[tilespmem:v60+s30+$0x0] =	vst.idx.add.f32.msk $0xffff, v44  }
0x43f: {  	[tilespmem:v61+s30+$0x0] =	vst.idx.add.f32.msk $0xffff, v45  }
0x440: {  	v44 =	vld [tilespmem:s0+$0x460]  }
0x441: {  	v45 =	vld [tilespmem:s7+$0x460]  }
0x442: {  	v62 =	vor.u32 v38, v41  }
0x443: {  	v63 =	vor.u32 v38, v43;
	_ =	sdelay $0x1  }
0x444: {  	v44 =	vmul.f32 v44, v40  }
0x445: {  	v45 =	vmul.f32 v45, v42  }
0x446: {  	[tilespmem:v62+s30+$0x0] =	vst.idx.add.f32.msk $0xffff, v44  }
0x447: {  	[tilespmem:v63+s30+$0x0] =	vst.idx.add.f32.msk $0xffff, v45  }
0x448: {  	v44 =	vld [tilespmem:s0+$0x470]  }
0x449: {  	v45 =	vld [tilespmem:s7+$0x470]  }
0x44a: {  	s5 =	sadd.s32 $0x1, s5;
	v41 =	vor.u32 v39, v41  }
0x44b: {  	p0 =	sne.s32 s5, s1;
	v43 =	vor.u32 v39, v43  }
.Ltmp4:
0x44c: {  	_ = 	snop;
	(pc) =	sbr.rel @p0 .LBB2_7-.Ltmp4, $4  }
0x44d: {  	v40 =	vmul.f32 v44, v40  }
0x44e: {  	v42 =	vmul.f32 v45, v42  }
0x44f: {  	[tilespmem:v41+s30+$0x0] =	vst.idx.add.f32.msk $0xffff, v40  }
0x450: {  	s4 =	sadd.s32 $0x80, s4;
	s2 =	sadd.s32 $0x80, s2;
	[tilespmem:v43+s30+$0x0] =	vst.idx.add.f32.msk $0xffff, v42  }
0x451: {  	_ =	swait.ge [sflag:s12], $0x4000  }
0x452: {  	s0 =	rddreg [dreg:$0x8]  }
0x453: {  	s0 =	sadd.s32 $0x1, s0  }
0x454: {  	p0 =	sne.s32 s0, $0x28  }
.Ltmp5:
0x455: {  	_ = 	snop;
	(pc) =	sbr.rel @p0 .LBB2_4-.Ltmp5, $3  }
0x456: {  	_ =	sdelay $0x1  }
0x457: {  	[sflag:s12] =	ssyncset.done $0x0  }
0x458: {  	[sflag:s12] =	ssyncadd.s32 $0xFFFFC000  }
0x459: {  	s0 =	rddreg [dreg:$0x5];
	s1 =	simm.s32 $0x3  }
0x45a: {  	[hbm4b:s0+s3] =	stream.linear.scatter [tilespmem:s30], [sflag:$0x3], $0x14000, $0x38;
	[tilespmem:$0x1F580] =	vst v63  }
0x45b: {  	_ =	swait.ge [sflag:s1], $0x14000  }
0x45c: {  	s2 =	rddreg [dreg:$0x7]  }
0x45d: {  	s26 =	rddreg [dreg:$0x6];
	s2 =	sadd.s32 $0x1, s2  }
0x45e: {  	p0 =	sne.s32 s2, s26  }
.Ltmp6:
0x45f: {  	_ = 	snop;
	(pc) =	sbr.rel @p0 .LBB2_1-.Ltmp6, $3  }
0x460: {  	_ =	sdelay $0x1  }
0x461: {  	[sflag:s1] =	ssyncset.done $0x0  }
0x462: {  	[sflag:s1] =	ssyncadd.s32 $0xFFFEC000  }
0x463: {  	_ =	sfence.sel $0x180000  }
0x464: {  	[bflag:$0x0] =	sbarrier.arrive $0xFFFF  }
0x465: {  	_ =	strace $0x9000004A  }
0x466: {  	s0 =	stileid.u32;
	[bflag:$0x2] =	sbarrier.arrive $0xFFFF  }
0x467: {  	p0 =	sne.s32 s0, $0x0;
	s0 =	rddreg [dreg:$0x2]  }
0x468: {  	s0 =	sadd.s32 @!p0 $0x100000, s0  }
0x469: {  	[sflag:s0] =	ssyncadd.tile.s32 @!p0 $0x1;
	_ =	shalt  }
.Lfunc_end2:
_tile_overlayer_lowered:
.L_overlay_start_2:
0x46a: {  	(tag) =	ssettag $0x2  }
0x46b: {  	s0 =	rddreg [dreg:$0x0];
	s2 =	stileid.u32  }
0x46c: {  	s1 =	rddreg [dreg:$0x1];
	p0 =	sne.s32 s2, $0x0  }
0x46d: {  	s3 =	rddreg [dreg:$0x2];
	[bflag:$0x3] =	sbarrier.arrive $0xFFFF;
	s2 =	simm.s32 @!p0 $0x1C03  }
0x46e: {  	[timem:s3], [sflag:s2] =	dma.local @!p0 [hbm:s0], s1  }
0x46f: {  	s0 =	simm.s32 @!p0 $0x3  }
0x470: {  	_ =	swait.ge @!p0 [sflag:s0], s1  }
0x471: {  	s1 =	ssub.s32 @!p0 $0x0, s1;
	[sflag:s0] =	ssyncset.done @!p0 $0x0  }
0x472: {  	[sflag:s0] =	ssyncadd.s32 @!p0 s1  }
0x473: {  	[bflag:$0x3] =	sbarrier.arrive $0xFFFF  }
0x474: {  	_ =	shalt  }

</sc_bundles>
